<compile_context>
chip_gen: v7x
topology: tpu7x:2x2x1
jax: 0.10.2.dev20260603
libtpu: 0.0.44.dev20260713+nightly
codegen_flags: <defaults>
</compile_context>

<pallas_src>
import functools

import jax
import jax.numpy as jnp
from jax import lax
from jax.experimental import pallas as pl
from jax.experimental.pallas import tpu as pltpu
from jax.experimental.pallas import tpu_sc as plsc

N = 10000
D = 256
DH = 128
E = 160000
NC = 2
NT = 16
CH = 80
EP = 163840
EPT = EP // NT
NCHUNK = EPT // CH
NPHASE = 4
NPH = NCHUNK // NPHASE
R = 10112
RPT = R // NT
RB = RPT
GRID = R // RB

_mesh = plsc.VectorSubcoreMesh(core_axis_name="c", subcore_axis_name="s")



def _degree_body(src_hbm, dst_hbm, ones_hbm, zeros_hbm, hist_hbm,
                 idx_v, ones_v, acc, sem0, sem1):
    c = lax.axis_index("c")
    s = lax.axis_index("s")
    pltpu.sync_copy(zeros_hbm, acc.at[pl.ds(s * RPT, RPT)])
    pltpu.sync_copy(ones_hbm, ones_v)
    @pl.when(c == 0)
    def _():
        pltpu.sync_copy(src_hbm.at[pl.ds(s * NCHUNK, NCHUNK)], idx_v)
    @pl.when(c == 1)
    def _():
        pltpu.sync_copy(dst_hbm.at[pl.ds(s * NCHUNK, NCHUNK)], idx_v)
    plsc.subcore_barrier()

    def scat(k, sem):
        return pltpu.make_async_copy(ones_v, acc.at[idx_v.at[k]], sem)

    def start_scat(k, sem):
        pltpu.async_copy(ones_v, acc.at[idx_v.at[k]], sem, add=True)

    start_scat(0, sem0)

    def body(j, _):
        k0 = 2 * j
        start_scat(k0 + 1, sem1)
        scat(k0, sem0).wait()
        @pl.when(j < NCHUNK // 2 - 1)
        def _():
            start_scat(k0 + 2, sem0)
        scat(k0 + 1, sem1).wait()
        return 0

    lax.fori_loop(0, NCHUNK // 2, body, 0)
    plsc.subcore_barrier()
    pltpu.sync_copy(acc.at[pl.ds(s * RPT, RPT)],
                    hist_hbm.at[c, pl.ds(s * RPT, RPT)])


def _degrees(src2d, dst2d, ones128, zeros_rpt):
    return pl.kernel(
        _degree_body,
        out_type=jax.ShapeDtypeStruct((NC, R, DH), jnp.float32),
        mesh=_mesh,
        scratch_types=[
            pltpu.VMEM((NCHUNK, CH), jnp.int32),
            pltpu.VMEM((CH, DH), jnp.float32),
            pltpu.VMEM_SHARED((R, DH), jnp.float32),
            pltpu.SemaphoreType.DMA,
            pltpu.SemaphoreType.DMA,
        ],
    )(src2d, dst2d, ones128, zeros_rpt)


def _agg_body(x_hbm, src_hbm, dst_hbm, zeros_hbm, agg_hbm,
              sidx, didx, rows0, rows1, rows2, rows3, acc,
              gsem0, gsem1, gsem2, gsem3, ssem0, ssem1, ssem2, ssem3):
    c = lax.axis_index("c")
    s = lax.axis_index("s")
    rows = (rows0, rows1, rows2, rows3)
    gsem = (gsem0, gsem1, gsem2, gsem3)
    ssem = (ssem0, ssem1, ssem2, ssem3)
    pltpu.sync_copy(zeros_hbm, acc.at[pl.ds(s * RPT, RPT)])
    plsc.subcore_barrier()

    xc = x_hbm.at[c]

    def gather(k, buf, sem):
        return pltpu.make_async_copy(xc.at[sidx.at[k]], buf, sem)

    def scat_desc(buf, sem):
        return pltpu.make_async_copy(buf, acc.at[didx.at[0]], sem)

    for ph in range(NPHASE):
        base = s * NCHUNK + ph * NPH
        pltpu.sync_copy(src_hbm.at[pl.ds(base, NPH)], sidx)
        pltpu.sync_copy(dst_hbm.at[pl.ds(base, NPH)], didx)
        gather(0, rows0, gsem0).start()
        gather(1, rows1, gsem1).start()
        gather(2, rows2, gsem2).start()

        def body(k, _):
            s3 = lax.rem(k + 3, 4)
            s0 = lax.rem(k, 4)
            for i in range(4):
                @pl.when((s3 == i) & (k < NPH - 3))
                def _():
                    @pl.when(k >= 1)
                    def _():
                        scat_desc(rows[i], ssem[i]).wait()
                    gather(k + 3, rows[i], gsem[i]).start()
            for i in range(4):
                @pl.when(s0 == i)
                def _():
                    gather(k, rows[i], gsem[i]).wait()
                    pltpu.async_copy(rows[i], acc.at[didx.at[k]],
                                     ssem[i], add=True)
            return 0

        lax.fori_loop(0, NPH, body, 0)
        for i in range(4):
            scat_desc(rows[i], ssem[i]).wait()
    plsc.subcore_barrier()
    pltpu.sync_copy(acc.at[pl.ds(s * RPT, RPT)],
                    agg_hbm.at[c, pl.ds(s * RPT, RPT)])


def _aggregate(x_halves, src2d, dst2d, zeros_rpt):
    return pl.kernel(
        _agg_body,
        out_type=jax.ShapeDtypeStruct((NC, R, DH), jnp.float32),
        mesh=_mesh,
        scratch_types=[
            pltpu.VMEM((NPH, CH), jnp.int32),
            pltpu.VMEM((NPH, CH), jnp.int32),
            pltpu.VMEM((CH, DH), jnp.float32),
            pltpu.VMEM((CH, DH), jnp.float32),
            pltpu.VMEM((CH, DH), jnp.float32),
            pltpu.VMEM((CH, DH), jnp.float32),
            pltpu.VMEM_SHARED((R, DH), jnp.float32),
            pltpu.SemaphoreType.DMA,
            pltpu.SemaphoreType.DMA,
            pltpu.SemaphoreType.DMA,
            pltpu.SemaphoreType.DMA,
            pltpu.SemaphoreType.DMA,
            pltpu.SemaphoreType.DMA,
            pltpu.SemaphoreType.DMA,
            pltpu.SemaphoreType.DMA,
        ],
    )(x_halves, src2d, dst2d, zeros_rpt)



def _mm_body(a_ref, w_ref, out_ref):
    out_ref[...] = jnp.dot(a_ref[...], w_ref[...],
                           preferred_element_type=jnp.float32)


def _matmul(a, w):
    return pl.pallas_call(
        _mm_body,
        grid=(GRID,),
        in_specs=[
            pl.BlockSpec((RB, D), lambda i: (i, 0)),
            pl.BlockSpec((D, D), lambda i: (0, 0)),
        ],
        out_specs=pl.BlockSpec((RB, D), lambda i: (i, 0)),
        out_shape=jax.ShapeDtypeStruct((R, D), jnp.float32),
    )(a, w)


def _scale_body(g_ref, hist_ref, x_ref, nrm_ref):
    nrm = lax.rsqrt(1.0 + hist_ref[:, :, 0:8])
    nrm_ref[...] = nrm
    ns = nrm[0, :, 0:1]
    x = g_ref[...] * ns
    x_ref[0] = x[:, :DH]
    x_ref[1] = x[:, DH:]


def _scale_split(g, hist):
    return pl.pallas_call(
        _scale_body,
        grid=(GRID,),
        in_specs=[
            pl.BlockSpec((RB, D), lambda i: (i, 0)),
            pl.BlockSpec((NC, RB, DH), lambda i: (0, i, 0)),
        ],
        out_specs=[
            pl.BlockSpec((NC, RB, DH), lambda i: (0, i, 0)),
            pl.BlockSpec((NC, RB, 8), lambda i: (0, i, 0)),
        ],
        out_shape=[
            jax.ShapeDtypeStruct((NC, R, DH), jnp.float32),
            jax.ShapeDtypeStruct((NC, R, 8), jnp.float32),
        ],
    )(g, hist)


def _mid_body(agg_ref, x_ref, nrm_ref, w_ref, b_ref, x2_ref):
    nd = nrm_ref[1, :, 0:1]
    ns = nrm_ref[0, :, 0:1]
    h_lo = jnp.maximum((agg_ref[0] + x_ref[0]) * nd + b_ref[:, :DH], 0.0)
    h_hi = jnp.maximum((agg_ref[1] + x_ref[1]) * nd + b_ref[:, DH:], 0.0)
    g2 = (jnp.dot(h_lo, w_ref[:DH, :], preferred_element_type=jnp.float32)
          + jnp.dot(h_hi, w_ref[DH:, :], preferred_element_type=jnp.float32))
    x2 = g2 * ns
    x2_ref[0] = x2[:, :DH]
    x2_ref[1] = x2[:, DH:]


def _mid_dense(agg, x, nrm, w2, b1_2d):
    return pl.pallas_call(
        _mid_body,
        grid=(GRID,),
        in_specs=[
            pl.BlockSpec((NC, RB, DH), lambda i: (0, i, 0)),
            pl.BlockSpec((NC, RB, DH), lambda i: (0, i, 0)),
            pl.BlockSpec((NC, RB, 8), lambda i: (0, i, 0)),
            pl.BlockSpec((D, D), lambda i: (0, 0)),
            pl.BlockSpec((1, D), lambda i: (0, 0)),
        ],
        out_specs=pl.BlockSpec((NC, RB, DH), lambda i: (0, i, 0)),
        out_shape=jax.ShapeDtypeStruct((NC, R, DH), jnp.float32),
    )(agg, x, nrm, w2, b1_2d)


def _final_body(agg_ref, x_ref, nrm_ref, b_ref, out_ref):
    nd = nrm_ref[1, :, 0:1]
    out_ref[:, :DH] = (agg_ref[0] + x_ref[0]) * nd + b_ref[:, :DH]
    out_ref[:, DH:] = (agg_ref[1] + x_ref[1]) * nd + b_ref[:, DH:]


def _final_dense(agg, x, nrm, b2_2d):
    return pl.pallas_call(
        _final_body,
        grid=(GRID,),
        in_specs=[
            pl.BlockSpec((NC, RB, DH), lambda i: (0, i, 0)),
            pl.BlockSpec((NC, RB, DH), lambda i: (0, i, 0)),
            pl.BlockSpec((NC, RB, 8), lambda i: (0, i, 0)),
            pl.BlockSpec((1, D), lambda i: (0, 0)),
        ],
        out_specs=pl.BlockSpec((RB, D), lambda i: (i, 0)),
        out_shape=jax.ShapeDtypeStruct((R, D), jnp.float32),
    )(agg, x, nrm, b2_2d)



def kernel(feat, edge_index, W1, b1, W2, b2):
    pad_e = EP - E
    src_p = jnp.concatenate(
        [edge_index[0], jnp.full((pad_e,), N, jnp.int32)]).reshape(EP // CH, CH)
    dst_p = jnp.concatenate(
        [edge_index[1], jnp.full((pad_e,), N, jnp.int32)]).reshape(EP // CH, CH)
    feat_pad = jnp.pad(feat, ((0, R - N), (0, 0)))
    ones128 = jnp.ones((CH, DH), jnp.float32)
    zeros_rpt = jnp.zeros((RPT, DH), jnp.float32)
    b1_2d = b1.reshape(1, D)
    b2_2d = b2.reshape(1, D)

    hist = _degrees(src_p, dst_p, ones128, zeros_rpt)
    g1 = _matmul(feat_pad, W1)

    x1, nrm = _scale_split(g1, hist)
    agg1 = _aggregate(x1, src_p, dst_p, zeros_rpt)
    x2 = _mid_dense(agg1, x1, nrm, W2, b1_2d)
    agg2 = _aggregate(x2, src_p, dst_p, zeros_rpt)
    out = _final_dense(agg2, x2, nrm, b2_2d)
    return out[:N]

# --- scband reference (transcript-rebuilt; emitter-appended) ---
"""Pipeline reference for scband-simple-gcnencoder-89618787598657 (READ-ONLY COPY).

The authoritative reference and input builder live on the scoring server;
editing this copy changes nothing except your own understanding.
"""

import jax, jax.numpy as jnp
import numpy as np

N = 10000
E = 160000
D_IN = 256
D_HID = 256
D_OUT = 256


def setup_inputs(seed: int = 0) -> dict:
    key = jax.random.key(seed)
    k1, k2, k3, k4, k5, k6 = jax.random.split(key, 6)
    feat = jax.random.normal(k1, (N, D_IN), dtype=jnp.float32)
    edge_index = jax.random.randint(k2, (2, E), 0, N, dtype=jnp.int32)
    # GraphConv params (glorot-ish init)
    W1 = jax.random.normal(k3, (D_IN, D_HID), dtype=jnp.float32) * (1.0 / np.sqrt(D_IN))
    b1 = jnp.zeros((D_HID,), dtype=jnp.float32)
    W2 = jax.random.normal(k4, (D_HID, D_OUT), dtype=jnp.float32) * (1.0 / np.sqrt(D_HID))
    b2 = jnp.zeros((D_OUT,), dtype=jnp.float32)
    return {"feat": feat, "edge_index": edge_index, "W1": W1, "b1": b1, "W2": W2, "b2": b2}


def _graph_conv(h, src, dst, n, norm_src, norm_dst, W, b):
    # DGL GraphConv with norm='both':
    #   h_src = h * out_deg^{-1/2}; aggregate sum over edges; rst = agg * in_deg^{-1/2}; rst @ W + b
    h = h * norm_src[:, None]
    m = jnp.take(h, src, axis=0)
    agg = jax.ops.segment_sum(m, dst, num_segments=n)
    agg = agg * norm_dst[:, None]
    return agg @ W + b


def reference(feat, edge_index, W1, b1, W2, b2):
    n = feat.shape[0]
    src = edge_index[0]
    dst = edge_index[1]
    # dgl.add_self_loop
    loop = jnp.arange(n, dtype=src.dtype)
    src = jnp.concatenate([src, loop])
    dst = jnp.concatenate([dst, loop])
    ones = jnp.ones(src.shape, dtype=feat.dtype)
    out_deg = jax.ops.segment_sum(ones, src, num_segments=n)
    in_deg = jax.ops.segment_sum(ones, dst, num_segments=n)
    out_deg = jnp.clip(out_deg, 1.0, None)
    in_deg = jnp.clip(in_deg, 1.0, None)
    norm_src = jax.lax.rsqrt(out_deg)
    norm_dst = jax.lax.rsqrt(in_deg)
    # layer 1: GraphConv + relu
    h = _graph_conv(feat, src, dst, n, norm_src, norm_dst, W1, b1)
    h = jax.nn.relu(h)
    # dropout in eval mode -> identity
    # layer 2: GraphConv (no activation)
    h = _graph_conv(h, src, dst, n, norm_src, norm_dst, W2, b2)
    return h

if __name__ == "__main__":
    import jax
    _d = setup_inputs()
    print(jax.jit(kernel)(*tuple(_d.values())))

</pallas_src>

<mosaic_0001>
#map = affine_map<(d0, d1) -> (0, 0, 0)>
#map1 = affine_map<(d0, d1) -> (0, 0)>
module attributes {stable_mosaic.version = 14 : i64} {
  func.func @_agg_body(%arg0: i32, %arg1: i32, %arg2: memref<2x10112x128xf32, #tpu.memory_space<hbm>>, %arg3: memref<2048x80xi32, #tpu.memory_space<hbm>>, %arg4: memref<2048x80xi32, #tpu.memory_space<hbm>>, %arg5: memref<632x128xf32, #tpu.memory_space<hbm>>, %arg6: memref<2x10112x128xf32, #tpu.memory_space<hbm>>, %arg7: memref<32x80xi32, #tpu.memory_space<vmem>>, %arg8: memref<32x80xi32, #tpu.memory_space<vmem>>, %arg9: memref<80x128xf32, #tpu.memory_space<vmem>>, %arg10: memref<80x128xf32, #tpu.memory_space<vmem>>, %arg11: memref<80x128xf32, #tpu.memory_space<vmem>>, %arg12: memref<80x128xf32, #tpu.memory_space<vmem>>, %arg13: memref<10112x128xf32, #tpu.memory_space<vmem_shared>>, %arg14: memref<!tpu.dma_semaphore, #tpu.memory_space<semaphore_mem>>, %arg15: memref<!tpu.dma_semaphore, #tpu.memory_space<semaphore_mem>>, %arg16: memref<!tpu.dma_semaphore, #tpu.memory_space<semaphore_mem>>, %arg17: memref<!tpu.dma_semaphore, #tpu.memory_space<semaphore_mem>>, %arg18: memref<!tpu.dma_semaphore, #tpu.memory_space<semaphore_mem>>, %arg19: memref<!tpu.dma_semaphore, #tpu.memory_space<semaphore_mem>>, %arg20: memref<!tpu.dma_semaphore, #tpu.memory_space<semaphore_mem>>, %arg21: memref<!tpu.dma_semaphore, #tpu.memory_space<semaphore_mem>>) attributes {dimension_semantics = [#tpu.dimension_semantics<core_parallel>, #tpu.dimension_semantics<subcore_parallel>], iteration_bounds = array<i64: 2, 16>, scalar_prefetch = 0 : i64, scratch_operands = 15 : i64, tpu.core_type = #tpu.core_type<sc_vector_subcore>, window_params = [{transform_indices = #map}, {transform_indices = #map1}, {transform_indices = #map1}, {transform_indices = #map1}, {transform_indices = #map}]} {
    %mul3A = arith.constant 632 : i32
    %mul3A_0 = arith.muli %arg1, %mul3A : i32
    "tpu.region"() ({
      %run_scoped3A = tpu.sem_alloc : memref<!tpu.dma_semaphore, #tpu.memory_space<semaphore_mem>>
      %dma_start3A_290 = arith.constant 0 : i32
      %dma_start3A_291 = tpu.memref_slice %arg13[%mul3A_0, %dma_start3A_290] : memref<10112x128xf32, #tpu.memory_space<vmem_shared>> -> memref<632x128xf32, #tpu.memory_space<vmem_shared>>
      tpu.enqueue_dma source(%arg5 : memref<632x128xf32, #tpu.memory_space<hbm>>) target(%dma_start3A_291 : memref<632x128xf32, #tpu.memory_space<vmem_shared>>) target_semaphore(%run_scoped3A : memref<!tpu.dma_semaphore, #tpu.memory_space<semaphore_mem>>)
      %dma_wait3A_292 = arith.constant 0 : i32
      %dma_wait3A_293 = tpu.memref_slice %arg13[%mul3A_0, %dma_wait3A_292] : memref<10112x128xf32, #tpu.memory_space<vmem_shared>> -> memref<632x128xf32, #tpu.memory_space<vmem_shared>>
      tpu.wait_dma2 semaphore(%run_scoped3A : memref<!tpu.dma_semaphore, #tpu.memory_space<semaphore_mem>>) src(%arg5 : memref<632x128xf32, #tpu.memory_space<hbm>>) dst(%dma_wait3A_293 : memref<632x128xf32, #tpu.memory_space<vmem_shared>>)
      tpu.yield
    }) : () -> ()
    %barrier3A = arith.constant 0 : index
    tpu.barrier barrier_id(%barrier3A)
    %mul3A_1 = arith.constant 128 : i32
    %mul3A_2 = arith.muli %arg1, %mul3A_1 : i32
    %add3A = arith.constant 0 : i32
    %add3A_3 = arith.addi %mul3A_2, %add3A : i32
    "tpu.region"() ({
      %run_scoped3A = tpu.sem_alloc : memref<!tpu.dma_semaphore, #tpu.memory_space<semaphore_mem>>
      %dma_start3A_290 = arith.constant 0 : i32
      %dma_start3A_291 = tpu.memref_slice %arg3[%add3A_3, %dma_start3A_290] : memref<2048x80xi32, #tpu.memory_space<hbm>> -> memref<32x80xi32, #tpu.memory_space<hbm>>
      %dma_start3A_292 = arith.constant 0 : i32
      %dma_start3A_293 = tpu.memref_slice %arg3[%add3A_3, %dma_start3A_292] : memref<2048x80xi32, #tpu.memory_space<hbm>> -> memref<32x80xi32, #tpu.memory_space<hbm>>
      tpu.enqueue_dma source(%dma_start3A_293 : memref<32x80xi32, #tpu.memory_space<hbm>>) target(%arg7 : memref<32x80xi32, #tpu.memory_space<vmem>>) target_semaphore(%run_scoped3A : memref<!tpu.dma_semaphore, #tpu.memory_space<semaphore_mem>>)
      %dma_wait3A_294 = arith.constant 0 : i32
      %dma_wait3A_295 = tpu.memref_slice %arg3[%add3A_3, %dma_wait3A_294] : memref<2048x80xi32, #tpu.memory_space<hbm>> -> memref<32x80xi32, #tpu.memory_space<hbm>>
      %dma_wait3A_296 = arith.constant 0 : i32
      %dma_wait3A_297 = tpu.memref_slice %arg3[%add3A_3, %dma_wait3A_296] : memref<2048x80xi32, #tpu.memory_space<hbm>> -> memref<32x80xi32, #tpu.memory_space<hbm>>
      tpu.wait_dma2 semaphore(%run_scoped3A : memref<!tpu.dma_semaphore, #tpu.memory_space<semaphore_mem>>) src(%dma_wait3A_297 : memref<32x80xi32, #tpu.memory_space<hbm>>) dst(%arg7 : memref<32x80xi32, #tpu.memory_space<vmem>>)
      tpu.yield
    }) : () -> ()
    "tpu.region"() ({
      %run_scoped3A = tpu.sem_alloc : memref<!tpu.dma_semaphore, #tpu.memory_space<semaphore_mem>>
      %dma_start3A_290 = arith.constant 0 : i32
      %dma_start3A_291 = tpu.memref_slice %arg4[%add3A_3, %dma_start3A_290] : memref<2048x80xi32, #tpu.memory_space<hbm>> -> memref<32x80xi32, #tpu.memory_space<hbm>>
      %dma_start3A_292 = arith.constant 0 : i32
      %dma_start3A_293 = tpu.memref_slice %arg4[%add3A_3, %dma_start3A_292] : memref<2048x80xi32, #tpu.memory_space<hbm>> -> memref<32x80xi32, #tpu.memory_space<hbm>>
      tpu.enqueue_dma source(%dma_start3A_293 : memref<32x80xi32, #tpu.memory_space<hbm>>) target(%arg8 : memref<32x80xi32, #tpu.memory_space<vmem>>) target_semaphore(%run_scoped3A : memref<!tpu.dma_semaphore, #tpu.memory_space<semaphore_mem>>)
      %dma_wait3A_294 = arith.constant 0 : i32
      %dma_wait3A_295 = tpu.memref_slice %arg4[%add3A_3, %dma_wait3A_294] : memref<2048x80xi32, #tpu.memory_space<hbm>> -> memref<32x80xi32, #tpu.memory_space<hbm>>
      %dma_wait3A_296 = arith.constant 0 : i32
      %dma_wait3A_297 = tpu.memref_slice %arg4[%add3A_3, %dma_wait3A_296] : memref<2048x80xi32, #tpu.memory_space<hbm>> -> memref<32x80xi32, #tpu.memory_space<hbm>>
      tpu.wait_dma2 semaphore(%run_scoped3A : memref<!tpu.dma_semaphore, #tpu.memory_space<semaphore_mem>>) src(%dma_wait3A_297 : memref<32x80xi32, #tpu.memory_space<hbm>>) dst(%arg8 : memref<32x80xi32, #tpu.memory_space<vmem>>)
      tpu.yield
    }) : () -> ()
    %dma_start3A = arith.constant 0 : i32
    %dma_start3A_4 = arith.constant 0 : i32
    %dma_start3A_5 = tpu.memref_slice %arg7[%dma_start3A, %dma_start3A_4] : memref<32x80xi32, #tpu.memory_space<vmem>> -> memref<1x80xi32, #tpu.memory_space<vmem>>
    %dma_start3A_6 = tpu.memref_squeeze %dma_start3A_5 : memref<1x80xi32, #tpu.memory_space<vmem>> -> memref<80xi32, #tpu.memory_space<vmem>>
    %dma_start3A_7 = arith.constant 0 : i32
    %dma_start3A_8 = arith.constant 0 : i32
    %dma_start3A_9 = tpu.memref_slice %arg2[%arg0, %dma_start3A_7, %dma_start3A_8] : memref<2x10112x128xf32, #tpu.memory_space<hbm>> -> memref<1x10112x128xf32, #tpu.memory_space<hbm>>
    %dma_start3A_10 = tpu.memref_squeeze %dma_start3A_9 : memref<1x10112x128xf32, #tpu.memory_space<hbm>> -> memref<10112x128xf32, #tpu.memory_space<hbm>>
    %dma_start3A_11 = arith.constant 0 : i32
    %dma_start3A_12 = arith.constant 0 : i32
    %dma_start3A_13 = tpu.memref_slice %dma_start3A_10[%dma_start3A_11, %dma_start3A_12] : memref<10112x128xf32, #tpu.memory_space<hbm>> -> memref<10112x128xf32, #tpu.memory_space<hbm>>
    tpu.enqueue_indirect_dma source(%dma_start3A_13 : memref<10112x128xf32, #tpu.memory_space<hbm>>) target(%arg9 : memref<80x128xf32, #tpu.memory_space<vmem>>) offsets(%dma_start3A_6 : memref<80xi32, #tpu.memory_space<vmem>>) semaphore(%arg14 : memref<!tpu.dma_semaphore, #tpu.memory_space<semaphore_mem>>)
    %dma_start3A_14 = arith.constant 1 : i32
    %dma_start3A_15 = arith.constant 0 : i32
    %dma_start3A_16 = tpu.memref_slice %arg7[%dma_start3A_14, %dma_start3A_15] : memref<32x80xi32, #tpu.memory_space<vmem>> -> memref<1x80xi32, #tpu.memory_space<vmem>>
    %dma_start3A_17 = tpu.memref_squeeze %dma_start3A_16 : memref<1x80xi32, #tpu.memory_space<vmem>> -> memref<80xi32, #tpu.memory_space<vmem>>
    %dma_start3A_18 = arith.constant 0 : i32
    %dma_start3A_19 = arith.constant 0 : i32
    %dma_start3A_20 = tpu.memref_slice %arg2[%arg0, %dma_start3A_18, %dma_start3A_19] : memref<2x10112x128xf32, #tpu.memory_space<hbm>> -> memref<1x10112x128xf32, #tpu.memory_space<hbm>>
    %dma_start3A_21 = tpu.memref_squeeze %dma_start3A_20 : memref<1x10112x128xf32, #tpu.memory_space<hbm>> -> memref<10112x128xf32, #tpu.memory_space<hbm>>
    %dma_start3A_22 = arith.constant 0 : i32
    %dma_start3A_23 = arith.constant 0 : i32
    %dma_start3A_24 = tpu.memref_slice %dma_start3A_21[%dma_start3A_22, %dma_start3A_23] : memref<10112x128xf32, #tpu.memory_space<hbm>> -> memref<10112x128xf32, #tpu.memory_space<hbm>>
    tpu.enqueue_indirect_dma source(%dma_start3A_24 : memref<10112x128xf32, #tpu.memory_space<hbm>>) target(%arg10 : memref<80x128xf32, #tpu.memory_space<vmem>>) offsets(%dma_start3A_17 : memref<80xi32, #tpu.memory_space<vmem>>) semaphore(%arg15 : memref<!tpu.dma_semaphore, #tpu.memory_space<semaphore_mem>>)
    %dma_start3A_25 = arith.constant 2 : i32
    %dma_start3A_26 = arith.constant 0 : i32
    %dma_start3A_27 = tpu.memref_slice %arg7[%dma_start3A_25, %dma_start3A_26] : memref<32x80xi32, #tpu.memory_space<vmem>> -> memref<1x80xi32, #tpu.memory_space<vmem>>
    %dma_start3A_28 = tpu.memref_squeeze %dma_start3A_27 : memref<1x80xi32, #tpu.memory_space<vmem>> -> memref<80xi32, #tpu.memory_space<vmem>>
    %dma_start3A_29 = arith.constant 0 : i32
    %dma_start3A_30 = arith.constant 0 : i32
    %dma_start3A_31 = tpu.memref_slice %arg2[%arg0, %dma_start3A_29, %dma_start3A_30] : memref<2x10112x128xf32, #tpu.memory_space<hbm>> -> memref<1x10112x128xf32, #tpu.memory_space<hbm>>
    %dma_start3A_32 = tpu.memref_squeeze %dma_start3A_31 : memref<1x10112x128xf32, #tpu.memory_space<hbm>> -> memref<10112x128xf32, #tpu.memory_space<hbm>>
    %dma_start3A_33 = arith.constant 0 : i32
    %dma_start3A_34 = arith.constant 0 : i32
    %dma_start3A_35 = tpu.memref_slice %dma_start3A_32[%dma_start3A_33, %dma_start3A_34] : memref<10112x128xf32, #tpu.memory_space<hbm>> -> memref<10112x128xf32, #tpu.memory_space<hbm>>
    tpu.enqueue_indirect_dma source(%dma_start3A_35 : memref<10112x128xf32, #tpu.memory_space<hbm>>) target(%arg11 : memref<80x128xf32, #tpu.memory_space<vmem>>) offsets(%dma_start3A_28 : memref<80xi32, #tpu.memory_space<vmem>>) semaphore(%arg16 : memref<!tpu.dma_semaphore, #tpu.memory_space<semaphore_mem>>)
    %scan3A = arith.constant 0 : i32
    %scan3A_36 = arith.constant 0 : i32
    %scan3A_37 = arith.constant 32 : i32
    %scan3A_38 = arith.addi %scan3A_36, %scan3A_37 : i32
    %scan3A_39 = arith.constant 1 : i32
    %scan3A_40 = scf.for %scan3A_290 = %scan3A_36 to %scan3A_38 step %scan3A_39 iter_args(%scan3A_291 = %scan3A) -> (i32)  : i32 {
      %add3A_292 = arith.constant 3 : i32
      %add3A_293 = arith.addi %scan3A_290, %add3A_292 : i32
      %rem3A = arith.constant 4 : i32
      %rem3A_294 = arith.remsi %add3A_293, %rem3A : i32
      %rem3A_295 = arith.constant 4 : i32
      %rem3A_296 = arith.remsi %scan3A_290, %rem3A_295 : i32
      %eq3A = arith.constant 0 : i32
      %eq3A_297 = arith.cmpi eq, %rem3A_294, %eq3A : i32
      %lt3A = arith.constant 29 : i32
      %lt3A_298 = arith.cmpi slt, %scan3A_290, %lt3A : i32
      %and3A = arith.andi %eq3A_297, %lt3A_298 : i1
      %convert_element_type3A = arith.extui %and3A : i1 to i32
      %cond3A = arith.constant 0 : i32
      %cond3A_299 = arith.cmpi ne, %convert_element_type3A, %cond3A : i32
      scf.if %cond3A_299 {
        %ge3A = arith.constant 1 : i32
        %ge3A_345 = arith.cmpi sge, %scan3A_290, %ge3A : i32
        %convert_element_type3A_346 = arith.extui %ge3A_345 : i1 to i32
        %cond3A_347 = arith.constant 0 : i32
        %cond3A_348 = arith.cmpi ne, %convert_element_type3A_346, %cond3A_347 : i32
        scf.if %cond3A_348 {
          %dma_wait3A_361 = arith.constant 0 : i32
          %dma_wait3A_362 = arith.constant 0 : i32
          %dma_wait3A_363 = tpu.memref_slice %arg8[%dma_wait3A_361, %dma_wait3A_362] : memref<32x80xi32, #tpu.memory_space<vmem>> -> memref<1x80xi32, #tpu.memory_space<vmem>>
          %dma_wait3A_364 = tpu.memref_squeeze %dma_wait3A_363 : memref<1x80xi32, #tpu.memory_space<vmem>> -> memref<80xi32, #tpu.memory_space<vmem>>
          %dma_wait3A_365 = arith.constant 0 : i32
          %dma_wait3A_366 = arith.constant 0 : i32
          %dma_wait3A_367 = tpu.memref_slice %arg13[%dma_wait3A_365, %dma_wait3A_366] : memref<10112x128xf32, #tpu.memory_space<vmem_shared>> -> memref<10112x128xf32, #tpu.memory_space<vmem_shared>>
          tpu.wait_indirect_dma semaphore(%arg18 : memref<!tpu.dma_semaphore, #tpu.memory_space<semaphore_mem>>) src(%arg9 : memref<80x128xf32, #tpu.memory_space<vmem>>) dst(%dma_wait3A_367 : memref<10112x128xf32, #tpu.memory_space<vmem_shared>>)
        } else {
        }
        %add3A_349 = arith.constant 3 : i32
        %add3A_350 = arith.addi %scan3A_290, %add3A_349 : i32
        %dma_start3A_351 = arith.constant 0 : i32
        %dma_start3A_352 = tpu.memref_slice %arg7[%add3A_350, %dma_start3A_351] : memref<32x80xi32, #tpu.memory_space<vmem>> -> memref<1x80xi32, #tpu.memory_space<vmem>>
        %dma_start3A_353 = tpu.memref_squeeze %dma_start3A_352 : memref<1x80xi32, #tpu.memory_space<vmem>> -> memref<80xi32, #tpu.memory_space<vmem>>
        %dma_start3A_354 = arith.constant 0 : i32
        %dma_start3A_355 = arith.constant 0 : i32
        %dma_start3A_356 = tpu.memref_slice %arg2[%arg0, %dma_start3A_354, %dma_start3A_355] : memref<2x10112x128xf32, #tpu.memory_space<hbm>> -> memref<1x10112x128xf32, #tpu.memory_space<hbm>>
        %dma_start3A_357 = tpu.memref_squeeze %dma_start3A_356 : memref<1x10112x128xf32, #tpu.memory_space<hbm>> -> memref<10112x128xf32, #tpu.memory_space<hbm>>
        %dma_start3A_358 = arith.constant 0 : i32
        %dma_start3A_359 = arith.constant 0 : i32
        %dma_start3A_360 = tpu.memref_slice %dma_start3A_357[%dma_start3A_358, %dma_start3A_359] : memref<10112x128xf32, #tpu.memory_space<hbm>> -> memref<10112x128xf32, #tpu.memory_space<hbm>>
        tpu.enqueue_indirect_dma source(%dma_start3A_360 : memref<10112x128xf32, #tpu.memory_space<hbm>>) target(%arg9 : memref<80x128xf32, #tpu.memory_space<vmem>>) offsets(%dma_start3A_353 : memref<80xi32, #tpu.memory_space<vmem>>) semaphore(%arg14 : memref<!tpu.dma_semaphore, #tpu.memory_space<semaphore_mem>>)
      } else {
      }
      %eq3A_300 = arith.constant 1 : i32
      %eq3A_301 = arith.cmpi eq, %rem3A_294, %eq3A_300 : i32
      %lt3A_302 = arith.constant 29 : i32
      %lt3A_303 = arith.cmpi slt, %scan3A_290, %lt3A_302 : i32
      %and3A_304 = arith.andi %eq3A_301, %lt3A_303 : i1
      %convert_element_type3A_305 = arith.extui %and3A_304 : i1 to i32
      %cond3A_306 = arith.constant 0 : i32
      %cond3A_307 = arith.cmpi ne, %convert_element_type3A_305, %cond3A_306 : i32
      scf.if %cond3A_307 {
        %ge3A = arith.constant 1 : i32
        %ge3A_345 = arith.cmpi sge, %scan3A_290, %ge3A : i32
        %convert_element_type3A_346 = arith.extui %ge3A_345 : i1 to i32
        %cond3A_347 = arith.constant 0 : i32
        %cond3A_348 = arith.cmpi ne, %convert_element_type3A_346, %cond3A_347 : i32
        scf.if %cond3A_348 {
          %dma_wait3A_361 = arith.constant 0 : i32
          %dma_wait3A_362 = arith.constant 0 : i32
          %dma_wait3A_363 = tpu.memref_slice %arg8[%dma_wait3A_361, %dma_wait3A_362] : memref<32x80xi32, #tpu.memory_space<vmem>> -> memref<1x80xi32, #tpu.memory_space<vmem>>
          %dma_wait3A_364 = tpu.memref_squeeze %dma_wait3A_363 : memref<1x80xi32, #tpu.memory_space<vmem>> -> memref<80xi32, #tpu.memory_space<vmem>>
          %dma_wait3A_365 = arith.constant 0 : i32
          %dma_wait3A_366 = arith.constant 0 : i32
          %dma_wait3A_367 = tpu.memref_slice %arg13[%dma_wait3A_365, %dma_wait3A_366] : memref<10112x128xf32, #tpu.memory_space<vmem_shared>> -> memref<10112x128xf32, #tpu.memory_space<vmem_shared>>
          tpu.wait_indirect_dma semaphore(%arg19 : memref<!tpu.dma_semaphore, #tpu.memory_space<semaphore_mem>>) src(%arg10 : memref<80x128xf32, #tpu.memory_space<vmem>>) dst(%dma_wait3A_367 : memref<10112x128xf32, #tpu.memory_space<vmem_shared>>)
        } else {
        }
        %add3A_349 = arith.constant 3 : i32
        %add3A_350 = arith.addi %scan3A_290, %add3A_349 : i32
        %dma_start3A_351 = arith.constant 0 : i32
        %dma_start3A_352 = tpu.memref_slice %arg7[%add3A_350, %dma_start3A_351] : memref<32x80xi32, #tpu.memory_space<vmem>> -> memref<1x80xi32, #tpu.memory_space<vmem>>
        %dma_start3A_353 = tpu.memref_squeeze %dma_start3A_352 : memref<1x80xi32, #tpu.memory_space<vmem>> -> memref<80xi32, #tpu.memory_space<vmem>>
        %dma_start3A_354 = arith.constant 0 : i32
        %dma_start3A_355 = arith.constant 0 : i32
        %dma_start3A_356 = tpu.memref_slice %arg2[%arg0, %dma_start3A_354, %dma_start3A_355] : memref<2x10112x128xf32, #tpu.memory_space<hbm>> -> memref<1x10112x128xf32, #tpu.memory_space<hbm>>
        %dma_start3A_357 = tpu.memref_squeeze %dma_start3A_356 : memref<1x10112x128xf32, #tpu.memory_space<hbm>> -> memref<10112x128xf32, #tpu.memory_space<hbm>>
        %dma_start3A_358 = arith.constant 0 : i32
        %dma_start3A_359 = arith.constant 0 : i32
        %dma_start3A_360 = tpu.memref_slice %dma_start3A_357[%dma_start3A_358, %dma_start3A_359] : memref<10112x128xf32, #tpu.memory_space<hbm>> -> memref<10112x128xf32, #tpu.memory_space<hbm>>
        tpu.enqueue_indirect_dma source(%dma_start3A_360 : memref<10112x128xf32, #tpu.memory_space<hbm>>) target(%arg10 : memref<80x128xf32, #tpu.memory_space<vmem>>) offsets(%dma_start3A_353 : memref<80xi32, #tpu.memory_space<vmem>>) semaphore(%arg15 : memref<!tpu.dma_semaphore, #tpu.memory_space<semaphore_mem>>)
      } else {
      }
      %eq3A_308 = arith.constant 2 : i32
      %eq3A_309 = arith.cmpi eq, %rem3A_294, %eq3A_308 : i32
      %lt3A_310 = arith.constant 29 : i32
      %lt3A_311 = arith.cmpi slt, %scan3A_290, %lt3A_310 : i32
      %and3A_312 = arith.andi %eq3A_309, %lt3A_311 : i1
      %convert_element_type3A_313 = arith.extui %and3A_312 : i1 to i32
      %cond3A_314 = arith.constant 0 : i32
      %cond3A_315 = arith.cmpi ne, %convert_element_type3A_313, %cond3A_314 : i32
      scf.if %cond3A_315 {
        %ge3A = arith.constant 1 : i32
        %ge3A_345 = arith.cmpi sge, %scan3A_290, %ge3A : i32
        %convert_element_type3A_346 = arith.extui %ge3A_345 : i1 to i32
        %cond3A_347 = arith.constant 0 : i32
        %cond3A_348 = arith.cmpi ne, %convert_element_type3A_346, %cond3A_347 : i32
        scf.if %cond3A_348 {
          %dma_wait3A_361 = arith.constant 0 : i32
          %dma_wait3A_362 = arith.constant 0 : i32
          %dma_wait3A_363 = tpu.memref_slice %arg8[%dma_wait3A_361, %dma_wait3A_362] : memref<32x80xi32, #tpu.memory_space<vmem>> -> memref<1x80xi32, #tpu.memory_space<vmem>>
          %dma_wait3A_364 = tpu.memref_squeeze %dma_wait3A_363 : memref<1x80xi32, #tpu.memory_space<vmem>> -> memref<80xi32, #tpu.memory_space<vmem>>
          %dma_wait3A_365 = arith.constant 0 : i32
          %dma_wait3A_366 = arith.constant 0 : i32
          %dma_wait3A_367 = tpu.memref_slice %arg13[%dma_wait3A_365, %dma_wait3A_366] : memref<10112x128xf32, #tpu.memory_space<vmem_shared>> -> memref<10112x128xf32, #tpu.memory_space<vmem_shared>>
          tpu.wait_indirect_dma semaphore(%arg20 : memref<!tpu.dma_semaphore, #tpu.memory_space<semaphore_mem>>) src(%arg11 : memref<80x128xf32, #tpu.memory_space<vmem>>) dst(%dma_wait3A_367 : memref<10112x128xf32, #tpu.memory_space<vmem_shared>>)
        } else {
        }
        %add3A_349 = arith.constant 3 : i32
        %add3A_350 = arith.addi %scan3A_290, %add3A_349 : i32
        %dma_start3A_351 = arith.constant 0 : i32
        %dma_start3A_352 = tpu.memref_slice %arg7[%add3A_350, %dma_start3A_351] : memref<32x80xi32, #tpu.memory_space<vmem>> -> memref<1x80xi32, #tpu.memory_space<vmem>>
        %dma_start3A_353 = tpu.memref_squeeze %dma_start3A_352 : memref<1x80xi32, #tpu.memory_space<vmem>> -> memref<80xi32, #tpu.memory_space<vmem>>
        %dma_start3A_354 = arith.constant 0 : i32
        %dma_start3A_355 = arith.constant 0 : i32
        %dma_start3A_356 = tpu.memref_slice %arg2[%arg0, %dma_start3A_354, %dma_start3A_355] : memref<2x10112x128xf32, #tpu.memory_space<hbm>> -> memref<1x10112x128xf32, #tpu.memory_space<hbm>>
        %dma_start3A_357 = tpu.memref_squeeze %dma_start3A_356 : memref<1x10112x128xf32, #tpu.memory_space<hbm>> -> memref<10112x128xf32, #tpu.memory_space<hbm>>
        %dma_start3A_358 = arith.constant 0 : i32
        %dma_start3A_359 = arith.constant 0 : i32
        %dma_start3A_360 = tpu.memref_slice %dma_start3A_357[%dma_start3A_358, %dma_start3A_359] : memref<10112x128xf32, #tpu.memory_space<hbm>> -> memref<10112x128xf32, #tpu.memory_space<hbm>>
        tpu.enqueue_indirect_dma source(%dma_start3A_360 : memref<10112x128xf32, #tpu.memory_space<hbm>>) target(%arg11 : memref<80x128xf32, #tpu.memory_space<vmem>>) offsets(%dma_start3A_353 : memref<80xi32, #tpu.memory_space<vmem>>) semaphore(%arg16 : memref<!tpu.dma_semaphore, #tpu.memory_space<semaphore_mem>>)
      } else {
      }
      %eq3A_316 = arith.constant 3 : i32
      %eq3A_317 = arith.cmpi eq, %rem3A_294, %eq3A_316 : i32
      %lt3A_318 = arith.constant 29 : i32
      %lt3A_319 = arith.cmpi slt, %scan3A_290, %lt3A_318 : i32
      %and3A_320 = arith.andi %eq3A_317, %lt3A_319 : i1
      %convert_element_type3A_321 = arith.extui %and3A_320 : i1 to i32
      %cond3A_322 = arith.constant 0 : i32
      %cond3A_323 = arith.cmpi ne, %convert_element_type3A_321, %cond3A_322 : i32
      scf.if %cond3A_323 {
        %ge3A = arith.constant 1 : i32
        %ge3A_345 = arith.cmpi sge, %scan3A_290, %ge3A : i32
        %convert_element_type3A_346 = arith.extui %ge3A_345 : i1 to i32
        %cond3A_347 = arith.constant 0 : i32
        %cond3A_348 = arith.cmpi ne, %convert_element_type3A_346, %cond3A_347 : i32
        scf.if %cond3A_348 {
          %dma_wait3A_361 = arith.constant 0 : i32
          %dma_wait3A_362 = arith.constant 0 : i32
          %dma_wait3A_363 = tpu.memref_slice %arg8[%dma_wait3A_361, %dma_wait3A_362] : memref<32x80xi32, #tpu.memory_space<vmem>> -> memref<1x80xi32, #tpu.memory_space<vmem>>
          %dma_wait3A_364 = tpu.memref_squeeze %dma_wait3A_363 : memref<1x80xi32, #tpu.memory_space<vmem>> -> memref<80xi32, #tpu.memory_space<vmem>>
          %dma_wait3A_365 = arith.constant 0 : i32
          %dma_wait3A_366 = arith.constant 0 : i32
          %dma_wait3A_367 = tpu.memref_slice %arg13[%dma_wait3A_365, %dma_wait3A_366] : memref<10112x128xf32, #tpu.memory_space<vmem_shared>> -> memref<10112x128xf32, #tpu.memory_space<vmem_shared>>
          tpu.wait_indirect_dma semaphore(%arg21 : memref<!tpu.dma_semaphore, #tpu.memory_space<semaphore_mem>>) src(%arg12 : memref<80x128xf32, #tpu.memory_space<vmem>>) dst(%dma_wait3A_367 : memref<10112x128xf32, #tpu.memory_space<vmem_shared>>)
        } else {
        }
        %add3A_349 = arith.constant 3 : i32
        %add3A_350 = arith.addi %scan3A_290, %add3A_349 : i32
        %dma_start3A_351 = arith.constant 0 : i32
        %dma_start3A_352 = tpu.memref_slice %arg7[%add3A_350, %dma_start3A_351] : memref<32x80xi32, #tpu.memory_space<vmem>> -> memref<1x80xi32, #tpu.memory_space<vmem>>
        %dma_start3A_353 = tpu.memref_squeeze %dma_start3A_352 : memref<1x80xi32, #tpu.memory_space<vmem>> -> memref<80xi32, #tpu.memory_space<vmem>>
        %dma_start3A_354 = arith.constant 0 : i32
        %dma_start3A_355 = arith.constant 0 : i32
        %dma_start3A_356 = tpu.memref_slice %arg2[%arg0, %dma_start3A_354, %dma_start3A_355] : memref<2x10112x128xf32, #tpu.memory_space<hbm>> -> memref<1x10112x128xf32, #tpu.memory_space<hbm>>
        %dma_start3A_357 = tpu.memref_squeeze %dma_start3A_356 : memref<1x10112x128xf32, #tpu.memory_space<hbm>> -> memref<10112x128xf32, #tpu.memory_space<hbm>>
        %dma_start3A_358 = arith.constant 0 : i32
        %dma_start3A_359 = arith.constant 0 : i32
        %dma_start3A_360 = tpu.memref_slice %dma_start3A_357[%dma_start3A_358, %dma_start3A_359] : memref<10112x128xf32, #tpu.memory_space<hbm>> -> memref<10112x128xf32, #tpu.memory_space<hbm>>
        tpu.enqueue_indirect_dma source(%dma_start3A_360 : memref<10112x128xf32, #tpu.memory_space<hbm>>) target(%arg12 : memref<80x128xf32, #tpu.memory_space<vmem>>) offsets(%dma_start3A_353 : memref<80xi32, #tpu.memory_space<vmem>>) semaphore(%arg17 : memref<!tpu.dma_semaphore, #tpu.memory_space<semaphore_mem>>)
      } else {
      }
      %eq3A_324 = arith.constant 0 : i32
      %eq3A_325 = arith.cmpi eq, %rem3A_296, %eq3A_324 : i32
      %convert_element_type3A_326 = arith.extui %eq3A_325 : i1 to i32
      %cond3A_327 = arith.constant 0 : i32
      %cond3A_328 = arith.cmpi ne, %convert_element_type3A_326, %cond3A_327 : i32
      scf.if %cond3A_328 {
        %dma_wait3A_345 = arith.constant 0 : i32
        %dma_wait3A_346 = tpu.memref_slice %arg7[%scan3A_290, %dma_wait3A_345] : memref<32x80xi32, #tpu.memory_space<vmem>> -> memref<1x80xi32, #tpu.memory_space<vmem>>
        %dma_wait3A_347 = tpu.memref_squeeze %dma_wait3A_346 : memref<1x80xi32, #tpu.memory_space<vmem>> -> memref<80xi32, #tpu.memory_space<vmem>>
        %dma_wait3A_348 = arith.constant 0 : i32
        %dma_wait3A_349 = arith.constant 0 : i32
        %dma_wait3A_350 = tpu.memref_slice %arg2[%arg0, %dma_wait3A_348, %dma_wait3A_349] : memref<2x10112x128xf32, #tpu.memory_space<hbm>> -> memref<1x10112x128xf32, #tpu.memory_space<hbm>>
        %dma_wait3A_351 = tpu.memref_squeeze %dma_wait3A_350 : memref<1x10112x128xf32, #tpu.memory_space<hbm>> -> memref<10112x128xf32, #tpu.memory_space<hbm>>
        %dma_wait3A_352 = arith.constant 0 : i32
        %dma_wait3A_353 = arith.constant 0 : i32
        %dma_wait3A_354 = tpu.memref_slice %dma_wait3A_351[%dma_wait3A_352, %dma_wait3A_353] : memref<10112x128xf32, #tpu.memory_space<hbm>> -> memref<10112x128xf32, #tpu.memory_space<hbm>>
        tpu.wait_indirect_dma semaphore(%arg14 : memref<!tpu.dma_semaphore, #tpu.memory_space<semaphore_mem>>) src(%dma_wait3A_354 : memref<10112x128xf32, #tpu.memory_space<hbm>>) dst(%arg9 : memref<80x128xf32, #tpu.memory_space<vmem>>)
        %dma_start3A_355 = arith.constant 0 : i32
        %dma_start3A_356 = tpu.memref_slice %arg8[%scan3A_290, %dma_start3A_355] : memref<32x80xi32, #tpu.memory_space<vmem>> -> memref<1x80xi32, #tpu.memory_space<vmem>>
        %dma_start3A_357 = tpu.memref_squeeze %dma_start3A_356 : memref<1x80xi32, #tpu.memory_space<vmem>> -> memref<80xi32, #tpu.memory_space<vmem>>
        %dma_start3A_358 = arith.constant 0 : i32
        %dma_start3A_359 = arith.constant 0 : i32
        %dma_start3A_360 = tpu.memref_slice %arg13[%dma_start3A_358, %dma_start3A_359] : memref<10112x128xf32, #tpu.memory_space<vmem_shared>> -> memref<10112x128xf32, #tpu.memory_space<vmem_shared>>
        tpu.enqueue_indirect_dma source(%arg9 : memref<80x128xf32, #tpu.memory_space<vmem>>) target(%dma_start3A_360 : memref<10112x128xf32, #tpu.memory_space<vmem_shared>>) offsets(%dma_start3A_357 : memref<80xi32, #tpu.memory_space<vmem>>) semaphore(%arg18 : memref<!tpu.dma_semaphore, #tpu.memory_space<semaphore_mem>>) {add = true}
      } else {
      }
      %eq3A_329 = arith.constant 1 : i32
      %eq3A_330 = arith.cmpi eq, %rem3A_296, %eq3A_329 : i32
      %convert_element_type3A_331 = arith.extui %eq3A_330 : i1 to i32
      %cond3A_332 = arith.constant 0 : i32
      %cond3A_333 = arith.cmpi ne, %convert_element_type3A_331, %cond3A_332 : i32
      scf.if %cond3A_333 {
        %dma_wait3A_345 = arith.constant 0 : i32
        %dma_wait3A_346 = tpu.memref_slice %arg7[%scan3A_290, %dma_wait3A_345] : memref<32x80xi32, #tpu.memory_space<vmem>> -> memref<1x80xi32, #tpu.memory_space<vmem>>
        %dma_wait3A_347 = tpu.memref_squeeze %dma_wait3A_346 : memref<1x80xi32, #tpu.memory_space<vmem>> -> memref<80xi32, #tpu.memory_space<vmem>>
        %dma_wait3A_348 = arith.constant 0 : i32
        %dma_wait3A_349 = arith.constant 0 : i32
        %dma_wait3A_350 = tpu.memref_slice %arg2[%arg0, %dma_wait3A_348, %dma_wait3A_349] : memref<2x10112x128xf32, #tpu.memory_space<hbm>> -> memref<1x10112x128xf32, #tpu.memory_space<hbm>>
        %dma_wait3A_351 = tpu.memref_squeeze %dma_wait3A_350 : memref<1x10112x128xf32, #tpu.memory_space<hbm>> -> memref<10112x128xf32, #tpu.memory_space<hbm>>
        %dma_wait3A_352 = arith.constant 0 : i32
        %dma_wait3A_353 = arith.constant 0 : i32
        %dma_wait3A_354 = tpu.memref_slice %dma_wait3A_351[%dma_wait3A_352, %dma_wait3A_353] : memref<10112x128xf32, #tpu.memory_space<hbm>> -> memref<10112x128xf32, #tpu.memory_space<hbm>>
        tpu.wait_indirect_dma semaphore(%arg15 : memref<!tpu.dma_semaphore, #tpu.memory_space<semaphore_mem>>) src(%dma_wait3A_354 : memref<10112x128xf32, #tpu.memory_space<hbm>>) dst(%arg10 : memref<80x128xf32, #tpu.memory_space<vmem>>)
        %dma_start3A_355 = arith.constant 0 : i32
        %dma_start3A_356 = tpu.memref_slice %arg8[%scan3A_290, %dma_start3A_355] : memref<32x80xi32, #tpu.memory_space<vmem>> -> memref<1x80xi32, #tpu.memory_space<vmem>>
        %dma_start3A_357 = tpu.memref_squeeze %dma_start3A_356 : memref<1x80xi32, #tpu.memory_space<vmem>> -> memref<80xi32, #tpu.memory_space<vmem>>
        %dma_start3A_358 = arith.constant 0 : i32
        %dma_start3A_359 = arith.constant 0 : i32
        %dma_start3A_360 = tpu.memref_slice %arg13[%dma_start3A_358, %dma_start3A_359] : memref<10112x128xf32, #tpu.memory_space<vmem_shared>> -> memref<10112x128xf32, #tpu.memory_space<vmem_shared>>
        tpu.enqueue_indirect_dma source(%arg10 : memref<80x128xf32, #tpu.memory_space<vmem>>) target(%dma_start3A_360 : memref<10112x128xf32, #tpu.memory_space<vmem_shared>>) offsets(%dma_start3A_357 : memref<80xi32, #tpu.memory_space<vmem>>) semaphore(%arg19 : memref<!tpu.dma_semaphore, #tpu.memory_space<semaphore_mem>>) {add = true}
      } else {
      }
      %eq3A_334 = arith.constant 2 : i32
      %eq3A_335 = arith.cmpi eq, %rem3A_296, %eq3A_334 : i32
      %convert_element_type3A_336 = arith.extui %eq3A_335 : i1 to i32
      %cond3A_337 = arith.constant 0 : i32
      %cond3A_338 = arith.cmpi ne, %convert_element_type3A_336, %cond3A_337 : i32
      scf.if %cond3A_338 {
        %dma_wait3A_345 = arith.constant 0 : i32
        %dma_wait3A_346 = tpu.memref_slice %arg7[%scan3A_290, %dma_wait3A_345] : memref<32x80xi32, #tpu.memory_space<vmem>> -> memref<1x80xi32, #tpu.memory_space<vmem>>
        %dma_wait3A_347 = tpu.memref_squeeze %dma_wait3A_346 : memref<1x80xi32, #tpu.memory_space<vmem>> -> memref<80xi32, #tpu.memory_space<vmem>>
        %dma_wait3A_348 = arith.constant 0 : i32
        %dma_wait3A_349 = arith.constant 0 : i32
        %dma_wait3A_350 = tpu.memref_slice %arg2[%arg0, %dma_wait3A_348, %dma_wait3A_349] : memref<2x10112x128xf32, #tpu.memory_space<hbm>> -> memref<1x10112x128xf32, #tpu.memory_space<hbm>>
        %dma_wait3A_351 = tpu.memref_squeeze %dma_wait3A_350 : memref<1x10112x128xf32, #tpu.memory_space<hbm>> -> memref<10112x128xf32, #tpu.memory_space<hbm>>
        %dma_wait3A_352 = arith.constant 0 : i32
        %dma_wait3A_353 = arith.constant 0 : i32
        %dma_wait3A_354 = tpu.memref_slice %dma_wait3A_351[%dma_wait3A_352, %dma_wait3A_353] : memref<10112x128xf32, #tpu.memory_space<hbm>> -> memref<10112x128xf32, #tpu.memory_space<hbm>>
        tpu.wait_indirect_dma semaphore(%arg16 : memref<!tpu.dma_semaphore, #tpu.memory_space<semaphore_mem>>) src(%dma_wait3A_354 : memref<10112x128xf32, #tpu.memory_space<hbm>>) dst(%arg11 : memref<80x128xf32, #tpu.memory_space<vmem>>)
        %dma_start3A_355 = arith.constant 0 : i32
        %dma_start3A_356 = tpu.memref_slice %arg8[%scan3A_290, %dma_start3A_355] : memref<32x80xi32, #tpu.memory_space<vmem>> -> memref<1x80xi32, #tpu.memory_space<vmem>>
        %dma_start3A_357 = tpu.memref_squeeze %dma_start3A_356 : memref<1x80xi32, #tpu.memory_space<vmem>> -> memref<80xi32, #tpu.memory_space<vmem>>
        %dma_start3A_358 = arith.constant 0 : i32
        %dma_start3A_359 = arith.constant 0 : i32
        %dma_start3A_360 = tpu.memref_slice %arg13[%dma_start3A_358, %dma_start3A_359] : memref<10112x128xf32, #tpu.memory_space<vmem_shared>> -> memref<10112x128xf32, #tpu.memory_space<vmem_shared>>
        tpu.enqueue_indirect_dma source(%arg11 : memref<80x128xf32, #tpu.memory_space<vmem>>) target(%dma_start3A_360 : memref<10112x128xf32, #tpu.memory_space<vmem_shared>>) offsets(%dma_start3A_357 : memref<80xi32, #tpu.memory_space<vmem>>) semaphore(%arg20 : memref<!tpu.dma_semaphore, #tpu.memory_space<semaphore_mem>>) {add = true}
      } else {
      }
      %eq3A_339 = arith.constant 3 : i32
      %eq3A_340 = arith.cmpi eq, %rem3A_296, %eq3A_339 : i32
      %convert_element_type3A_341 = arith.extui %eq3A_340 : i1 to i32
      %cond3A_342 = arith.constant 0 : i32
      %cond3A_343 = arith.cmpi ne, %convert_element_type3A_341, %cond3A_342 : i32
      scf.if %cond3A_343 {
        %dma_wait3A_345 = arith.constant 0 : i32
        %dma_wait3A_346 = tpu.memref_slice %arg7[%scan3A_290, %dma_wait3A_345] : memref<32x80xi32, #tpu.memory_space<vmem>> -> memref<1x80xi32, #tpu.memory_space<vmem>>
        %dma_wait3A_347 = tpu.memref_squeeze %dma_wait3A_346 : memref<1x80xi32, #tpu.memory_space<vmem>> -> memref<80xi32, #tpu.memory_space<vmem>>
        %dma_wait3A_348 = arith.constant 0 : i32
        %dma_wait3A_349 = arith.constant 0 : i32
        %dma_wait3A_350 = tpu.memref_slice %arg2[%arg0, %dma_wait3A_348, %dma_wait3A_349] : memref<2x10112x128xf32, #tpu.memory_space<hbm>> -> memref<1x10112x128xf32, #tpu.memory_space<hbm>>
        %dma_wait3A_351 = tpu.memref_squeeze %dma_wait3A_350 : memref<1x10112x128xf32, #tpu.memory_space<hbm>> -> memref<10112x128xf32, #tpu.memory_space<hbm>>
        %dma_wait3A_352 = arith.constant 0 : i32
        %dma_wait3A_353 = arith.constant 0 : i32
        %dma_wait3A_354 = tpu.memref_slice %dma_wait3A_351[%dma_wait3A_352, %dma_wait3A_353] : memref<10112x128xf32, #tpu.memory_space<hbm>> -> memref<10112x128xf32, #tpu.memory_space<hbm>>
        tpu.wait_indirect_dma semaphore(%arg17 : memref<!tpu.dma_semaphore, #tpu.memory_space<semaphore_mem>>) src(%dma_wait3A_354 : memref<10112x128xf32, #tpu.memory_space<hbm>>) dst(%arg12 : memref<80x128xf32, #tpu.memory_space<vmem>>)
        %dma_start3A_355 = arith.constant 0 : i32
        %dma_start3A_356 = tpu.memref_slice %arg8[%scan3A_290, %dma_start3A_355] : memref<32x80xi32, #tpu.memory_space<vmem>> -> memref<1x80xi32, #tpu.memory_space<vmem>>
        %dma_start3A_357 = tpu.memref_squeeze %dma_start3A_356 : memref<1x80xi32, #tpu.memory_space<vmem>> -> memref<80xi32, #tpu.memory_space<vmem>>
        %dma_start3A_358 = arith.constant 0 : i32
        %dma_start3A_359 = arith.constant 0 : i32
        %dma_start3A_360 = tpu.memref_slice %arg13[%dma_start3A_358, %dma_start3A_359] : memref<10112x128xf32, #tpu.memory_space<vmem_shared>> -> memref<10112x128xf32, #tpu.memory_space<vmem_shared>>
        tpu.enqueue_indirect_dma source(%arg12 : memref<80x128xf32, #tpu.memory_space<vmem>>) target(%dma_start3A_360 : memref<10112x128xf32, #tpu.memory_space<vmem_shared>>) offsets(%dma_start3A_357 : memref<80xi32, #tpu.memory_space<vmem>>) semaphore(%arg21 : memref<!tpu.dma_semaphore, #tpu.memory_space<semaphore_mem>>) {add = true}
      } else {
      }
      %scan3A_344 = arith.constant 0 : i32
      scf.yield %scan3A_344 : i32
    }
    %scan3A_41 = arith.constant 32 : i32
    %dma_wait3A = arith.constant 0 : i32
    %dma_wait3A_42 = arith.constant 0 : i32
    %dma_wait3A_43 = tpu.memref_slice %arg8[%dma_wait3A, %dma_wait3A_42] : memref<32x80xi32, #tpu.memory_space<vmem>> -> memref<1x80xi32, #tpu.memory_space<vmem>>
    %dma_wait3A_44 = tpu.memref_squeeze %dma_wait3A_43 : memref<1x80xi32, #tpu.memory_space<vmem>> -> memref<80xi32, #tpu.memory_space<vmem>>
    %dma_wait3A_45 = arith.constant 0 : i32
    %dma_wait3A_46 = arith.constant 0 : i32
    %dma_wait3A_47 = tpu.memref_slice %arg13[%dma_wait3A_45, %dma_wait3A_46] : memref<10112x128xf32, #tpu.memory_space<vmem_shared>> -> memref<10112x128xf32, #tpu.memory_space<vmem_shared>>
    tpu.wait_indirect_dma semaphore(%arg18 : memref<!tpu.dma_semaphore, #tpu.memory_space<semaphore_mem>>) src(%arg9 : memref<80x128xf32, #tpu.memory_space<vmem>>) dst(%dma_wait3A_47 : memref<10112x128xf32, #tpu.memory_space<vmem_shared>>)
    %dma_wait3A_48 = arith.constant 0 : i32
    %dma_wait3A_49 = arith.constant 0 : i32
    %dma_wait3A_50 = tpu.memref_slice %arg8[%dma_wait3A_48, %dma_wait3A_49] : memref<32x80xi32, #tpu.memory_space<vmem>> -> memref<1x80xi32, #tpu.memory_space<vmem>>
    %dma_wait3A_51 = tpu.memref_squeeze %dma_wait3A_50 : memref<1x80xi32, #tpu.memory_space<vmem>> -> memref<80xi32, #tpu.memory_space<vmem>>
    %dma_wait3A_52 = arith.constant 0 : i32
    %dma_wait3A_53 = arith.constant 0 : i32
    %dma_wait3A_54 = tpu.memref_slice %arg13[%dma_wait3A_52, %dma_wait3A_53] : memref<10112x128xf32, #tpu.memory_space<vmem_shared>> -> memref<10112x128xf32, #tpu.memory_space<vmem_shared>>
    tpu.wait_indirect_dma semaphore(%arg19 : memref<!tpu.dma_semaphore, #tpu.memory_space<semaphore_mem>>) src(%arg10 : memref<80x128xf32, #tpu.memory_space<vmem>>) dst(%dma_wait3A_54 : memref<10112x128xf32, #tpu.memory_space<vmem_shared>>)
    %dma_wait3A_55 = arith.constant 0 : i32
    %dma_wait3A_56 = arith.constant 0 : i32
    %dma_wait3A_57 = tpu.memref_slice %arg8[%dma_wait3A_55, %dma_wait3A_56] : memref<32x80xi32, #tpu.memory_space<vmem>> -> memref<1x80xi32, #tpu.memory_space<vmem>>
    %dma_wait3A_58 = tpu.memref_squeeze %dma_wait3A_57 : memref<1x80xi32, #tpu.memory_space<vmem>> -> memref<80xi32, #tpu.memory_space<vmem>>
    %dma_wait3A_59 = arith.constant 0 : i32
    %dma_wait3A_60 = arith.constant 0 : i32
    %dma_wait3A_61 = tpu.memref_slice %arg13[%dma_wait3A_59, %dma_wait3A_60] : memref<10112x128xf32, #tpu.memory_space<vmem_shared>> -> memref<10112x128xf32, #tpu.memory_space<vmem_shared>>
    tpu.wait_indirect_dma semaphore(%arg20 : memref<!tpu.dma_semaphore, #tpu.memory_space<semaphore_mem>>) src(%arg11 : memref<80x128xf32, #tpu.memory_space<vmem>>) dst(%dma_wait3A_61 : memref<10112x128xf32, #tpu.memory_space<vmem_shared>>)
    %dma_wait3A_62 = arith.constant 0 : i32
    %dma_wait3A_63 = arith.constant 0 : i32
    %dma_wait3A_64 = tpu.memref_slice %arg8[%dma_wait3A_62, %dma_wait3A_63] : memref<32x80xi32, #tpu.memory_space<vmem>> -> memref<1x80xi32, #tpu.memory_space<vmem>>
    %dma_wait3A_65 = tpu.memref_squeeze %dma_wait3A_64 : memref<1x80xi32, #tpu.memory_space<vmem>> -> memref<80xi32, #tpu.memory_space<vmem>>
    %dma_wait3A_66 = arith.constant 0 : i32
    %dma_wait3A_67 = arith.constant 0 : i32
    %dma_wait3A_68 = tpu.memref_slice %arg13[%dma_wait3A_66, %dma_wait3A_67] : memref<10112x128xf32, #tpu.memory_space<vmem_shared>> -> memref<10112x128xf32, #tpu.memory_space<vmem_shared>>
    tpu.wait_indirect_dma semaphore(%arg21 : memref<!tpu.dma_semaphore, #tpu.memory_space<semaphore_mem>>) src(%arg12 : memref<80x128xf32, #tpu.memory_space<vmem>>) dst(%dma_wait3A_68 : memref<10112x128xf32, #tpu.memory_space<vmem_shared>>)
    %mul3A_69 = arith.constant 128 : i32
    %mul3A_70 = arith.muli %arg1, %mul3A_69 : i32
    %add3A_71 = arith.constant 32 : i32
    %add3A_72 = arith.addi %mul3A_70, %add3A_71 : i32
    "tpu.region"() ({
      %run_scoped3A = tpu.sem_alloc : memref<!tpu.dma_semaphore, #tpu.memory_space<semaphore_mem>>
      %dma_start3A_290 = arith.constant 0 : i32
      %dma_start3A_291 = tpu.memref_slice %arg3[%add3A_72, %dma_start3A_290] : memref<2048x80xi32, #tpu.memory_space<hbm>> -> memref<32x80xi32, #tpu.memory_space<hbm>>
      %dma_start3A_292 = arith.constant 0 : i32
      %dma_start3A_293 = tpu.memref_slice %arg3[%add3A_72, %dma_start3A_292] : memref<2048x80xi32, #tpu.memory_space<hbm>> -> memref<32x80xi32, #tpu.memory_space<hbm>>
      tpu.enqueue_dma source(%dma_start3A_293 : memref<32x80xi32, #tpu.memory_space<hbm>>) target(%arg7 : memref<32x80xi32, #tpu.memory_space<vmem>>) target_semaphore(%run_scoped3A : memref<!tpu.dma_semaphore, #tpu.memory_space<semaphore_mem>>)
      %dma_wait3A_294 = arith.constant 0 : i32
      %dma_wait3A_295 = tpu.memref_slice %arg3[%add3A_72, %dma_wait3A_294] : memref<2048x80xi32, #tpu.memory_space<hbm>> -> memref<32x80xi32, #tpu.memory_space<hbm>>
      %dma_wait3A_296 = arith.constant 0 : i32
      %dma_wait3A_297 = tpu.memref_slice %arg3[%add3A_72, %dma_wait3A_296] : memref<2048x80xi32, #tpu.memory_space<hbm>> -> memref<32x80xi32, #tpu.memory_space<hbm>>
      tpu.wait_dma2 semaphore(%run_scoped3A : memref<!tpu.dma_semaphore, #tpu.memory_space<semaphore_mem>>) src(%dma_wait3A_297 : memref<32x80xi32, #tpu.memory_space<hbm>>) dst(%arg7 : memref<32x80xi32, #tpu.memory_space<vmem>>)
      tpu.yield
    }) : () -> ()
    "tpu.region"() ({
      %run_scoped3A = tpu.sem_alloc : memref<!tpu.dma_semaphore, #tpu.memory_space<semaphore_mem>>
      %dma_start3A_290 = arith.constant 0 : i32
      %dma_start3A_291 = tpu.memref_slice %arg4[%add3A_72, %dma_start3A_290] : memref<2048x80xi32, #tpu.memory_space<hbm>> -> memref<32x80xi32, #tpu.memory_space<hbm>>
      %dma_start3A_292 = arith.constant 0 : i32
      %dma_start3A_293 = tpu.memref_slice %arg4[%add3A_72, %dma_start3A_292] : memref<2048x80xi32, #tpu.memory_space<hbm>> -> memref<32x80xi32, #tpu.memory_space<hbm>>
      tpu.enqueue_dma source(%dma_start3A_293 : memref<32x80xi32, #tpu.memory_space<hbm>>) target(%arg8 : memref<32x80xi32, #tpu.memory_space<vmem>>) target_semaphore(%run_scoped3A : memref<!tpu.dma_semaphore, #tpu.memory_space<semaphore_mem>>)
      %dma_wait3A_294 = arith.constant 0 : i32
      %dma_wait3A_295 = tpu.memref_slice %arg4[%add3A_72, %dma_wait3A_294] : memref<2048x80xi32, #tpu.memory_space<hbm>> -> memref<32x80xi32, #tpu.memory_space<hbm>>
      %dma_wait3A_296 = arith.constant 0 : i32
      %dma_wait3A_297 = tpu.memref_slice %arg4[%add3A_72, %dma_wait3A_296] : memref<2048x80xi32, #tpu.memory_space<hbm>> -> memref<32x80xi32, #tpu.memory_space<hbm>>
      tpu.wait_dma2 semaphore(%run_scoped3A : memref<!tpu.dma_semaphore, #tpu.memory_space<semaphore_mem>>) src(%dma_wait3A_297 : memref<32x80xi32, #tpu.memory_space<hbm>>) dst(%arg8 : memref<32x80xi32, #tpu.memory_space<vmem>>)
      tpu.yield
    }) : () -> ()
    %dma_start3A_73 = arith.constant 0 : i32
    %dma_start3A_74 = arith.constant 0 : i32
    %dma_start3A_75 = tpu.memref_slice %arg7[%dma_start3A_73, %dma_start3A_74] : memref<32x80xi32, #tpu.memory_space<vmem>> -> memref<1x80xi32, #tpu.memory_space<vmem>>
    %dma_start3A_76 = tpu.memref_squeeze %dma_start3A_75 : memref<1x80xi32, #tpu.memory_space<vmem>> -> memref<80xi32, #tpu.memory_space<vmem>>
    %dma_start3A_77 = arith.constant 0 : i32
    %dma_start3A_78 = arith.constant 0 : i32
    %dma_start3A_79 = tpu.memref_slice %arg2[%arg0, %dma_start3A_77, %dma_start3A_78] : memref<2x10112x128xf32, #tpu.memory_space<hbm>> -> memref<1x10112x128xf32, #tpu.memory_space<hbm>>
    %dma_start3A_80 = tpu.memref_squeeze %dma_start3A_79 : memref<1x10112x128xf32, #tpu.memory_space<hbm>> -> memref<10112x128xf32, #tpu.memory_space<hbm>>
    %dma_start3A_81 = arith.constant 0 : i32
    %dma_start3A_82 = arith.constant 0 : i32
    %dma_start3A_83 = tpu.memref_slice %dma_start3A_80[%dma_start3A_81, %dma_start3A_82] : memref<10112x128xf32, #tpu.memory_space<hbm>> -> memref<10112x128xf32, #tpu.memory_space<hbm>>
    tpu.enqueue_indirect_dma source(%dma_start3A_83 : memref<10112x128xf32, #tpu.memory_space<hbm>>) target(%arg9 : memref<80x128xf32, #tpu.memory_space<vmem>>) offsets(%dma_start3A_76 : memref<80xi32, #tpu.memory_space<vmem>>) semaphore(%arg14 : memref<!tpu.dma_semaphore, #tpu.memory_space<semaphore_mem>>)
    %dma_start3A_84 = arith.constant 1 : i32
    %dma_start3A_85 = arith.constant 0 : i32
    %dma_start3A_86 = tpu.memref_slice %arg7[%dma_start3A_84, %dma_start3A_85] : memref<32x80xi32, #tpu.memory_space<vmem>> -> memref<1x80xi32, #tpu.memory_space<vmem>>
    %dma_start3A_87 = tpu.memref_squeeze %dma_start3A_86 : memref<1x80xi32, #tpu.memory_space<vmem>> -> memref<80xi32, #tpu.memory_space<vmem>>
    %dma_start3A_88 = arith.constant 0 : i32
    %dma_start3A_89 = arith.constant 0 : i32
    %dma_start3A_90 = tpu.memref_slice %arg2[%arg0, %dma_start3A_88, %dma_start3A_89] : memref<2x10112x128xf32, #tpu.memory_space<hbm>> -> memref<1x10112x128xf32, #tpu.memory_space<hbm>>
    %dma_start3A_91 = tpu.memref_squeeze %dma_start3A_90 : memref<1x10112x128xf32, #tpu.memory_space<hbm>> -> memref<10112x128xf32, #tpu.memory_space<hbm>>
    %dma_start3A_92 = arith.constant 0 : i32
    %dma_start3A_93 = arith.constant 0 : i32
    %dma_start3A_94 = tpu.memref_slice %dma_start3A_91[%dma_start3A_92, %dma_start3A_93] : memref<10112x128xf32, #tpu.memory_space<hbm>> -> memref<10112x128xf32, #tpu.memory_space<hbm>>
    tpu.enqueue_indirect_dma source(%dma_start3A_94 : memref<10112x128xf32, #tpu.memory_space<hbm>>) target(%arg10 : memref<80x128xf32, #tpu.memory_space<vmem>>) offsets(%dma_start3A_87 : memref<80xi32, #tpu.memory_space<vmem>>) semaphore(%arg15 : memref<!tpu.dma_semaphore, #tpu.memory_space<semaphore_mem>>)
    %dma_start3A_95 = arith.constant 2 : i32
    %dma_start3A_96 = arith.constant 0 : i32
    %dma_start3A_97 = tpu.memref_slice %arg7[%dma_start3A_95, %dma_start3A_96] : memref<32x80xi32, #tpu.memory_space<vmem>> -> memref<1x80xi32, #tpu.memory_space<vmem>>
    %dma_start3A_98 = tpu.memref_squeeze %dma_start3A_97 : memref<1x80xi32, #tpu.memory_space<vmem>> -> memref<80xi32, #tpu.memory_space<vmem>>
    %dma_start3A_99 = arith.constant 0 : i32
    %dma_start3A_100 = arith.constant 0 : i32
    %dma_start3A_101 = tpu.memref_slice %arg2[%arg0, %dma_start3A_99, %dma_start3A_100] : memref<2x10112x128xf32, #tpu.memory_space<hbm>> -> memref<1x10112x128xf32, #tpu.memory_space<hbm>>
    %dma_start3A_102 = tpu.memref_squeeze %dma_start3A_101 : memref<1x10112x128xf32, #tpu.memory_space<hbm>> -> memref<10112x128xf32, #tpu.memory_space<hbm>>
    %dma_start3A_103 = arith.constant 0 : i32
    %dma_start3A_104 = arith.constant 0 : i32
    %dma_start3A_105 = tpu.memref_slice %dma_start3A_102[%dma_start3A_103, %dma_start3A_104] : memref<10112x128xf32, #tpu.memory_space<hbm>> -> memref<10112x128xf32, #tpu.memory_space<hbm>>
    tpu.enqueue_indirect_dma source(%dma_start3A_105 : memref<10112x128xf32, #tpu.memory_space<hbm>>) target(%arg11 : memref<80x128xf32, #tpu.memory_space<vmem>>) offsets(%dma_start3A_98 : memref<80xi32, #tpu.memory_space<vmem>>) semaphore(%arg16 : memref<!tpu.dma_semaphore, #tpu.memory_space<semaphore_mem>>)
    %scan3A_106 = arith.constant 0 : i32
    %scan3A_107 = arith.constant 0 : i32
    %scan3A_108 = arith.constant 32 : i32
    %scan3A_109 = arith.addi %scan3A_107, %scan3A_108 : i32
    %scan3A_110 = arith.constant 1 : i32
    %scan3A_111 = scf.for %scan3A_290 = %scan3A_107 to %scan3A_109 step %scan3A_110 iter_args(%scan3A_291 = %scan3A_106) -> (i32)  : i32 {
      %add3A_292 = arith.constant 3 : i32
      %add3A_293 = arith.addi %scan3A_290, %add3A_292 : i32
      %rem3A = arith.constant 4 : i32
      %rem3A_294 = arith.remsi %add3A_293, %rem3A : i32
      %rem3A_295 = arith.constant 4 : i32
      %rem3A_296 = arith.remsi %scan3A_290, %rem3A_295 : i32
      %eq3A = arith.constant 0 : i32
      %eq3A_297 = arith.cmpi eq, %rem3A_294, %eq3A : i32
      %lt3A = arith.constant 29 : i32
      %lt3A_298 = arith.cmpi slt, %scan3A_290, %lt3A : i32
      %and3A = arith.andi %eq3A_297, %lt3A_298 : i1
      %convert_element_type3A = arith.extui %and3A : i1 to i32
      %cond3A = arith.constant 0 : i32
      %cond3A_299 = arith.cmpi ne, %convert_element_type3A, %cond3A : i32
      scf.if %cond3A_299 {
        %ge3A = arith.constant 1 : i32
        %ge3A_345 = arith.cmpi sge, %scan3A_290, %ge3A : i32
        %convert_element_type3A_346 = arith.extui %ge3A_345 : i1 to i32
        %cond3A_347 = arith.constant 0 : i32
        %cond3A_348 = arith.cmpi ne, %convert_element_type3A_346, %cond3A_347 : i32
        scf.if %cond3A_348 {
          %dma_wait3A_361 = arith.constant 0 : i32
          %dma_wait3A_362 = arith.constant 0 : i32
          %dma_wait3A_363 = tpu.memref_slice %arg8[%dma_wait3A_361, %dma_wait3A_362] : memref<32x80xi32, #tpu.memory_space<vmem>> -> memref<1x80xi32, #tpu.memory_space<vmem>>
          %dma_wait3A_364 = tpu.memref_squeeze %dma_wait3A_363 : memref<1x80xi32, #tpu.memory_space<vmem>> -> memref<80xi32, #tpu.memory_space<vmem>>
          %dma_wait3A_365 = arith.constant 0 : i32
          %dma_wait3A_366 = arith.constant 0 : i32
          %dma_wait3A_367 = tpu.memref_slice %arg13[%dma_wait3A_365, %dma_wait3A_366] : memref<10112x128xf32, #tpu.memory_space<vmem_shared>> -> memref<10112x128xf32, #tpu.memory_space<vmem_shared>>
          tpu.wait_indirect_dma semaphore(%arg18 : memref<!tpu.dma_semaphore, #tpu.memory_space<semaphore_mem>>) src(%arg9 : memref<80x128xf32, #tpu.memory_space<vmem>>) dst(%dma_wait3A_367 : memref<10112x128xf32, #tpu.memory_space<vmem_shared>>)
        } else {
        }
        %add3A_349 = arith.constant 3 : i32
        %add3A_350 = arith.addi %scan3A_290, %add3A_349 : i32
        %dma_start3A_351 = arith.constant 0 : i32
        %dma_start3A_352 = tpu.memref_slice %arg7[%add3A_350, %dma_start3A_351] : memref<32x80xi32, #tpu.memory_space<vmem>> -> memref<1x80xi32, #tpu.memory_space<vmem>>
        %dma_start3A_353 = tpu.memref_squeeze %dma_start3A_352 : memref<1x80xi32, #tpu.memory_space<vmem>> -> memref<80xi32, #tpu.memory_space<vmem>>
        %dma_start3A_354 = arith.constant 0 : i32
        %dma_start3A_355 = arith.constant 0 : i32
        %dma_start3A_356 = tpu.memref_slice %arg2[%arg0, %dma_start3A_354, %dma_start3A_355] : memref<2x10112x128xf32, #tpu.memory_space<hbm>> -> memref<1x10112x128xf32, #tpu.memory_space<hbm>>
        %dma_start3A_357 = tpu.memref_squeeze %dma_start3A_356 : memref<1x10112x128xf32, #tpu.memory_space<hbm>> -> memref<10112x128xf32, #tpu.memory_space<hbm>>
        %dma_start3A_358 = arith.constant 0 : i32
        %dma_start3A_359 = arith.constant 0 : i32
        %dma_start3A_360 = tpu.memref_slice %dma_start3A_357[%dma_start3A_358, %dma_start3A_359] : memref<10112x128xf32, #tpu.memory_space<hbm>> -> memref<10112x128xf32, #tpu.memory_space<hbm>>
        tpu.enqueue_indirect_dma source(%dma_start3A_360 : memref<10112x128xf32, #tpu.memory_space<hbm>>) target(%arg9 : memref<80x128xf32, #tpu.memory_space<vmem>>) offsets(%dma_start3A_353 : memref<80xi32, #tpu.memory_space<vmem>>) semaphore(%arg14 : memref<!tpu.dma_semaphore, #tpu.memory_space<semaphore_mem>>)
      } else {
      }
      %eq3A_300 = arith.constant 1 : i32
      %eq3A_301 = arith.cmpi eq, %rem3A_294, %eq3A_300 : i32
      %lt3A_302 = arith.constant 29 : i32
      %lt3A_303 = arith.cmpi slt, %scan3A_290, %lt3A_302 : i32
      %and3A_304 = arith.andi %eq3A_301, %lt3A_303 : i1
      %convert_element_type3A_305 = arith.extui %and3A_304 : i1 to i32
      %cond3A_306 = arith.constant 0 : i32
      %cond3A_307 = arith.cmpi ne, %convert_element_type3A_305, %cond3A_306 : i32
      scf.if %cond3A_307 {
        %ge3A = arith.constant 1 : i32
        %ge3A_345 = arith.cmpi sge, %scan3A_290, %ge3A : i32
        %convert_element_type3A_346 = arith.extui %ge3A_345 : i1 to i32
        %cond3A_347 = arith.constant 0 : i32
        %cond3A_348 = arith.cmpi ne, %convert_element_type3A_346, %cond3A_347 : i32
        scf.if %cond3A_348 {
          %dma_wait3A_361 = arith.constant 0 : i32
          %dma_wait3A_362 = arith.constant 0 : i32
          %dma_wait3A_363 = tpu.memref_slice %arg8[%dma_wait3A_361, %dma_wait3A_362] : memref<32x80xi32, #tpu.memory_space<vmem>> -> memref<1x80xi32, #tpu.memory_space<vmem>>
          %dma_wait3A_364 = tpu.memref_squeeze %dma_wait3A_363 : memref<1x80xi32, #tpu.memory_space<vmem>> -> memref<80xi32, #tpu.memory_space<vmem>>
          %dma_wait3A_365 = arith.constant 0 : i32
          %dma_wait3A_366 = arith.constant 0 : i32
          %dma_wait3A_367 = tpu.memref_slice %arg13[%dma_wait3A_365, %dma_wait3A_366] : memref<10112x128xf32, #tpu.memory_space<vmem_shared>> -> memref<10112x128xf32, #tpu.memory_space<vmem_shared>>
          tpu.wait_indirect_dma semaphore(%arg19 : memref<!tpu.dma_semaphore, #tpu.memory_space<semaphore_mem>>) src(%arg10 : memref<80x128xf32, #tpu.memory_space<vmem>>) dst(%dma_wait3A_367 : memref<10112x128xf32, #tpu.memory_space<vmem_shared>>)
        } else {
        }
        %add3A_349 = arith.constant 3 : i32
        %add3A_350 = arith.addi %scan3A_290, %add3A_349 : i32
        %dma_start3A_351 = arith.constant 0 : i32
        %dma_start3A_352 = tpu.memref_slice %arg7[%add3A_350, %dma_start3A_351] : memref<32x80xi32, #tpu.memory_space<vmem>> -> memref<1x80xi32, #tpu.memory_space<vmem>>
        %dma_start3A_353 = tpu.memref_squeeze %dma_start3A_352 : memref<1x80xi32, #tpu.memory_space<vmem>> -> memref<80xi32, #tpu.memory_space<vmem>>
        %dma_start3A_354 = arith.constant 0 : i32
        %dma_start3A_355 = arith.constant 0 : i32
        %dma_start3A_356 = tpu.memref_slice %arg2[%arg0, %dma_start3A_354, %dma_start3A_355] : memref<2x10112x128xf32, #tpu.memory_space<hbm>> -> memref<1x10112x128xf32, #tpu.memory_space<hbm>>
        %dma_start3A_357 = tpu.memref_squeeze %dma_start3A_356 : memref<1x10112x128xf32, #tpu.memory_space<hbm>> -> memref<10112x128xf32, #tpu.memory_space<hbm>>
        %dma_start3A_358 = arith.constant 0 : i32
        %dma_start3A_359 = arith.constant 0 : i32
        %dma_start3A_360 = tpu.memref_slice %dma_start3A_357[%dma_start3A_358, %dma_start3A_359] : memref<10112x128xf32, #tpu.memory_space<hbm>> -> memref<10112x128xf32, #tpu.memory_space<hbm>>
        tpu.enqueue_indirect_dma source(%dma_start3A_360 : memref<10112x128xf32, #tpu.memory_space<hbm>>) target(%arg10 : memref<80x128xf32, #tpu.memory_space<vmem>>) offsets(%dma_start3A_353 : memref<80xi32, #tpu.memory_space<vmem>>) semaphore(%arg15 : memref<!tpu.dma_semaphore, #tpu.memory_space<semaphore_mem>>)
      } else {
      }
      %eq3A_308 = arith.constant 2 : i32
      %eq3A_309 = arith.cmpi eq, %rem3A_294, %eq3A_308 : i32
      %lt3A_310 = arith.constant 29 : i32
      %lt3A_311 = arith.cmpi slt, %scan3A_290, %lt3A_310 : i32
      %and3A_312 = arith.andi %eq3A_309, %lt3A_311 : i1
      %convert_element_type3A_313 = arith.extui %and3A_312 : i1 to i32
      %cond3A_314 = arith.constant 0 : i32
      %cond3A_315 = arith.cmpi ne, %convert_element_type3A_313, %cond3A_314 : i32
      scf.if %cond3A_315 {
        %ge3A = arith.constant 1 : i32
        %ge3A_345 = arith.cmpi sge, %scan3A_290, %ge3A : i32
        %convert_element_type3A_346 = arith.extui %ge3A_345 : i1 to i32
        %cond3A_347 = arith.constant 0 : i32
        %cond3A_348 = arith.cmpi ne, %convert_element_type3A_346, %cond3A_347 : i32
        scf.if %cond3A_348 {
          %dma_wait3A_361 = arith.constant 0 : i32
          %dma_wait3A_362 = arith.constant 0 : i32
          %dma_wait3A_363 = tpu.memref_slice %arg8[%dma_wait3A_361, %dma_wait3A_362] : memref<32x80xi32, #tpu.memory_space<vmem>> -> memref<1x80xi32, #tpu.memory_space<vmem>>
          %dma_wait3A_364 = tpu.memref_squeeze %dma_wait3A_363 : memref<1x80xi32, #tpu.memory_space<vmem>> -> memref<80xi32, #tpu.memory_space<vmem>>
          %dma_wait3A_365 = arith.constant 0 : i32
          %dma_wait3A_366 = arith.constant 0 : i32
          %dma_wait3A_367 = tpu.memref_slice %arg13[%dma_wait3A_365, %dma_wait3A_366] : memref<10112x128xf32, #tpu.memory_space<vmem_shared>> -> memref<10112x128xf32, #tpu.memory_space<vmem_shared>>
          tpu.wait_indirect_dma semaphore(%arg20 : memref<!tpu.dma_semaphore, #tpu.memory_space<semaphore_mem>>) src(%arg11 : memref<80x128xf32, #tpu.memory_space<vmem>>) dst(%dma_wait3A_367 : memref<10112x128xf32, #tpu.memory_space<vmem_shared>>)
        } else {
        }
        %add3A_349 = arith.constant 3 : i32
        %add3A_350 = arith.addi %scan3A_290, %add3A_349 : i32
        %dma_start3A_351 = arith.constant 0 : i32
        %dma_start3A_352 = tpu.memref_slice %arg7[%add3A_350, %dma_start3A_351] : memref<32x80xi32, #tpu.memory_space<vmem>> -> memref<1x80xi32, #tpu.memory_space<vmem>>
        %dma_start3A_353 = tpu.memref_squeeze %dma_start3A_352 : memref<1x80xi32, #tpu.memory_space<vmem>> -> memref<80xi32, #tpu.memory_space<vmem>>
        %dma_start3A_354 = arith.constant 0 : i32
        %dma_start3A_355 = arith.constant 0 : i32
        %dma_start3A_356 = tpu.memref_slice %arg2[%arg0, %dma_start3A_354, %dma_start3A_355] : memref<2x10112x128xf32, #tpu.memory_space<hbm>> -> memref<1x10112x128xf32, #tpu.memory_space<hbm>>
        %dma_start3A_357 = tpu.memref_squeeze %dma_start3A_356 : memref<1x10112x128xf32, #tpu.memory_space<hbm>> -> memref<10112x128xf32, #tpu.memory_space<hbm>>
        %dma_start3A_358 = arith.constant 0 : i32
        %dma_start3A_359 = arith.constant 0 : i32
        %dma_start3A_360 = tpu.memref_slice %dma_start3A_357[%dma_start3A_358, %dma_start3A_359] : memref<10112x128xf32, #tpu.memory_space<hbm>> -> memref<10112x128xf32, #tpu.memory_space<hbm>>
        tpu.enqueue_indirect_dma source(%dma_start3A_360 : memref<10112x128xf32, #tpu.memory_space<hbm>>) target(%arg11 : memref<80x128xf32, #tpu.memory_space<vmem>>) offsets(%dma_start3A_353 : memref<80xi32, #tpu.memory_space<vmem>>) semaphore(%arg16 : memref<!tpu.dma_semaphore, #tpu.memory_space<semaphore_mem>>)
      } else {
      }
      %eq3A_316 = arith.constant 3 : i32
      %eq3A_317 = arith.cmpi eq, %rem3A_294, %eq3A_316 : i32
      %lt3A_318 = arith.constant 29 : i32
      %lt3A_319 = arith.cmpi slt, %scan3A_290, %lt3A_318 : i32
      %and3A_320 = arith.andi %eq3A_317, %lt3A_319 : i1
      %convert_element_type3A_321 = arith.extui %and3A_320 : i1 to i32
      %cond3A_322 = arith.constant 0 : i32
      %cond3A_323 = arith.cmpi ne, %convert_element_type3A_321, %cond3A_322 : i32
      scf.if %cond3A_323 {
        %ge3A = arith.constant 1 : i32
        %ge3A_345 = arith.cmpi sge, %scan3A_290, %ge3A : i32
        %convert_element_type3A_346 = arith.extui %ge3A_345 : i1 to i32
        %cond3A_347 = arith.constant 0 : i32
        %cond3A_348 = arith.cmpi ne, %convert_element_type3A_346, %cond3A_347 : i32
        scf.if %cond3A_348 {
          %dma_wait3A_361 = arith.constant 0 : i32
          %dma_wait3A_362 = arith.constant 0 : i32
          %dma_wait3A_363 = tpu.memref_slice %arg8[%dma_wait3A_361, %dma_wait3A_362] : memref<32x80xi32, #tpu.memory_space<vmem>> -> memref<1x80xi32, #tpu.memory_space<vmem>>
          %dma_wait3A_364 = tpu.memref_squeeze %dma_wait3A_363 : memref<1x80xi32, #tpu.memory_space<vmem>> -> memref<80xi32, #tpu.memory_space<vmem>>
          %dma_wait3A_365 = arith.constant 0 : i32
          %dma_wait3A_366 = arith.constant 0 : i32
          %dma_wait3A_367 = tpu.memref_slice %arg13[%dma_wait3A_365, %dma_wait3A_366] : memref<10112x128xf32, #tpu.memory_space<vmem_shared>> -> memref<10112x128xf32, #tpu.memory_space<vmem_shared>>
          tpu.wait_indirect_dma semaphore(%arg21 : memref<!tpu.dma_semaphore, #tpu.memory_space<semaphore_mem>>) src(%arg12 : memref<80x128xf32, #tpu.memory_space<vmem>>) dst(%dma_wait3A_367 : memref<10112x128xf32, #tpu.memory_space<vmem_shared>>)
        } else {
        }
        %add3A_349 = arith.constant 3 : i32
        %add3A_350 = arith.addi %scan3A_290, %add3A_349 : i32
        %dma_start3A_351 = arith.constant 0 : i32
        %dma_start3A_352 = tpu.memref_slice %arg7[%add3A_350, %dma_start3A_351] : memref<32x80xi32, #tpu.memory_space<vmem>> -> memref<1x80xi32, #tpu.memory_space<vmem>>
        %dma_start3A_353 = tpu.memref_squeeze %dma_start3A_352 : memref<1x80xi32, #tpu.memory_space<vmem>> -> memref<80xi32, #tpu.memory_space<vmem>>
        %dma_start3A_354 = arith.constant 0 : i32
        %dma_start3A_355 = arith.constant 0 : i32
        %dma_start3A_356 = tpu.memref_slice %arg2[%arg0, %dma_start3A_354, %dma_start3A_355] : memref<2x10112x128xf32, #tpu.memory_space<hbm>> -> memref<1x10112x128xf32, #tpu.memory_space<hbm>>
        %dma_start3A_357 = tpu.memref_squeeze %dma_start3A_356 : memref<1x10112x128xf32, #tpu.memory_space<hbm>> -> memref<10112x128xf32, #tpu.memory_space<hbm>>
        %dma_start3A_358 = arith.constant 0 : i32
        %dma_start3A_359 = arith.constant 0 : i32
        %dma_start3A_360 = tpu.memref_slice %dma_start3A_357[%dma_start3A_358, %dma_start3A_359] : memref<10112x128xf32, #tpu.memory_space<hbm>> -> memref<10112x128xf32, #tpu.memory_space<hbm>>
        tpu.enqueue_indirect_dma source(%dma_start3A_360 : memref<10112x128xf32, #tpu.memory_space<hbm>>) target(%arg12 : memref<80x128xf32, #tpu.memory_space<vmem>>) offsets(%dma_start3A_353 : memref<80xi32, #tpu.memory_space<vmem>>) semaphore(%arg17 : memref<!tpu.dma_semaphore, #tpu.memory_space<semaphore_mem>>)
      } else {
      }
      %eq3A_324 = arith.constant 0 : i32
      %eq3A_325 = arith.cmpi eq, %rem3A_296, %eq3A_324 : i32
      %convert_element_type3A_326 = arith.extui %eq3A_325 : i1 to i32
      %cond3A_327 = arith.constant 0 : i32
      %cond3A_328 = arith.cmpi ne, %convert_element_type3A_326, %cond3A_327 : i32
      scf.if %cond3A_328 {
        %dma_wait3A_345 = arith.constant 0 : i32
        %dma_wait3A_346 = tpu.memref_slice %arg7[%scan3A_290, %dma_wait3A_345] : memref<32x80xi32, #tpu.memory_space<vmem>> -> memref<1x80xi32, #tpu.memory_space<vmem>>
        %dma_wait3A_347 = tpu.memref_squeeze %dma_wait3A_346 : memref<1x80xi32, #tpu.memory_space<vmem>> -> memref<80xi32, #tpu.memory_space<vmem>>
        %dma_wait3A_348 = arith.constant 0 : i32
        %dma_wait3A_349 = arith.constant 0 : i32
        %dma_wait3A_350 = tpu.memref_slice %arg2[%arg0, %dma_wait3A_348, %dma_wait3A_349] : memref<2x10112x128xf32, #tpu.memory_space<hbm>> -> memref<1x10112x128xf32, #tpu.memory_space<hbm>>
        %dma_wait3A_351 = tpu.memref_squeeze %dma_wait3A_350 : memref<1x10112x128xf32, #tpu.memory_space<hbm>> -> memref<10112x128xf32, #tpu.memory_space<hbm>>
        %dma_wait3A_352 = arith.constant 0 : i32
        %dma_wait3A_353 = arith.constant 0 : i32
        %dma_wait3A_354 = tpu.memref_slice %dma_wait3A_351[%dma_wait3A_352, %dma_wait3A_353] : memref<10112x128xf32, #tpu.memory_space<hbm>> -> memref<10112x128xf32, #tpu.memory_space<hbm>>
        tpu.wait_indirect_dma semaphore(%arg14 : memref<!tpu.dma_semaphore, #tpu.memory_space<semaphore_mem>>) src(%dma_wait3A_354 : memref<10112x128xf32, #tpu.memory_space<hbm>>) dst(%arg9 : memref<80x128xf32, #tpu.memory_space<vmem>>)
        %dma_start3A_355 = arith.constant 0 : i32
        %dma_start3A_356 = tpu.memref_slice %arg8[%scan3A_290, %dma_start3A_355] : memref<32x80xi32, #tpu.memory_space<vmem>> -> memref<1x80xi32, #tpu.memory_space<vmem>>
        %dma_start3A_357 = tpu.memref_squeeze %dma_start3A_356 : memref<1x80xi32, #tpu.memory_space<vmem>> -> memref<80xi32, #tpu.memory_space<vmem>>
        %dma_start3A_358 = arith.constant 0 : i32
        %dma_start3A_359 = arith.constant 0 : i32
        %dma_start3A_360 = tpu.memref_slice %arg13[%dma_start3A_358, %dma_start3A_359] : memref<10112x128xf32, #tpu.memory_space<vmem_shared>> -> memref<10112x128xf32, #tpu.memory_space<vmem_shared>>
        tpu.enqueue_indirect_dma source(%arg9 : memref<80x128xf32, #tpu.memory_space<vmem>>) target(%dma_start3A_360 : memref<10112x128xf32, #tpu.memory_space<vmem_shared>>) offsets(%dma_start3A_357 : memref<80xi32, #tpu.memory_space<vmem>>) semaphore(%arg18 : memref<!tpu.dma_semaphore, #tpu.memory_space<semaphore_mem>>) {add = true}
      } else {
      }
      %eq3A_329 = arith.constant 1 : i32
      %eq3A_330 = arith.cmpi eq, %rem3A_296, %eq3A_329 : i32
      %convert_element_type3A_331 = arith.extui %eq3A_330 : i1 to i32
      %cond3A_332 = arith.constant 0 : i32
      %cond3A_333 = arith.cmpi ne, %convert_element_type3A_331, %cond3A_332 : i32
      scf.if %cond3A_333 {
        %dma_wait3A_345 = arith.constant 0 : i32
        %dma_wait3A_346 = tpu.memref_slice %arg7[%scan3A_290, %dma_wait3A_345] : memref<32x80xi32, #tpu.memory_space<vmem>> -> memref<1x80xi32, #tpu.memory_space<vmem>>
        %dma_wait3A_347 = tpu.memref_squeeze %dma_wait3A_346 : memref<1x80xi32, #tpu.memory_space<vmem>> -> memref<80xi32, #tpu.memory_space<vmem>>
        %dma_wait3A_348 = arith.constant 0 : i32
        %dma_wait3A_349 = arith.constant 0 : i32
        %dma_wait3A_350 = tpu.memref_slice %arg2[%arg0, %dma_wait3A_348, %dma_wait3A_349] : memref<2x10112x128xf32, #tpu.memory_space<hbm>> -> memref<1x10112x128xf32, #tpu.memory_space<hbm>>
        %dma_wait3A_351 = tpu.memref_squeeze %dma_wait3A_350 : memref<1x10112x128xf32, #tpu.memory_space<hbm>> -> memref<10112x128xf32, #tpu.memory_space<hbm>>
        %dma_wait3A_352 = arith.constant 0 : i32
        %dma_wait3A_353 = arith.constant 0 : i32
        %dma_wait3A_354 = tpu.memref_slice %dma_wait3A_351[%dma_wait3A_352, %dma_wait3A_353] : memref<10112x128xf32, #tpu.memory_space<hbm>> -> memref<10112x128xf32, #tpu.memory_space<hbm>>
        tpu.wait_indirect_dma semaphore(%arg15 : memref<!tpu.dma_semaphore, #tpu.memory_space<semaphore_mem>>) src(%dma_wait3A_354 : memref<10112x128xf32, #tpu.memory_space<hbm>>) dst(%arg10 : memref<80x128xf32, #tpu.memory_space<vmem>>)
        %dma_start3A_355 = arith.constant 0 : i32
        %dma_start3A_356 = tpu.memref_slice %arg8[%scan3A_290, %dma_start3A_355] : memref<32x80xi32, #tpu.memory_space<vmem>> -> memref<1x80xi32, #tpu.memory_space<vmem>>
        %dma_start3A_357 = tpu.memref_squeeze %dma_start3A_356 : memref<1x80xi32, #tpu.memory_space<vmem>> -> memref<80xi32, #tpu.memory_space<vmem>>
        %dma_start3A_358 = arith.constant 0 : i32
        %dma_start3A_359 = arith.constant 0 : i32
        %dma_start3A_360 = tpu.memref_slice %arg13[%dma_start3A_358, %dma_start3A_359] : memref<10112x128xf32, #tpu.memory_space<vmem_shared>> -> memref<10112x128xf32, #tpu.memory_space<vmem_shared>>
        tpu.enqueue_indirect_dma source(%arg10 : memref<80x128xf32, #tpu.memory_space<vmem>>) target(%dma_start3A_360 : memref<10112x128xf32, #tpu.memory_space<vmem_shared>>) offsets(%dma_start3A_357 : memref<80xi32, #tpu.memory_space<vmem>>) semaphore(%arg19 : memref<!tpu.dma_semaphore, #tpu.memory_space<semaphore_mem>>) {add = true}
      } else {
      }
      %eq3A_334 = arith.constant 2 : i32
      %eq3A_335 = arith.cmpi eq, %rem3A_296, %eq3A_334 : i32
      %convert_element_type3A_336 = arith.extui %eq3A_335 : i1 to i32
      %cond3A_337 = arith.constant 0 : i32
      %cond3A_338 = arith.cmpi ne, %convert_element_type3A_336, %cond3A_337 : i32
      scf.if %cond3A_338 {
        %dma_wait3A_345 = arith.constant 0 : i32
        %dma_wait3A_346 = tpu.memref_slice %arg7[%scan3A_290, %dma_wait3A_345] : memref<32x80xi32, #tpu.memory_space<vmem>> -> memref<1x80xi32, #tpu.memory_space<vmem>>
        %dma_wait3A_347 = tpu.memref_squeeze %dma_wait3A_346 : memref<1x80xi32, #tpu.memory_space<vmem>> -> memref<80xi32, #tpu.memory_space<vmem>>
        %dma_wait3A_348 = arith.constant 0 : i32
        %dma_wait3A_349 = arith.constant 0 : i32
        %dma_wait3A_350 = tpu.memref_slice %arg2[%arg0, %dma_wait3A_348, %dma_wait3A_349] : memref<2x10112x128xf32, #tpu.memory_space<hbm>> -> memref<1x10112x128xf32, #tpu.memory_space<hbm>>
        %dma_wait3A_351 = tpu.memref_squeeze %dma_wait3A_350 : memref<1x10112x128xf32, #tpu.memory_space<hbm>> -> memref<10112x128xf32, #tpu.memory_space<hbm>>
        %dma_wait3A_352 = arith.constant 0 : i32
        %dma_wait3A_353 = arith.constant 0 : i32
        %dma_wait3A_354 = tpu.memref_slice %dma_wait3A_351[%dma_wait3A_352, %dma_wait3A_353] : memref<10112x128xf32, #tpu.memory_space<hbm>> -> memref<10112x128xf32, #tpu.memory_space<hbm>>
        tpu.wait_indirect_dma semaphore(%arg16 : memref<!tpu.dma_semaphore, #tpu.memory_space<semaphore_mem>>) src(%dma_wait3A_354 : memref<10112x128xf32, #tpu.memory_space<hbm>>) dst(%arg11 : memref<80x128xf32, #tpu.memory_space<vmem>>)
        %dma_start3A_355 = arith.constant 0 : i32
        %dma_start3A_356 = tpu.memref_slice %arg8[%scan3A_290, %dma_start3A_355] : memref<32x80xi32, #tpu.memory_space<vmem>> -> memref<1x80xi32, #tpu.memory_space<vmem>>
        %dma_start3A_357 = tpu.memref_squeeze %dma_start3A_356 : memref<1x80xi32, #tpu.memory_space<vmem>> -> memref<80xi32, #tpu.memory_space<vmem>>
        %dma_start3A_358 = arith.constant 0 : i32
        %dma_start3A_359 = arith.constant 0 : i32
        %dma_start3A_360 = tpu.memref_slice %arg13[%dma_start3A_358, %dma_start3A_359] : memref<10112x128xf32, #tpu.memory_space<vmem_shared>> -> memref<10112x128xf32, #tpu.memory_space<vmem_shared>>
        tpu.enqueue_indirect_dma source(%arg11 : memref<80x128xf32, #tpu.memory_space<vmem>>) target(%dma_start3A_360 : memref<10112x128xf32, #tpu.memory_space<vmem_shared>>) offsets(%dma_start3A_357 : memref<80xi32, #tpu.memory_space<vmem>>) semaphore(%arg20 : memref<!tpu.dma_semaphore, #tpu.memory_space<semaphore_mem>>) {add = true}
      } else {
      }
      %eq3A_339 = arith.constant 3 : i32
      %eq3A_340 = arith.cmpi eq, %rem3A_296, %eq3A_339 : i32
      %convert_element_type3A_341 = arith.extui %eq3A_340 : i1 to i32
      %cond3A_342 = arith.constant 0 : i32
      %cond3A_343 = arith.cmpi ne, %convert_element_type3A_341, %cond3A_342 : i32
      scf.if %cond3A_343 {
        %dma_wait3A_345 = arith.constant 0 : i32
        %dma_wait3A_346 = tpu.memref_slice %arg7[%scan3A_290, %dma_wait3A_345] : memref<32x80xi32, #tpu.memory_space<vmem>> -> memref<1x80xi32, #tpu.memory_space<vmem>>
        %dma_wait3A_347 = tpu.memref_squeeze %dma_wait3A_346 : memref<1x80xi32, #tpu.memory_space<vmem>> -> memref<80xi32, #tpu.memory_space<vmem>>
        %dma_wait3A_348 = arith.constant 0 : i32
        %dma_wait3A_349 = arith.constant 0 : i32
        %dma_wait3A_350 = tpu.memref_slice %arg2[%arg0, %dma_wait3A_348, %dma_wait3A_349] : memref<2x10112x128xf32, #tpu.memory_space<hbm>> -> memref<1x10112x128xf32, #tpu.memory_space<hbm>>
        %dma_wait3A_351 = tpu.memref_squeeze %dma_wait3A_350 : memref<1x10112x128xf32, #tpu.memory_space<hbm>> -> memref<10112x128xf32, #tpu.memory_space<hbm>>
        %dma_wait3A_352 = arith.constant 0 : i32
        %dma_wait3A_353 = arith.constant 0 : i32
        %dma_wait3A_354 = tpu.memref_slice %dma_wait3A_351[%dma_wait3A_352, %dma_wait3A_353] : memref<10112x128xf32, #tpu.memory_space<hbm>> -> memref<10112x128xf32, #tpu.memory_space<hbm>>
        tpu.wait_indirect_dma semaphore(%arg17 : memref<!tpu.dma_semaphore, #tpu.memory_space<semaphore_mem>>) src(%dma_wait3A_354 : memref<10112x128xf32, #tpu.memory_space<hbm>>) dst(%arg12 : memref<80x128xf32, #tpu.memory_space<vmem>>)
        %dma_start3A_355 = arith.constant 0 : i32
        %dma_start3A_356 = tpu.memref_slice %arg8[%scan3A_290, %dma_start3A_355] : memref<32x80xi32, #tpu.memory_space<vmem>> -> memref<1x80xi32, #tpu.memory_space<vmem>>
        %dma_start3A_357 = tpu.memref_squeeze %dma_start3A_356 : memref<1x80xi32, #tpu.memory_space<vmem>> -> memref<80xi32, #tpu.memory_space<vmem>>
        %dma_start3A_358 = arith.constant 0 : i32
        %dma_start3A_359 = arith.constant 0 : i32
        %dma_start3A_360 = tpu.memref_slice %arg13[%dma_start3A_358, %dma_start3A_359] : memref<10112x128xf32, #tpu.memory_space<vmem_shared>> -> memref<10112x128xf32, #tpu.memory_space<vmem_shared>>
        tpu.enqueue_indirect_dma source(%arg12 : memref<80x128xf32, #tpu.memory_space<vmem>>) target(%dma_start3A_360 : memref<10112x128xf32, #tpu.memory_space<vmem_shared>>) offsets(%dma_start3A_357 : memref<80xi32, #tpu.memory_space<vmem>>) semaphore(%arg21 : memref<!tpu.dma_semaphore, #tpu.memory_space<semaphore_mem>>) {add = true}
      } else {
      }
      %scan3A_344 = arith.constant 0 : i32
      scf.yield %scan3A_344 : i32
    }
    %scan3A_112 = arith.constant 32 : i32
    %dma_wait3A_113 = arith.constant 0 : i32
    %dma_wait3A_114 = arith.constant 0 : i32
    %dma_wait3A_115 = tpu.memref_slice %arg8[%dma_wait3A_113, %dma_wait3A_114] : memref<32x80xi32, #tpu.memory_space<vmem>> -> memref<1x80xi32, #tpu.memory_space<vmem>>
    %dma_wait3A_116 = tpu.memref_squeeze %dma_wait3A_115 : memref<1x80xi32, #tpu.memory_space<vmem>> -> memref<80xi32, #tpu.memory_space<vmem>>
    %dma_wait3A_117 = arith.constant 0 : i32
    %dma_wait3A_118 = arith.constant 0 : i32
    %dma_wait3A_119 = tpu.memref_slice %arg13[%dma_wait3A_117, %dma_wait3A_118] : memref<10112x128xf32, #tpu.memory_space<vmem_shared>> -> memref<10112x128xf32, #tpu.memory_space<vmem_shared>>
    tpu.wait_indirect_dma semaphore(%arg18 : memref<!tpu.dma_semaphore, #tpu.memory_space<semaphore_mem>>) src(%arg9 : memref<80x128xf32, #tpu.memory_space<vmem>>) dst(%dma_wait3A_119 : memref<10112x128xf32, #tpu.memory_space<vmem_shared>>)
    %dma_wait3A_120 = arith.constant 0 : i32
    %dma_wait3A_121 = arith.constant 0 : i32
    %dma_wait3A_122 = tpu.memref_slice %arg8[%dma_wait3A_120, %dma_wait3A_121] : memref<32x80xi32, #tpu.memory_space<vmem>> -> memref<1x80xi32, #tpu.memory_space<vmem>>
    %dma_wait3A_123 = tpu.memref_squeeze %dma_wait3A_122 : memref<1x80xi32, #tpu.memory_space<vmem>> -> memref<80xi32, #tpu.memory_space<vmem>>
    %dma_wait3A_124 = arith.constant 0 : i32
    %dma_wait3A_125 = arith.constant 0 : i32
    %dma_wait3A_126 = tpu.memref_slice %arg13[%dma_wait3A_124, %dma_wait3A_125] : memref<10112x128xf32, #tpu.memory_space<vmem_shared>> -> memref<10112x128xf32, #tpu.memory_space<vmem_shared>>
    tpu.wait_indirect_dma semaphore(%arg19 : memref<!tpu.dma_semaphore, #tpu.memory_space<semaphore_mem>>) src(%arg10 : memref<80x128xf32, #tpu.memory_space<vmem>>) dst(%dma_wait3A_126 : memref<10112x128xf32, #tpu.memory_space<vmem_shared>>)
    %dma_wait3A_127 = arith.constant 0 : i32
    %dma_wait3A_128 = arith.constant 0 : i32
    %dma_wait3A_129 = tpu.memref_slice %arg8[%dma_wait3A_127, %dma_wait3A_128] : memref<32x80xi32, #tpu.memory_space<vmem>> -> memref<1x80xi32, #tpu.memory_space<vmem>>
    %dma_wait3A_130 = tpu.memref_squeeze %dma_wait3A_129 : memref<1x80xi32, #tpu.memory_space<vmem>> -> memref<80xi32, #tpu.memory_space<vmem>>
    %dma_wait3A_131 = arith.constant 0 : i32
    %dma_wait3A_132 = arith.constant 0 : i32
    %dma_wait3A_133 = tpu.memref_slice %arg13[%dma_wait3A_131, %dma_wait3A_132] : memref<10112x128xf32, #tpu.memory_space<vmem_shared>> -> memref<10112x128xf32, #tpu.memory_space<vmem_shared>>
    tpu.wait_indirect_dma semaphore(%arg20 : memref<!tpu.dma_semaphore, #tpu.memory_space<semaphore_mem>>) src(%arg11 : memref<80x128xf32, #tpu.memory_space<vmem>>) dst(%dma_wait3A_133 : memref<10112x128xf32, #tpu.memory_space<vmem_shared>>)
    %dma_wait3A_134 = arith.constant 0 : i32
    %dma_wait3A_135 = arith.constant 0 : i32
    %dma_wait3A_136 = tpu.memref_slice %arg8[%dma_wait3A_134, %dma_wait3A_135] : memref<32x80xi32, #tpu.memory_space<vmem>> -> memref<1x80xi32, #tpu.memory_space<vmem>>
    %dma_wait3A_137 = tpu.memref_squeeze %dma_wait3A_136 : memref<1x80xi32, #tpu.memory_space<vmem>> -> memref<80xi32, #tpu.memory_space<vmem>>
    %dma_wait3A_138 = arith.constant 0 : i32
    %dma_wait3A_139 = arith.constant 0 : i32
    %dma_wait3A_140 = tpu.memref_slice %arg13[%dma_wait3A_138, %dma_wait3A_139] : memref<10112x128xf32, #tpu.memory_space<vmem_shared>> -> memref<10112x128xf32, #tpu.memory_space<vmem_shared>>
    tpu.wait_indirect_dma semaphore(%arg21 : memref<!tpu.dma_semaphore, #tpu.memory_space<semaphore_mem>>) src(%arg12 : memref<80x128xf32, #tpu.memory_space<vmem>>) dst(%dma_wait3A_140 : memref<10112x128xf32, #tpu.memory_space<vmem_shared>>)
    %mul3A_141 = arith.constant 128 : i32
    %mul3A_142 = arith.muli %arg1, %mul3A_141 : i32
    %add3A_143 = arith.constant 64 : i32
    %add3A_144 = arith.addi %mul3A_142, %add3A_143 : i32
    "tpu.region"() ({
      %run_scoped3A = tpu.sem_alloc : memref<!tpu.dma_semaphore, #tpu.memory_space<semaphore_mem>>
      %dma_start3A_290 = arith.constant 0 : i32
      %dma_start3A_291 = tpu.memref_slice %arg3[%add3A_144, %dma_start3A_290] : memref<2048x80xi32, #tpu.memory_space<hbm>> -> memref<32x80xi32, #tpu.memory_space<hbm>>
      %dma_start3A_292 = arith.constant 0 : i32
      %dma_start3A_293 = tpu.memref_slice %arg3[%add3A_144, %dma_start3A_292] : memref<2048x80xi32, #tpu.memory_space<hbm>> -> memref<32x80xi32, #tpu.memory_space<hbm>>
      tpu.enqueue_dma source(%dma_start3A_293 : memref<32x80xi32, #tpu.memory_space<hbm>>) target(%arg7 : memref<32x80xi32, #tpu.memory_space<vmem>>) target_semaphore(%run_scoped3A : memref<!tpu.dma_semaphore, #tpu.memory_space<semaphore_mem>>)
      %dma_wait3A_294 = arith.constant 0 : i32
      %dma_wait3A_295 = tpu.memref_slice %arg3[%add3A_144, %dma_wait3A_294] : memref<2048x80xi32, #tpu.memory_space<hbm>> -> memref<32x80xi32, #tpu.memory_space<hbm>>
      %dma_wait3A_296 = arith.constant 0 : i32
      %dma_wait3A_297 = tpu.memref_slice %arg3[%add3A_144, %dma_wait3A_296] : memref<2048x80xi32, #tpu.memory_space<hbm>> -> memref<32x80xi32, #tpu.memory_space<hbm>>
      tpu.wait_dma2 semaphore(%run_scoped3A : memref<!tpu.dma_semaphore, #tpu.memory_space<semaphore_mem>>) src(%dma_wait3A_297 : memref<32x80xi32, #tpu.memory_space<hbm>>) dst(%arg7 : memref<32x80xi32, #tpu.memory_space<vmem>>)
      tpu.yield
    }) : () -> ()
    "tpu.region"() ({
      %run_scoped3A = tpu.sem_alloc : memref<!tpu.dma_semaphore, #tpu.memory_space<semaphore_mem>>
      %dma_start3A_290 = arith.constant 0 : i32
      %dma_start3A_291 = tpu.memref_slice %arg4[%add3A_144, %dma_start3A_290] : memref<2048x80xi32, #tpu.memory_space<hbm>> -> memref<32x80xi32, #tpu.memory_space<hbm>>
      %dma_start3A_292 = arith.constant 0 : i32
      %dma_start3A_293 = tpu.memref_slice %arg4[%add3A_144, %dma_start3A_292] : memref<2048x80xi32, #tpu.memory_space<hbm>> -> memref<32x80xi32, #tpu.memory_space<hbm>>
      tpu.enqueue_dma source(%dma_start3A_293 : memref<32x80xi32, #tpu.memory_space<hbm>>) target(%arg8 : memref<32x80xi32, #tpu.memory_space<vmem>>) target_semaphore(%run_scoped3A : memref<!tpu.dma_semaphore, #tpu.memory_space<semaphore_mem>>)
      %dma_wait3A_294 = arith.constant 0 : i32
      %dma_wait3A_295 = tpu.memref_slice %arg4[%add3A_144, %dma_wait3A_294] : memref<2048x80xi32, #tpu.memory_space<hbm>> -> memref<32x80xi32, #tpu.memory_space<hbm>>
      %dma_wait3A_296 = arith.constant 0 : i32
      %dma_wait3A_297 = tpu.memref_slice %arg4[%add3A_144, %dma_wait3A_296] : memref<2048x80xi32, #tpu.memory_space<hbm>> -> memref<32x80xi32, #tpu.memory_space<hbm>>
      tpu.wait_dma2 semaphore(%run_scoped3A : memref<!tpu.dma_semaphore, #tpu.memory_space<semaphore_mem>>) src(%dma_wait3A_297 : memref<32x80xi32, #tpu.memory_space<hbm>>) dst(%arg8 : memref<32x80xi32, #tpu.memory_space<vmem>>)
      tpu.yield
    }) : () -> ()
    %dma_start3A_145 = arith.constant 0 : i32
    %dma_start3A_146 = arith.constant 0 : i32
    %dma_start3A_147 = tpu.memref_slice %arg7[%dma_start3A_145, %dma_start3A_146] : memref<32x80xi32, #tpu.memory_space<vmem>> -> memref<1x80xi32, #tpu.memory_space<vmem>>
    %dma_start3A_148 = tpu.memref_squeeze %dma_start3A_147 : memref<1x80xi32, #tpu.memory_space<vmem>> -> memref<80xi32, #tpu.memory_space<vmem>>
    %dma_start3A_149 = arith.constant 0 : i32
    %dma_start3A_150 = arith.constant 0 : i32
    %dma_start3A_151 = tpu.memref_slice %arg2[%arg0, %dma_start3A_149, %dma_start3A_150] : memref<2x10112x128xf32, #tpu.memory_space<hbm>> -> memref<1x10112x128xf32, #tpu.memory_space<hbm>>
    %dma_start3A_152 = tpu.memref_squeeze %dma_start3A_151 : memref<1x10112x128xf32, #tpu.memory_space<hbm>> -> memref<10112x128xf32, #tpu.memory_space<hbm>>
    %dma_start3A_153 = arith.constant 0 : i32
    %dma_start3A_154 = arith.constant 0 : i32
    %dma_start3A_155 = tpu.memref_slice %dma_start3A_152[%dma_start3A_153, %dma_start3A_154] : memref<10112x128xf32, #tpu.memory_space<hbm>> -> memref<10112x128xf32, #tpu.memory_space<hbm>>
    tpu.enqueue_indirect_dma source(%dma_start3A_155 : memref<10112x128xf32, #tpu.memory_space<hbm>>) target(%arg9 : memref<80x128xf32, #tpu.memory_space<vmem>>) offsets(%dma_start3A_148 : memref<80xi32, #tpu.memory_space<vmem>>) semaphore(%arg14 : memref<!tpu.dma_semaphore, #tpu.memory_space<semaphore_mem>>)
    %dma_start3A_156 = arith.constant 1 : i32
    %dma_start3A_157 = arith.constant 0 : i32
    %dma_start3A_158 = tpu.memref_slice %arg7[%dma_start3A_156, %dma_start3A_157] : memref<32x80xi32, #tpu.memory_space<vmem>> -> memref<1x80xi32, #tpu.memory_space<vmem>>
    %dma_start3A_159 = tpu.memref_squeeze %dma_start3A_158 : memref<1x80xi32, #tpu.memory_space<vmem>> -> memref<80xi32, #tpu.memory_space<vmem>>
    %dma_start3A_160 = arith.constant 0 : i32
    %dma_start3A_161 = arith.constant 0 : i32
    %dma_start3A_162 = tpu.memref_slice %arg2[%arg0, %dma_start3A_160, %dma_start3A_161] : memref<2x10112x128xf32, #tpu.memory_space<hbm>> -> memref<1x10112x128xf32, #tpu.memory_space<hbm>>
    %dma_start3A_163 = tpu.memref_squeeze %dma_start3A_162 : memref<1x10112x128xf32, #tpu.memory_space<hbm>> -> memref<10112x128xf32, #tpu.memory_space<hbm>>
    %dma_start3A_164 = arith.constant 0 : i32
    %dma_start3A_165 = arith.constant 0 : i32
    %dma_start3A_166 = tpu.memref_slice %dma_start3A_163[%dma_start3A_164, %dma_start3A_165] : memref<10112x128xf32, #tpu.memory_space<hbm>> -> memref<10112x128xf32, #tpu.memory_space<hbm>>
    tpu.enqueue_indirect_dma source(%dma_start3A_166 : memref<10112x128xf32, #tpu.memory_space<hbm>>) target(%arg10 : memref<80x128xf32, #tpu.memory_space<vmem>>) offsets(%dma_start3A_159 : memref<80xi32, #tpu.memory_space<vmem>>) semaphore(%arg15 : memref<!tpu.dma_semaphore, #tpu.memory_space<semaphore_mem>>)
    %dma_start3A_167 = arith.constant 2 : i32
    %dma_start3A_168 = arith.constant 0 : i32
    %dma_start3A_169 = tpu.memref_slice %arg7[%dma_start3A_167, %dma_start3A_168] : memref<32x80xi32, #tpu.memory_space<vmem>> -> memref<1x80xi32, #tpu.memory_space<vmem>>
    %dma_start3A_170 = tpu.memref_squeeze %dma_start3A_169 : memref<1x80xi32, #tpu.memory_space<vmem>> -> memref<80xi32, #tpu.memory_space<vmem>>
    %dma_start3A_171 = arith.constant 0 : i32
    %dma_start3A_172 = arith.constant 0 : i32
    %dma_start3A_173 = tpu.memref_slice %arg2[%arg0, %dma_start3A_171, %dma_start3A_172] : memref<2x10112x128xf32, #tpu.memory_space<hbm>> -> memref<1x10112x128xf32, #tpu.memory_space<hbm>>
    %dma_start3A_174 = tpu.memref_squeeze %dma_start3A_173 : memref<1x10112x128xf32, #tpu.memory_space<hbm>> -> memref<10112x128xf32, #tpu.memory_space<hbm>>
    %dma_start3A_175 = arith.constant 0 : i32
    %dma_start3A_176 = arith.constant 0 : i32
    %dma_start3A_177 = tpu.memref_slice %dma_start3A_174[%dma_start3A_175, %dma_start3A_176] : memref<10112x128xf32, #tpu.memory_space<hbm>> -> memref<10112x128xf32, #tpu.memory_space<hbm>>
    tpu.enqueue_indirect_dma source(%dma_start3A_177 : memref<10112x128xf32, #tpu.memory_space<hbm>>) target(%arg11 : memref<80x128xf32, #tpu.memory_space<vmem>>) offsets(%dma_start3A_170 : memref<80xi32, #tpu.memory_space<vmem>>) semaphore(%arg16 : memref<!tpu.dma_semaphore, #tpu.memory_space<semaphore_mem>>)
    %scan3A_178 = arith.constant 0 : i32
    %scan3A_179 = arith.constant 0 : i32
    %scan3A_180 = arith.constant 32 : i32
    %scan3A_181 = arith.addi %scan3A_179, %scan3A_180 : i32
    %scan3A_182 = arith.constant 1 : i32
    %scan3A_183 = scf.for %scan3A_290 = %scan3A_179 to %scan3A_181 step %scan3A_182 iter_args(%scan3A_291 = %scan3A_178) -> (i32)  : i32 {
      %add3A_292 = arith.constant 3 : i32
      %add3A_293 = arith.addi %scan3A_290, %add3A_292 : i32
      %rem3A = arith.constant 4 : i32
      %rem3A_294 = arith.remsi %add3A_293, %rem3A : i32
      %rem3A_295 = arith.constant 4 : i32
      %rem3A_296 = arith.remsi %scan3A_290, %rem3A_295 : i32
      %eq3A = arith.constant 0 : i32
      %eq3A_297 = arith.cmpi eq, %rem3A_294, %eq3A : i32
      %lt3A = arith.constant 29 : i32
      %lt3A_298 = arith.cmpi slt, %scan3A_290, %lt3A : i32
      %and3A = arith.andi %eq3A_297, %lt3A_298 : i1
      %convert_element_type3A = arith.extui %and3A : i1 to i32
      %cond3A = arith.constant 0 : i32
      %cond3A_299 = arith.cmpi ne, %convert_element_type3A, %cond3A : i32
      scf.if %cond3A_299 {
        %ge3A = arith.constant 1 : i32
        %ge3A_345 = arith.cmpi sge, %scan3A_290, %ge3A : i32
        %convert_element_type3A_346 = arith.extui %ge3A_345 : i1 to i32
        %cond3A_347 = arith.constant 0 : i32
        %cond3A_348 = arith.cmpi ne, %convert_element_type3A_346, %cond3A_347 : i32
        scf.if %cond3A_348 {
          %dma_wait3A_361 = arith.constant 0 : i32
          %dma_wait3A_362 = arith.constant 0 : i32
          %dma_wait3A_363 = tpu.memref_slice %arg8[%dma_wait3A_361, %dma_wait3A_362] : memref<32x80xi32, #tpu.memory_space<vmem>> -> memref<1x80xi32, #tpu.memory_space<vmem>>
          %dma_wait3A_364 = tpu.memref_squeeze %dma_wait3A_363 : memref<1x80xi32, #tpu.memory_space<vmem>> -> memref<80xi32, #tpu.memory_space<vmem>>
          %dma_wait3A_365 = arith.constant 0 : i32
          %dma_wait3A_366 = arith.constant 0 : i32
          %dma_wait3A_367 = tpu.memref_slice %arg13[%dma_wait3A_365, %dma_wait3A_366] : memref<10112x128xf32, #tpu.memory_space<vmem_shared>> -> memref<10112x128xf32, #tpu.memory_space<vmem_shared>>
          tpu.wait_indirect_dma semaphore(%arg18 : memref<!tpu.dma_semaphore, #tpu.memory_space<semaphore_mem>>) src(%arg9 : memref<80x128xf32, #tpu.memory_space<vmem>>) dst(%dma_wait3A_367 : memref<10112x128xf32, #tpu.memory_space<vmem_shared>>)
        } else {
        }
        %add3A_349 = arith.constant 3 : i32
        %add3A_350 = arith.addi %scan3A_290, %add3A_349 : i32
        %dma_start3A_351 = arith.constant 0 : i32
        %dma_start3A_352 = tpu.memref_slice %arg7[%add3A_350, %dma_start3A_351] : memref<32x80xi32, #tpu.memory_space<vmem>> -> memref<1x80xi32, #tpu.memory_space<vmem>>
        %dma_start3A_353 = tpu.memref_squeeze %dma_start3A_352 : memref<1x80xi32, #tpu.memory_space<vmem>> -> memref<80xi32, #tpu.memory_space<vmem>>
        %dma_start3A_354 = arith.constant 0 : i32
        %dma_start3A_355 = arith.constant 0 : i32
        %dma_start3A_356 = tpu.memref_slice %arg2[%arg0, %dma_start3A_354, %dma_start3A_355] : memref<2x10112x128xf32, #tpu.memory_space<hbm>> -> memref<1x10112x128xf32, #tpu.memory_space<hbm>>
        %dma_start3A_357 = tpu.memref_squeeze %dma_start3A_356 : memref<1x10112x128xf32, #tpu.memory_space<hbm>> -> memref<10112x128xf32, #tpu.memory_space<hbm>>
        %dma_start3A_358 = arith.constant 0 : i32
        %dma_start3A_359 = arith.constant 0 : i32
        %dma_start3A_360 = tpu.memref_slice %dma_start3A_357[%dma_start3A_358, %dma_start3A_359] : memref<10112x128xf32, #tpu.memory_space<hbm>> -> memref<10112x128xf32, #tpu.memory_space<hbm>>
        tpu.enqueue_indirect_dma source(%dma_start3A_360 : memref<10112x128xf32, #tpu.memory_space<hbm>>) target(%arg9 : memref<80x128xf32, #tpu.memory_space<vmem>>) offsets(%dma_start3A_353 : memref<80xi32, #tpu.memory_space<vmem>>) semaphore(%arg14 : memref<!tpu.dma_semaphore, #tpu.memory_space<semaphore_mem>>)
      } else {
      }
      %eq3A_300 = arith.constant 1 : i32
      %eq3A_301 = arith.cmpi eq, %rem3A_294, %eq3A_300 : i32
      %lt3A_302 = arith.constant 29 : i32
      %lt3A_303 = arith.cmpi slt, %scan3A_290, %lt3A_302 : i32
      %and3A_304 = arith.andi %eq3A_301, %lt3A_303 : i1
      %convert_element_type3A_305 = arith.extui %and3A_304 : i1 to i32
      %cond3A_306 = arith.constant 0 : i32
      %cond3A_307 = arith.cmpi ne, %convert_element_type3A_305, %cond3A_306 : i32
      scf.if %cond3A_307 {
        %ge3A = arith.constant 1 : i32
        %ge3A_345 = arith.cmpi sge, %scan3A_290, %ge3A : i32
        %convert_element_type3A_346 = arith.extui %ge3A_345 : i1 to i32
        %cond3A_347 = arith.constant 0 : i32
        %cond3A_348 = arith.cmpi ne, %convert_element_type3A_346, %cond3A_347 : i32
        scf.if %cond3A_348 {
          %dma_wait3A_361 = arith.constant 0 : i32
          %dma_wait3A_362 = arith.constant 0 : i32
          %dma_wait3A_363 = tpu.memref_slice %arg8[%dma_wait3A_361, %dma_wait3A_362] : memref<32x80xi32, #tpu.memory_space<vmem>> -> memref<1x80xi32, #tpu.memory_space<vmem>>
          %dma_wait3A_364 = tpu.memref_squeeze %dma_wait3A_363 : memref<1x80xi32, #tpu.memory_space<vmem>> -> memref<80xi32, #tpu.memory_space<vmem>>
          %dma_wait3A_365 = arith.constant 0 : i32
          %dma_wait3A_366 = arith.constant 0 : i32
          %dma_wait3A_367 = tpu.memref_slice %arg13[%dma_wait3A_365, %dma_wait3A_366] : memref<10112x128xf32, #tpu.memory_space<vmem_shared>> -> memref<10112x128xf32, #tpu.memory_space<vmem_shared>>
          tpu.wait_indirect_dma semaphore(%arg19 : memref<!tpu.dma_semaphore, #tpu.memory_space<semaphore_mem>>) src(%arg10 : memref<80x128xf32, #tpu.memory_space<vmem>>) dst(%dma_wait3A_367 : memref<10112x128xf32, #tpu.memory_space<vmem_shared>>)
        } else {
        }
        %add3A_349 = arith.constant 3 : i32
        %add3A_350 = arith.addi %scan3A_290, %add3A_349 : i32
        %dma_start3A_351 = arith.constant 0 : i32
        %dma_start3A_352 = tpu.memref_slice %arg7[%add3A_350, %dma_start3A_351] : memref<32x80xi32, #tpu.memory_space<vmem>> -> memref<1x80xi32, #tpu.memory_space<vmem>>
        %dma_start3A_353 = tpu.memref_squeeze %dma_start3A_352 : memref<1x80xi32, #tpu.memory_space<vmem>> -> memref<80xi32, #tpu.memory_space<vmem>>
        %dma_start3A_354 = arith.constant 0 : i32
        %dma_start3A_355 = arith.constant 0 : i32
        %dma_start3A_356 = tpu.memref_slice %arg2[%arg0, %dma_start3A_354, %dma_start3A_355] : memref<2x10112x128xf32, #tpu.memory_space<hbm>> -> memref<1x10112x128xf32, #tpu.memory_space<hbm>>
        %dma_start3A_357 = tpu.memref_squeeze %dma_start3A_356 : memref<1x10112x128xf32, #tpu.memory_space<hbm>> -> memref<10112x128xf32, #tpu.memory_space<hbm>>
        %dma_start3A_358 = arith.constant 0 : i32
        %dma_start3A_359 = arith.constant 0 : i32
        %dma_start3A_360 = tpu.memref_slice %dma_start3A_357[%dma_start3A_358, %dma_start3A_359] : memref<10112x128xf32, #tpu.memory_space<hbm>> -> memref<10112x128xf32, #tpu.memory_space<hbm>>
        tpu.enqueue_indirect_dma source(%dma_start3A_360 : memref<10112x128xf32, #tpu.memory_space<hbm>>) target(%arg10 : memref<80x128xf32, #tpu.memory_space<vmem>>) offsets(%dma_start3A_353 : memref<80xi32, #tpu.memory_space<vmem>>) semaphore(%arg15 : memref<!tpu.dma_semaphore, #tpu.memory_space<semaphore_mem>>)
      } else {
      }
      %eq3A_308 = arith.constant 2 : i32
      %eq3A_309 = arith.cmpi eq, %rem3A_294, %eq3A_308 : i32
      %lt3A_310 = arith.constant 29 : i32
      %lt3A_311 = arith.cmpi slt, %scan3A_290, %lt3A_310 : i32
      %and3A_312 = arith.andi %eq3A_309, %lt3A_311 : i1
      %convert_element_type3A_313 = arith.extui %and3A_312 : i1 to i32
      %cond3A_314 = arith.constant 0 : i32
      %cond3A_315 = arith.cmpi ne, %convert_element_type3A_313, %cond3A_314 : i32
      scf.if %cond3A_315 {
        %ge3A = arith.constant 1 : i32
        %ge3A_345 = arith.cmpi sge, %scan3A_290, %ge3A : i32
        %convert_element_type3A_346 = arith.extui %ge3A_345 : i1 to i32
        %cond3A_347 = arith.constant 0 : i32
        %cond3A_348 = arith.cmpi ne, %convert_element_type3A_346, %cond3A_347 : i32
        scf.if %cond3A_348 {
          %dma_wait3A_361 = arith.constant 0 : i32
          %dma_wait3A_362 = arith.constant 0 : i32
          %dma_wait3A_363 = tpu.memref_slice %arg8[%dma_wait3A_361, %dma_wait3A_362] : memref<32x80xi32, #tpu.memory_space<vmem>> -> memref<1x80xi32, #tpu.memory_space<vmem>>
          %dma_wait3A_364 = tpu.memref_squeeze %dma_wait3A_363 : memref<1x80xi32, #tpu.memory_space<vmem>> -> memref<80xi32, #tpu.memory_space<vmem>>
          %dma_wait3A_365 = arith.constant 0 : i32
          %dma_wait3A_366 = arith.constant 0 : i32
          %dma_wait3A_367 = tpu.memref_slice %arg13[%dma_wait3A_365, %dma_wait3A_366] : memref<10112x128xf32, #tpu.memory_space<vmem_shared>> -> memref<10112x128xf32, #tpu.memory_space<vmem_shared>>
          tpu.wait_indirect_dma semaphore(%arg20 : memref<!tpu.dma_semaphore, #tpu.memory_space<semaphore_mem>>) src(%arg11 : memref<80x128xf32, #tpu.memory_space<vmem>>) dst(%dma_wait3A_367 : memref<10112x128xf32, #tpu.memory_space<vmem_shared>>)
        } else {
        }
        %add3A_349 = arith.constant 3 : i32
        %add3A_350 = arith.addi %scan3A_290, %add3A_349 : i32
        %dma_start3A_351 = arith.constant 0 : i32
        %dma_start3A_352 = tpu.memref_slice %arg7[%add3A_350, %dma_start3A_351] : memref<32x80xi32, #tpu.memory_space<vmem>> -> memref<1x80xi32, #tpu.memory_space<vmem>>
        %dma_start3A_353 = tpu.memref_squeeze %dma_start3A_352 : memref<1x80xi32, #tpu.memory_space<vmem>> -> memref<80xi32, #tpu.memory_space<vmem>>
        %dma_start3A_354 = arith.constant 0 : i32
        %dma_start3A_355 = arith.constant 0 : i32
        %dma_start3A_356 = tpu.memref_slice %arg2[%arg0, %dma_start3A_354, %dma_start3A_355] : memref<2x10112x128xf32, #tpu.memory_space<hbm>> -> memref<1x10112x128xf32, #tpu.memory_space<hbm>>
        %dma_start3A_357 = tpu.memref_squeeze %dma_start3A_356 : memref<1x10112x128xf32, #tpu.memory_space<hbm>> -> memref<10112x128xf32, #tpu.memory_space<hbm>>
        %dma_start3A_358 = arith.constant 0 : i32
        %dma_start3A_359 = arith.constant 0 : i32
        %dma_start3A_360 = tpu.memref_slice %dma_start3A_357[%dma_start3A_358, %dma_start3A_359] : memref<10112x128xf32, #tpu.memory_space<hbm>> -> memref<10112x128xf32, #tpu.memory_space<hbm>>
        tpu.enqueue_indirect_dma source(%dma_start3A_360 : memref<10112x128xf32, #tpu.memory_space<hbm>>) target(%arg11 : memref<80x128xf32, #tpu.memory_space<vmem>>) offsets(%dma_start3A_353 : memref<80xi32, #tpu.memory_space<vmem>>) semaphore(%arg16 : memref<!tpu.dma_semaphore, #tpu.memory_space<semaphore_mem>>)
      } else {
      }
      %eq3A_316 = arith.constant 3 : i32
      %eq3A_317 = arith.cmpi eq, %rem3A_294, %eq3A_316 : i32
      %lt3A_318 = arith.constant 29 : i32
      %lt3A_319 = arith.cmpi slt, %scan3A_290, %lt3A_318 : i32
      %and3A_320 = arith.andi %eq3A_317, %lt3A_319 : i1
      %convert_element_type3A_321 = arith.extui %and3A_320 : i1 to i32
      %cond3A_322 = arith.constant 0 : i32
      %cond3A_323 = arith.cmpi ne, %convert_element_type3A_321, %cond3A_322 : i32
      scf.if %cond3A_323 {
        %ge3A = arith.constant 1 : i32
        %ge3A_345 = arith.cmpi sge, %scan3A_290, %ge3A : i32
        %convert_element_type3A_346 = arith.extui %ge3A_345 : i1 to i32
        %cond3A_347 = arith.constant 0 : i32
        %cond3A_348 = arith.cmpi ne, %convert_element_type3A_346, %cond3A_347 : i32
        scf.if %cond3A_348 {
          %dma_wait3A_361 = arith.constant 0 : i32
          %dma_wait3A_362 = arith.constant 0 : i32
          %dma_wait3A_363 = tpu.memref_slice %arg8[%dma_wait3A_361, %dma_wait3A_362] : memref<32x80xi32, #tpu.memory_space<vmem>> -> memref<1x80xi32, #tpu.memory_space<vmem>>
          %dma_wait3A_364 = tpu.memref_squeeze %dma_wait3A_363 : memref<1x80xi32, #tpu.memory_space<vmem>> -> memref<80xi32, #tpu.memory_space<vmem>>
          %dma_wait3A_365 = arith.constant 0 : i32
          %dma_wait3A_366 = arith.constant 0 : i32
          %dma_wait3A_367 = tpu.memref_slice %arg13[%dma_wait3A_365, %dma_wait3A_366] : memref<10112x128xf32, #tpu.memory_space<vmem_shared>> -> memref<10112x128xf32, #tpu.memory_space<vmem_shared>>
          tpu.wait_indirect_dma semaphore(%arg21 : memref<!tpu.dma_semaphore, #tpu.memory_space<semaphore_mem>>) src(%arg12 : memref<80x128xf32, #tpu.memory_space<vmem>>) dst(%dma_wait3A_367 : memref<10112x128xf32, #tpu.memory_space<vmem_shared>>)
        } else {
        }
        %add3A_349 = arith.constant 3 : i32
        %add3A_350 = arith.addi %scan3A_290, %add3A_349 : i32
        %dma_start3A_351 = arith.constant 0 : i32
        %dma_start3A_352 = tpu.memref_slice %arg7[%add3A_350, %dma_start3A_351] : memref<32x80xi32, #tpu.memory_space<vmem>> -> memref<1x80xi32, #tpu.memory_space<vmem>>
        %dma_start3A_353 = tpu.memref_squeeze %dma_start3A_352 : memref<1x80xi32, #tpu.memory_space<vmem>> -> memref<80xi32, #tpu.memory_space<vmem>>
        %dma_start3A_354 = arith.constant 0 : i32
        %dma_start3A_355 = arith.constant 0 : i32
        %dma_start3A_356 = tpu.memref_slice %arg2[%arg0, %dma_start3A_354, %dma_start3A_355] : memref<2x10112x128xf32, #tpu.memory_space<hbm>> -> memref<1x10112x128xf32, #tpu.memory_space<hbm>>
        %dma_start3A_357 = tpu.memref_squeeze %dma_start3A_356 : memref<1x10112x128xf32, #tpu.memory_space<hbm>> -> memref<10112x128xf32, #tpu.memory_space<hbm>>
        %dma_start3A_358 = arith.constant 0 : i32
        %dma_start3A_359 = arith.constant 0 : i32
        %dma_start3A_360 = tpu.memref_slice %dma_start3A_357[%dma_start3A_358, %dma_start3A_359] : memref<10112x128xf32, #tpu.memory_space<hbm>> -> memref<10112x128xf32, #tpu.memory_space<hbm>>
        tpu.enqueue_indirect_dma source(%dma_start3A_360 : memref<10112x128xf32, #tpu.memory_space<hbm>>) target(%arg12 : memref<80x128xf32, #tpu.memory_space<vmem>>) offsets(%dma_start3A_353 : memref<80xi32, #tpu.memory_space<vmem>>) semaphore(%arg17 : memref<!tpu.dma_semaphore, #tpu.memory_space<semaphore_mem>>)
      } else {
      }
      %eq3A_324 = arith.constant 0 : i32
      %eq3A_325 = arith.cmpi eq, %rem3A_296, %eq3A_324 : i32
      %convert_element_type3A_326 = arith.extui %eq3A_325 : i1 to i32
      %cond3A_327 = arith.constant 0 : i32
      %cond3A_328 = arith.cmpi ne, %convert_element_type3A_326, %cond3A_327 : i32
      scf.if %cond3A_328 {
        %dma_wait3A_345 = arith.constant 0 : i32
        %dma_wait3A_346 = tpu.memref_slice %arg7[%scan3A_290, %dma_wait3A_345] : memref<32x80xi32, #tpu.memory_space<vmem>> -> memref<1x80xi32, #tpu.memory_space<vmem>>
        %dma_wait3A_347 = tpu.memref_squeeze %dma_wait3A_346 : memref<1x80xi32, #tpu.memory_space<vmem>> -> memref<80xi32, #tpu.memory_space<vmem>>
        %dma_wait3A_348 = arith.constant 0 : i32
        %dma_wait3A_349 = arith.constant 0 : i32
        %dma_wait3A_350 = tpu.memref_slice %arg2[%arg0, %dma_wait3A_348, %dma_wait3A_349] : memref<2x10112x128xf32, #tpu.memory_space<hbm>> -> memref<1x10112x128xf32, #tpu.memory_space<hbm>>
        %dma_wait3A_351 = tpu.memref_squeeze %dma_wait3A_350 : memref<1x10112x128xf32, #tpu.memory_space<hbm>> -> memref<10112x128xf32, #tpu.memory_space<hbm>>
        %dma_wait3A_352 = arith.constant 0 : i32
        %dma_wait3A_353 = arith.constant 0 : i32
        %dma_wait3A_354 = tpu.memref_slice %dma_wait3A_351[%dma_wait3A_352, %dma_wait3A_353] : memref<10112x128xf32, #tpu.memory_space<hbm>> -> memref<10112x128xf32, #tpu.memory_space<hbm>>
        tpu.wait_indirect_dma semaphore(%arg14 : memref<!tpu.dma_semaphore, #tpu.memory_space<semaphore_mem>>) src(%dma_wait3A_354 : memref<10112x128xf32, #tpu.memory_space<hbm>>) dst(%arg9 : memref<80x128xf32, #tpu.memory_space<vmem>>)
        %dma_start3A_355 = arith.constant 0 : i32
        %dma_start3A_356 = tpu.memref_slice %arg8[%scan3A_290, %dma_start3A_355] : memref<32x80xi32, #tpu.memory_space<vmem>> -> memref<1x80xi32, #tpu.memory_space<vmem>>
        %dma_start3A_357 = tpu.memref_squeeze %dma_start3A_356 : memref<1x80xi32, #tpu.memory_space<vmem>> -> memref<80xi32, #tpu.memory_space<vmem>>
        %dma_start3A_358 = arith.constant 0 : i32
        %dma_start3A_359 = arith.constant 0 : i32
        %dma_start3A_360 = tpu.memref_slice %arg13[%dma_start3A_358, %dma_start3A_359] : memref<10112x128xf32, #tpu.memory_space<vmem_shared>> -> memref<10112x128xf32, #tpu.memory_space<vmem_shared>>
        tpu.enqueue_indirect_dma source(%arg9 : memref<80x128xf32, #tpu.memory_space<vmem>>) target(%dma_start3A_360 : memref<10112x128xf32, #tpu.memory_space<vmem_shared>>) offsets(%dma_start3A_357 : memref<80xi32, #tpu.memory_space<vmem>>) semaphore(%arg18 : memref<!tpu.dma_semaphore, #tpu.memory_space<semaphore_mem>>) {add = true}
      } else {
      }
      %eq3A_329 = arith.constant 1 : i32
      %eq3A_330 = arith.cmpi eq, %rem3A_296, %eq3A_329 : i32
      %convert_element_type3A_331 = arith.extui %eq3A_330 : i1 to i32
      %cond3A_332 = arith.constant 0 : i32
      %cond3A_333 = arith.cmpi ne, %convert_element_type3A_331, %cond3A_332 : i32
      scf.if %cond3A_333 {
        %dma_wait3A_345 = arith.constant 0 : i32
        %dma_wait3A_346 = tpu.memref_slice %arg7[%scan3A_290, %dma_wait3A_345] : memref<32x80xi32, #tpu.memory_space<vmem>> -> memref<1x80xi32, #tpu.memory_space<vmem>>
        %dma_wait3A_347 = tpu.memref_squeeze %dma_wait3A_346 : memref<1x80xi32, #tpu.memory_space<vmem>> -> memref<80xi32, #tpu.memory_space<vmem>>
        %dma_wait3A_348 = arith.constant 0 : i32
        %dma_wait3A_349 = arith.constant 0 : i32
        %dma_wait3A_350 = tpu.memref_slice %arg2[%arg0, %dma_wait3A_348, %dma_wait3A_349] : memref<2x10112x128xf32, #tpu.memory_space<hbm>> -> memref<1x10112x128xf32, #tpu.memory_space<hbm>>
        %dma_wait3A_351 = tpu.memref_squeeze %dma_wait3A_350 : memref<1x10112x128xf32, #tpu.memory_space<hbm>> -> memref<10112x128xf32, #tpu.memory_space<hbm>>
        %dma_wait3A_352 = arith.constant 0 : i32
        %dma_wait3A_353 = arith.constant 0 : i32
        %dma_wait3A_354 = tpu.memref_slice %dma_wait3A_351[%dma_wait3A_352, %dma_wait3A_353] : memref<10112x128xf32, #tpu.memory_space<hbm>> -> memref<10112x128xf32, #tpu.memory_space<hbm>>
        tpu.wait_indirect_dma semaphore(%arg15 : memref<!tpu.dma_semaphore, #tpu.memory_space<semaphore_mem>>) src(%dma_wait3A_354 : memref<10112x128xf32, #tpu.memory_space<hbm>>) dst(%arg10 : memref<80x128xf32, #tpu.memory_space<vmem>>)
        %dma_start3A_355 = arith.constant 0 : i32
        %dma_start3A_356 = tpu.memref_slice %arg8[%scan3A_290, %dma_start3A_355] : memref<32x80xi32, #tpu.memory_space<vmem>> -> memref<1x80xi32, #tpu.memory_space<vmem>>
        %dma_start3A_357 = tpu.memref_squeeze %dma_start3A_356 : memref<1x80xi32, #tpu.memory_space<vmem>> -> memref<80xi32, #tpu.memory_space<vmem>>
        %dma_start3A_358 = arith.constant 0 : i32
        %dma_start3A_359 = arith.constant 0 : i32
        %dma_start3A_360 = tpu.memref_slice %arg13[%dma_start3A_358, %dma_start3A_359] : memref<10112x128xf32, #tpu.memory_space<vmem_shared>> -> memref<10112x128xf32, #tpu.memory_space<vmem_shared>>
        tpu.enqueue_indirect_dma source(%arg10 : memref<80x128xf32, #tpu.memory_space<vmem>>) target(%dma_start3A_360 : memref<10112x128xf32, #tpu.memory_space<vmem_shared>>) offsets(%dma_start3A_357 : memref<80xi32, #tpu.memory_space<vmem>>) semaphore(%arg19 : memref<!tpu.dma_semaphore, #tpu.memory_space<semaphore_mem>>) {add = true}
      } else {
      }
      %eq3A_334 = arith.constant 2 : i32
      %eq3A_335 = arith.cmpi eq, %rem3A_296, %eq3A_334 : i32
      %convert_element_type3A_336 = arith.extui %eq3A_335 : i1 to i32
      %cond3A_337 = arith.constant 0 : i32
      %cond3A_338 = arith.cmpi ne, %convert_element_type3A_336, %cond3A_337 : i32
      scf.if %cond3A_338 {
        %dma_wait3A_345 = arith.constant 0 : i32
        %dma_wait3A_346 = tpu.memref_slice %arg7[%scan3A_290, %dma_wait3A_345] : memref<32x80xi32, #tpu.memory_space<vmem>> -> memref<1x80xi32, #tpu.memory_space<vmem>>
        %dma_wait3A_347 = tpu.memref_squeeze %dma_wait3A_346 : memref<1x80xi32, #tpu.memory_space<vmem>> -> memref<80xi32, #tpu.memory_space<vmem>>
        %dma_wait3A_348 = arith.constant 0 : i32
        %dma_wait3A_349 = arith.constant 0 : i32
        %dma_wait3A_350 = tpu.memref_slice %arg2[%arg0, %dma_wait3A_348, %dma_wait3A_349] : memref<2x10112x128xf32, #tpu.memory_space<hbm>> -> memref<1x10112x128xf32, #tpu.memory_space<hbm>>
        %dma_wait3A_351 = tpu.memref_squeeze %dma_wait3A_350 : memref<1x10112x128xf32, #tpu.memory_space<hbm>> -> memref<10112x128xf32, #tpu.memory_space<hbm>>
        %dma_wait3A_352 = arith.constant 0 : i32
        %dma_wait3A_353 = arith.constant 0 : i32
        %dma_wait3A_354 = tpu.memref_slice %dma_wait3A_351[%dma_wait3A_352, %dma_wait3A_353] : memref<10112x128xf32, #tpu.memory_space<hbm>> -> memref<10112x128xf32, #tpu.memory_space<hbm>>
        tpu.wait_indirect_dma semaphore(%arg16 : memref<!tpu.dma_semaphore, #tpu.memory_space<semaphore_mem>>) src(%dma_wait3A_354 : memref<10112x128xf32, #tpu.memory_space<hbm>>) dst(%arg11 : memref<80x128xf32, #tpu.memory_space<vmem>>)
        %dma_start3A_355 = arith.constant 0 : i32
        %dma_start3A_356 = tpu.memref_slice %arg8[%scan3A_290, %dma_start3A_355] : memref<32x80xi32, #tpu.memory_space<vmem>> -> memref<1x80xi32, #tpu.memory_space<vmem>>
        %dma_start3A_357 = tpu.memref_squeeze %dma_start3A_356 : memref<1x80xi32, #tpu.memory_space<vmem>> -> memref<80xi32, #tpu.memory_space<vmem>>
        %dma_start3A_358 = arith.constant 0 : i32
        %dma_start3A_359 = arith.constant 0 : i32
        %dma_start3A_360 = tpu.memref_slice %arg13[%dma_start3A_358, %dma_start3A_359] : memref<10112x128xf32, #tpu.memory_space<vmem_shared>> -> memref<10112x128xf32, #tpu.memory_space<vmem_shared>>
        tpu.enqueue_indirect_dma source(%arg11 : memref<80x128xf32, #tpu.memory_space<vmem>>) target(%dma_start3A_360 : memref<10112x128xf32, #tpu.memory_space<vmem_shared>>) offsets(%dma_start3A_357 : memref<80xi32, #tpu.memory_space<vmem>>) semaphore(%arg20 : memref<!tpu.dma_semaphore, #tpu.memory_space<semaphore_mem>>) {add = true}
      } else {
      }
      %eq3A_339 = arith.constant 3 : i32
      %eq3A_340 = arith.cmpi eq, %rem3A_296, %eq3A_339 : i32
      %convert_element_type3A_341 = arith.extui %eq3A_340 : i1 to i32
      %cond3A_342 = arith.constant 0 : i32
      %cond3A_343 = arith.cmpi ne, %convert_element_type3A_341, %cond3A_342 : i32
      scf.if %cond3A_343 {
        %dma_wait3A_345 = arith.constant 0 : i32
        %dma_wait3A_346 = tpu.memref_slice %arg7[%scan3A_290, %dma_wait3A_345] : memref<32x80xi32, #tpu.memory_space<vmem>> -> memref<1x80xi32, #tpu.memory_space<vmem>>
        %dma_wait3A_347 = tpu.memref_squeeze %dma_wait3A_346 : memref<1x80xi32, #tpu.memory_space<vmem>> -> memref<80xi32, #tpu.memory_space<vmem>>
        %dma_wait3A_348 = arith.constant 0 : i32
        %dma_wait3A_349 = arith.constant 0 : i32
        %dma_wait3A_350 = tpu.memref_slice %arg2[%arg0, %dma_wait3A_348, %dma_wait3A_349] : memref<2x10112x128xf32, #tpu.memory_space<hbm>> -> memref<1x10112x128xf32, #tpu.memory_space<hbm>>
        %dma_wait3A_351 = tpu.memref_squeeze %dma_wait3A_350 : memref<1x10112x128xf32, #tpu.memory_space<hbm>> -> memref<10112x128xf32, #tpu.memory_space<hbm>>
        %dma_wait3A_352 = arith.constant 0 : i32
        %dma_wait3A_353 = arith.constant 0 : i32
        %dma_wait3A_354 = tpu.memref_slice %dma_wait3A_351[%dma_wait3A_352, %dma_wait3A_353] : memref<10112x128xf32, #tpu.memory_space<hbm>> -> memref<10112x128xf32, #tpu.memory_space<hbm>>
        tpu.wait_indirect_dma semaphore(%arg17 : memref<!tpu.dma_semaphore, #tpu.memory_space<semaphore_mem>>) src(%dma_wait3A_354 : memref<10112x128xf32, #tpu.memory_space<hbm>>) dst(%arg12 : memref<80x128xf32, #tpu.memory_space<vmem>>)
        %dma_start3A_355 = arith.constant 0 : i32
        %dma_start3A_356 = tpu.memref_slice %arg8[%scan3A_290, %dma_start3A_355] : memref<32x80xi32, #tpu.memory_space<vmem>> -> memref<1x80xi32, #tpu.memory_space<vmem>>
        %dma_start3A_357 = tpu.memref_squeeze %dma_start3A_356 : memref<1x80xi32, #tpu.memory_space<vmem>> -> memref<80xi32, #tpu.memory_space<vmem>>
        %dma_start3A_358 = arith.constant 0 : i32
        %dma_start3A_359 = arith.constant 0 : i32
        %dma_start3A_360 = tpu.memref_slice %arg13[%dma_start3A_358, %dma_start3A_359] : memref<10112x128xf32, #tpu.memory_space<vmem_shared>> -> memref<10112x128xf32, #tpu.memory_space<vmem_shared>>
        tpu.enqueue_indirect_dma source(%arg12 : memref<80x128xf32, #tpu.memory_space<vmem>>) target(%dma_start3A_360 : memref<10112x128xf32, #tpu.memory_space<vmem_shared>>) offsets(%dma_start3A_357 : memref<80xi32, #tpu.memory_space<vmem>>) semaphore(%arg21 : memref<!tpu.dma_semaphore, #tpu.memory_space<semaphore_mem>>) {add = true}
      } else {
      }
      %scan3A_344 = arith.constant 0 : i32
      scf.yield %scan3A_344 : i32
    }
    %scan3A_184 = arith.constant 32 : i32
    %dma_wait3A_185 = arith.constant 0 : i32
    %dma_wait3A_186 = arith.constant 0 : i32
    %dma_wait3A_187 = tpu.memref_slice %arg8[%dma_wait3A_185, %dma_wait3A_186] : memref<32x80xi32, #tpu.memory_space<vmem>> -> memref<1x80xi32, #tpu.memory_space<vmem>>
    %dma_wait3A_188 = tpu.memref_squeeze %dma_wait3A_187 : memref<1x80xi32, #tpu.memory_space<vmem>> -> memref<80xi32, #tpu.memory_space<vmem>>
    %dma_wait3A_189 = arith.constant 0 : i32
    %dma_wait3A_190 = arith.constant 0 : i32
    %dma_wait3A_191 = tpu.memref_slice %arg13[%dma_wait3A_189, %dma_wait3A_190] : memref<10112x128xf32, #tpu.memory_space<vmem_shared>> -> memref<10112x128xf32, #tpu.memory_space<vmem_shared>>
    tpu.wait_indirect_dma semaphore(%arg18 : memref<!tpu.dma_semaphore, #tpu.memory_space<semaphore_mem>>) src(%arg9 : memref<80x128xf32, #tpu.memory_space<vmem>>) dst(%dma_wait3A_191 : memref<10112x128xf32, #tpu.memory_space<vmem_shared>>)
    %dma_wait3A_192 = arith.constant 0 : i32
    %dma_wait3A_193 = arith.constant 0 : i32
    %dma_wait3A_194 = tpu.memref_slice %arg8[%dma_wait3A_192, %dma_wait3A_193] : memref<32x80xi32, #tpu.memory_space<vmem>> -> memref<1x80xi32, #tpu.memory_space<vmem>>
    %dma_wait3A_195 = tpu.memref_squeeze %dma_wait3A_194 : memref<1x80xi32, #tpu.memory_space<vmem>> -> memref<80xi32, #tpu.memory_space<vmem>>
    %dma_wait3A_196 = arith.constant 0 : i32
    %dma_wait3A_197 = arith.constant 0 : i32
    %dma_wait3A_198 = tpu.memref_slice %arg13[%dma_wait3A_196, %dma_wait3A_197] : memref<10112x128xf32, #tpu.memory_space<vmem_shared>> -> memref<10112x128xf32, #tpu.memory_space<vmem_shared>>
    tpu.wait_indirect_dma semaphore(%arg19 : memref<!tpu.dma_semaphore, #tpu.memory_space<semaphore_mem>>) src(%arg10 : memref<80x128xf32, #tpu.memory_space<vmem>>) dst(%dma_wait3A_198 : memref<10112x128xf32, #tpu.memory_space<vmem_shared>>)
    %dma_wait3A_199 = arith.constant 0 : i32
    %dma_wait3A_200 = arith.constant 0 : i32
    %dma_wait3A_201 = tpu.memref_slice %arg8[%dma_wait3A_199, %dma_wait3A_200] : memref<32x80xi32, #tpu.memory_space<vmem>> -> memref<1x80xi32, #tpu.memory_space<vmem>>
    %dma_wait3A_202 = tpu.memref_squeeze %dma_wait3A_201 : memref<1x80xi32, #tpu.memory_space<vmem>> -> memref<80xi32, #tpu.memory_space<vmem>>
    %dma_wait3A_203 = arith.constant 0 : i32
    %dma_wait3A_204 = arith.constant 0 : i32
    %dma_wait3A_205 = tpu.memref_slice %arg13[%dma_wait3A_203, %dma_wait3A_204] : memref<10112x128xf32, #tpu.memory_space<vmem_shared>> -> memref<10112x128xf32, #tpu.memory_space<vmem_shared>>
    tpu.wait_indirect_dma semaphore(%arg20 : memref<!tpu.dma_semaphore, #tpu.memory_space<semaphore_mem>>) src(%arg11 : memref<80x128xf32, #tpu.memory_space<vmem>>) dst(%dma_wait3A_205 : memref<10112x128xf32, #tpu.memory_space<vmem_shared>>)
    %dma_wait3A_206 = arith.constant 0 : i32
    %dma_wait3A_207 = arith.constant 0 : i32
    %dma_wait3A_208 = tpu.memref_slice %arg8[%dma_wait3A_206, %dma_wait3A_207] : memref<32x80xi32, #tpu.memory_space<vmem>> -> memref<1x80xi32, #tpu.memory_space<vmem>>
    %dma_wait3A_209 = tpu.memref_squeeze %dma_wait3A_208 : memref<1x80xi32, #tpu.memory_space<vmem>> -> memref<80xi32, #tpu.memory_space<vmem>>
    %dma_wait3A_210 = arith.constant 0 : i32
    %dma_wait3A_211 = arith.constant 0 : i32
    %dma_wait3A_212 = tpu.memref_slice %arg13[%dma_wait3A_210, %dma_wait3A_211] : memref<10112x128xf32, #tpu.memory_space<vmem_shared>> -> memref<10112x128xf32, #tpu.memory_space<vmem_shared>>
    tpu.wait_indirect_dma semaphore(%arg21 : memref<!tpu.dma_semaphore, #tpu.memory_space<semaphore_mem>>) src(%arg12 : memref<80x128xf32, #tpu.memory_space<vmem>>) dst(%dma_wait3A_212 : memref<10112x128xf32, #tpu.memory_space<vmem_shared>>)
    %mul3A_213 = arith.constant 128 : i32
    %mul3A_214 = arith.muli %arg1, %mul3A_213 : i32
    %add3A_215 = arith.constant 96 : i32
    %add3A_216 = arith.addi %mul3A_214, %add3A_215 : i32
    "tpu.region"() ({
      %run_scoped3A = tpu.sem_alloc : memref<!tpu.dma_semaphore, #tpu.memory_space<semaphore_mem>>
      %dma_start3A_290 = arith.constant 0 : i32
      %dma_start3A_291 = tpu.memref_slice %arg3[%add3A_216, %dma_start3A_290] : memref<2048x80xi32, #tpu.memory_space<hbm>> -> memref<32x80xi32, #tpu.memory_space<hbm>>
      %dma_start3A_292 = arith.constant 0 : i32
      %dma_start3A_293 = tpu.memref_slice %arg3[%add3A_216, %dma_start3A_292] : memref<2048x80xi32, #tpu.memory_space<hbm>> -> memref<32x80xi32, #tpu.memory_space<hbm>>
      tpu.enqueue_dma source(%dma_start3A_293 : memref<32x80xi32, #tpu.memory_space<hbm>>) target(%arg7 : memref<32x80xi32, #tpu.memory_space<vmem>>) target_semaphore(%run_scoped3A : memref<!tpu.dma_semaphore, #tpu.memory_space<semaphore_mem>>)
      %dma_wait3A_294 = arith.constant 0 : i32
      %dma_wait3A_295 = tpu.memref_slice %arg3[%add3A_216, %dma_wait3A_294] : memref<2048x80xi32, #tpu.memory_space<hbm>> -> memref<32x80xi32, #tpu.memory_space<hbm>>
      %dma_wait3A_296 = arith.constant 0 : i32
      %dma_wait3A_297 = tpu.memref_slice %arg3[%add3A_216, %dma_wait3A_296] : memref<2048x80xi32, #tpu.memory_space<hbm>> -> memref<32x80xi32, #tpu.memory_space<hbm>>
      tpu.wait_dma2 semaphore(%run_scoped3A : memref<!tpu.dma_semaphore, #tpu.memory_space<semaphore_mem>>) src(%dma_wait3A_297 : memref<32x80xi32, #tpu.memory_space<hbm>>) dst(%arg7 : memref<32x80xi32, #tpu.memory_space<vmem>>)
      tpu.yield
    }) : () -> ()
    "tpu.region"() ({
      %run_scoped3A = tpu.sem_alloc : memref<!tpu.dma_semaphore, #tpu.memory_space<semaphore_mem>>
      %dma_start3A_290 = arith.constant 0 : i32
      %dma_start3A_291 = tpu.memref_slice %arg4[%add3A_216, %dma_start3A_290] : memref<2048x80xi32, #tpu.memory_space<hbm>> -> memref<32x80xi32, #tpu.memory_space<hbm>>
      %dma_start3A_292 = arith.constant 0 : i32
      %dma_start3A_293 = tpu.memref_slice %arg4[%add3A_216, %dma_start3A_292] : memref<2048x80xi32, #tpu.memory_space<hbm>> -> memref<32x80xi32, #tpu.memory_space<hbm>>
      tpu.enqueue_dma source(%dma_start3A_293 : memref<32x80xi32, #tpu.memory_space<hbm>>) target(%arg8 : memref<32x80xi32, #tpu.memory_space<vmem>>) target_semaphore(%run_scoped3A : memref<!tpu.dma_semaphore, #tpu.memory_space<semaphore_mem>>)
      %dma_wait3A_294 = arith.constant 0 : i32
      %dma_wait3A_295 = tpu.memref_slice %arg4[%add3A_216, %dma_wait3A_294] : memref<2048x80xi32, #tpu.memory_space<hbm>> -> memref<32x80xi32, #tpu.memory_space<hbm>>
      %dma_wait3A_296 = arith.constant 0 : i32
      %dma_wait3A_297 = tpu.memref_slice %arg4[%add3A_216, %dma_wait3A_296] : memref<2048x80xi32, #tpu.memory_space<hbm>> -> memref<32x80xi32, #tpu.memory_space<hbm>>
      tpu.wait_dma2 semaphore(%run_scoped3A : memref<!tpu.dma_semaphore, #tpu.memory_space<semaphore_mem>>) src(%dma_wait3A_297 : memref<32x80xi32, #tpu.memory_space<hbm>>) dst(%arg8 : memref<32x80xi32, #tpu.memory_space<vmem>>)
      tpu.yield
    }) : () -> ()
    %dma_start3A_217 = arith.constant 0 : i32
    %dma_start3A_218 = arith.constant 0 : i32
    %dma_start3A_219 = tpu.memref_slice %arg7[%dma_start3A_217, %dma_start3A_218] : memref<32x80xi32, #tpu.memory_space<vmem>> -> memref<1x80xi32, #tpu.memory_space<vmem>>
    %dma_start3A_220 = tpu.memref_squeeze %dma_start3A_219 : memref<1x80xi32, #tpu.memory_space<vmem>> -> memref<80xi32, #tpu.memory_space<vmem>>
    %dma_start3A_221 = arith.constant 0 : i32
    %dma_start3A_222 = arith.constant 0 : i32
    %dma_start3A_223 = tpu.memref_slice %arg2[%arg0, %dma_start3A_221, %dma_start3A_222] : memref<2x10112x128xf32, #tpu.memory_space<hbm>> -> memref<1x10112x128xf32, #tpu.memory_space<hbm>>
    %dma_start3A_224 = tpu.memref_squeeze %dma_start3A_223 : memref<1x10112x128xf32, #tpu.memory_space<hbm>> -> memref<10112x128xf32, #tpu.memory_space<hbm>>
    %dma_start3A_225 = arith.constant 0 : i32
    %dma_start3A_226 = arith.constant 0 : i32
    %dma_start3A_227 = tpu.memref_slice %dma_start3A_224[%dma_start3A_225, %dma_start3A_226] : memref<10112x128xf32, #tpu.memory_space<hbm>> -> memref<10112x128xf32, #tpu.memory_space<hbm>>
    tpu.enqueue_indirect_dma source(%dma_start3A_227 : memref<10112x128xf32, #tpu.memory_space<hbm>>) target(%arg9 : memref<80x128xf32, #tpu.memory_space<vmem>>) offsets(%dma_start3A_220 : memref<80xi32, #tpu.memory_space<vmem>>) semaphore(%arg14 : memref<!tpu.dma_semaphore, #tpu.memory_space<semaphore_mem>>)
    %dma_start3A_228 = arith.constant 1 : i32
    %dma_start3A_229 = arith.constant 0 : i32
    %dma_start3A_230 = tpu.memref_slice %arg7[%dma_start3A_228, %dma_start3A_229] : memref<32x80xi32, #tpu.memory_space<vmem>> -> memref<1x80xi32, #tpu.memory_space<vmem>>
    %dma_start3A_231 = tpu.memref_squeeze %dma_start3A_230 : memref<1x80xi32, #tpu.memory_space<vmem>> -> memref<80xi32, #tpu.memory_space<vmem>>
    %dma_start3A_232 = arith.constant 0 : i32
    %dma_start3A_233 = arith.constant 0 : i32
    %dma_start3A_234 = tpu.memref_slice %arg2[%arg0, %dma_start3A_232, %dma_start3A_233] : memref<2x10112x128xf32, #tpu.memory_space<hbm>> -> memref<1x10112x128xf32, #tpu.memory_space<hbm>>
    %dma_start3A_235 = tpu.memref_squeeze %dma_start3A_234 : memref<1x10112x128xf32, #tpu.memory_space<hbm>> -> memref<10112x128xf32, #tpu.memory_space<hbm>>
    %dma_start3A_236 = arith.constant 0 : i32
    %dma_start3A_237 = arith.constant 0 : i32
    %dma_start3A_238 = tpu.memref_slice %dma_start3A_235[%dma_start3A_236, %dma_start3A_237] : memref<10112x128xf32, #tpu.memory_space<hbm>> -> memref<10112x128xf32, #tpu.memory_space<hbm>>
    tpu.enqueue_indirect_dma source(%dma_start3A_238 : memref<10112x128xf32, #tpu.memory_space<hbm>>) target(%arg10 : memref<80x128xf32, #tpu.memory_space<vmem>>) offsets(%dma_start3A_231 : memref<80xi32, #tpu.memory_space<vmem>>) semaphore(%arg15 : memref<!tpu.dma_semaphore, #tpu.memory_space<semaphore_mem>>)
    %dma_start3A_239 = arith.constant 2 : i32
    %dma_start3A_240 = arith.constant 0 : i32
    %dma_start3A_241 = tpu.memref_slice %arg7[%dma_start3A_239, %dma_start3A_240] : memref<32x80xi32, #tpu.memory_space<vmem>> -> memref<1x80xi32, #tpu.memory_space<vmem>>
    %dma_start3A_242 = tpu.memref_squeeze %dma_start3A_241 : memref<1x80xi32, #tpu.memory_space<vmem>> -> memref<80xi32, #tpu.memory_space<vmem>>
    %dma_start3A_243 = arith.constant 0 : i32
    %dma_start3A_244 = arith.constant 0 : i32
    %dma_start3A_245 = tpu.memref_slice %arg2[%arg0, %dma_start3A_243, %dma_start3A_244] : memref<2x10112x128xf32, #tpu.memory_space<hbm>> -> memref<1x10112x128xf32, #tpu.memory_space<hbm>>
    %dma_start3A_246 = tpu.memref_squeeze %dma_start3A_245 : memref<1x10112x128xf32, #tpu.memory_space<hbm>> -> memref<10112x128xf32, #tpu.memory_space<hbm>>
    %dma_start3A_247 = arith.constant 0 : i32
    %dma_start3A_248 = arith.constant 0 : i32
    %dma_start3A_249 = tpu.memref_slice %dma_start3A_246[%dma_start3A_247, %dma_start3A_248] : memref<10112x128xf32, #tpu.memory_space<hbm>> -> memref<10112x128xf32, #tpu.memory_space<hbm>>
    tpu.enqueue_indirect_dma source(%dma_start3A_249 : memref<10112x128xf32, #tpu.memory_space<hbm>>) target(%arg11 : memref<80x128xf32, #tpu.memory_space<vmem>>) offsets(%dma_start3A_242 : memref<80xi32, #tpu.memory_space<vmem>>) semaphore(%arg16 : memref<!tpu.dma_semaphore, #tpu.memory_space<semaphore_mem>>)
    %scan3A_250 = arith.constant 0 : i32
    %scan3A_251 = arith.constant 0 : i32
    %scan3A_252 = arith.constant 32 : i32
    %scan3A_253 = arith.addi %scan3A_251, %scan3A_252 : i32
    %scan3A_254 = arith.constant 1 : i32
    %scan3A_255 = scf.for %scan3A_290 = %scan3A_251 to %scan3A_253 step %scan3A_254 iter_args(%scan3A_291 = %scan3A_250) -> (i32)  : i32 {
      %add3A_292 = arith.constant 3 : i32
      %add3A_293 = arith.addi %scan3A_290, %add3A_292 : i32
      %rem3A = arith.constant 4 : i32
      %rem3A_294 = arith.remsi %add3A_293, %rem3A : i32
      %rem3A_295 = arith.constant 4 : i32
      %rem3A_296 = arith.remsi %scan3A_290, %rem3A_295 : i32
      %eq3A = arith.constant 0 : i32
      %eq3A_297 = arith.cmpi eq, %rem3A_294, %eq3A : i32
      %lt3A = arith.constant 29 : i32
      %lt3A_298 = arith.cmpi slt, %scan3A_290, %lt3A : i32
      %and3A = arith.andi %eq3A_297, %lt3A_298 : i1
      %convert_element_type3A = arith.extui %and3A : i1 to i32
      %cond3A = arith.constant 0 : i32
      %cond3A_299 = arith.cmpi ne, %convert_element_type3A, %cond3A : i32
      scf.if %cond3A_299 {
        %ge3A = arith.constant 1 : i32
        %ge3A_345 = arith.cmpi sge, %scan3A_290, %ge3A : i32
        %convert_element_type3A_346 = arith.extui %ge3A_345 : i1 to i32
        %cond3A_347 = arith.constant 0 : i32
        %cond3A_348 = arith.cmpi ne, %convert_element_type3A_346, %cond3A_347 : i32
        scf.if %cond3A_348 {
          %dma_wait3A_361 = arith.constant 0 : i32
          %dma_wait3A_362 = arith.constant 0 : i32
          %dma_wait3A_363 = tpu.memref_slice %arg8[%dma_wait3A_361, %dma_wait3A_362] : memref<32x80xi32, #tpu.memory_space<vmem>> -> memref<1x80xi32, #tpu.memory_space<vmem>>
          %dma_wait3A_364 = tpu.memref_squeeze %dma_wait3A_363 : memref<1x80xi32, #tpu.memory_space<vmem>> -> memref<80xi32, #tpu.memory_space<vmem>>
          %dma_wait3A_365 = arith.constant 0 : i32
          %dma_wait3A_366 = arith.constant 0 : i32
          %dma_wait3A_367 = tpu.memref_slice %arg13[%dma_wait3A_365, %dma_wait3A_366] : memref<10112x128xf32, #tpu.memory_space<vmem_shared>> -> memref<10112x128xf32, #tpu.memory_space<vmem_shared>>
          tpu.wait_indirect_dma semaphore(%arg18 : memref<!tpu.dma_semaphore, #tpu.memory_space<semaphore_mem>>) src(%arg9 : memref<80x128xf32, #tpu.memory_space<vmem>>) dst(%dma_wait3A_367 : memref<10112x128xf32, #tpu.memory_space<vmem_shared>>)
        } else {
        }
        %add3A_349 = arith.constant 3 : i32
        %add3A_350 = arith.addi %scan3A_290, %add3A_349 : i32
        %dma_start3A_351 = arith.constant 0 : i32
        %dma_start3A_352 = tpu.memref_slice %arg7[%add3A_350, %dma_start3A_351] : memref<32x80xi32, #tpu.memory_space<vmem>> -> memref<1x80xi32, #tpu.memory_space<vmem>>
        %dma_start3A_353 = tpu.memref_squeeze %dma_start3A_352 : memref<1x80xi32, #tpu.memory_space<vmem>> -> memref<80xi32, #tpu.memory_space<vmem>>
        %dma_start3A_354 = arith.constant 0 : i32
        %dma_start3A_355 = arith.constant 0 : i32
        %dma_start3A_356 = tpu.memref_slice %arg2[%arg0, %dma_start3A_354, %dma_start3A_355] : memref<2x10112x128xf32, #tpu.memory_space<hbm>> -> memref<1x10112x128xf32, #tpu.memory_space<hbm>>
        %dma_start3A_357 = tpu.memref_squeeze %dma_start3A_356 : memref<1x10112x128xf32, #tpu.memory_space<hbm>> -> memref<10112x128xf32, #tpu.memory_space<hbm>>
        %dma_start3A_358 = arith.constant 0 : i32
        %dma_start3A_359 = arith.constant 0 : i32
        %dma_start3A_360 = tpu.memref_slice %dma_start3A_357[%dma_start3A_358, %dma_start3A_359] : memref<10112x128xf32, #tpu.memory_space<hbm>> -> memref<10112x128xf32, #tpu.memory_space<hbm>>
        tpu.enqueue_indirect_dma source(%dma_start3A_360 : memref<10112x128xf32, #tpu.memory_space<hbm>>) target(%arg9 : memref<80x128xf32, #tpu.memory_space<vmem>>) offsets(%dma_start3A_353 : memref<80xi32, #tpu.memory_space<vmem>>) semaphore(%arg14 : memref<!tpu.dma_semaphore, #tpu.memory_space<semaphore_mem>>)
      } else {
      }
      %eq3A_300 = arith.constant 1 : i32
      %eq3A_301 = arith.cmpi eq, %rem3A_294, %eq3A_300 : i32
      %lt3A_302 = arith.constant 29 : i32
      %lt3A_303 = arith.cmpi slt, %scan3A_290, %lt3A_302 : i32
      %and3A_304 = arith.andi %eq3A_301, %lt3A_303 : i1
      %convert_element_type3A_305 = arith.extui %and3A_304 : i1 to i32
      %cond3A_306 = arith.constant 0 : i32
      %cond3A_307 = arith.cmpi ne, %convert_element_type3A_305, %cond3A_306 : i32
      scf.if %cond3A_307 {
        %ge3A = arith.constant 1 : i32
        %ge3A_345 = arith.cmpi sge, %scan3A_290, %ge3A : i32
        %convert_element_type3A_346 = arith.extui %ge3A_345 : i1 to i32
        %cond3A_347 = arith.constant 0 : i32
        %cond3A_348 = arith.cmpi ne, %convert_element_type3A_346, %cond3A_347 : i32
        scf.if %cond3A_348 {
          %dma_wait3A_361 = arith.constant 0 : i32
          %dma_wait3A_362 = arith.constant 0 : i32
          %dma_wait3A_363 = tpu.memref_slice %arg8[%dma_wait3A_361, %dma_wait3A_362] : memref<32x80xi32, #tpu.memory_space<vmem>> -> memref<1x80xi32, #tpu.memory_space<vmem>>
          %dma_wait3A_364 = tpu.memref_squeeze %dma_wait3A_363 : memref<1x80xi32, #tpu.memory_space<vmem>> -> memref<80xi32, #tpu.memory_space<vmem>>
          %dma_wait3A_365 = arith.constant 0 : i32
          %dma_wait3A_366 = arith.constant 0 : i32
          %dma_wait3A_367 = tpu.memref_slice %arg13[%dma_wait3A_365, %dma_wait3A_366] : memref<10112x128xf32, #tpu.memory_space<vmem_shared>> -> memref<10112x128xf32, #tpu.memory_space<vmem_shared>>
          tpu.wait_indirect_dma semaphore(%arg19 : memref<!tpu.dma_semaphore, #tpu.memory_space<semaphore_mem>>) src(%arg10 : memref<80x128xf32, #tpu.memory_space<vmem>>) dst(%dma_wait3A_367 : memref<10112x128xf32, #tpu.memory_space<vmem_shared>>)
        } else {
        }
        %add3A_349 = arith.constant 3 : i32
        %add3A_350 = arith.addi %scan3A_290, %add3A_349 : i32
        %dma_start3A_351 = arith.constant 0 : i32
        %dma_start3A_352 = tpu.memref_slice %arg7[%add3A_350, %dma_start3A_351] : memref<32x80xi32, #tpu.memory_space<vmem>> -> memref<1x80xi32, #tpu.memory_space<vmem>>
        %dma_start3A_353 = tpu.memref_squeeze %dma_start3A_352 : memref<1x80xi32, #tpu.memory_space<vmem>> -> memref<80xi32, #tpu.memory_space<vmem>>
        %dma_start3A_354 = arith.constant 0 : i32
        %dma_start3A_355 = arith.constant 0 : i32
        %dma_start3A_356 = tpu.memref_slice %arg2[%arg0, %dma_start3A_354, %dma_start3A_355] : memref<2x10112x128xf32, #tpu.memory_space<hbm>> -> memref<1x10112x128xf32, #tpu.memory_space<hbm>>
        %dma_start3A_357 = tpu.memref_squeeze %dma_start3A_356 : memref<1x10112x128xf32, #tpu.memory_space<hbm>> -> memref<10112x128xf32, #tpu.memory_space<hbm>>
        %dma_start3A_358 = arith.constant 0 : i32
        %dma_start3A_359 = arith.constant 0 : i32
        %dma_start3A_360 = tpu.memref_slice %dma_start3A_357[%dma_start3A_358, %dma_start3A_359] : memref<10112x128xf32, #tpu.memory_space<hbm>> -> memref<10112x128xf32, #tpu.memory_space<hbm>>
        tpu.enqueue_indirect_dma source(%dma_start3A_360 : memref<10112x128xf32, #tpu.memory_space<hbm>>) target(%arg10 : memref<80x128xf32, #tpu.memory_space<vmem>>) offsets(%dma_start3A_353 : memref<80xi32, #tpu.memory_space<vmem>>) semaphore(%arg15 : memref<!tpu.dma_semaphore, #tpu.memory_space<semaphore_mem>>)
      } else {
      }
      %eq3A_308 = arith.constant 2 : i32
      %eq3A_309 = arith.cmpi eq, %rem3A_294, %eq3A_308 : i32
      %lt3A_310 = arith.constant 29 : i32
      %lt3A_311 = arith.cmpi slt, %scan3A_290, %lt3A_310 : i32
      %and3A_312 = arith.andi %eq3A_309, %lt3A_311 : i1
      %convert_element_type3A_313 = arith.extui %and3A_312 : i1 to i32
      %cond3A_314 = arith.constant 0 : i32
      %cond3A_315 = arith.cmpi ne, %convert_element_type3A_313, %cond3A_314 : i32
      scf.if %cond3A_315 {
        %ge3A = arith.constant 1 : i32
        %ge3A_345 = arith.cmpi sge, %scan3A_290, %ge3A : i32
        %convert_element_type3A_346 = arith.extui %ge3A_345 : i1 to i32
        %cond3A_347 = arith.constant 0 : i32
        %cond3A_348 = arith.cmpi ne, %convert_element_type3A_346, %cond3A_347 : i32
        scf.if %cond3A_348 {
          %dma_wait3A_361 = arith.constant 0 : i32
          %dma_wait3A_362 = arith.constant 0 : i32
          %dma_wait3A_363 = tpu.memref_slice %arg8[%dma_wait3A_361, %dma_wait3A_362] : memref<32x80xi32, #tpu.memory_space<vmem>> -> memref<1x80xi32, #tpu.memory_space<vmem>>
          %dma_wait3A_364 = tpu.memref_squeeze %dma_wait3A_363 : memref<1x80xi32, #tpu.memory_space<vmem>> -> memref<80xi32, #tpu.memory_space<vmem>>
          %dma_wait3A_365 = arith.constant 0 : i32
          %dma_wait3A_366 = arith.constant 0 : i32
          %dma_wait3A_367 = tpu.memref_slice %arg13[%dma_wait3A_365, %dma_wait3A_366] : memref<10112x128xf32, #tpu.memory_space<vmem_shared>> -> memref<10112x128xf32, #tpu.memory_space<vmem_shared>>
          tpu.wait_indirect_dma semaphore(%arg20 : memref<!tpu.dma_semaphore, #tpu.memory_space<semaphore_mem>>) src(%arg11 : memref<80x128xf32, #tpu.memory_space<vmem>>) dst(%dma_wait3A_367 : memref<10112x128xf32, #tpu.memory_space<vmem_shared>>)
        } else {
        }
        %add3A_349 = arith.constant 3 : i32
        %add3A_350 = arith.addi %scan3A_290, %add3A_349 : i32
        %dma_start3A_351 = arith.constant 0 : i32
        %dma_start3A_352 = tpu.memref_slice %arg7[%add3A_350, %dma_start3A_351] : memref<32x80xi32, #tpu.memory_space<vmem>> -> memref<1x80xi32, #tpu.memory_space<vmem>>
        %dma_start3A_353 = tpu.memref_squeeze %dma_start3A_352 : memref<1x80xi32, #tpu.memory_space<vmem>> -> memref<80xi32, #tpu.memory_space<vmem>>
        %dma_start3A_354 = arith.constant 0 : i32
        %dma_start3A_355 = arith.constant 0 : i32
        %dma_start3A_356 = tpu.memref_slice %arg2[%arg0, %dma_start3A_354, %dma_start3A_355] : memref<2x10112x128xf32, #tpu.memory_space<hbm>> -> memref<1x10112x128xf32, #tpu.memory_space<hbm>>
        %dma_start3A_357 = tpu.memref_squeeze %dma_start3A_356 : memref<1x10112x128xf32, #tpu.memory_space<hbm>> -> memref<10112x128xf32, #tpu.memory_space<hbm>>
        %dma_start3A_358 = arith.constant 0 : i32
        %dma_start3A_359 = arith.constant 0 : i32
        %dma_start3A_360 = tpu.memref_slice %dma_start3A_357[%dma_start3A_358, %dma_start3A_359] : memref<10112x128xf32, #tpu.memory_space<hbm>> -> memref<10112x128xf32, #tpu.memory_space<hbm>>
        tpu.enqueue_indirect_dma source(%dma_start3A_360 : memref<10112x128xf32, #tpu.memory_space<hbm>>) target(%arg11 : memref<80x128xf32, #tpu.memory_space<vmem>>) offsets(%dma_start3A_353 : memref<80xi32, #tpu.memory_space<vmem>>) semaphore(%arg16 : memref<!tpu.dma_semaphore, #tpu.memory_space<semaphore_mem>>)
      } else {
      }
      %eq3A_316 = arith.constant 3 : i32
      %eq3A_317 = arith.cmpi eq, %rem3A_294, %eq3A_316 : i32
      %lt3A_318 = arith.constant 29 : i32
      %lt3A_319 = arith.cmpi slt, %scan3A_290, %lt3A_318 : i32
      %and3A_320 = arith.andi %eq3A_317, %lt3A_319 : i1
      %convert_element_type3A_321 = arith.extui %and3A_320 : i1 to i32
      %cond3A_322 = arith.constant 0 : i32
      %cond3A_323 = arith.cmpi ne, %convert_element_type3A_321, %cond3A_322 : i32
      scf.if %cond3A_323 {
        %ge3A = arith.constant 1 : i32
        %ge3A_345 = arith.cmpi sge, %scan3A_290, %ge3A : i32
        %convert_element_type3A_346 = arith.extui %ge3A_345 : i1 to i32
        %cond3A_347 = arith.constant 0 : i32
        %cond3A_348 = arith.cmpi ne, %convert_element_type3A_346, %cond3A_347 : i32
        scf.if %cond3A_348 {
          %dma_wait3A_361 = arith.constant 0 : i32
          %dma_wait3A_362 = arith.constant 0 : i32
          %dma_wait3A_363 = tpu.memref_slice %arg8[%dma_wait3A_361, %dma_wait3A_362] : memref<32x80xi32, #tpu.memory_space<vmem>> -> memref<1x80xi32, #tpu.memory_space<vmem>>
          %dma_wait3A_364 = tpu.memref_squeeze %dma_wait3A_363 : memref<1x80xi32, #tpu.memory_space<vmem>> -> memref<80xi32, #tpu.memory_space<vmem>>
          %dma_wait3A_365 = arith.constant 0 : i32
          %dma_wait3A_366 = arith.constant 0 : i32
          %dma_wait3A_367 = tpu.memref_slice %arg13[%dma_wait3A_365, %dma_wait3A_366] : memref<10112x128xf32, #tpu.memory_space<vmem_shared>> -> memref<10112x128xf32, #tpu.memory_space<vmem_shared>>
          tpu.wait_indirect_dma semaphore(%arg21 : memref<!tpu.dma_semaphore, #tpu.memory_space<semaphore_mem>>) src(%arg12 : memref<80x128xf32, #tpu.memory_space<vmem>>) dst(%dma_wait3A_367 : memref<10112x128xf32, #tpu.memory_space<vmem_shared>>)
        } else {
        }
        %add3A_349 = arith.constant 3 : i32
        %add3A_350 = arith.addi %scan3A_290, %add3A_349 : i32
        %dma_start3A_351 = arith.constant 0 : i32
        %dma_start3A_352 = tpu.memref_slice %arg7[%add3A_350, %dma_start3A_351] : memref<32x80xi32, #tpu.memory_space<vmem>> -> memref<1x80xi32, #tpu.memory_space<vmem>>
        %dma_start3A_353 = tpu.memref_squeeze %dma_start3A_352 : memref<1x80xi32, #tpu.memory_space<vmem>> -> memref<80xi32, #tpu.memory_space<vmem>>
        %dma_start3A_354 = arith.constant 0 : i32
        %dma_start3A_355 = arith.constant 0 : i32
        %dma_start3A_356 = tpu.memref_slice %arg2[%arg0, %dma_start3A_354, %dma_start3A_355] : memref<2x10112x128xf32, #tpu.memory_space<hbm>> -> memref<1x10112x128xf32, #tpu.memory_space<hbm>>
        %dma_start3A_357 = tpu.memref_squeeze %dma_start3A_356 : memref<1x10112x128xf32, #tpu.memory_space<hbm>> -> memref<10112x128xf32, #tpu.memory_space<hbm>>
        %dma_start3A_358 = arith.constant 0 : i32
        %dma_start3A_359 = arith.constant 0 : i32
        %dma_start3A_360 = tpu.memref_slice %dma_start3A_357[%dma_start3A_358, %dma_start3A_359] : memref<10112x128xf32, #tpu.memory_space<hbm>> -> memref<10112x128xf32, #tpu.memory_space<hbm>>
        tpu.enqueue_indirect_dma source(%dma_start3A_360 : memref<10112x128xf32, #tpu.memory_space<hbm>>) target(%arg12 : memref<80x128xf32, #tpu.memory_space<vmem>>) offsets(%dma_start3A_353 : memref<80xi32, #tpu.memory_space<vmem>>) semaphore(%arg17 : memref<!tpu.dma_semaphore, #tpu.memory_space<semaphore_mem>>)
      } else {
      }
      %eq3A_324 = arith.constant 0 : i32
      %eq3A_325 = arith.cmpi eq, %rem3A_296, %eq3A_324 : i32
      %convert_element_type3A_326 = arith.extui %eq3A_325 : i1 to i32
      %cond3A_327 = arith.constant 0 : i32
      %cond3A_328 = arith.cmpi ne, %convert_element_type3A_326, %cond3A_327 : i32
      scf.if %cond3A_328 {
        %dma_wait3A_345 = arith.constant 0 : i32
        %dma_wait3A_346 = tpu.memref_slice %arg7[%scan3A_290, %dma_wait3A_345] : memref<32x80xi32, #tpu.memory_space<vmem>> -> memref<1x80xi32, #tpu.memory_space<vmem>>
        %dma_wait3A_347 = tpu.memref_squeeze %dma_wait3A_346 : memref<1x80xi32, #tpu.memory_space<vmem>> -> memref<80xi32, #tpu.memory_space<vmem>>
        %dma_wait3A_348 = arith.constant 0 : i32
        %dma_wait3A_349 = arith.constant 0 : i32
        %dma_wait3A_350 = tpu.memref_slice %arg2[%arg0, %dma_wait3A_348, %dma_wait3A_349] : memref<2x10112x128xf32, #tpu.memory_space<hbm>> -> memref<1x10112x128xf32, #tpu.memory_space<hbm>>
        %dma_wait3A_351 = tpu.memref_squeeze %dma_wait3A_350 : memref<1x10112x128xf32, #tpu.memory_space<hbm>> -> memref<10112x128xf32, #tpu.memory_space<hbm>>
        %dma_wait3A_352 = arith.constant 0 : i32
        %dma_wait3A_353 = arith.constant 0 : i32
        %dma_wait3A_354 = tpu.memref_slice %dma_wait3A_351[%dma_wait3A_352, %dma_wait3A_353] : memref<10112x128xf32, #tpu.memory_space<hbm>> -> memref<10112x128xf32, #tpu.memory_space<hbm>>
        tpu.wait_indirect_dma semaphore(%arg14 : memref<!tpu.dma_semaphore, #tpu.memory_space<semaphore_mem>>) src(%dma_wait3A_354 : memref<10112x128xf32, #tpu.memory_space<hbm>>) dst(%arg9 : memref<80x128xf32, #tpu.memory_space<vmem>>)
        %dma_start3A_355 = arith.constant 0 : i32
        %dma_start3A_356 = tpu.memref_slice %arg8[%scan3A_290, %dma_start3A_355] : memref<32x80xi32, #tpu.memory_space<vmem>> -> memref<1x80xi32, #tpu.memory_space<vmem>>
        %dma_start3A_357 = tpu.memref_squeeze %dma_start3A_356 : memref<1x80xi32, #tpu.memory_space<vmem>> -> memref<80xi32, #tpu.memory_space<vmem>>
        %dma_start3A_358 = arith.constant 0 : i32
        %dma_start3A_359 = arith.constant 0 : i32
        %dma_start3A_360 = tpu.memref_slice %arg13[%dma_start3A_358, %dma_start3A_359] : memref<10112x128xf32, #tpu.memory_space<vmem_shared>> -> memref<10112x128xf32, #tpu.memory_space<vmem_shared>>
        tpu.enqueue_indirect_dma source(%arg9 : memref<80x128xf32, #tpu.memory_space<vmem>>) target(%dma_start3A_360 : memref<10112x128xf32, #tpu.memory_space<vmem_shared>>) offsets(%dma_start3A_357 : memref<80xi32, #tpu.memory_space<vmem>>) semaphore(%arg18 : memref<!tpu.dma_semaphore, #tpu.memory_space<semaphore_mem>>) {add = true}
      } else {
      }
      %eq3A_329 = arith.constant 1 : i32
      %eq3A_330 = arith.cmpi eq, %rem3A_296, %eq3A_329 : i32
      %convert_element_type3A_331 = arith.extui %eq3A_330 : i1 to i32
      %cond3A_332 = arith.constant 0 : i32
      %cond3A_333 = arith.cmpi ne, %convert_element_type3A_331, %cond3A_332 : i32
      scf.if %cond3A_333 {
        %dma_wait3A_345 = arith.constant 0 : i32
        %dma_wait3A_346 = tpu.memref_slice %arg7[%scan3A_290, %dma_wait3A_345] : memref<32x80xi32, #tpu.memory_space<vmem>> -> memref<1x80xi32, #tpu.memory_space<vmem>>
        %dma_wait3A_347 = tpu.memref_squeeze %dma_wait3A_346 : memref<1x80xi32, #tpu.memory_space<vmem>> -> memref<80xi32, #tpu.memory_space<vmem>>
        %dma_wait3A_348 = arith.constant 0 : i32
        %dma_wait3A_349 = arith.constant 0 : i32
        %dma_wait3A_350 = tpu.memref_slice %arg2[%arg0, %dma_wait3A_348, %dma_wait3A_349] : memref<2x10112x128xf32, #tpu.memory_space<hbm>> -> memref<1x10112x128xf32, #tpu.memory_space<hbm>>
        %dma_wait3A_351 = tpu.memref_squeeze %dma_wait3A_350 : memref<1x10112x128xf32, #tpu.memory_space<hbm>> -> memref<10112x128xf32, #tpu.memory_space<hbm>>
        %dma_wait3A_352 = arith.constant 0 : i32
        %dma_wait3A_353 = arith.constant 0 : i32
        %dma_wait3A_354 = tpu.memref_slice %dma_wait3A_351[%dma_wait3A_352, %dma_wait3A_353] : memref<10112x128xf32, #tpu.memory_space<hbm>> -> memref<10112x128xf32, #tpu.memory_space<hbm>>
        tpu.wait_indirect_dma semaphore(%arg15 : memref<!tpu.dma_semaphore, #tpu.memory_space<semaphore_mem>>) src(%dma_wait3A_354 : memref<10112x128xf32, #tpu.memory_space<hbm>>) dst(%arg10 : memref<80x128xf32, #tpu.memory_space<vmem>>)
        %dma_start3A_355 = arith.constant 0 : i32
        %dma_start3A_356 = tpu.memref_slice %arg8[%scan3A_290, %dma_start3A_355] : memref<32x80xi32, #tpu.memory_space<vmem>> -> memref<1x80xi32, #tpu.memory_space<vmem>>
        %dma_start3A_357 = tpu.memref_squeeze %dma_start3A_356 : memref<1x80xi32, #tpu.memory_space<vmem>> -> memref<80xi32, #tpu.memory_space<vmem>>
        %dma_start3A_358 = arith.constant 0 : i32
        %dma_start3A_359 = arith.constant 0 : i32
        %dma_start3A_360 = tpu.memref_slice %arg13[%dma_start3A_358, %dma_start3A_359] : memref<10112x128xf32, #tpu.memory_space<vmem_shared>> -> memref<10112x128xf32, #tpu.memory_space<vmem_shared>>
        tpu.enqueue_indirect_dma source(%arg10 : memref<80x128xf32, #tpu.memory_space<vmem>>) target(%dma_start3A_360 : memref<10112x128xf32, #tpu.memory_space<vmem_shared>>) offsets(%dma_start3A_357 : memref<80xi32, #tpu.memory_space<vmem>>) semaphore(%arg19 : memref<!tpu.dma_semaphore, #tpu.memory_space<semaphore_mem>>) {add = true}
      } else {
      }
      %eq3A_334 = arith.constant 2 : i32
      %eq3A_335 = arith.cmpi eq, %rem3A_296, %eq3A_334 : i32
      %convert_element_type3A_336 = arith.extui %eq3A_335 : i1 to i32
      %cond3A_337 = arith.constant 0 : i32
      %cond3A_338 = arith.cmpi ne, %convert_element_type3A_336, %cond3A_337 : i32
      scf.if %cond3A_338 {
        %dma_wait3A_345 = arith.constant 0 : i32
        %dma_wait3A_346 = tpu.memref_slice %arg7[%scan3A_290, %dma_wait3A_345] : memref<32x80xi32, #tpu.memory_space<vmem>> -> memref<1x80xi32, #tpu.memory_space<vmem>>
        %dma_wait3A_347 = tpu.memref_squeeze %dma_wait3A_346 : memref<1x80xi32, #tpu.memory_space<vmem>> -> memref<80xi32, #tpu.memory_space<vmem>>
        %dma_wait3A_348 = arith.constant 0 : i32
        %dma_wait3A_349 = arith.constant 0 : i32
        %dma_wait3A_350 = tpu.memref_slice %arg2[%arg0, %dma_wait3A_348, %dma_wait3A_349] : memref<2x10112x128xf32, #tpu.memory_space<hbm>> -> memref<1x10112x128xf32, #tpu.memory_space<hbm>>
        %dma_wait3A_351 = tpu.memref_squeeze %dma_wait3A_350 : memref<1x10112x128xf32, #tpu.memory_space<hbm>> -> memref<10112x128xf32, #tpu.memory_space<hbm>>
        %dma_wait3A_352 = arith.constant 0 : i32
        %dma_wait3A_353 = arith.constant 0 : i32
        %dma_wait3A_354 = tpu.memref_slice %dma_wait3A_351[%dma_wait3A_352, %dma_wait3A_353] : memref<10112x128xf32, #tpu.memory_space<hbm>> -> memref<10112x128xf32, #tpu.memory_space<hbm>>
        tpu.wait_indirect_dma semaphore(%arg16 : memref<!tpu.dma_semaphore, #tpu.memory_space<semaphore_mem>>) src(%dma_wait3A_354 : memref<10112x128xf32, #tpu.memory_space<hbm>>) dst(%arg11 : memref<80x128xf32, #tpu.memory_space<vmem>>)
        %dma_start3A_355 = arith.constant 0 : i32
        %dma_start3A_356 = tpu.memref_slice %arg8[%scan3A_290, %dma_start3A_355] : memref<32x80xi32, #tpu.memory_space<vmem>> -> memref<1x80xi32, #tpu.memory_space<vmem>>
        %dma_start3A_357 = tpu.memref_squeeze %dma_start3A_356 : memref<1x80xi32, #tpu.memory_space<vmem>> -> memref<80xi32, #tpu.memory_space<vmem>>
        %dma_start3A_358 = arith.constant 0 : i32
        %dma_start3A_359 = arith.constant 0 : i32
        %dma_start3A_360 = tpu.memref_slice %arg13[%dma_start3A_358, %dma_start3A_359] : memref<10112x128xf32, #tpu.memory_space<vmem_shared>> -> memref<10112x128xf32, #tpu.memory_space<vmem_shared>>
        tpu.enqueue_indirect_dma source(%arg11 : memref<80x128xf32, #tpu.memory_space<vmem>>) target(%dma_start3A_360 : memref<10112x128xf32, #tpu.memory_space<vmem_shared>>) offsets(%dma_start3A_357 : memref<80xi32, #tpu.memory_space<vmem>>) semaphore(%arg20 : memref<!tpu.dma_semaphore, #tpu.memory_space<semaphore_mem>>) {add = true}
      } else {
      }
      %eq3A_339 = arith.constant 3 : i32
      %eq3A_340 = arith.cmpi eq, %rem3A_296, %eq3A_339 : i32
      %convert_element_type3A_341 = arith.extui %eq3A_340 : i1 to i32
      %cond3A_342 = arith.constant 0 : i32
      %cond3A_343 = arith.cmpi ne, %convert_element_type3A_341, %cond3A_342 : i32
      scf.if %cond3A_343 {
        %dma_wait3A_345 = arith.constant 0 : i32
        %dma_wait3A_346 = tpu.memref_slice %arg7[%scan3A_290, %dma_wait3A_345] : memref<32x80xi32, #tpu.memory_space<vmem>> -> memref<1x80xi32, #tpu.memory_space<vmem>>
        %dma_wait3A_347 = tpu.memref_squeeze %dma_wait3A_346 : memref<1x80xi32, #tpu.memory_space<vmem>> -> memref<80xi32, #tpu.memory_space<vmem>>
        %dma_wait3A_348 = arith.constant 0 : i32
        %dma_wait3A_349 = arith.constant 0 : i32
        %dma_wait3A_350 = tpu.memref_slice %arg2[%arg0, %dma_wait3A_348, %dma_wait3A_349] : memref<2x10112x128xf32, #tpu.memory_space<hbm>> -> memref<1x10112x128xf32, #tpu.memory_space<hbm>>
        %dma_wait3A_351 = tpu.memref_squeeze %dma_wait3A_350 : memref<1x10112x128xf32, #tpu.memory_space<hbm>> -> memref<10112x128xf32, #tpu.memory_space<hbm>>
        %dma_wait3A_352 = arith.constant 0 : i32
        %dma_wait3A_353 = arith.constant 0 : i32
        %dma_wait3A_354 = tpu.memref_slice %dma_wait3A_351[%dma_wait3A_352, %dma_wait3A_353] : memref<10112x128xf32, #tpu.memory_space<hbm>> -> memref<10112x128xf32, #tpu.memory_space<hbm>>
        tpu.wait_indirect_dma semaphore(%arg17 : memref<!tpu.dma_semaphore, #tpu.memory_space<semaphore_mem>>) src(%dma_wait3A_354 : memref<10112x128xf32, #tpu.memory_space<hbm>>) dst(%arg12 : memref<80x128xf32, #tpu.memory_space<vmem>>)
        %dma_start3A_355 = arith.constant 0 : i32
        %dma_start3A_356 = tpu.memref_slice %arg8[%scan3A_290, %dma_start3A_355] : memref<32x80xi32, #tpu.memory_space<vmem>> -> memref<1x80xi32, #tpu.memory_space<vmem>>
        %dma_start3A_357 = tpu.memref_squeeze %dma_start3A_356 : memref<1x80xi32, #tpu.memory_space<vmem>> -> memref<80xi32, #tpu.memory_space<vmem>>
        %dma_start3A_358 = arith.constant 0 : i32
        %dma_start3A_359 = arith.constant 0 : i32
        %dma_start3A_360 = tpu.memref_slice %arg13[%dma_start3A_358, %dma_start3A_359] : memref<10112x128xf32, #tpu.memory_space<vmem_shared>> -> memref<10112x128xf32, #tpu.memory_space<vmem_shared>>
        tpu.enqueue_indirect_dma source(%arg12 : memref<80x128xf32, #tpu.memory_space<vmem>>) target(%dma_start3A_360 : memref<10112x128xf32, #tpu.memory_space<vmem_shared>>) offsets(%dma_start3A_357 : memref<80xi32, #tpu.memory_space<vmem>>) semaphore(%arg21 : memref<!tpu.dma_semaphore, #tpu.memory_space<semaphore_mem>>) {add = true}
      } else {
      }
      %scan3A_344 = arith.constant 0 : i32
      scf.yield %scan3A_344 : i32
    }
    %scan3A_256 = arith.constant 32 : i32
    %dma_wait3A_257 = arith.constant 0 : i32
    %dma_wait3A_258 = arith.constant 0 : i32
    %dma_wait3A_259 = tpu.memref_slice %arg8[%dma_wait3A_257, %dma_wait3A_258] : memref<32x80xi32, #tpu.memory_space<vmem>> -> memref<1x80xi32, #tpu.memory_space<vmem>>
    %dma_wait3A_260 = tpu.memref_squeeze %dma_wait3A_259 : memref<1x80xi32, #tpu.memory_space<vmem>> -> memref<80xi32, #tpu.memory_space<vmem>>
    %dma_wait3A_261 = arith.constant 0 : i32
    %dma_wait3A_262 = arith.constant 0 : i32
    %dma_wait3A_263 = tpu.memref_slice %arg13[%dma_wait3A_261, %dma_wait3A_262] : memref<10112x128xf32, #tpu.memory_space<vmem_shared>> -> memref<10112x128xf32, #tpu.memory_space<vmem_shared>>
    tpu.wait_indirect_dma semaphore(%arg18 : memref<!tpu.dma_semaphore, #tpu.memory_space<semaphore_mem>>) src(%arg9 : memref<80x128xf32, #tpu.memory_space<vmem>>) dst(%dma_wait3A_263 : memref<10112x128xf32, #tpu.memory_space<vmem_shared>>)
    %dma_wait3A_264 = arith.constant 0 : i32
    %dma_wait3A_265 = arith.constant 0 : i32
    %dma_wait3A_266 = tpu.memref_slice %arg8[%dma_wait3A_264, %dma_wait3A_265] : memref<32x80xi32, #tpu.memory_space<vmem>> -> memref<1x80xi32, #tpu.memory_space<vmem>>
    %dma_wait3A_267 = tpu.memref_squeeze %dma_wait3A_266 : memref<1x80xi32, #tpu.memory_space<vmem>> -> memref<80xi32, #tpu.memory_space<vmem>>
    %dma_wait3A_268 = arith.constant 0 : i32
    %dma_wait3A_269 = arith.constant 0 : i32
    %dma_wait3A_270 = tpu.memref_slice %arg13[%dma_wait3A_268, %dma_wait3A_269] : memref<10112x128xf32, #tpu.memory_space<vmem_shared>> -> memref<10112x128xf32, #tpu.memory_space<vmem_shared>>
    tpu.wait_indirect_dma semaphore(%arg19 : memref<!tpu.dma_semaphore, #tpu.memory_space<semaphore_mem>>) src(%arg10 : memref<80x128xf32, #tpu.memory_space<vmem>>) dst(%dma_wait3A_270 : memref<10112x128xf32, #tpu.memory_space<vmem_shared>>)
    %dma_wait3A_271 = arith.constant 0 : i32
    %dma_wait3A_272 = arith.constant 0 : i32
    %dma_wait3A_273 = tpu.memref_slice %arg8[%dma_wait3A_271, %dma_wait3A_272] : memref<32x80xi32, #tpu.memory_space<vmem>> -> memref<1x80xi32, #tpu.memory_space<vmem>>
    %dma_wait3A_274 = tpu.memref_squeeze %dma_wait3A_273 : memref<1x80xi32, #tpu.memory_space<vmem>> -> memref<80xi32, #tpu.memory_space<vmem>>
    %dma_wait3A_275 = arith.constant 0 : i32
    %dma_wait3A_276 = arith.constant 0 : i32
    %dma_wait3A_277 = tpu.memref_slice %arg13[%dma_wait3A_275, %dma_wait3A_276] : memref<10112x128xf32, #tpu.memory_space<vmem_shared>> -> memref<10112x128xf32, #tpu.memory_space<vmem_shared>>
    tpu.wait_indirect_dma semaphore(%arg20 : memref<!tpu.dma_semaphore, #tpu.memory_space<semaphore_mem>>) src(%arg11 : memref<80x128xf32, #tpu.memory_space<vmem>>) dst(%dma_wait3A_277 : memref<10112x128xf32, #tpu.memory_space<vmem_shared>>)
    %dma_wait3A_278 = arith.constant 0 : i32
    %dma_wait3A_279 = arith.constant 0 : i32
    %dma_wait3A_280 = tpu.memref_slice %arg8[%dma_wait3A_278, %dma_wait3A_279] : memref<32x80xi32, #tpu.memory_space<vmem>> -> memref<1x80xi32, #tpu.memory_space<vmem>>
    %dma_wait3A_281 = tpu.memref_squeeze %dma_wait3A_280 : memref<1x80xi32, #tpu.memory_space<vmem>> -> memref<80xi32, #tpu.memory_space<vmem>>
    %dma_wait3A_282 = arith.constant 0 : i32
    %dma_wait3A_283 = arith.constant 0 : i32
    %dma_wait3A_284 = tpu.memref_slice %arg13[%dma_wait3A_282, %dma_wait3A_283] : memref<10112x128xf32, #tpu.memory_space<vmem_shared>> -> memref<10112x128xf32, #tpu.memory_space<vmem_shared>>
    tpu.wait_indirect_dma semaphore(%arg21 : memref<!tpu.dma_semaphore, #tpu.memory_space<semaphore_mem>>) src(%arg12 : memref<80x128xf32, #tpu.memory_space<vmem>>) dst(%dma_wait3A_284 : memref<10112x128xf32, #tpu.memory_space<vmem_shared>>)
    %barrier3A_285 = arith.constant 0 : index
    tpu.barrier barrier_id(%barrier3A_285)
    %mul3A_286 = arith.constant 632 : i32
    %mul3A_287 = arith.muli %arg1, %mul3A_286 : i32
    %mul3A_288 = arith.constant 632 : i32
    %mul3A_289 = arith.muli %arg1, %mul3A_288 : i32
    "tpu.region"() ({
      %run_scoped3A = tpu.sem_alloc : memref<!tpu.dma_semaphore, #tpu.memory_space<semaphore_mem>>
      %dma_start3A_290 = arith.constant 0 : i32
      %dma_start3A_291 = tpu.memref_slice %arg6[%arg0, %mul3A_289, %dma_start3A_290] : memref<2x10112x128xf32, #tpu.memory_space<hbm>> -> memref<1x632x128xf32, #tpu.memory_space<hbm>>
      %dma_start3A_292 = tpu.memref_squeeze %dma_start3A_291 : memref<1x632x128xf32, #tpu.memory_space<hbm>> -> memref<632x128xf32, #tpu.memory_space<hbm>>
      %dma_start3A_293 = arith.constant 0 : i32
      %dma_start3A_294 = tpu.memref_slice %arg13[%mul3A_287, %dma_start3A_293] : memref<10112x128xf32, #tpu.memory_space<vmem_shared>> -> memref<632x128xf32, #tpu.memory_space<vmem_shared>>
      tpu.enqueue_dma source(%dma_start3A_294 : memref<632x128xf32, #tpu.memory_space<vmem_shared>>) target(%dma_start3A_292 : memref<632x128xf32, #tpu.memory_space<hbm>>) target_semaphore(%run_scoped3A : memref<!tpu.dma_semaphore, #tpu.memory_space<semaphore_mem>>)
      %dma_wait3A_295 = arith.constant 0 : i32
      %dma_wait3A_296 = tpu.memref_slice %arg6[%arg0, %mul3A_289, %dma_wait3A_295] : memref<2x10112x128xf32, #tpu.memory_space<hbm>> -> memref<1x632x128xf32, #tpu.memory_space<hbm>>
      %dma_wait3A_297 = tpu.memref_squeeze %dma_wait3A_296 : memref<1x632x128xf32, #tpu.memory_space<hbm>> -> memref<632x128xf32, #tpu.memory_space<hbm>>
      %dma_wait3A_298 = arith.constant 0 : i32
      %dma_wait3A_299 = tpu.memref_slice %arg13[%mul3A_287, %dma_wait3A_298] : memref<10112x128xf32, #tpu.memory_space<vmem_shared>> -> memref<632x128xf32, #tpu.memory_space<vmem_shared>>
      tpu.wait_dma2 semaphore(%run_scoped3A : memref<!tpu.dma_semaphore, #tpu.memory_space<semaphore_mem>>) src(%dma_wait3A_299 : memref<632x128xf32, #tpu.memory_space<vmem_shared>>) dst(%dma_wait3A_297 : memref<632x128xf32, #tpu.memory_space<hbm>>)
      tpu.yield
    }) : () -> ()
    return
  }
}

#map = affine_map<(d0, d1) -> (0, 0)>
#map1 = affine_map<(d0, d1) -> (0, 0, 0)>
module attributes {stable_mosaic.version = 14 : i64} {
  func.func @_degree_body(%arg0: i32, %arg1: i32, %arg2: memref<2048x80xi32, #tpu.memory_space<hbm>>, %arg3: memref<2048x80xi32, #tpu.memory_space<hbm>>, %arg4: memref<80x128xf32, #tpu.memory_space<hbm>>, %arg5: memref<632x128xf32, #tpu.memory_space<hbm>>, %arg6: memref<2x10112x128xf32, #tpu.memory_space<hbm>>, %arg7: memref<128x80xi32, #tpu.memory_space<vmem>>, %arg8: memref<80x128xf32, #tpu.memory_space<vmem>>, %arg9: memref<10112x128xf32, #tpu.memory_space<vmem_shared>>, %arg10: memref<!tpu.dma_semaphore, #tpu.memory_space<semaphore_mem>>, %arg11: memref<!tpu.dma_semaphore, #tpu.memory_space<semaphore_mem>>) attributes {dimension_semantics = [#tpu.dimension_semantics<core_parallel>, #tpu.dimension_semantics<subcore_parallel>], iteration_bounds = array<i64: 2, 16>, scalar_prefetch = 0 : i64, scratch_operands = 5 : i64, tpu.core_type = #tpu.core_type<sc_vector_subcore>, window_params = [{transform_indices = #map}, {transform_indices = #map}, {transform_indices = #map}, {transform_indices = #map}, {transform_indices = #map1}]} {
    %mul3A = arith.constant 632 : i32
    %mul3A_0 = arith.muli %arg1, %mul3A : i32
    "tpu.region"() ({
      %run_scoped3A = tpu.sem_alloc : memref<!tpu.dma_semaphore, #tpu.memory_space<semaphore_mem>>
      %dma_start3A_25 = arith.constant 0 : i32
      %dma_start3A_26 = tpu.memref_slice %arg9[%mul3A_0, %dma_start3A_25] : memref<10112x128xf32, #tpu.memory_space<vmem_shared>> -> memref<632x128xf32, #tpu.memory_space<vmem_shared>>
      tpu.enqueue_dma source(%arg5 : memref<632x128xf32, #tpu.memory_space<hbm>>) target(%dma_start3A_26 : memref<632x128xf32, #tpu.memory_space<vmem_shared>>) target_semaphore(%run_scoped3A : memref<!tpu.dma_semaphore, #tpu.memory_space<semaphore_mem>>)
      %dma_wait3A = arith.constant 0 : i32
      %dma_wait3A_27 = tpu.memref_slice %arg9[%mul3A_0, %dma_wait3A] : memref<10112x128xf32, #tpu.memory_space<vmem_shared>> -> memref<632x128xf32, #tpu.memory_space<vmem_shared>>
      tpu.wait_dma2 semaphore(%run_scoped3A : memref<!tpu.dma_semaphore, #tpu.memory_space<semaphore_mem>>) src(%arg5 : memref<632x128xf32, #tpu.memory_space<hbm>>) dst(%dma_wait3A_27 : memref<632x128xf32, #tpu.memory_space<vmem_shared>>)
      tpu.yield
    }) : () -> ()
    "tpu.region"() ({
      %run_scoped3A = tpu.sem_alloc : memref<!tpu.dma_semaphore, #tpu.memory_space<semaphore_mem>>
      tpu.enqueue_dma source(%arg4 : memref<80x128xf32, #tpu.memory_space<hbm>>) target(%arg8 : memref<80x128xf32, #tpu.memory_space<vmem>>) target_semaphore(%run_scoped3A : memref<!tpu.dma_semaphore, #tpu.memory_space<semaphore_mem>>)
      tpu.wait_dma2 semaphore(%run_scoped3A : memref<!tpu.dma_semaphore, #tpu.memory_space<semaphore_mem>>) src(%arg4 : memref<80x128xf32, #tpu.memory_space<hbm>>) dst(%arg8 : memref<80x128xf32, #tpu.memory_space<vmem>>)
      tpu.yield
    }) : () -> ()
    %eq3A = arith.constant 0 : i32
    %eq3A_1 = arith.cmpi eq, %arg0, %eq3A : i32
    %convert_element_type3A = arith.extui %eq3A_1 : i1 to i32
    %cond3A = arith.constant 0 : i32
    %cond3A_2 = arith.cmpi ne, %convert_element_type3A, %cond3A : i32
    scf.if %cond3A_2 {
      %mul3A_25 = arith.constant 128 : i32
      %mul3A_26 = arith.muli %arg1, %mul3A_25 : i32
      "tpu.region"() ({
        %run_scoped3A = tpu.sem_alloc : memref<!tpu.dma_semaphore, #tpu.memory_space<semaphore_mem>>
        %dma_start3A_27 = arith.constant 0 : i32
        %dma_start3A_28 = tpu.memref_slice %arg2[%mul3A_26, %dma_start3A_27] : memref<2048x80xi32, #tpu.memory_space<hbm>> -> memref<128x80xi32, #tpu.memory_space<hbm>>
        %dma_start3A_29 = arith.constant 0 : i32
        %dma_start3A_30 = tpu.memref_slice %arg2[%mul3A_26, %dma_start3A_29] : memref<2048x80xi32, #tpu.memory_space<hbm>> -> memref<128x80xi32, #tpu.memory_space<hbm>>
        tpu.enqueue_dma source(%dma_start3A_30 : memref<128x80xi32, #tpu.memory_space<hbm>>) target(%arg7 : memref<128x80xi32, #tpu.memory_space<vmem>>) target_semaphore(%run_scoped3A : memref<!tpu.dma_semaphore, #tpu.memory_space<semaphore_mem>>)
        %dma_wait3A = arith.constant 0 : i32
        %dma_wait3A_31 = tpu.memref_slice %arg2[%mul3A_26, %dma_wait3A] : memref<2048x80xi32, #tpu.memory_space<hbm>> -> memref<128x80xi32, #tpu.memory_space<hbm>>
        %dma_wait3A_32 = arith.constant 0 : i32
        %dma_wait3A_33 = tpu.memref_slice %arg2[%mul3A_26, %dma_wait3A_32] : memref<2048x80xi32, #tpu.memory_space<hbm>> -> memref<128x80xi32, #tpu.memory_space<hbm>>
        tpu.wait_dma2 semaphore(%run_scoped3A : memref<!tpu.dma_semaphore, #tpu.memory_space<semaphore_mem>>) src(%dma_wait3A_33 : memref<128x80xi32, #tpu.memory_space<hbm>>) dst(%arg7 : memref<128x80xi32, #tpu.memory_space<vmem>>)
        tpu.yield
      }) : () -> ()
    } else {
    }
    %eq3A_3 = arith.constant 1 : i32
    %eq3A_4 = arith.cmpi eq, %arg0, %eq3A_3 : i32
    %convert_element_type3A_5 = arith.extui %eq3A_4 : i1 to i32
    %cond3A_6 = arith.constant 0 : i32
    %cond3A_7 = arith.cmpi ne, %convert_element_type3A_5, %cond3A_6 : i32
    scf.if %cond3A_7 {
      %mul3A_25 = arith.constant 128 : i32
      %mul3A_26 = arith.muli %arg1, %mul3A_25 : i32
      "tpu.region"() ({
        %run_scoped3A = tpu.sem_alloc : memref<!tpu.dma_semaphore, #tpu.memory_space<semaphore_mem>>
        %dma_start3A_27 = arith.constant 0 : i32
        %dma_start3A_28 = tpu.memref_slice %arg3[%mul3A_26, %dma_start3A_27] : memref<2048x80xi32, #tpu.memory_space<hbm>> -> memref<128x80xi32, #tpu.memory_space<hbm>>
        %dma_start3A_29 = arith.constant 0 : i32
        %dma_start3A_30 = tpu.memref_slice %arg3[%mul3A_26, %dma_start3A_29] : memref<2048x80xi32, #tpu.memory_space<hbm>> -> memref<128x80xi32, #tpu.memory_space<hbm>>
        tpu.enqueue_dma source(%dma_start3A_30 : memref<128x80xi32, #tpu.memory_space<hbm>>) target(%arg7 : memref<128x80xi32, #tpu.memory_space<vmem>>) target_semaphore(%run_scoped3A : memref<!tpu.dma_semaphore, #tpu.memory_space<semaphore_mem>>)
        %dma_wait3A = arith.constant 0 : i32
        %dma_wait3A_31 = tpu.memref_slice %arg3[%mul3A_26, %dma_wait3A] : memref<2048x80xi32, #tpu.memory_space<hbm>> -> memref<128x80xi32, #tpu.memory_space<hbm>>
        %dma_wait3A_32 = arith.constant 0 : i32
        %dma_wait3A_33 = tpu.memref_slice %arg3[%mul3A_26, %dma_wait3A_32] : memref<2048x80xi32, #tpu.memory_space<hbm>> -> memref<128x80xi32, #tpu.memory_space<hbm>>
        tpu.wait_dma2 semaphore(%run_scoped3A : memref<!tpu.dma_semaphore, #tpu.memory_space<semaphore_mem>>) src(%dma_wait3A_33 : memref<128x80xi32, #tpu.memory_space<hbm>>) dst(%arg7 : memref<128x80xi32, #tpu.memory_space<vmem>>)
        tpu.yield
      }) : () -> ()
    } else {
    }
    %barrier3A = arith.constant 0 : index
    tpu.barrier barrier_id(%barrier3A)
    %dma_start3A = arith.constant 0 : i32
    %dma_start3A_8 = arith.constant 0 : i32
    %dma_start3A_9 = tpu.memref_slice %arg7[%dma_start3A, %dma_start3A_8] : memref<128x80xi32, #tpu.memory_space<vmem>> -> memref<1x80xi32, #tpu.memory_space<vmem>>
    %dma_start3A_10 = tpu.memref_squeeze %dma_start3A_9 : memref<1x80xi32, #tpu.memory_space<vmem>> -> memref<80xi32, #tpu.memory_space<vmem>>
    %dma_start3A_11 = arith.constant 0 : i32
    %dma_start3A_12 = arith.constant 0 : i32
    %dma_start3A_13 = tpu.memref_slice %arg9[%dma_start3A_11, %dma_start3A_12] : memref<10112x128xf32, #tpu.memory_space<vmem_shared>> -> memref<10112x128xf32, #tpu.memory_space<vmem_shared>>
    tpu.enqueue_indirect_dma source(%arg8 : memref<80x128xf32, #tpu.memory_space<vmem>>) target(%dma_start3A_13 : memref<10112x128xf32, #tpu.memory_space<vmem_shared>>) offsets(%dma_start3A_10 : memref<80xi32, #tpu.memory_space<vmem>>) semaphore(%arg10 : memref<!tpu.dma_semaphore, #tpu.memory_space<semaphore_mem>>) {add = true}
    %scan3A = arith.constant 0 : i32
    %scan3A_14 = arith.constant 0 : i32
    %scan3A_15 = arith.constant 64 : i32
    %scan3A_16 = arith.addi %scan3A_14, %scan3A_15 : i32
    %scan3A_17 = arith.constant 1 : i32
    %scan3A_18 = scf.for %scan3A_25 = %scan3A_14 to %scan3A_16 step %scan3A_17 iter_args(%scan3A_26 = %scan3A) -> (i32)  : i32 {
      %mul3A_27 = arith.constant 2 : i32
      %mul3A_28 = arith.muli %mul3A_27, %scan3A_25 : i32
      %add3A = arith.constant 1 : i32
      %add3A_29 = arith.addi %mul3A_28, %add3A : i32
      %dma_start3A_30 = arith.constant 0 : i32
      %dma_start3A_31 = tpu.memref_slice %arg7[%add3A_29, %dma_start3A_30] : memref<128x80xi32, #tpu.memory_space<vmem>> -> memref<1x80xi32, #tpu.memory_space<vmem>>
      %dma_start3A_32 = tpu.memref_squeeze %dma_start3A_31 : memref<1x80xi32, #tpu.memory_space<vmem>> -> memref<80xi32, #tpu.memory_space<vmem>>
      %dma_start3A_33 = arith.constant 0 : i32
      %dma_start3A_34 = arith.constant 0 : i32
      %dma_start3A_35 = tpu.memref_slice %arg9[%dma_start3A_33, %dma_start3A_34] : memref<10112x128xf32, #tpu.memory_space<vmem_shared>> -> memref<10112x128xf32, #tpu.memory_space<vmem_shared>>
      tpu.enqueue_indirect_dma source(%arg8 : memref<80x128xf32, #tpu.memory_space<vmem>>) target(%dma_start3A_35 : memref<10112x128xf32, #tpu.memory_space<vmem_shared>>) offsets(%dma_start3A_32 : memref<80xi32, #tpu.memory_space<vmem>>) semaphore(%arg11 : memref<!tpu.dma_semaphore, #tpu.memory_space<semaphore_mem>>) {add = true}
      %dma_wait3A = arith.constant 0 : i32
      %dma_wait3A_36 = tpu.memref_slice %arg7[%mul3A_28, %dma_wait3A] : memref<128x80xi32, #tpu.memory_space<vmem>> -> memref<1x80xi32, #tpu.memory_space<vmem>>
      %dma_wait3A_37 = tpu.memref_squeeze %dma_wait3A_36 : memref<1x80xi32, #tpu.memory_space<vmem>> -> memref<80xi32, #tpu.memory_space<vmem>>
      %dma_wait3A_38 = arith.constant 0 : i32
      %dma_wait3A_39 = arith.constant 0 : i32
      %dma_wait3A_40 = tpu.memref_slice %arg9[%dma_wait3A_38, %dma_wait3A_39] : memref<10112x128xf32, #tpu.memory_space<vmem_shared>> -> memref<10112x128xf32, #tpu.memory_space<vmem_shared>>
      tpu.wait_indirect_dma semaphore(%arg10 : memref<!tpu.dma_semaphore, #tpu.memory_space<semaphore_mem>>) src(%arg8 : memref<80x128xf32, #tpu.memory_space<vmem>>) dst(%dma_wait3A_40 : memref<10112x128xf32, #tpu.memory_space<vmem_shared>>)
      %lt3A = arith.constant 63 : i32
      %lt3A_41 = arith.cmpi slt, %scan3A_25, %lt3A : i32
      %convert_element_type3A_42 = arith.extui %lt3A_41 : i1 to i32
      %cond3A_43 = arith.constant 0 : i32
      %cond3A_44 = arith.cmpi ne, %convert_element_type3A_42, %cond3A_43 : i32
      scf.if %cond3A_44 {
        %add3A_54 = arith.constant 2 : i32
        %add3A_55 = arith.addi %mul3A_28, %add3A_54 : i32
        %dma_start3A_56 = arith.constant 0 : i32
        %dma_start3A_57 = tpu.memref_slice %arg7[%add3A_55, %dma_start3A_56] : memref<128x80xi32, #tpu.memory_space<vmem>> -> memref<1x80xi32, #tpu.memory_space<vmem>>
        %dma_start3A_58 = tpu.memref_squeeze %dma_start3A_57 : memref<1x80xi32, #tpu.memory_space<vmem>> -> memref<80xi32, #tpu.memory_space<vmem>>
        %dma_start3A_59 = arith.constant 0 : i32
        %dma_start3A_60 = arith.constant 0 : i32
        %dma_start3A_61 = tpu.memref_slice %arg9[%dma_start3A_59, %dma_start3A_60] : memref<10112x128xf32, #tpu.memory_space<vmem_shared>> -> memref<10112x128xf32, #tpu.memory_space<vmem_shared>>
        tpu.enqueue_indirect_dma source(%arg8 : memref<80x128xf32, #tpu.memory_space<vmem>>) target(%dma_start3A_61 : memref<10112x128xf32, #tpu.memory_space<vmem_shared>>) offsets(%dma_start3A_58 : memref<80xi32, #tpu.memory_space<vmem>>) semaphore(%arg10 : memref<!tpu.dma_semaphore, #tpu.memory_space<semaphore_mem>>) {add = true}
      } else {
      }
      %add3A_45 = arith.constant 1 : i32
      %add3A_46 = arith.addi %mul3A_28, %add3A_45 : i32
      %dma_wait3A_47 = arith.constant 0 : i32
      %dma_wait3A_48 = tpu.memref_slice %arg7[%add3A_46, %dma_wait3A_47] : memref<128x80xi32, #tpu.memory_space<vmem>> -> memref<1x80xi32, #tpu.memory_space<vmem>>
      %dma_wait3A_49 = tpu.memref_squeeze %dma_wait3A_48 : memref<1x80xi32, #tpu.memory_space<vmem>> -> memref<80xi32, #tpu.memory_space<vmem>>
      %dma_wait3A_50 = arith.constant 0 : i32
      %dma_wait3A_51 = arith.constant 0 : i32
      %dma_wait3A_52 = tpu.memref_slice %arg9[%dma_wait3A_50, %dma_wait3A_51] : memref<10112x128xf32, #tpu.memory_space<vmem_shared>> -> memref<10112x128xf32, #tpu.memory_space<vmem_shared>>
      tpu.wait_indirect_dma semaphore(%arg11 : memref<!tpu.dma_semaphore, #tpu.memory_space<semaphore_mem>>) src(%arg8 : memref<80x128xf32, #tpu.memory_space<vmem>>) dst(%dma_wait3A_52 : memref<10112x128xf32, #tpu.memory_space<vmem_shared>>)
      %scan3A_53 = arith.constant 0 : i32
      scf.yield %scan3A_53 : i32
    }
    %scan3A_19 = arith.constant 64 : i32
    %barrier3A_20 = arith.constant 0 : index
    tpu.barrier barrier_id(%barrier3A_20)
    %mul3A_21 = arith.constant 632 : i32
    %mul3A_22 = arith.muli %arg1, %mul3A_21 : i32
    %mul3A_23 = arith.constant 632 : i32
    %mul3A_24 = arith.muli %arg1, %mul3A_23 : i32
    "tpu.region"() ({
      %run_scoped3A = tpu.sem_alloc : memref<!tpu.dma_semaphore, #tpu.memory_space<semaphore_mem>>
      %dma_start3A_25 = arith.constant 0 : i32
      %dma_start3A_26 = tpu.memref_slice %arg6[%arg0, %mul3A_24, %dma_start3A_25] : memref<2x10112x128xf32, #tpu.memory_space<hbm>> -> memref<1x632x128xf32, #tpu.memory_space<hbm>>
      %dma_start3A_27 = tpu.memref_squeeze %dma_start3A_26 : memref<1x632x128xf32, #tpu.memory_space<hbm>> -> memref<632x128xf32, #tpu.memory_space<hbm>>
      %dma_start3A_28 = arith.constant 0 : i32
      %dma_start3A_29 = tpu.memref_slice %arg9[%mul3A_22, %dma_start3A_28] : memref<10112x128xf32, #tpu.memory_space<vmem_shared>> -> memref<632x128xf32, #tpu.memory_space<vmem_shared>>
      tpu.enqueue_dma source(%dma_start3A_29 : memref<632x128xf32, #tpu.memory_space<vmem_shared>>) target(%dma_start3A_27 : memref<632x128xf32, #tpu.memory_space<hbm>>) target_semaphore(%run_scoped3A : memref<!tpu.dma_semaphore, #tpu.memory_space<semaphore_mem>>)
      %dma_wait3A = arith.constant 0 : i32
      %dma_wait3A_30 = tpu.memref_slice %arg6[%arg0, %mul3A_24, %dma_wait3A] : memref<2x10112x128xf32, #tpu.memory_space<hbm>> -> memref<1x632x128xf32, #tpu.memory_space<hbm>>
      %dma_wait3A_31 = tpu.memref_squeeze %dma_wait3A_30 : memref<1x632x128xf32, #tpu.memory_space<hbm>> -> memref<632x128xf32, #tpu.memory_space<hbm>>
      %dma_wait3A_32 = arith.constant 0 : i32
      %dma_wait3A_33 = tpu.memref_slice %arg9[%mul3A_22, %dma_wait3A_32] : memref<10112x128xf32, #tpu.memory_space<vmem_shared>> -> memref<632x128xf32, #tpu.memory_space<vmem_shared>>
      tpu.wait_dma2 semaphore(%run_scoped3A : memref<!tpu.dma_semaphore, #tpu.memory_space<semaphore_mem>>) src(%dma_wait3A_33 : memref<632x128xf32, #tpu.memory_space<vmem_shared>>) dst(%dma_wait3A_31 : memref<632x128xf32, #tpu.memory_space<hbm>>)
      tpu.yield
    }) : () -> ()
    return
  }
}

#map = affine_map<(d0, d1) -> (0, 0, 0)>
#map1 = affine_map<(d0, d1) -> (0, 0)>
module attributes {stable_mosaic.version = 14 : i64} {
  func.func @_agg_body(%arg0: i32, %arg1: i32, %arg2: memref<2x10112x128xf32, #tpu.memory_space<hbm>>, %arg3: memref<2048x80xi32, #tpu.memory_space<hbm>>, %arg4: memref<2048x80xi32, #tpu.memory_space<hbm>>, %arg5: memref<632x128xf32, #tpu.memory_space<hbm>>, %arg6: memref<2x10112x128xf32, #tpu.memory_space<hbm>>, %arg7: memref<32x80xi32, #tpu.memory_space<vmem>>, %arg8: memref<32x80xi32, #tpu.memory_space<vmem>>, %arg9: memref<80x128xf32, #tpu.memory_space<vmem>>, %arg10: memref<80x128xf32, #tpu.memory_space<vmem>>, %arg11: memref<80x128xf32, #tpu.memory_space<vmem>>, %arg12: memref<80x128xf32, #tpu.memory_space<vmem>>, %arg13: memref<10112x128xf32, #tpu.memory_space<vmem_shared>>, %arg14: memref<!tpu.dma_semaphore, #tpu.memory_space<semaphore_mem>>, %arg15: memref<!tpu.dma_semaphore, #tpu.memory_space<semaphore_mem>>, %arg16: memref<!tpu.dma_semaphore, #tpu.memory_space<semaphore_mem>>, %arg17: memref<!tpu.dma_semaphore, #tpu.memory_space<semaphore_mem>>, %arg18: memref<!tpu.dma_semaphore, #tpu.memory_space<semaphore_mem>>, %arg19: memref<!tpu.dma_semaphore, #tpu.memory_space<semaphore_mem>>, %arg20: memref<!tpu.dma_semaphore, #tpu.memory_space<semaphore_mem>>, %arg21: memref<!tpu.dma_semaphore, #tpu.memory_space<semaphore_mem>>) attributes {dimension_semantics = [#tpu.dimension_semantics<core_parallel>, #tpu.dimension_semantics<subcore_parallel>], iteration_bounds = array<i64: 2, 16>, scalar_prefetch = 0 : i64, scratch_operands = 15 : i64, tpu.core_type = #tpu.core_type<sc_vector_subcore>, window_params = [{transform_indices = #map}, {transform_indices = #map1}, {transform_indices = #map1}, {transform_indices = #map1}, {transform_indices = #map}]} {
    %mul3A = arith.constant 632 : i32
    %mul3A_0 = arith.muli %arg1, %mul3A : i32
    "tpu.region"() ({
      %run_scoped3A = tpu.sem_alloc : memref<!tpu.dma_semaphore, #tpu.memory_space<semaphore_mem>>
      %dma_start3A_290 = arith.constant 0 : i32
      %dma_start3A_291 = tpu.memref_slice %arg13[%mul3A_0, %dma_start3A_290] : memref<10112x128xf32, #tpu.memory_space<vmem_shared>> -> memref<632x128xf32, #tpu.memory_space<vmem_shared>>
      tpu.enqueue_dma source(%arg5 : memref<632x128xf32, #tpu.memory_space<hbm>>) target(%dma_start3A_291 : memref<632x128xf32, #tpu.memory_space<vmem_shared>>) target_semaphore(%run_scoped3A : memref<!tpu.dma_semaphore, #tpu.memory_space<semaphore_mem>>)
      %dma_wait3A_292 = arith.constant 0 : i32
      %dma_wait3A_293 = tpu.memref_slice %arg13[%mul3A_0, %dma_wait3A_292] : memref<10112x128xf32, #tpu.memory_space<vmem_shared>> -> memref<632x128xf32, #tpu.memory_space<vmem_shared>>
      tpu.wait_dma2 semaphore(%run_scoped3A : memref<!tpu.dma_semaphore, #tpu.memory_space<semaphore_mem>>) src(%arg5 : memref<632x128xf32, #tpu.memory_space<hbm>>) dst(%dma_wait3A_293 : memref<632x128xf32, #tpu.memory_space<vmem_shared>>)
      tpu.yield
    }) : () -> ()
    %barrier3A = arith.constant 0 : index
    tpu.barrier barrier_id(%barrier3A)
    %mul3A_1 = arith.constant 128 : i32
    %mul3A_2 = arith.muli %arg1, %mul3A_1 : i32
    %add3A = arith.constant 0 : i32
    %add3A_3 = arith.addi %mul3A_2, %add3A : i32
    "tpu.region"() ({
      %run_scoped3A = tpu.sem_alloc : memref<!tpu.dma_semaphore, #tpu.memory_space<semaphore_mem>>
      %dma_start3A_290 = arith.constant 0 : i32
      %dma_start3A_291 = tpu.memref_slice %arg3[%add3A_3, %dma_start3A_290] : memref<2048x80xi32, #tpu.memory_space<hbm>> -> memref<32x80xi32, #tpu.memory_space<hbm>>
      %dma_start3A_292 = arith.constant 0 : i32
      %dma_start3A_293 = tpu.memref_slice %arg3[%add3A_3, %dma_start3A_292] : memref<2048x80xi32, #tpu.memory_space<hbm>> -> memref<32x80xi32, #tpu.memory_space<hbm>>
      tpu.enqueue_dma source(%dma_start3A_293 : memref<32x80xi32, #tpu.memory_space<hbm>>) target(%arg7 : memref<32x80xi32, #tpu.memory_space<vmem>>) target_semaphore(%run_scoped3A : memref<!tpu.dma_semaphore, #tpu.memory_space<semaphore_mem>>)
      %dma_wait3A_294 = arith.constant 0 : i32
      %dma_wait3A_295 = tpu.memref_slice %arg3[%add3A_3, %dma_wait3A_294] : memref<2048x80xi32, #tpu.memory_space<hbm>> -> memref<32x80xi32, #tpu.memory_space<hbm>>
      %dma_wait3A_296 = arith.constant 0 : i32
      %dma_wait3A_297 = tpu.memref_slice %arg3[%add3A_3, %dma_wait3A_296] : memref<2048x80xi32, #tpu.memory_space<hbm>> -> memref<32x80xi32, #tpu.memory_space<hbm>>
      tpu.wait_dma2 semaphore(%run_scoped3A : memref<!tpu.dma_semaphore, #tpu.memory_space<semaphore_mem>>) src(%dma_wait3A_297 : memref<32x80xi32, #tpu.memory_space<hbm>>) dst(%arg7 : memref<32x80xi32, #tpu.memory_space<vmem>>)
      tpu.yield
    }) : () -> ()
    "tpu.region"() ({
      %run_scoped3A = tpu.sem_alloc : memref<!tpu.dma_semaphore, #tpu.memory_space<semaphore_mem>>
      %dma_start3A_290 = arith.constant 0 : i32
      %dma_start3A_291 = tpu.memref_slice %arg4[%add3A_3, %dma_start3A_290] : memref<2048x80xi32, #tpu.memory_space<hbm>> -> memref<32x80xi32, #tpu.memory_space<hbm>>
      %dma_start3A_292 = arith.constant 0 : i32
      %dma_start3A_293 = tpu.memref_slice %arg4[%add3A_3, %dma_start3A_292] : memref<2048x80xi32, #tpu.memory_space<hbm>> -> memref<32x80xi32, #tpu.memory_space<hbm>>
      tpu.enqueue_dma source(%dma_start3A_293 : memref<32x80xi32, #tpu.memory_space<hbm>>) target(%arg8 : memref<32x80xi32, #tpu.memory_space<vmem>>) target_semaphore(%run_scoped3A : memref<!tpu.dma_semaphore, #tpu.memory_space<semaphore_mem>>)
      %dma_wait3A_294 = arith.constant 0 : i32
      %dma_wait3A_295 = tpu.memref_slice %arg4[%add3A_3, %dma_wait3A_294] : memref<2048x80xi32, #tpu.memory_space<hbm>> -> memref<32x80xi32, #tpu.memory_space<hbm>>
      %dma_wait3A_296 = arith.constant 0 : i32
      %dma_wait3A_297 = tpu.memref_slice %arg4[%add3A_3, %dma_wait3A_296] : memref<2048x80xi32, #tpu.memory_space<hbm>> -> memref<32x80xi32, #tpu.memory_space<hbm>>
      tpu.wait_dma2 semaphore(%run_scoped3A : memref<!tpu.dma_semaphore, #tpu.memory_space<semaphore_mem>>) src(%dma_wait3A_297 : memref<32x80xi32, #tpu.memory_space<hbm>>) dst(%arg8 : memref<32x80xi32, #tpu.memory_space<vmem>>)
      tpu.yield
    }) : () -> ()
    %dma_start3A = arith.constant 0 : i32
    %dma_start3A_4 = arith.constant 0 : i32
    %dma_start3A_5 = tpu.memref_slice %arg7[%dma_start3A, %dma_start3A_4] : memref<32x80xi32, #tpu.memory_space<vmem>> -> memref<1x80xi32, #tpu.memory_space<vmem>>
    %dma_start3A_6 = tpu.memref_squeeze %dma_start3A_5 : memref<1x80xi32, #tpu.memory_space<vmem>> -> memref<80xi32, #tpu.memory_space<vmem>>
    %dma_start3A_7 = arith.constant 0 : i32
    %dma_start3A_8 = arith.constant 0 : i32
    %dma_start3A_9 = tpu.memref_slice %arg2[%arg0, %dma_start3A_7, %dma_start3A_8] : memref<2x10112x128xf32, #tpu.memory_space<hbm>> -> memref<1x10112x128xf32, #tpu.memory_space<hbm>>
    %dma_start3A_10 = tpu.memref_squeeze %dma_start3A_9 : memref<1x10112x128xf32, #tpu.memory_space<hbm>> -> memref<10112x128xf32, #tpu.memory_space<hbm>>
    %dma_start3A_11 = arith.constant 0 : i32
    %dma_start3A_12 = arith.constant 0 : i32
    %dma_start3A_13 = tpu.memref_slice %dma_start3A_10[%dma_start3A_11, %dma_start3A_12] : memref<10112x128xf32, #tpu.memory_space<hbm>> -> memref<10112x128xf32, #tpu.memory_space<hbm>>
    tpu.enqueue_indirect_dma source(%dma_start3A_13 : memref<10112x128xf32, #tpu.memory_space<hbm>>) target(%arg9 : memref<80x128xf32, #tpu.memory_space<vmem>>) offsets(%dma_start3A_6 : memref<80xi32, #tpu.memory_space<vmem>>) semaphore(%arg14 : memref<!tpu.dma_semaphore, #tpu.memory_space<semaphore_mem>>)
    %dma_start3A_14 = arith.constant 1 : i32
    %dma_start3A_15 = arith.constant 0 : i32
    %dma_start3A_16 = tpu.memref_slice %arg7[%dma_start3A_14, %dma_start3A_15] : memref<32x80xi32, #tpu.memory_space<vmem>> -> memref<1x80xi32, #tpu.memory_space<vmem>>
    %dma_start3A_17 = tpu.memref_squeeze %dma_start3A_16 : memref<1x80xi32, #tpu.memory_space<vmem>> -> memref<80xi32, #tpu.memory_space<vmem>>
    %dma_start3A_18 = arith.constant 0 : i32
    %dma_start3A_19 = arith.constant 0 : i32
    %dma_start3A_20 = tpu.memref_slice %arg2[%arg0, %dma_start3A_18, %dma_start3A_19] : memref<2x10112x128xf32, #tpu.memory_space<hbm>> -> memref<1x10112x128xf32, #tpu.memory_space<hbm>>
    %dma_start3A_21 = tpu.memref_squeeze %dma_start3A_20 : memref<1x10112x128xf32, #tpu.memory_space<hbm>> -> memref<10112x128xf32, #tpu.memory_space<hbm>>
    %dma_start3A_22 = arith.constant 0 : i32
    %dma_start3A_23 = arith.constant 0 : i32
    %dma_start3A_24 = tpu.memref_slice %dma_start3A_21[%dma_start3A_22, %dma_start3A_23] : memref<10112x128xf32, #tpu.memory_space<hbm>> -> memref<10112x128xf32, #tpu.memory_space<hbm>>
    tpu.enqueue_indirect_dma source(%dma_start3A_24 : memref<10112x128xf32, #tpu.memory_space<hbm>>) target(%arg10 : memref<80x128xf32, #tpu.memory_space<vmem>>) offsets(%dma_start3A_17 : memref<80xi32, #tpu.memory_space<vmem>>) semaphore(%arg15 : memref<!tpu.dma_semaphore, #tpu.memory_space<semaphore_mem>>)
    %dma_start3A_25 = arith.constant 2 : i32
    %dma_start3A_26 = arith.constant 0 : i32
    %dma_start3A_27 = tpu.memref_slice %arg7[%dma_start3A_25, %dma_start3A_26] : memref<32x80xi32, #tpu.memory_space<vmem>> -> memref<1x80xi32, #tpu.memory_space<vmem>>
    %dma_start3A_28 = tpu.memref_squeeze %dma_start3A_27 : memref<1x80xi32, #tpu.memory_space<vmem>> -> memref<80xi32, #tpu.memory_space<vmem>>
    %dma_start3A_29 = arith.constant 0 : i32
    %dma_start3A_30 = arith.constant 0 : i32
    %dma_start3A_31 = tpu.memref_slice %arg2[%arg0, %dma_start3A_29, %dma_start3A_30] : memref<2x10112x128xf32, #tpu.memory_space<hbm>> -> memref<1x10112x128xf32, #tpu.memory_space<hbm>>
    %dma_start3A_32 = tpu.memref_squeeze %dma_start3A_31 : memref<1x10112x128xf32, #tpu.memory_space<hbm>> -> memref<10112x128xf32, #tpu.memory_space<hbm>>
    %dma_start3A_33 = arith.constant 0 : i32
    %dma_start3A_34 = arith.constant 0 : i32
    %dma_start3A_35 = tpu.memref_slice %dma_start3A_32[%dma_start3A_33, %dma_start3A_34] : memref<10112x128xf32, #tpu.memory_space<hbm>> -> memref<10112x128xf32, #tpu.memory_space<hbm>>
    tpu.enqueue_indirect_dma source(%dma_start3A_35 : memref<10112x128xf32, #tpu.memory_space<hbm>>) target(%arg11 : memref<80x128xf32, #tpu.memory_space<vmem>>) offsets(%dma_start3A_28 : memref<80xi32, #tpu.memory_space<vmem>>) semaphore(%arg16 : memref<!tpu.dma_semaphore, #tpu.memory_space<semaphore_mem>>)
    %scan3A = arith.constant 0 : i32
    %scan3A_36 = arith.constant 0 : i32
    %scan3A_37 = arith.constant 32 : i32
    %scan3A_38 = arith.addi %scan3A_36, %scan3A_37 : i32
    %scan3A_39 = arith.constant 1 : i32
    %scan3A_40 = scf.for %scan3A_290 = %scan3A_36 to %scan3A_38 step %scan3A_39 iter_args(%scan3A_291 = %scan3A) -> (i32)  : i32 {
      %add3A_292 = arith.constant 3 : i32
      %add3A_293 = arith.addi %scan3A_290, %add3A_292 : i32
      %rem3A = arith.constant 4 : i32
      %rem3A_294 = arith.remsi %add3A_293, %rem3A : i32
      %rem3A_295 = arith.constant 4 : i32
      %rem3A_296 = arith.remsi %scan3A_290, %rem3A_295 : i32
      %eq3A = arith.constant 0 : i32
      %eq3A_297 = arith.cmpi eq, %rem3A_294, %eq3A : i32
      %lt3A = arith.constant 29 : i32
      %lt3A_298 = arith.cmpi slt, %scan3A_290, %lt3A : i32
      %and3A = arith.andi %eq3A_297, %lt3A_298 : i1
      %convert_element_type3A = arith.extui %and3A : i1 to i32
      %cond3A = arith.constant 0 : i32
      %cond3A_299 = arith.cmpi ne, %convert_element_type3A, %cond3A : i32
      scf.if %cond3A_299 {
        %ge3A = arith.constant 1 : i32
        %ge3A_345 = arith.cmpi sge, %scan3A_290, %ge3A : i32
        %convert_element_type3A_346 = arith.extui %ge3A_345 : i1 to i32
        %cond3A_347 = arith.constant 0 : i32
        %cond3A_348 = arith.cmpi ne, %convert_element_type3A_346, %cond3A_347 : i32
        scf.if %cond3A_348 {
          %dma_wait3A_361 = arith.constant 0 : i32
          %dma_wait3A_362 = arith.constant 0 : i32
          %dma_wait3A_363 = tpu.memref_slice %arg8[%dma_wait3A_361, %dma_wait3A_362] : memref<32x80xi32, #tpu.memory_space<vmem>> -> memref<1x80xi32, #tpu.memory_space<vmem>>
          %dma_wait3A_364 = tpu.memref_squeeze %dma_wait3A_363 : memref<1x80xi32, #tpu.memory_space<vmem>> -> memref<80xi32, #tpu.memory_space<vmem>>
          %dma_wait3A_365 = arith.constant 0 : i32
          %dma_wait3A_366 = arith.constant 0 : i32
          %dma_wait3A_367 = tpu.memref_slice %arg13[%dma_wait3A_365, %dma_wait3A_366] : memref<10112x128xf32, #tpu.memory_space<vmem_shared>> -> memref<10112x128xf32, #tpu.memory_space<vmem_shared>>
          tpu.wait_indirect_dma semaphore(%arg18 : memref<!tpu.dma_semaphore, #tpu.memory_space<semaphore_mem>>) src(%arg9 : memref<80x128xf32, #tpu.memory_space<vmem>>) dst(%dma_wait3A_367 : memref<10112x128xf32, #tpu.memory_space<vmem_shared>>)
        } else {
        }
        %add3A_349 = arith.constant 3 : i32
        %add3A_350 = arith.addi %scan3A_290, %add3A_349 : i32
        %dma_start3A_351 = arith.constant 0 : i32
        %dma_start3A_352 = tpu.memref_slice %arg7[%add3A_350, %dma_start3A_351] : memref<32x80xi32, #tpu.memory_space<vmem>> -> memref<1x80xi32, #tpu.memory_space<vmem>>
        %dma_start3A_353 = tpu.memref_squeeze %dma_start3A_352 : memref<1x80xi32, #tpu.memory_space<vmem>> -> memref<80xi32, #tpu.memory_space<vmem>>
        %dma_start3A_354 = arith.constant 0 : i32
        %dma_start3A_355 = arith.constant 0 : i32
        %dma_start3A_356 = tpu.memref_slice %arg2[%arg0, %dma_start3A_354, %dma_start3A_355] : memref<2x10112x128xf32, #tpu.memory_space<hbm>> -> memref<1x10112x128xf32, #tpu.memory_space<hbm>>
        %dma_start3A_357 = tpu.memref_squeeze %dma_start3A_356 : memref<1x10112x128xf32, #tpu.memory_space<hbm>> -> memref<10112x128xf32, #tpu.memory_space<hbm>>
        %dma_start3A_358 = arith.constant 0 : i32
        %dma_start3A_359 = arith.constant 0 : i32
        %dma_start3A_360 = tpu.memref_slice %dma_start3A_357[%dma_start3A_358, %dma_start3A_359] : memref<10112x128xf32, #tpu.memory_space<hbm>> -> memref<10112x128xf32, #tpu.memory_space<hbm>>
        tpu.enqueue_indirect_dma source(%dma_start3A_360 : memref<10112x128xf32, #tpu.memory_space<hbm>>) target(%arg9 : memref<80x128xf32, #tpu.memory_space<vmem>>) offsets(%dma_start3A_353 : memref<80xi32, #tpu.memory_space<vmem>>) semaphore(%arg14 : memref<!tpu.dma_semaphore, #tpu.memory_space<semaphore_mem>>)
      } else {
      }
      %eq3A_300 = arith.constant 1 : i32
      %eq3A_301 = arith.cmpi eq, %rem3A_294, %eq3A_300 : i32
      %lt3A_302 = arith.constant 29 : i32
      %lt3A_303 = arith.cmpi slt, %scan3A_290, %lt3A_302 : i32
      %and3A_304 = arith.andi %eq3A_301, %lt3A_303 : i1
      %convert_element_type3A_305 = arith.extui %and3A_304 : i1 to i32
      %cond3A_306 = arith.constant 0 : i32
      %cond3A_307 = arith.cmpi ne, %convert_element_type3A_305, %cond3A_306 : i32
      scf.if %cond3A_307 {
        %ge3A = arith.constant 1 : i32
        %ge3A_345 = arith.cmpi sge, %scan3A_290, %ge3A : i32
        %convert_element_type3A_346 = arith.extui %ge3A_345 : i1 to i32
        %cond3A_347 = arith.constant 0 : i32
        %cond3A_348 = arith.cmpi ne, %convert_element_type3A_346, %cond3A_347 : i32
        scf.if %cond3A_348 {
          %dma_wait3A_361 = arith.constant 0 : i32
          %dma_wait3A_362 = arith.constant 0 : i32
          %dma_wait3A_363 = tpu.memref_slice %arg8[%dma_wait3A_361, %dma_wait3A_362] : memref<32x80xi32, #tpu.memory_space<vmem>> -> memref<1x80xi32, #tpu.memory_space<vmem>>
          %dma_wait3A_364 = tpu.memref_squeeze %dma_wait3A_363 : memref<1x80xi32, #tpu.memory_space<vmem>> -> memref<80xi32, #tpu.memory_space<vmem>>
          %dma_wait3A_365 = arith.constant 0 : i32
          %dma_wait3A_366 = arith.constant 0 : i32
          %dma_wait3A_367 = tpu.memref_slice %arg13[%dma_wait3A_365, %dma_wait3A_366] : memref<10112x128xf32, #tpu.memory_space<vmem_shared>> -> memref<10112x128xf32, #tpu.memory_space<vmem_shared>>
          tpu.wait_indirect_dma semaphore(%arg19 : memref<!tpu.dma_semaphore, #tpu.memory_space<semaphore_mem>>) src(%arg10 : memref<80x128xf32, #tpu.memory_space<vmem>>) dst(%dma_wait3A_367 : memref<10112x128xf32, #tpu.memory_space<vmem_shared>>)
        } else {
        }
        %add3A_349 = arith.constant 3 : i32
        %add3A_350 = arith.addi %scan3A_290, %add3A_349 : i32
        %dma_start3A_351 = arith.constant 0 : i32
        %dma_start3A_352 = tpu.memref_slice %arg7[%add3A_350, %dma_start3A_351] : memref<32x80xi32, #tpu.memory_space<vmem>> -> memref<1x80xi32, #tpu.memory_space<vmem>>
        %dma_start3A_353 = tpu.memref_squeeze %dma_start3A_352 : memref<1x80xi32, #tpu.memory_space<vmem>> -> memref<80xi32, #tpu.memory_space<vmem>>
        %dma_start3A_354 = arith.constant 0 : i32
        %dma_start3A_355 = arith.constant 0 : i32
        %dma_start3A_356 = tpu.memref_slice %arg2[%arg0, %dma_start3A_354, %dma_start3A_355] : memref<2x10112x128xf32, #tpu.memory_space<hbm>> -> memref<1x10112x128xf32, #tpu.memory_space<hbm>>
        %dma_start3A_357 = tpu.memref_squeeze %dma_start3A_356 : memref<1x10112x128xf32, #tpu.memory_space<hbm>> -> memref<10112x128xf32, #tpu.memory_space<hbm>>
        %dma_start3A_358 = arith.constant 0 : i32
        %dma_start3A_359 = arith.constant 0 : i32
        %dma_start3A_360 = tpu.memref_slice %dma_start3A_357[%dma_start3A_358, %dma_start3A_359] : memref<10112x128xf32, #tpu.memory_space<hbm>> -> memref<10112x128xf32, #tpu.memory_space<hbm>>
        tpu.enqueue_indirect_dma source(%dma_start3A_360 : memref<10112x128xf32, #tpu.memory_space<hbm>>) target(%arg10 : memref<80x128xf32, #tpu.memory_space<vmem>>) offsets(%dma_start3A_353 : memref<80xi32, #tpu.memory_space<vmem>>) semaphore(%arg15 : memref<!tpu.dma_semaphore, #tpu.memory_space<semaphore_mem>>)
      } else {
      }
      %eq3A_308 = arith.constant 2 : i32
      %eq3A_309 = arith.cmpi eq, %rem3A_294, %eq3A_308 : i32
      %lt3A_310 = arith.constant 29 : i32
      %lt3A_311 = arith.cmpi slt, %scan3A_290, %lt3A_310 : i32
      %and3A_312 = arith.andi %eq3A_309, %lt3A_311 : i1
      %convert_element_type3A_313 = arith.extui %and3A_312 : i1 to i32
      %cond3A_314 = arith.constant 0 : i32
      %cond3A_315 = arith.cmpi ne, %convert_element_type3A_313, %cond3A_314 : i32
      scf.if %cond3A_315 {
        %ge3A = arith.constant 1 : i32
        %ge3A_345 = arith.cmpi sge, %scan3A_290, %ge3A : i32
        %convert_element_type3A_346 = arith.extui %ge3A_345 : i1 to i32
        %cond3A_347 = arith.constant 0 : i32
        %cond3A_348 = arith.cmpi ne, %convert_element_type3A_346, %cond3A_347 : i32
        scf.if %cond3A_348 {
          %dma_wait3A_361 = arith.constant 0 : i32
          %dma_wait3A_362 = arith.constant 0 : i32
          %dma_wait3A_363 = tpu.memref_slice %arg8[%dma_wait3A_361, %dma_wait3A_362] : memref<32x80xi32, #tpu.memory_space<vmem>> -> memref<1x80xi32, #tpu.memory_space<vmem>>
          %dma_wait3A_364 = tpu.memref_squeeze %dma_wait3A_363 : memref<1x80xi32, #tpu.memory_space<vmem>> -> memref<80xi32, #tpu.memory_space<vmem>>
          %dma_wait3A_365 = arith.constant 0 : i32
          %dma_wait3A_366 = arith.constant 0 : i32
          %dma_wait3A_367 = tpu.memref_slice %arg13[%dma_wait3A_365, %dma_wait3A_366] : memref<10112x128xf32, #tpu.memory_space<vmem_shared>> -> memref<10112x128xf32, #tpu.memory_space<vmem_shared>>
          tpu.wait_indirect_dma semaphore(%arg20 : memref<!tpu.dma_semaphore, #tpu.memory_space<semaphore_mem>>) src(%arg11 : memref<80x128xf32, #tpu.memory_space<vmem>>) dst(%dma_wait3A_367 : memref<10112x128xf32, #tpu.memory_space<vmem_shared>>)
        } else {
        }
        %add3A_349 = arith.constant 3 : i32
        %add3A_350 = arith.addi %scan3A_290, %add3A_349 : i32
        %dma_start3A_351 = arith.constant 0 : i32
        %dma_start3A_352 = tpu.memref_slice %arg7[%add3A_350, %dma_start3A_351] : memref<32x80xi32, #tpu.memory_space<vmem>> -> memref<1x80xi32, #tpu.memory_space<vmem>>
        %dma_start3A_353 = tpu.memref_squeeze %dma_start3A_352 : memref<1x80xi32, #tpu.memory_space<vmem>> -> memref<80xi32, #tpu.memory_space<vmem>>
        %dma_start3A_354 = arith.constant 0 : i32
        %dma_start3A_355 = arith.constant 0 : i32
        %dma_start3A_356 = tpu.memref_slice %arg2[%arg0, %dma_start3A_354, %dma_start3A_355] : memref<2x10112x128xf32, #tpu.memory_space<hbm>> -> memref<1x10112x128xf32, #tpu.memory_space<hbm>>
        %dma_start3A_357 = tpu.memref_squeeze %dma_start3A_356 : memref<1x10112x128xf32, #tpu.memory_space<hbm>> -> memref<10112x128xf32, #tpu.memory_space<hbm>>
        %dma_start3A_358 = arith.constant 0 : i32
        %dma_start3A_359 = arith.constant 0 : i32
        %dma_start3A_360 = tpu.memref_slice %dma_start3A_357[%dma_start3A_358, %dma_start3A_359] : memref<10112x128xf32, #tpu.memory_space<hbm>> -> memref<10112x128xf32, #tpu.memory_space<hbm>>
        tpu.enqueue_indirect_dma source(%dma_start3A_360 : memref<10112x128xf32, #tpu.memory_space<hbm>>) target(%arg11 : memref<80x128xf32, #tpu.memory_space<vmem>>) offsets(%dma_start3A_353 : memref<80xi32, #tpu.memory_space<vmem>>) semaphore(%arg16 : memref<!tpu.dma_semaphore, #tpu.memory_space<semaphore_mem>>)
      } else {
      }
      %eq3A_316 = arith.constant 3 : i32
      %eq3A_317 = arith.cmpi eq, %rem3A_294, %eq3A_316 : i32
      %lt3A_318 = arith.constant 29 : i32
      %lt3A_319 = arith.cmpi slt, %scan3A_290, %lt3A_318 : i32
      %and3A_320 = arith.andi %eq3A_317, %lt3A_319 : i1
      %convert_element_type3A_321 = arith.extui %and3A_320 : i1 to i32
      %cond3A_322 = arith.constant 0 : i32
      %cond3A_323 = arith.cmpi ne, %convert_element_type3A_321, %cond3A_322 : i32
      scf.if %cond3A_323 {
        %ge3A = arith.constant 1 : i32
        %ge3A_345 = arith.cmpi sge, %scan3A_290, %ge3A : i32
        %convert_element_type3A_346 = arith.extui %ge3A_345 : i1 to i32
        %cond3A_347 = arith.constant 0 : i32
        %cond3A_348 = arith.cmpi ne, %convert_element_type3A_346, %cond3A_347 : i32
        scf.if %cond3A_348 {
          %dma_wait3A_361 = arith.constant 0 : i32
          %dma_wait3A_362 = arith.constant 0 : i32
          %dma_wait3A_363 = tpu.memref_slice %arg8[%dma_wait3A_361, %dma_wait3A_362] : memref<32x80xi32, #tpu.memory_space<vmem>> -> memref<1x80xi32, #tpu.memory_space<vmem>>
          %dma_wait3A_364 = tpu.memref_squeeze %dma_wait3A_363 : memref<1x80xi32, #tpu.memory_space<vmem>> -> memref<80xi32, #tpu.memory_space<vmem>>
          %dma_wait3A_365 = arith.constant 0 : i32
          %dma_wait3A_366 = arith.constant 0 : i32
          %dma_wait3A_367 = tpu.memref_slice %arg13[%dma_wait3A_365, %dma_wait3A_366] : memref<10112x128xf32, #tpu.memory_space<vmem_shared>> -> memref<10112x128xf32, #tpu.memory_space<vmem_shared>>
          tpu.wait_indirect_dma semaphore(%arg21 : memref<!tpu.dma_semaphore, #tpu.memory_space<semaphore_mem>>) src(%arg12 : memref<80x128xf32, #tpu.memory_space<vmem>>) dst(%dma_wait3A_367 : memref<10112x128xf32, #tpu.memory_space<vmem_shared>>)
        } else {
        }
        %add3A_349 = arith.constant 3 : i32
        %add3A_350 = arith.addi %scan3A_290, %add3A_349 : i32
        %dma_start3A_351 = arith.constant 0 : i32
        %dma_start3A_352 = tpu.memref_slice %arg7[%add3A_350, %dma_start3A_351] : memref<32x80xi32, #tpu.memory_space<vmem>> -> memref<1x80xi32, #tpu.memory_space<vmem>>
        %dma_start3A_353 = tpu.memref_squeeze %dma_start3A_352 : memref<1x80xi32, #tpu.memory_space<vmem>> -> memref<80xi32, #tpu.memory_space<vmem>>
        %dma_start3A_354 = arith.constant 0 : i32
        %dma_start3A_355 = arith.constant 0 : i32
        %dma_start3A_356 = tpu.memref_slice %arg2[%arg0, %dma_start3A_354, %dma_start3A_355] : memref<2x10112x128xf32, #tpu.memory_space<hbm>> -> memref<1x10112x128xf32, #tpu.memory_space<hbm>>
        %dma_start3A_357 = tpu.memref_squeeze %dma_start3A_356 : memref<1x10112x128xf32, #tpu.memory_space<hbm>> -> memref<10112x128xf32, #tpu.memory_space<hbm>>
        %dma_start3A_358 = arith.constant 0 : i32
        %dma_start3A_359 = arith.constant 0 : i32
        %dma_start3A_360 = tpu.memref_slice %dma_start3A_357[%dma_start3A_358, %dma_start3A_359] : memref<10112x128xf32, #tpu.memory_space<hbm>> -> memref<10112x128xf32, #tpu.memory_space<hbm>>
        tpu.enqueue_indirect_dma source(%dma_start3A_360 : memref<10112x128xf32, #tpu.memory_space<hbm>>) target(%arg12 : memref<80x128xf32, #tpu.memory_space<vmem>>) offsets(%dma_start3A_353 : memref<80xi32, #tpu.memory_space<vmem>>) semaphore(%arg17 : memref<!tpu.dma_semaphore, #tpu.memory_space<semaphore_mem>>)
      } else {
      }
      %eq3A_324 = arith.constant 0 : i32
      %eq3A_325 = arith.cmpi eq, %rem3A_296, %eq3A_324 : i32
      %convert_element_type3A_326 = arith.extui %eq3A_325 : i1 to i32
      %cond3A_327 = arith.constant 0 : i32
      %cond3A_328 = arith.cmpi ne, %convert_element_type3A_326, %cond3A_327 : i32
      scf.if %cond3A_328 {
        %dma_wait3A_345 = arith.constant 0 : i32
        %dma_wait3A_346 = tpu.memref_slice %arg7[%scan3A_290, %dma_wait3A_345] : memref<32x80xi32, #tpu.memory_space<vmem>> -> memref<1x80xi32, #tpu.memory_space<vmem>>
        %dma_wait3A_347 = tpu.memref_squeeze %dma_wait3A_346 : memref<1x80xi32, #tpu.memory_space<vmem>> -> memref<80xi32, #tpu.memory_space<vmem>>
        %dma_wait3A_348 = arith.constant 0 : i32
        %dma_wait3A_349 = arith.constant 0 : i32
        %dma_wait3A_350 = tpu.memref_slice %arg2[%arg0, %dma_wait3A_348, %dma_wait3A_349] : memref<2x10112x128xf32, #tpu.memory_space<hbm>> -> memref<1x10112x128xf32, #tpu.memory_space<hbm>>
        %dma_wait3A_351 = tpu.memref_squeeze %dma_wait3A_350 : memref<1x10112x128xf32, #tpu.memory_space<hbm>> -> memref<10112x128xf32, #tpu.memory_space<hbm>>
        %dma_wait3A_352 = arith.constant 0 : i32
        %dma_wait3A_353 = arith.constant 0 : i32
        %dma_wait3A_354 = tpu.memref_slice %dma_wait3A_351[%dma_wait3A_352, %dma_wait3A_353] : memref<10112x128xf32, #tpu.memory_space<hbm>> -> memref<10112x128xf32, #tpu.memory_space<hbm>>
        tpu.wait_indirect_dma semaphore(%arg14 : memref<!tpu.dma_semaphore, #tpu.memory_space<semaphore_mem>>) src(%dma_wait3A_354 : memref<10112x128xf32, #tpu.memory_space<hbm>>) dst(%arg9 : memref<80x128xf32, #tpu.memory_space<vmem>>)
        %dma_start3A_355 = arith.constant 0 : i32
        %dma_start3A_356 = tpu.memref_slice %arg8[%scan3A_290, %dma_start3A_355] : memref<32x80xi32, #tpu.memory_space<vmem>> -> memref<1x80xi32, #tpu.memory_space<vmem>>
        %dma_start3A_357 = tpu.memref_squeeze %dma_start3A_356 : memref<1x80xi32, #tpu.memory_space<vmem>> -> memref<80xi32, #tpu.memory_space<vmem>>
        %dma_start3A_358 = arith.constant 0 : i32
        %dma_start3A_359 = arith.constant 0 : i32
        %dma_start3A_360 = tpu.memref_slice %arg13[%dma_start3A_358, %dma_start3A_359] : memref<10112x128xf32, #tpu.memory_space<vmem_shared>> -> memref<10112x128xf32, #tpu.memory_space<vmem_shared>>
        tpu.enqueue_indirect_dma source(%arg9 : memref<80x128xf32, #tpu.memory_space<vmem>>) target(%dma_start3A_360 : memref<10112x128xf32, #tpu.memory_space<vmem_shared>>) offsets(%dma_start3A_357 : memref<80xi32, #tpu.memory_space<vmem>>) semaphore(%arg18 : memref<!tpu.dma_semaphore, #tpu.memory_space<semaphore_mem>>) {add = true}
      } else {
      }
      %eq3A_329 = arith.constant 1 : i32
      %eq3A_330 = arith.cmpi eq, %rem3A_296, %eq3A_329 : i32
      %convert_element_type3A_331 = arith.extui %eq3A_330 : i1 to i32
      %cond3A_332 = arith.constant 0 : i32
      %cond3A_333 = arith.cmpi ne, %convert_element_type3A_331, %cond3A_332 : i32
      scf.if %cond3A_333 {
        %dma_wait3A_345 = arith.constant 0 : i32
        %dma_wait3A_346 = tpu.memref_slice %arg7[%scan3A_290, %dma_wait3A_345] : memref<32x80xi32, #tpu.memory_space<vmem>> -> memref<1x80xi32, #tpu.memory_space<vmem>>
        %dma_wait3A_347 = tpu.memref_squeeze %dma_wait3A_346 : memref<1x80xi32, #tpu.memory_space<vmem>> -> memref<80xi32, #tpu.memory_space<vmem>>
        %dma_wait3A_348 = arith.constant 0 : i32
        %dma_wait3A_349 = arith.constant 0 : i32
        %dma_wait3A_350 = tpu.memref_slice %arg2[%arg0, %dma_wait3A_348, %dma_wait3A_349] : memref<2x10112x128xf32, #tpu.memory_space<hbm>> -> memref<1x10112x128xf32, #tpu.memory_space<hbm>>
        %dma_wait3A_351 = tpu.memref_squeeze %dma_wait3A_350 : memref<1x10112x128xf32, #tpu.memory_space<hbm>> -> memref<10112x128xf32, #tpu.memory_space<hbm>>
        %dma_wait3A_352 = arith.constant 0 : i32
        %dma_wait3A_353 = arith.constant 0 : i32
        %dma_wait3A_354 = tpu.memref_slice %dma_wait3A_351[%dma_wait3A_352, %dma_wait3A_353] : memref<10112x128xf32, #tpu.memory_space<hbm>> -> memref<10112x128xf32, #tpu.memory_space<hbm>>
        tpu.wait_indirect_dma semaphore(%arg15 : memref<!tpu.dma_semaphore, #tpu.memory_space<semaphore_mem>>) src(%dma_wait3A_354 : memref<10112x128xf32, #tpu.memory_space<hbm>>) dst(%arg10 : memref<80x128xf32, #tpu.memory_space<vmem>>)
        %dma_start3A_355 = arith.constant 0 : i32
        %dma_start3A_356 = tpu.memref_slice %arg8[%scan3A_290, %dma_start3A_355] : memref<32x80xi32, #tpu.memory_space<vmem>> -> memref<1x80xi32, #tpu.memory_space<vmem>>
        %dma_start3A_357 = tpu.memref_squeeze %dma_start3A_356 : memref<1x80xi32, #tpu.memory_space<vmem>> -> memref<80xi32, #tpu.memory_space<vmem>>
        %dma_start3A_358 = arith.constant 0 : i32
        %dma_start3A_359 = arith.constant 0 : i32
        %dma_start3A_360 = tpu.memref_slice %arg13[%dma_start3A_358, %dma_start3A_359] : memref<10112x128xf32, #tpu.memory_space<vmem_shared>> -> memref<10112x128xf32, #tpu.memory_space<vmem_shared>>
        tpu.enqueue_indirect_dma source(%arg10 : memref<80x128xf32, #tpu.memory_space<vmem>>) target(%dma_start3A_360 : memref<10112x128xf32, #tpu.memory_space<vmem_shared>>) offsets(%dma_start3A_357 : memref<80xi32, #tpu.memory_space<vmem>>) semaphore(%arg19 : memref<!tpu.dma_semaphore, #tpu.memory_space<semaphore_mem>>) {add = true}
      } else {
      }
      %eq3A_334 = arith.constant 2 : i32
      %eq3A_335 = arith.cmpi eq, %rem3A_296, %eq3A_334 : i32
      %convert_element_type3A_336 = arith.extui %eq3A_335 : i1 to i32
      %cond3A_337 = arith.constant 0 : i32
      %cond3A_338 = arith.cmpi ne, %convert_element_type3A_336, %cond3A_337 : i32
      scf.if %cond3A_338 {
        %dma_wait3A_345 = arith.constant 0 : i32
        %dma_wait3A_346 = tpu.memref_slice %arg7[%scan3A_290, %dma_wait3A_345] : memref<32x80xi32, #tpu.memory_space<vmem>> -> memref<1x80xi32, #tpu.memory_space<vmem>>
        %dma_wait3A_347 = tpu.memref_squeeze %dma_wait3A_346 : memref<1x80xi32, #tpu.memory_space<vmem>> -> memref<80xi32, #tpu.memory_space<vmem>>
        %dma_wait3A_348 = arith.constant 0 : i32
        %dma_wait3A_349 = arith.constant 0 : i32
        %dma_wait3A_350 = tpu.memref_slice %arg2[%arg0, %dma_wait3A_348, %dma_wait3A_349] : memref<2x10112x128xf32, #tpu.memory_space<hbm>> -> memref<1x10112x128xf32, #tpu.memory_space<hbm>>
        %dma_wait3A_351 = tpu.memref_squeeze %dma_wait3A_350 : memref<1x10112x128xf32, #tpu.memory_space<hbm>> -> memref<10112x128xf32, #tpu.memory_space<hbm>>
        %dma_wait3A_352 = arith.constant 0 : i32
        %dma_wait3A_353 = arith.constant 0 : i32
        %dma_wait3A_354 = tpu.memref_slice %dma_wait3A_351[%dma_wait3A_352, %dma_wait3A_353] : memref<10112x128xf32, #tpu.memory_space<hbm>> -> memref<10112x128xf32, #tpu.memory_space<hbm>>
        tpu.wait_indirect_dma semaphore(%arg16 : memref<!tpu.dma_semaphore, #tpu.memory_space<semaphore_mem>>) src(%dma_wait3A_354 : memref<10112x128xf32, #tpu.memory_space<hbm>>) dst(%arg11 : memref<80x128xf32, #tpu.memory_space<vmem>>)
        %dma_start3A_355 = arith.constant 0 : i32
        %dma_start3A_356 = tpu.memref_slice %arg8[%scan3A_290, %dma_start3A_355] : memref<32x80xi32, #tpu.memory_space<vmem>> -> memref<1x80xi32, #tpu.memory_space<vmem>>
        %dma_start3A_357 = tpu.memref_squeeze %dma_start3A_356 : memref<1x80xi32, #tpu.memory_space<vmem>> -> memref<80xi32, #tpu.memory_space<vmem>>
        %dma_start3A_358 = arith.constant 0 : i32
        %dma_start3A_359 = arith.constant 0 : i32
        %dma_start3A_360 = tpu.memref_slice %arg13[%dma_start3A_358, %dma_start3A_359] : memref<10112x128xf32, #tpu.memory_space<vmem_shared>> -> memref<10112x128xf32, #tpu.memory_space<vmem_shared>>
        tpu.enqueue_indirect_dma source(%arg11 : memref<80x128xf32, #tpu.memory_space<vmem>>) target(%dma_start3A_360 : memref<10112x128xf32, #tpu.memory_space<vmem_shared>>) offsets(%dma_start3A_357 : memref<80xi32, #tpu.memory_space<vmem>>) semaphore(%arg20 : memref<!tpu.dma_semaphore, #tpu.memory_space<semaphore_mem>>) {add = true}
      } else {
      }
      %eq3A_339 = arith.constant 3 : i32
      %eq3A_340 = arith.cmpi eq, %rem3A_296, %eq3A_339 : i32
      %convert_element_type3A_341 = arith.extui %eq3A_340 : i1 to i32
      %cond3A_342 = arith.constant 0 : i32
      %cond3A_343 = arith.cmpi ne, %convert_element_type3A_341, %cond3A_342 : i32
      scf.if %cond3A_343 {
        %dma_wait3A_345 = arith.constant 0 : i32
        %dma_wait3A_346 = tpu.memref_slice %arg7[%scan3A_290, %dma_wait3A_345] : memref<32x80xi32, #tpu.memory_space<vmem>> -> memref<1x80xi32, #tpu.memory_space<vmem>>
        %dma_wait3A_347 = tpu.memref_squeeze %dma_wait3A_346 : memref<1x80xi32, #tpu.memory_space<vmem>> -> memref<80xi32, #tpu.memory_space<vmem>>
        %dma_wait3A_348 = arith.constant 0 : i32
        %dma_wait3A_349 = arith.constant 0 : i32
        %dma_wait3A_350 = tpu.memref_slice %arg2[%arg0, %dma_wait3A_348, %dma_wait3A_349] : memref<2x10112x128xf32, #tpu.memory_space<hbm>> -> memref<1x10112x128xf32, #tpu.memory_space<hbm>>
        %dma_wait3A_351 = tpu.memref_squeeze %dma_wait3A_350 : memref<1x10112x128xf32, #tpu.memory_space<hbm>> -> memref<10112x128xf32, #tpu.memory_space<hbm>>
        %dma_wait3A_352 = arith.constant 0 : i32
        %dma_wait3A_353 = arith.constant 0 : i32
        %dma_wait3A_354 = tpu.memref_slice %dma_wait3A_351[%dma_wait3A_352, %dma_wait3A_353] : memref<10112x128xf32, #tpu.memory_space<hbm>> -> memref<10112x128xf32, #tpu.memory_space<hbm>>
        tpu.wait_indirect_dma semaphore(%arg17 : memref<!tpu.dma_semaphore, #tpu.memory_space<semaphore_mem>>) src(%dma_wait3A_354 : memref<10112x128xf32, #tpu.memory_space<hbm>>) dst(%arg12 : memref<80x128xf32, #tpu.memory_space<vmem>>)
        %dma_start3A_355 = arith.constant 0 : i32
        %dma_start3A_356 = tpu.memref_slice %arg8[%scan3A_290, %dma_start3A_355] : memref<32x80xi32, #tpu.memory_space<vmem>> -> memref<1x80xi32, #tpu.memory_space<vmem>>
        %dma_start3A_357 = tpu.memref_squeeze %dma_start3A_356 : memref<1x80xi32, #tpu.memory_space<vmem>> -> memref<80xi32, #tpu.memory_space<vmem>>
        %dma_start3A_358 = arith.constant 0 : i32
        %dma_start3A_359 = arith.constant 0 : i32
        %dma_start3A_360 = tpu.memref_slice %arg13[%dma_start3A_358, %dma_start3A_359] : memref<10112x128xf32, #tpu.memory_space<vmem_shared>> -> memref<10112x128xf32, #tpu.memory_space<vmem_shared>>
        tpu.enqueue_indirect_dma source(%arg12 : memref<80x128xf32, #tpu.memory_space<vmem>>) target(%dma_start3A_360 : memref<10112x128xf32, #tpu.memory_space<vmem_shared>>) offsets(%dma_start3A_357 : memref<80xi32, #tpu.memory_space<vmem>>) semaphore(%arg21 : memref<!tpu.dma_semaphore, #tpu.memory_space<semaphore_mem>>) {add = true}
      } else {
      }
      %scan3A_344 = arith.constant 0 : i32
      scf.yield %scan3A_344 : i32
    }
    %scan3A_41 = arith.constant 32 : i32
    %dma_wait3A = arith.constant 0 : i32
    %dma_wait3A_42 = arith.constant 0 : i32
    %dma_wait3A_43 = tpu.memref_slice %arg8[%dma_wait3A, %dma_wait3A_42] : memref<32x80xi32, #tpu.memory_space<vmem>> -> memref<1x80xi32, #tpu.memory_space<vmem>>
    %dma_wait3A_44 = tpu.memref_squeeze %dma_wait3A_43 : memref<1x80xi32, #tpu.memory_space<vmem>> -> memref<80xi32, #tpu.memory_space<vmem>>
    %dma_wait3A_45 = arith.constant 0 : i32
    %dma_wait3A_46 = arith.constant 0 : i32
    %dma_wait3A_47 = tpu.memref_slice %arg13[%dma_wait3A_45, %dma_wait3A_46] : memref<10112x128xf32, #tpu.memory_space<vmem_shared>> -> memref<10112x128xf32, #tpu.memory_space<vmem_shared>>
    tpu.wait_indirect_dma semaphore(%arg18 : memref<!tpu.dma_semaphore, #tpu.memory_space<semaphore_mem>>) src(%arg9 : memref<80x128xf32, #tpu.memory_space<vmem>>) dst(%dma_wait3A_47 : memref<10112x128xf32, #tpu.memory_space<vmem_shared>>)
    %dma_wait3A_48 = arith.constant 0 : i32
    %dma_wait3A_49 = arith.constant 0 : i32
    %dma_wait3A_50 = tpu.memref_slice %arg8[%dma_wait3A_48, %dma_wait3A_49] : memref<32x80xi32, #tpu.memory_space<vmem>> -> memref<1x80xi32, #tpu.memory_space<vmem>>
    %dma_wait3A_51 = tpu.memref_squeeze %dma_wait3A_50 : memref<1x80xi32, #tpu.memory_space<vmem>> -> memref<80xi32, #tpu.memory_space<vmem>>
    %dma_wait3A_52 = arith.constant 0 : i32
    %dma_wait3A_53 = arith.constant 0 : i32
    %dma_wait3A_54 = tpu.memref_slice %arg13[%dma_wait3A_52, %dma_wait3A_53] : memref<10112x128xf32, #tpu.memory_space<vmem_shared>> -> memref<10112x128xf32, #tpu.memory_space<vmem_shared>>
    tpu.wait_indirect_dma semaphore(%arg19 : memref<!tpu.dma_semaphore, #tpu.memory_space<semaphore_mem>>) src(%arg10 : memref<80x128xf32, #tpu.memory_space<vmem>>) dst(%dma_wait3A_54 : memref<10112x128xf32, #tpu.memory_space<vmem_shared>>)
    %dma_wait3A_55 = arith.constant 0 : i32
    %dma_wait3A_56 = arith.constant 0 : i32
    %dma_wait3A_57 = tpu.memref_slice %arg8[%dma_wait3A_55, %dma_wait3A_56] : memref<32x80xi32, #tpu.memory_space<vmem>> -> memref<1x80xi32, #tpu.memory_space<vmem>>
    %dma_wait3A_58 = tpu.memref_squeeze %dma_wait3A_57 : memref<1x80xi32, #tpu.memory_space<vmem>> -> memref<80xi32, #tpu.memory_space<vmem>>
    %dma_wait3A_59 = arith.constant 0 : i32
    %dma_wait3A_60 = arith.constant 0 : i32
    %dma_wait3A_61 = tpu.memref_slice %arg13[%dma_wait3A_59, %dma_wait3A_60] : memref<10112x128xf32, #tpu.memory_space<vmem_shared>> -> memref<10112x128xf32, #tpu.memory_space<vmem_shared>>
    tpu.wait_indirect_dma semaphore(%arg20 : memref<!tpu.dma_semaphore, #tpu.memory_space<semaphore_mem>>) src(%arg11 : memref<80x128xf32, #tpu.memory_space<vmem>>) dst(%dma_wait3A_61 : memref<10112x128xf32, #tpu.memory_space<vmem_shared>>)
    %dma_wait3A_62 = arith.constant 0 : i32
    %dma_wait3A_63 = arith.constant 0 : i32
    %dma_wait3A_64 = tpu.memref_slice %arg8[%dma_wait3A_62, %dma_wait3A_63] : memref<32x80xi32, #tpu.memory_space<vmem>> -> memref<1x80xi32, #tpu.memory_space<vmem>>
    %dma_wait3A_65 = tpu.memref_squeeze %dma_wait3A_64 : memref<1x80xi32, #tpu.memory_space<vmem>> -> memref<80xi32, #tpu.memory_space<vmem>>
    %dma_wait3A_66 = arith.constant 0 : i32
    %dma_wait3A_67 = arith.constant 0 : i32
    %dma_wait3A_68 = tpu.memref_slice %arg13[%dma_wait3A_66, %dma_wait3A_67] : memref<10112x128xf32, #tpu.memory_space<vmem_shared>> -> memref<10112x128xf32, #tpu.memory_space<vmem_shared>>
    tpu.wait_indirect_dma semaphore(%arg21 : memref<!tpu.dma_semaphore, #tpu.memory_space<semaphore_mem>>) src(%arg12 : memref<80x128xf32, #tpu.memory_space<vmem>>) dst(%dma_wait3A_68 : memref<10112x128xf32, #tpu.memory_space<vmem_shared>>)
    %mul3A_69 = arith.constant 128 : i32
    %mul3A_70 = arith.muli %arg1, %mul3A_69 : i32
    %add3A_71 = arith.constant 32 : i32
    %add3A_72 = arith.addi %mul3A_70, %add3A_71 : i32
    "tpu.region"() ({
      %run_scoped3A = tpu.sem_alloc : memref<!tpu.dma_semaphore, #tpu.memory_space<semaphore_mem>>
      %dma_start3A_290 = arith.constant 0 : i32
      %dma_start3A_291 = tpu.memref_slice %arg3[%add3A_72, %dma_start3A_290] : memref<2048x80xi32, #tpu.memory_space<hbm>> -> memref<32x80xi32, #tpu.memory_space<hbm>>
      %dma_start3A_292 = arith.constant 0 : i32
      %dma_start3A_293 = tpu.memref_slice %arg3[%add3A_72, %dma_start3A_292] : memref<2048x80xi32, #tpu.memory_space<hbm>> -> memref<32x80xi32, #tpu.memory_space<hbm>>
      tpu.enqueue_dma source(%dma_start3A_293 : memref<32x80xi32, #tpu.memory_space<hbm>>) target(%arg7 : memref<32x80xi32, #tpu.memory_space<vmem>>) target_semaphore(%run_scoped3A : memref<!tpu.dma_semaphore, #tpu.memory_space<semaphore_mem>>)
      %dma_wait3A_294 = arith.constant 0 : i32
      %dma_wait3A_295 = tpu.memref_slice %arg3[%add3A_72, %dma_wait3A_294] : memref<2048x80xi32, #tpu.memory_space<hbm>> -> memref<32x80xi32, #tpu.memory_space<hbm>>
      %dma_wait3A_296 = arith.constant 0 : i32
      %dma_wait3A_297 = tpu.memref_slice %arg3[%add3A_72, %dma_wait3A_296] : memref<2048x80xi32, #tpu.memory_space<hbm>> -> memref<32x80xi32, #tpu.memory_space<hbm>>
      tpu.wait_dma2 semaphore(%run_scoped3A : memref<!tpu.dma_semaphore, #tpu.memory_space<semaphore_mem>>) src(%dma_wait3A_297 : memref<32x80xi32, #tpu.memory_space<hbm>>) dst(%arg7 : memref<32x80xi32, #tpu.memory_space<vmem>>)
      tpu.yield
    }) : () -> ()
    "tpu.region"() ({
      %run_scoped3A = tpu.sem_alloc : memref<!tpu.dma_semaphore, #tpu.memory_space<semaphore_mem>>
      %dma_start3A_290 = arith.constant 0 : i32
      %dma_start3A_291 = tpu.memref_slice %arg4[%add3A_72, %dma_start3A_290] : memref<2048x80xi32, #tpu.memory_space<hbm>> -> memref<32x80xi32, #tpu.memory_space<hbm>>
      %dma_start3A_292 = arith.constant 0 : i32
      %dma_start3A_293 = tpu.memref_slice %arg4[%add3A_72, %dma_start3A_292] : memref<2048x80xi32, #tpu.memory_space<hbm>> -> memref<32x80xi32, #tpu.memory_space<hbm>>
      tpu.enqueue_dma source(%dma_start3A_293 : memref<32x80xi32, #tpu.memory_space<hbm>>) target(%arg8 : memref<32x80xi32, #tpu.memory_space<vmem>>) target_semaphore(%run_scoped3A : memref<!tpu.dma_semaphore, #tpu.memory_space<semaphore_mem>>)
      %dma_wait3A_294 = arith.constant 0 : i32
      %dma_wait3A_295 = tpu.memref_slice %arg4[%add3A_72, %dma_wait3A_294] : memref<2048x80xi32, #tpu.memory_space<hbm>> -> memref<32x80xi32, #tpu.memory_space<hbm>>
      %dma_wait3A_296 = arith.constant 0 : i32
      %dma_wait3A_297 = tpu.memref_slice %arg4[%add3A_72, %dma_wait3A_296] : memref<2048x80xi32, #tpu.memory_space<hbm>> -> memref<32x80xi32, #tpu.memory_space<hbm>>
      tpu.wait_dma2 semaphore(%run_scoped3A : memref<!tpu.dma_semaphore, #tpu.memory_space<semaphore_mem>>) src(%dma_wait3A_297 : memref<32x80xi32, #tpu.memory_space<hbm>>) dst(%arg8 : memref<32x80xi32, #tpu.memory_space<vmem>>)
      tpu.yield
    }) : () -> ()
    %dma_start3A_73 = arith.constant 0 : i32
    %dma_start3A_74 = arith.constant 0 : i32
    %dma_start3A_75 = tpu.memref_slice %arg7[%dma_start3A_73, %dma_start3A_74] : memref<32x80xi32, #tpu.memory_space<vmem>> -> memref<1x80xi32, #tpu.memory_space<vmem>>
    %dma_start3A_76 = tpu.memref_squeeze %dma_start3A_75 : memref<1x80xi32, #tpu.memory_space<vmem>> -> memref<80xi32, #tpu.memory_space<vmem>>
    %dma_start3A_77 = arith.constant 0 : i32
    %dma_start3A_78 = arith.constant 0 : i32
    %dma_start3A_79 = tpu.memref_slice %arg2[%arg0, %dma_start3A_77, %dma_start3A_78] : memref<2x10112x128xf32, #tpu.memory_space<hbm>> -> memref<1x10112x128xf32, #tpu.memory_space<hbm>>
    %dma_start3A_80 = tpu.memref_squeeze %dma_start3A_79 : memref<1x10112x128xf32, #tpu.memory_space<hbm>> -> memref<10112x128xf32, #tpu.memory_space<hbm>>
    %dma_start3A_81 = arith.constant 0 : i32
    %dma_start3A_82 = arith.constant 0 : i32
    %dma_start3A_83 = tpu.memref_slice %dma_start3A_80[%dma_start3A_81, %dma_start3A_82] : memref<10112x128xf32, #tpu.memory_space<hbm>> -> memref<10112x128xf32, #tpu.memory_space<hbm>>
    tpu.enqueue_indirect_dma source(%dma_start3A_83 : memref<10112x128xf32, #tpu.memory_space<hbm>>) target(%arg9 : memref<80x128xf32, #tpu.memory_space<vmem>>) offsets(%dma_start3A_76 : memref<80xi32, #tpu.memory_space<vmem>>) semaphore(%arg14 : memref<!tpu.dma_semaphore, #tpu.memory_space<semaphore_mem>>)
    %dma_start3A_84 = arith.constant 1 : i32
    %dma_start3A_85 = arith.constant 0 : i32
    %dma_start3A_86 = tpu.memref_slice %arg7[%dma_start3A_84, %dma_start3A_85] : memref<32x80xi32, #tpu.memory_space<vmem>> -> memref<1x80xi32, #tpu.memory_space<vmem>>
    %dma_start3A_87 = tpu.memref_squeeze %dma_start3A_86 : memref<1x80xi32, #tpu.memory_space<vmem>> -> memref<80xi32, #tpu.memory_space<vmem>>
    %dma_start3A_88 = arith.constant 0 : i32
    %dma_start3A_89 = arith.constant 0 : i32
    %dma_start3A_90 = tpu.memref_slice %arg2[%arg0, %dma_start3A_88, %dma_start3A_89] : memref<2x10112x128xf32, #tpu.memory_space<hbm>> -> memref<1x10112x128xf32, #tpu.memory_space<hbm>>
    %dma_start3A_91 = tpu.memref_squeeze %dma_start3A_90 : memref<1x10112x128xf32, #tpu.memory_space<hbm>> -> memref<10112x128xf32, #tpu.memory_space<hbm>>
    %dma_start3A_92 = arith.constant 0 : i32
    %dma_start3A_93 = arith.constant 0 : i32
    %dma_start3A_94 = tpu.memref_slice %dma_start3A_91[%dma_start3A_92, %dma_start3A_93] : memref<10112x128xf32, #tpu.memory_space<hbm>> -> memref<10112x128xf32, #tpu.memory_space<hbm>>
    tpu.enqueue_indirect_dma source(%dma_start3A_94 : memref<10112x128xf32, #tpu.memory_space<hbm>>) target(%arg10 : memref<80x128xf32, #tpu.memory_space<vmem>>) offsets(%dma_start3A_87 : memref<80xi32, #tpu.memory_space<vmem>>) semaphore(%arg15 : memref<!tpu.dma_semaphore, #tpu.memory_space<semaphore_mem>>)
    %dma_start3A_95 = arith.constant 2 : i32
    %dma_start3A_96 = arith.constant 0 : i32
    %dma_start3A_97 = tpu.memref_slice %arg7[%dma_start3A_95, %dma_start3A_96] : memref<32x80xi32, #tpu.memory_space<vmem>> -> memref<1x80xi32, #tpu.memory_space<vmem>>
    %dma_start3A_98 = tpu.memref_squeeze %dma_start3A_97 : memref<1x80xi32, #tpu.memory_space<vmem>> -> memref<80xi32, #tpu.memory_space<vmem>>
    %dma_start3A_99 = arith.constant 0 : i32
    %dma_start3A_100 = arith.constant 0 : i32
    %dma_start3A_101 = tpu.memref_slice %arg2[%arg0, %dma_start3A_99, %dma_start3A_100] : memref<2x10112x128xf32, #tpu.memory_space<hbm>> -> memref<1x10112x128xf32, #tpu.memory_space<hbm>>
    %dma_start3A_102 = tpu.memref_squeeze %dma_start3A_101 : memref<1x10112x128xf32, #tpu.memory_space<hbm>> -> memref<10112x128xf32, #tpu.memory_space<hbm>>
    %dma_start3A_103 = arith.constant 0 : i32
    %dma_start3A_104 = arith.constant 0 : i32
    %dma_start3A_105 = tpu.memref_slice %dma_start3A_102[%dma_start3A_103, %dma_start3A_104] : memref<10112x128xf32, #tpu.memory_space<hbm>> -> memref<10112x128xf32, #tpu.memory_space<hbm>>
    tpu.enqueue_indirect_dma source(%dma_start3A_105 : memref<10112x128xf32, #tpu.memory_space<hbm>>) target(%arg11 : memref<80x128xf32, #tpu.memory_space<vmem>>) offsets(%dma_start3A_98 : memref<80xi32, #tpu.memory_space<vmem>>) semaphore(%arg16 : memref<!tpu.dma_semaphore, #tpu.memory_space<semaphore_mem>>)
    %scan3A_106 = arith.constant 0 : i32
    %scan3A_107 = arith.constant 0 : i32
    %scan3A_108 = arith.constant 32 : i32
    %scan3A_109 = arith.addi %scan3A_107, %scan3A_108 : i32
    %scan3A_110 = arith.constant 1 : i32
    %scan3A_111 = scf.for %scan3A_290 = %scan3A_107 to %scan3A_109 step %scan3A_110 iter_args(%scan3A_291 = %scan3A_106) -> (i32)  : i32 {
      %add3A_292 = arith.constant 3 : i32
      %add3A_293 = arith.addi %scan3A_290, %add3A_292 : i32
      %rem3A = arith.constant 4 : i32
      %rem3A_294 = arith.remsi %add3A_293, %rem3A : i32
      %rem3A_295 = arith.constant 4 : i32
      %rem3A_296 = arith.remsi %scan3A_290, %rem3A_295 : i32
      %eq3A = arith.constant 0 : i32
      %eq3A_297 = arith.cmpi eq, %rem3A_294, %eq3A : i32
      %lt3A = arith.constant 29 : i32
      %lt3A_298 = arith.cmpi slt, %scan3A_290, %lt3A : i32
      %and3A = arith.andi %eq3A_297, %lt3A_298 : i1
      %convert_element_type3A = arith.extui %and3A : i1 to i32
      %cond3A = arith.constant 0 : i32
      %cond3A_299 = arith.cmpi ne, %convert_element_type3A, %cond3A : i32
      scf.if %cond3A_299 {
        %ge3A = arith.constant 1 : i32
        %ge3A_345 = arith.cmpi sge, %scan3A_290, %ge3A : i32
        %convert_element_type3A_346 = arith.extui %ge3A_345 : i1 to i32
        %cond3A_347 = arith.constant 0 : i32
        %cond3A_348 = arith.cmpi ne, %convert_element_type3A_346, %cond3A_347 : i32
        scf.if %cond3A_348 {
          %dma_wait3A_361 = arith.constant 0 : i32
          %dma_wait3A_362 = arith.constant 0 : i32
          %dma_wait3A_363 = tpu.memref_slice %arg8[%dma_wait3A_361, %dma_wait3A_362] : memref<32x80xi32, #tpu.memory_space<vmem>> -> memref<1x80xi32, #tpu.memory_space<vmem>>
          %dma_wait3A_364 = tpu.memref_squeeze %dma_wait3A_363 : memref<1x80xi32, #tpu.memory_space<vmem>> -> memref<80xi32, #tpu.memory_space<vmem>>
          %dma_wait3A_365 = arith.constant 0 : i32
          %dma_wait3A_366 = arith.constant 0 : i32
          %dma_wait3A_367 = tpu.memref_slice %arg13[%dma_wait3A_365, %dma_wait3A_366] : memref<10112x128xf32, #tpu.memory_space<vmem_shared>> -> memref<10112x128xf32, #tpu.memory_space<vmem_shared>>
          tpu.wait_indirect_dma semaphore(%arg18 : memref<!tpu.dma_semaphore, #tpu.memory_space<semaphore_mem>>) src(%arg9 : memref<80x128xf32, #tpu.memory_space<vmem>>) dst(%dma_wait3A_367 : memref<10112x128xf32, #tpu.memory_space<vmem_shared>>)
        } else {
        }
        %add3A_349 = arith.constant 3 : i32
        %add3A_350 = arith.addi %scan3A_290, %add3A_349 : i32
        %dma_start3A_351 = arith.constant 0 : i32
        %dma_start3A_352 = tpu.memref_slice %arg7[%add3A_350, %dma_start3A_351] : memref<32x80xi32, #tpu.memory_space<vmem>> -> memref<1x80xi32, #tpu.memory_space<vmem>>
        %dma_start3A_353 = tpu.memref_squeeze %dma_start3A_352 : memref<1x80xi32, #tpu.memory_space<vmem>> -> memref<80xi32, #tpu.memory_space<vmem>>
        %dma_start3A_354 = arith.constant 0 : i32
        %dma_start3A_355 = arith.constant 0 : i32
        %dma_start3A_356 = tpu.memref_slice %arg2[%arg0, %dma_start3A_354, %dma_start3A_355] : memref<2x10112x128xf32, #tpu.memory_space<hbm>> -> memref<1x10112x128xf32, #tpu.memory_space<hbm>>
        %dma_start3A_357 = tpu.memref_squeeze %dma_start3A_356 : memref<1x10112x128xf32, #tpu.memory_space<hbm>> -> memref<10112x128xf32, #tpu.memory_space<hbm>>
        %dma_start3A_358 = arith.constant 0 : i32
        %dma_start3A_359 = arith.constant 0 : i32
        %dma_start3A_360 = tpu.memref_slice %dma_start3A_357[%dma_start3A_358, %dma_start3A_359] : memref<10112x128xf32, #tpu.memory_space<hbm>> -> memref<10112x128xf32, #tpu.memory_space<hbm>>
        tpu.enqueue_indirect_dma source(%dma_start3A_360 : memref<10112x128xf32, #tpu.memory_space<hbm>>) target(%arg9 : memref<80x128xf32, #tpu.memory_space<vmem>>) offsets(%dma_start3A_353 : memref<80xi32, #tpu.memory_space<vmem>>) semaphore(%arg14 : memref<!tpu.dma_semaphore, #tpu.memory_space<semaphore_mem>>)
      } else {
      }
      %eq3A_300 = arith.constant 1 : i32
      %eq3A_301 = arith.cmpi eq, %rem3A_294, %eq3A_300 : i32
      %lt3A_302 = arith.constant 29 : i32
      %lt3A_303 = arith.cmpi slt, %scan3A_290, %lt3A_302 : i32
      %and3A_304 = arith.andi %eq3A_301, %lt3A_303 : i1
      %convert_element_type3A_305 = arith.extui %and3A_304 : i1 to i32
      %cond3A_306 = arith.constant 0 : i32
      %cond3A_307 = arith.cmpi ne, %convert_element_type3A_305, %cond3A_306 : i32
      scf.if %cond3A_307 {
        %ge3A = arith.constant 1 : i32
        %ge3A_345 = arith.cmpi sge, %scan3A_290, %ge3A : i32
        %convert_element_type3A_346 = arith.extui %ge3A_345 : i1 to i32
        %cond3A_347 = arith.constant 0 : i32
        %cond3A_348 = arith.cmpi ne, %convert_element_type3A_346, %cond3A_347 : i32
        scf.if %cond3A_348 {
          %dma_wait3A_361 = arith.constant 0 : i32
          %dma_wait3A_362 = arith.constant 0 : i32
          %dma_wait3A_363 = tpu.memref_slice %arg8[%dma_wait3A_361, %dma_wait3A_362] : memref<32x80xi32, #tpu.memory_space<vmem>> -> memref<1x80xi32, #tpu.memory_space<vmem>>
          %dma_wait3A_364 = tpu.memref_squeeze %dma_wait3A_363 : memref<1x80xi32, #tpu.memory_space<vmem>> -> memref<80xi32, #tpu.memory_space<vmem>>
          %dma_wait3A_365 = arith.constant 0 : i32
          %dma_wait3A_366 = arith.constant 0 : i32
          %dma_wait3A_367 = tpu.memref_slice %arg13[%dma_wait3A_365, %dma_wait3A_366] : memref<10112x128xf32, #tpu.memory_space<vmem_shared>> -> memref<10112x128xf32, #tpu.memory_space<vmem_shared>>
          tpu.wait_indirect_dma semaphore(%arg19 : memref<!tpu.dma_semaphore, #tpu.memory_space<semaphore_mem>>) src(%arg10 : memref<80x128xf32, #tpu.memory_space<vmem>>) dst(%dma_wait3A_367 : memref<10112x128xf32, #tpu.memory_space<vmem_shared>>)
        } else {
        }
        %add3A_349 = arith.constant 3 : i32
        %add3A_350 = arith.addi %scan3A_290, %add3A_349 : i32
        %dma_start3A_351 = arith.constant 0 : i32
        %dma_start3A_352 = tpu.memref_slice %arg7[%add3A_350, %dma_start3A_351] : memref<32x80xi32, #tpu.memory_space<vmem>> -> memref<1x80xi32, #tpu.memory_space<vmem>>
        %dma_start3A_353 = tpu.memref_squeeze %dma_start3A_352 : memref<1x80xi32, #tpu.memory_space<vmem>> -> memref<80xi32, #tpu.memory_space<vmem>>
        %dma_start3A_354 = arith.constant 0 : i32
        %dma_start3A_355 = arith.constant 0 : i32
        %dma_start3A_356 = tpu.memref_slice %arg2[%arg0, %dma_start3A_354, %dma_start3A_355] : memref<2x10112x128xf32, #tpu.memory_space<hbm>> -> memref<1x10112x128xf32, #tpu.memory_space<hbm>>
        %dma_start3A_357 = tpu.memref_squeeze %dma_start3A_356 : memref<1x10112x128xf32, #tpu.memory_space<hbm>> -> memref<10112x128xf32, #tpu.memory_space<hbm>>
        %dma_start3A_358 = arith.constant 0 : i32
        %dma_start3A_359 = arith.constant 0 : i32
        %dma_start3A_360 = tpu.memref_slice %dma_start3A_357[%dma_start3A_358, %dma_start3A_359] : memref<10112x128xf32, #tpu.memory_space<hbm>> -> memref<10112x128xf32, #tpu.memory_space<hbm>>
        tpu.enqueue_indirect_dma source(%dma_start3A_360 : memref<10112x128xf32, #tpu.memory_space<hbm>>) target(%arg10 : memref<80x128xf32, #tpu.memory_space<vmem>>) offsets(%dma_start3A_353 : memref<80xi32, #tpu.memory_space<vmem>>) semaphore(%arg15 : memref<!tpu.dma_semaphore, #tpu.memory_space<semaphore_mem>>)
      } else {
      }
      %eq3A_308 = arith.constant 2 : i32
      %eq3A_309 = arith.cmpi eq, %rem3A_294, %eq3A_308 : i32
      %lt3A_310 = arith.constant 29 : i32
      %lt3A_311 = arith.cmpi slt, %scan3A_290, %lt3A_310 : i32
      %and3A_312 = arith.andi %eq3A_309, %lt3A_311 : i1
      %convert_element_type3A_313 = arith.extui %and3A_312 : i1 to i32
      %cond3A_314 = arith.constant 0 : i32
      %cond3A_315 = arith.cmpi ne, %convert_element_type3A_313, %cond3A_314 : i32
      scf.if %cond3A_315 {
        %ge3A = arith.constant 1 : i32
        %ge3A_345 = arith.cmpi sge, %scan3A_290, %ge3A : i32
        %convert_element_type3A_346 = arith.extui %ge3A_345 : i1 to i32
        %cond3A_347 = arith.constant 0 : i32
        %cond3A_348 = arith.cmpi ne, %convert_element_type3A_346, %cond3A_347 : i32
        scf.if %cond3A_348 {
          %dma_wait3A_361 = arith.constant 0 : i32
          %dma_wait3A_362 = arith.constant 0 : i32
          %dma_wait3A_363 = tpu.memref_slice %arg8[%dma_wait3A_361, %dma_wait3A_362] : memref<32x80xi32, #tpu.memory_space<vmem>> -> memref<1x80xi32, #tpu.memory_space<vmem>>
          %dma_wait3A_364 = tpu.memref_squeeze %dma_wait3A_363 : memref<1x80xi32, #tpu.memory_space<vmem>> -> memref<80xi32, #tpu.memory_space<vmem>>
          %dma_wait3A_365 = arith.constant 0 : i32
          %dma_wait3A_366 = arith.constant 0 : i32
          %dma_wait3A_367 = tpu.memref_slice %arg13[%dma_wait3A_365, %dma_wait3A_366] : memref<10112x128xf32, #tpu.memory_space<vmem_shared>> -> memref<10112x128xf32, #tpu.memory_space<vmem_shared>>
          tpu.wait_indirect_dma semaphore(%arg20 : memref<!tpu.dma_semaphore, #tpu.memory_space<semaphore_mem>>) src(%arg11 : memref<80x128xf32, #tpu.memory_space<vmem>>) dst(%dma_wait3A_367 : memref<10112x128xf32, #tpu.memory_space<vmem_shared>>)
        } else {
        }
        %add3A_349 = arith.constant 3 : i32
        %add3A_350 = arith.addi %scan3A_290, %add3A_349 : i32
        %dma_start3A_351 = arith.constant 0 : i32
        %dma_start3A_352 = tpu.memref_slice %arg7[%add3A_350, %dma_start3A_351] : memref<32x80xi32, #tpu.memory_space<vmem>> -> memref<1x80xi32, #tpu.memory_space<vmem>>
        %dma_start3A_353 = tpu.memref_squeeze %dma_start3A_352 : memref<1x80xi32, #tpu.memory_space<vmem>> -> memref<80xi32, #tpu.memory_space<vmem>>
        %dma_start3A_354 = arith.constant 0 : i32
        %dma_start3A_355 = arith.constant 0 : i32
        %dma_start3A_356 = tpu.memref_slice %arg2[%arg0, %dma_start3A_354, %dma_start3A_355] : memref<2x10112x128xf32, #tpu.memory_space<hbm>> -> memref<1x10112x128xf32, #tpu.memory_space<hbm>>
        %dma_start3A_357 = tpu.memref_squeeze %dma_start3A_356 : memref<1x10112x128xf32, #tpu.memory_space<hbm>> -> memref<10112x128xf32, #tpu.memory_space<hbm>>
        %dma_start3A_358 = arith.constant 0 : i32
        %dma_start3A_359 = arith.constant 0 : i32
        %dma_start3A_360 = tpu.memref_slice %dma_start3A_357[%dma_start3A_358, %dma_start3A_359] : memref<10112x128xf32, #tpu.memory_space<hbm>> -> memref<10112x128xf32, #tpu.memory_space<hbm>>
        tpu.enqueue_indirect_dma source(%dma_start3A_360 : memref<10112x128xf32, #tpu.memory_space<hbm>>) target(%arg11 : memref<80x128xf32, #tpu.memory_space<vmem>>) offsets(%dma_start3A_353 : memref<80xi32, #tpu.memory_space<vmem>>) semaphore(%arg16 : memref<!tpu.dma_semaphore, #tpu.memory_space<semaphore_mem>>)
      } else {
      }
      %eq3A_316 = arith.constant 3 : i32
      %eq3A_317 = arith.cmpi eq, %rem3A_294, %eq3A_316 : i32
      %lt3A_318 = arith.constant 29 : i32
      %lt3A_319 = arith.cmpi slt, %scan3A_290, %lt3A_318 : i32
      %and3A_320 = arith.andi %eq3A_317, %lt3A_319 : i1
      %convert_element_type3A_321 = arith.extui %and3A_320 : i1 to i32
      %cond3A_322 = arith.constant 0 : i32
      %cond3A_323 = arith.cmpi ne, %convert_element_type3A_321, %cond3A_322 : i32
      scf.if %cond3A_323 {
        %ge3A = arith.constant 1 : i32
        %ge3A_345 = arith.cmpi sge, %scan3A_290, %ge3A : i32
        %convert_element_type3A_346 = arith.extui %ge3A_345 : i1 to i32
        %cond3A_347 = arith.constant 0 : i32
        %cond3A_348 = arith.cmpi ne, %convert_element_type3A_346, %cond3A_347 : i32
        scf.if %cond3A_348 {
          %dma_wait3A_361 = arith.constant 0 : i32
          %dma_wait3A_362 = arith.constant 0 : i32
          %dma_wait3A_363 = tpu.memref_slice %arg8[%dma_wait3A_361, %dma_wait3A_362] : memref<32x80xi32, #tpu.memory_space<vmem>> -> memref<1x80xi32, #tpu.memory_space<vmem>>
          %dma_wait3A_364 = tpu.memref_squeeze %dma_wait3A_363 : memref<1x80xi32, #tpu.memory_space<vmem>> -> memref<80xi32, #tpu.memory_space<vmem>>
          %dma_wait3A_365 = arith.constant 0 : i32
          %dma_wait3A_366 = arith.constant 0 : i32
          %dma_wait3A_367 = tpu.memref_slice %arg13[%dma_wait3A_365, %dma_wait3A_366] : memref<10112x128xf32, #tpu.memory_space<vmem_shared>> -> memref<10112x128xf32, #tpu.memory_space<vmem_shared>>
          tpu.wait_indirect_dma semaphore(%arg21 : memref<!tpu.dma_semaphore, #tpu.memory_space<semaphore_mem>>) src(%arg12 : memref<80x128xf32, #tpu.memory_space<vmem>>) dst(%dma_wait3A_367 : memref<10112x128xf32, #tpu.memory_space<vmem_shared>>)
        } else {
        }
        %add3A_349 = arith.constant 3 : i32
        %add3A_350 = arith.addi %scan3A_290, %add3A_349 : i32
        %dma_start3A_351 = arith.constant 0 : i32
        %dma_start3A_352 = tpu.memref_slice %arg7[%add3A_350, %dma_start3A_351] : memref<32x80xi32, #tpu.memory_space<vmem>> -> memref<1x80xi32, #tpu.memory_space<vmem>>
        %dma_start3A_353 = tpu.memref_squeeze %dma_start3A_352 : memref<1x80xi32, #tpu.memory_space<vmem>> -> memref<80xi32, #tpu.memory_space<vmem>>
        %dma_start3A_354 = arith.constant 0 : i32
        %dma_start3A_355 = arith.constant 0 : i32
        %dma_start3A_356 = tpu.memref_slice %arg2[%arg0, %dma_start3A_354, %dma_start3A_355] : memref<2x10112x128xf32, #tpu.memory_space<hbm>> -> memref<1x10112x128xf32, #tpu.memory_space<hbm>>
        %dma_start3A_357 = tpu.memref_squeeze %dma_start3A_356 : memref<1x10112x128xf32, #tpu.memory_space<hbm>> -> memref<10112x128xf32, #tpu.memory_space<hbm>>
        %dma_start3A_358 = arith.constant 0 : i32
        %dma_start3A_359 = arith.constant 0 : i32
        %dma_start3A_360 = tpu.memref_slice %dma_start3A_357[%dma_start3A_358, %dma_start3A_359] : memref<10112x128xf32, #tpu.memory_space<hbm>> -> memref<10112x128xf32, #tpu.memory_space<hbm>>
        tpu.enqueue_indirect_dma source(%dma_start3A_360 : memref<10112x128xf32, #tpu.memory_space<hbm>>) target(%arg12 : memref<80x128xf32, #tpu.memory_space<vmem>>) offsets(%dma_start3A_353 : memref<80xi32, #tpu.memory_space<vmem>>) semaphore(%arg17 : memref<!tpu.dma_semaphore, #tpu.memory_space<semaphore_mem>>)
      } else {
      }
      %eq3A_324 = arith.constant 0 : i32
      %eq3A_325 = arith.cmpi eq, %rem3A_296, %eq3A_324 : i32
      %convert_element_type3A_326 = arith.extui %eq3A_325 : i1 to i32
      %cond3A_327 = arith.constant 0 : i32
      %cond3A_328 = arith.cmpi ne, %convert_element_type3A_326, %cond3A_327 : i32
      scf.if %cond3A_328 {
        %dma_wait3A_345 = arith.constant 0 : i32
        %dma_wait3A_346 = tpu.memref_slice %arg7[%scan3A_290, %dma_wait3A_345] : memref<32x80xi32, #tpu.memory_space<vmem>> -> memref<1x80xi32, #tpu.memory_space<vmem>>
        %dma_wait3A_347 = tpu.memref_squeeze %dma_wait3A_346 : memref<1x80xi32, #tpu.memory_space<vmem>> -> memref<80xi32, #tpu.memory_space<vmem>>
        %dma_wait3A_348 = arith.constant 0 : i32
        %dma_wait3A_349 = arith.constant 0 : i32
        %dma_wait3A_350 = tpu.memref_slice %arg2[%arg0, %dma_wait3A_348, %dma_wait3A_349] : memref<2x10112x128xf32, #tpu.memory_space<hbm>> -> memref<1x10112x128xf32, #tpu.memory_space<hbm>>
        %dma_wait3A_351 = tpu.memref_squeeze %dma_wait3A_350 : memref<1x10112x128xf32, #tpu.memory_space<hbm>> -> memref<10112x128xf32, #tpu.memory_space<hbm>>
        %dma_wait3A_352 = arith.constant 0 : i32
        %dma_wait3A_353 = arith.constant 0 : i32
        %dma_wait3A_354 = tpu.memref_slice %dma_wait3A_351[%dma_wait3A_352, %dma_wait3A_353] : memref<10112x128xf32, #tpu.memory_space<hbm>> -> memref<10112x128xf32, #tpu.memory_space<hbm>>
        tpu.wait_indirect_dma semaphore(%arg14 : memref<!tpu.dma_semaphore, #tpu.memory_space<semaphore_mem>>) src(%dma_wait3A_354 : memref<10112x128xf32, #tpu.memory_space<hbm>>) dst(%arg9 : memref<80x128xf32, #tpu.memory_space<vmem>>)
        %dma_start3A_355 = arith.constant 0 : i32
        %dma_start3A_356 = tpu.memref_slice %arg8[%scan3A_290, %dma_start3A_355] : memref<32x80xi32, #tpu.memory_space<vmem>> -> memref<1x80xi32, #tpu.memory_space<vmem>>
        %dma_start3A_357 = tpu.memref_squeeze %dma_start3A_356 : memref<1x80xi32, #tpu.memory_space<vmem>> -> memref<80xi32, #tpu.memory_space<vmem>>
        %dma_start3A_358 = arith.constant 0 : i32
        %dma_start3A_359 = arith.constant 0 : i32
        %dma_start3A_360 = tpu.memref_slice %arg13[%dma_start3A_358, %dma_start3A_359] : memref<10112x128xf32, #tpu.memory_space<vmem_shared>> -> memref<10112x128xf32, #tpu.memory_space<vmem_shared>>
        tpu.enqueue_indirect_dma source(%arg9 : memref<80x128xf32, #tpu.memory_space<vmem>>) target(%dma_start3A_360 : memref<10112x128xf32, #tpu.memory_space<vmem_shared>>) offsets(%dma_start3A_357 : memref<80xi32, #tpu.memory_space<vmem>>) semaphore(%arg18 : memref<!tpu.dma_semaphore, #tpu.memory_space<semaphore_mem>>) {add = true}
      } else {
      }
      %eq3A_329 = arith.constant 1 : i32
      %eq3A_330 = arith.cmpi eq, %rem3A_296, %eq3A_329 : i32
      %convert_element_type3A_331 = arith.extui %eq3A_330 : i1 to i32
      %cond3A_332 = arith.constant 0 : i32
      %cond3A_333 = arith.cmpi ne, %convert_element_type3A_331, %cond3A_332 : i32
      scf.if %cond3A_333 {
        %dma_wait3A_345 = arith.constant 0 : i32
        %dma_wait3A_346 = tpu.memref_slice %arg7[%scan3A_290, %dma_wait3A_345] : memref<32x80xi32, #tpu.memory_space<vmem>> -> memref<1x80xi32, #tpu.memory_space<vmem>>
        %dma_wait3A_347 = tpu.memref_squeeze %dma_wait3A_346 : memref<1x80xi32, #tpu.memory_space<vmem>> -> memref<80xi32, #tpu.memory_space<vmem>>
        %dma_wait3A_348 = arith.constant 0 : i32
        %dma_wait3A_349 = arith.constant 0 : i32
        %dma_wait3A_350 = tpu.memref_slice %arg2[%arg0, %dma_wait3A_348, %dma_wait3A_349] : memref<2x10112x128xf32, #tpu.memory_space<hbm>> -> memref<1x10112x128xf32, #tpu.memory_space<hbm>>
        %dma_wait3A_351 = tpu.memref_squeeze %dma_wait3A_350 : memref<1x10112x128xf32, #tpu.memory_space<hbm>> -> memref<10112x128xf32, #tpu.memory_space<hbm>>
        %dma_wait3A_352 = arith.constant 0 : i32
        %dma_wait3A_353 = arith.constant 0 : i32
        %dma_wait3A_354 = tpu.memref_slice %dma_wait3A_351[%dma_wait3A_352, %dma_wait3A_353] : memref<10112x128xf32, #tpu.memory_space<hbm>> -> memref<10112x128xf32, #tpu.memory_space<hbm>>
        tpu.wait_indirect_dma semaphore(%arg15 : memref<!tpu.dma_semaphore, #tpu.memory_space<semaphore_mem>>) src(%dma_wait3A_354 : memref<10112x128xf32, #tpu.memory_space<hbm>>) dst(%arg10 : memref<80x128xf32, #tpu.memory_space<vmem>>)
        %dma_start3A_355 = arith.constant 0 : i32
        %dma_start3A_356 = tpu.memref_slice %arg8[%scan3A_290, %dma_start3A_355] : memref<32x80xi32, #tpu.memory_space<vmem>> -> memref<1x80xi32, #tpu.memory_space<vmem>>
        %dma_start3A_357 = tpu.memref_squeeze %dma_start3A_356 : memref<1x80xi32, #tpu.memory_space<vmem>> -> memref<80xi32, #tpu.memory_space<vmem>>
        %dma_start3A_358 = arith.constant 0 : i32
        %dma_start3A_359 = arith.constant 0 : i32
        %dma_start3A_360 = tpu.memref_slice %arg13[%dma_start3A_358, %dma_start3A_359] : memref<10112x128xf32, #tpu.memory_space<vmem_shared>> -> memref<10112x128xf32, #tpu.memory_space<vmem_shared>>
        tpu.enqueue_indirect_dma source(%arg10 : memref<80x128xf32, #tpu.memory_space<vmem>>) target(%dma_start3A_360 : memref<10112x128xf32, #tpu.memory_space<vmem_shared>>) offsets(%dma_start3A_357 : memref<80xi32, #tpu.memory_space<vmem>>) semaphore(%arg19 : memref<!tpu.dma_semaphore, #tpu.memory_space<semaphore_mem>>) {add = true}
      } else {
      }
      %eq3A_334 = arith.constant 2 : i32
      %eq3A_335 = arith.cmpi eq, %rem3A_296, %eq3A_334 : i32
      %convert_element_type3A_336 = arith.extui %eq3A_335 : i1 to i32
      %cond3A_337 = arith.constant 0 : i32
      %cond3A_338 = arith.cmpi ne, %convert_element_type3A_336, %cond3A_337 : i32
      scf.if %cond3A_338 {
        %dma_wait3A_345 = arith.constant 0 : i32
        %dma_wait3A_346 = tpu.memref_slice %arg7[%scan3A_290, %dma_wait3A_345] : memref<32x80xi32, #tpu.memory_space<vmem>> -> memref<1x80xi32, #tpu.memory_space<vmem>>
        %dma_wait3A_347 = tpu.memref_squeeze %dma_wait3A_346 : memref<1x80xi32, #tpu.memory_space<vmem>> -> memref<80xi32, #tpu.memory_space<vmem>>
        %dma_wait3A_348 = arith.constant 0 : i32
        %dma_wait3A_349 = arith.constant 0 : i32
        %dma_wait3A_350 = tpu.memref_slice %arg2[%arg0, %dma_wait3A_348, %dma_wait3A_349] : memref<2x10112x128xf32, #tpu.memory_space<hbm>> -> memref<1x10112x128xf32, #tpu.memory_space<hbm>>
        %dma_wait3A_351 = tpu.memref_squeeze %dma_wait3A_350 : memref<1x10112x128xf32, #tpu.memory_space<hbm>> -> memref<10112x128xf32, #tpu.memory_space<hbm>>
        %dma_wait3A_352 = arith.constant 0 : i32
        %dma_wait3A_353 = arith.constant 0 : i32
        %dma_wait3A_354 = tpu.memref_slice %dma_wait3A_351[%dma_wait3A_352, %dma_wait3A_353] : memref<10112x128xf32, #tpu.memory_space<hbm>> -> memref<10112x128xf32, #tpu.memory_space<hbm>>
        tpu.wait_indirect_dma semaphore(%arg16 : memref<!tpu.dma_semaphore, #tpu.memory_space<semaphore_mem>>) src(%dma_wait3A_354 : memref<10112x128xf32, #tpu.memory_space<hbm>>) dst(%arg11 : memref<80x128xf32, #tpu.memory_space<vmem>>)
        %dma_start3A_355 = arith.constant 0 : i32
        %dma_start3A_356 = tpu.memref_slice %arg8[%scan3A_290, %dma_start3A_355] : memref<32x80xi32, #tpu.memory_space<vmem>> -> memref<1x80xi32, #tpu.memory_space<vmem>>
        %dma_start3A_357 = tpu.memref_squeeze %dma_start3A_356 : memref<1x80xi32, #tpu.memory_space<vmem>> -> memref<80xi32, #tpu.memory_space<vmem>>
        %dma_start3A_358 = arith.constant 0 : i32
        %dma_start3A_359 = arith.constant 0 : i32
        %dma_start3A_360 = tpu.memref_slice %arg13[%dma_start3A_358, %dma_start3A_359] : memref<10112x128xf32, #tpu.memory_space<vmem_shared>> -> memref<10112x128xf32, #tpu.memory_space<vmem_shared>>
        tpu.enqueue_indirect_dma source(%arg11 : memref<80x128xf32, #tpu.memory_space<vmem>>) target(%dma_start3A_360 : memref<10112x128xf32, #tpu.memory_space<vmem_shared>>) offsets(%dma_start3A_357 : memref<80xi32, #tpu.memory_space<vmem>>) semaphore(%arg20 : memref<!tpu.dma_semaphore, #tpu.memory_space<semaphore_mem>>) {add = true}
      } else {
      }
      %eq3A_339 = arith.constant 3 : i32
      %eq3A_340 = arith.cmpi eq, %rem3A_296, %eq3A_339 : i32
      %convert_element_type3A_341 = arith.extui %eq3A_340 : i1 to i32
      %cond3A_342 = arith.constant 0 : i32
      %cond3A_343 = arith.cmpi ne, %convert_element_type3A_341, %cond3A_342 : i32
      scf.if %cond3A_343 {
        %dma_wait3A_345 = arith.constant 0 : i32
        %dma_wait3A_346 = tpu.memref_slice %arg7[%scan3A_290, %dma_wait3A_345] : memref<32x80xi32, #tpu.memory_space<vmem>> -> memref<1x80xi32, #tpu.memory_space<vmem>>
        %dma_wait3A_347 = tpu.memref_squeeze %dma_wait3A_346 : memref<1x80xi32, #tpu.memory_space<vmem>> -> memref<80xi32, #tpu.memory_space<vmem>>
        %dma_wait3A_348 = arith.constant 0 : i32
        %dma_wait3A_349 = arith.constant 0 : i32
        %dma_wait3A_350 = tpu.memref_slice %arg2[%arg0, %dma_wait3A_348, %dma_wait3A_349] : memref<2x10112x128xf32, #tpu.memory_space<hbm>> -> memref<1x10112x128xf32, #tpu.memory_space<hbm>>
        %dma_wait3A_351 = tpu.memref_squeeze %dma_wait3A_350 : memref<1x10112x128xf32, #tpu.memory_space<hbm>> -> memref<10112x128xf32, #tpu.memory_space<hbm>>
        %dma_wait3A_352 = arith.constant 0 : i32
        %dma_wait3A_353 = arith.constant 0 : i32
        %dma_wait3A_354 = tpu.memref_slice %dma_wait3A_351[%dma_wait3A_352, %dma_wait3A_353] : memref<10112x128xf32, #tpu.memory_space<hbm>> -> memref<10112x128xf32, #tpu.memory_space<hbm>>
        tpu.wait_indirect_dma semaphore(%arg17 : memref<!tpu.dma_semaphore, #tpu.memory_space<semaphore_mem>>) src(%dma_wait3A_354 : memref<10112x128xf32, #tpu.memory_space<hbm>>) dst(%arg12 : memref<80x128xf32, #tpu.memory_space<vmem>>)
        %dma_start3A_355 = arith.constant 0 : i32
        %dma_start3A_356 = tpu.memref_slice %arg8[%scan3A_290, %dma_start3A_355] : memref<32x80xi32, #tpu.memory_space<vmem>> -> memref<1x80xi32, #tpu.memory_space<vmem>>
        %dma_start3A_357 = tpu.memref_squeeze %dma_start3A_356 : memref<1x80xi32, #tpu.memory_space<vmem>> -> memref<80xi32, #tpu.memory_space<vmem>>
        %dma_start3A_358 = arith.constant 0 : i32
        %dma_start3A_359 = arith.constant 0 : i32
        %dma_start3A_360 = tpu.memref_slice %arg13[%dma_start3A_358, %dma_start3A_359] : memref<10112x128xf32, #tpu.memory_space<vmem_shared>> -> memref<10112x128xf32, #tpu.memory_space<vmem_shared>>
        tpu.enqueue_indirect_dma source(%arg12 : memref<80x128xf32, #tpu.memory_space<vmem>>) target(%dma_start3A_360 : memref<10112x128xf32, #tpu.memory_space<vmem_shared>>) offsets(%dma_start3A_357 : memref<80xi32, #tpu.memory_space<vmem>>) semaphore(%arg21 : memref<!tpu.dma_semaphore, #tpu.memory_space<semaphore_mem>>) {add = true}
      } else {
      }
      %scan3A_344 = arith.constant 0 : i32
      scf.yield %scan3A_344 : i32
    }
    %scan3A_112 = arith.constant 32 : i32
    %dma_wait3A_113 = arith.constant 0 : i32
    %dma_wait3A_114 = arith.constant 0 : i32
    %dma_wait3A_115 = tpu.memref_slice %arg8[%dma_wait3A_113, %dma_wait3A_114] : memref<32x80xi32, #tpu.memory_space<vmem>> -> memref<1x80xi32, #tpu.memory_space<vmem>>
    %dma_wait3A_116 = tpu.memref_squeeze %dma_wait3A_115 : memref<1x80xi32, #tpu.memory_space<vmem>> -> memref<80xi32, #tpu.memory_space<vmem>>
    %dma_wait3A_117 = arith.constant 0 : i32
    %dma_wait3A_118 = arith.constant 0 : i32
    %dma_wait3A_119 = tpu.memref_slice %arg13[%dma_wait3A_117, %dma_wait3A_118] : memref<10112x128xf32, #tpu.memory_space<vmem_shared>> -> memref<10112x128xf32, #tpu.memory_space<vmem_shared>>
    tpu.wait_indirect_dma semaphore(%arg18 : memref<!tpu.dma_semaphore, #tpu.memory_space<semaphore_mem>>) src(%arg9 : memref<80x128xf32, #tpu.memory_space<vmem>>) dst(%dma_wait3A_119 : memref<10112x128xf32, #tpu.memory_space<vmem_shared>>)
    %dma_wait3A_120 = arith.constant 0 : i32
    %dma_wait3A_121 = arith.constant 0 : i32
    %dma_wait3A_122 = tpu.memref_slice %arg8[%dma_wait3A_120, %dma_wait3A_121] : memref<32x80xi32, #tpu.memory_space<vmem>> -> memref<1x80xi32, #tpu.memory_space<vmem>>
    %dma_wait3A_123 = tpu.memref_squeeze %dma_wait3A_122 : memref<1x80xi32, #tpu.memory_space<vmem>> -> memref<80xi32, #tpu.memory_space<vmem>>
    %dma_wait3A_124 = arith.constant 0 : i32
    %dma_wait3A_125 = arith.constant 0 : i32
    %dma_wait3A_126 = tpu.memref_slice %arg13[%dma_wait3A_124, %dma_wait3A_125] : memref<10112x128xf32, #tpu.memory_space<vmem_shared>> -> memref<10112x128xf32, #tpu.memory_space<vmem_shared>>
    tpu.wait_indirect_dma semaphore(%arg19 : memref<!tpu.dma_semaphore, #tpu.memory_space<semaphore_mem>>) src(%arg10 : memref<80x128xf32, #tpu.memory_space<vmem>>) dst(%dma_wait3A_126 : memref<10112x128xf32, #tpu.memory_space<vmem_shared>>)
    %dma_wait3A_127 = arith.constant 0 : i32
    %dma_wait3A_128 = arith.constant 0 : i32
    %dma_wait3A_129 = tpu.memref_slice %arg8[%dma_wait3A_127, %dma_wait3A_128] : memref<32x80xi32, #tpu.memory_space<vmem>> -> memref<1x80xi32, #tpu.memory_space<vmem>>
    %dma_wait3A_130 = tpu.memref_squeeze %dma_wait3A_129 : memref<1x80xi32, #tpu.memory_space<vmem>> -> memref<80xi32, #tpu.memory_space<vmem>>
    %dma_wait3A_131 = arith.constant 0 : i32
    %dma_wait3A_132 = arith.constant 0 : i32
    %dma_wait3A_133 = tpu.memref_slice %arg13[%dma_wait3A_131, %dma_wait3A_132] : memref<10112x128xf32, #tpu.memory_space<vmem_shared>> -> memref<10112x128xf32, #tpu.memory_space<vmem_shared>>
    tpu.wait_indirect_dma semaphore(%arg20 : memref<!tpu.dma_semaphore, #tpu.memory_space<semaphore_mem>>) src(%arg11 : memref<80x128xf32, #tpu.memory_space<vmem>>) dst(%dma_wait3A_133 : memref<10112x128xf32, #tpu.memory_space<vmem_shared>>)
    %dma_wait3A_134 = arith.constant 0 : i32
    %dma_wait3A_135 = arith.constant 0 : i32
    %dma_wait3A_136 = tpu.memref_slice %arg8[%dma_wait3A_134, %dma_wait3A_135] : memref<32x80xi32, #tpu.memory_space<vmem>> -> memref<1x80xi32, #tpu.memory_space<vmem>>
    %dma_wait3A_137 = tpu.memref_squeeze %dma_wait3A_136 : memref<1x80xi32, #tpu.memory_space<vmem>> -> memref<80xi32, #tpu.memory_space<vmem>>
    %dma_wait3A_138 = arith.constant 0 : i32
    %dma_wait3A_139 = arith.constant 0 : i32
    %dma_wait3A_140 = tpu.memref_slice %arg13[%dma_wait3A_138, %dma_wait3A_139] : memref<10112x128xf32, #tpu.memory_space<vmem_shared>> -> memref<10112x128xf32, #tpu.memory_space<vmem_shared>>
    tpu.wait_indirect_dma semaphore(%arg21 : memref<!tpu.dma_semaphore, #tpu.memory_space<semaphore_mem>>) src(%arg12 : memref<80x128xf32, #tpu.memory_space<vmem>>) dst(%dma_wait3A_140 : memref<10112x128xf32, #tpu.memory_space<vmem_shared>>)
    %mul3A_141 = arith.constant 128 : i32
    %mul3A_142 = arith.muli %arg1, %mul3A_141 : i32
    %add3A_143 = arith.constant 64 : i32
    %add3A_144 = arith.addi %mul3A_142, %add3A_143 : i32
    "tpu.region"() ({
      %run_scoped3A = tpu.sem_alloc : memref<!tpu.dma_semaphore, #tpu.memory_space<semaphore_mem>>
      %dma_start3A_290 = arith.constant 0 : i32
      %dma_start3A_291 = tpu.memref_slice %arg3[%add3A_144, %dma_start3A_290] : memref<2048x80xi32, #tpu.memory_space<hbm>> -> memref<32x80xi32, #tpu.memory_space<hbm>>
      %dma_start3A_292 = arith.constant 0 : i32
      %dma_start3A_293 = tpu.memref_slice %arg3[%add3A_144, %dma_start3A_292] : memref<2048x80xi32, #tpu.memory_space<hbm>> -> memref<32x80xi32, #tpu.memory_space<hbm>>
      tpu.enqueue_dma source(%dma_start3A_293 : memref<32x80xi32, #tpu.memory_space<hbm>>) target(%arg7 : memref<32x80xi32, #tpu.memory_space<vmem>>) target_semaphore(%run_scoped3A : memref<!tpu.dma_semaphore, #tpu.memory_space<semaphore_mem>>)
      %dma_wait3A_294 = arith.constant 0 : i32
      %dma_wait3A_295 = tpu.memref_slice %arg3[%add3A_144, %dma_wait3A_294] : memref<2048x80xi32, #tpu.memory_space<hbm>> -> memref<32x80xi32, #tpu.memory_space<hbm>>
      %dma_wait3A_296 = arith.constant 0 : i32
      %dma_wait3A_297 = tpu.memref_slice %arg3[%add3A_144, %dma_wait3A_296] : memref<2048x80xi32, #tpu.memory_space<hbm>> -> memref<32x80xi32, #tpu.memory_space<hbm>>
      tpu.wait_dma2 semaphore(%run_scoped3A : memref<!tpu.dma_semaphore, #tpu.memory_space<semaphore_mem>>) src(%dma_wait3A_297 : memref<32x80xi32, #tpu.memory_space<hbm>>) dst(%arg7 : memref<32x80xi32, #tpu.memory_space<vmem>>)
      tpu.yield
    }) : () -> ()
    "tpu.region"() ({
      %run_scoped3A = tpu.sem_alloc : memref<!tpu.dma_semaphore, #tpu.memory_space<semaphore_mem>>
      %dma_start3A_290 = arith.constant 0 : i32
      %dma_start3A_291 = tpu.memref_slice %arg4[%add3A_144, %dma_start3A_290] : memref<2048x80xi32, #tpu.memory_space<hbm>> -> memref<32x80xi32, #tpu.memory_space<hbm>>
      %dma_start3A_292 = arith.constant 0 : i32
      %dma_start3A_293 = tpu.memref_slice %arg4[%add3A_144, %dma_start3A_292] : memref<2048x80xi32, #tpu.memory_space<hbm>> -> memref<32x80xi32, #tpu.memory_space<hbm>>
      tpu.enqueue_dma source(%dma_start3A_293 : memref<32x80xi32, #tpu.memory_space<hbm>>) target(%arg8 : memref<32x80xi32, #tpu.memory_space<vmem>>) target_semaphore(%run_scoped3A : memref<!tpu.dma_semaphore, #tpu.memory_space<semaphore_mem>>)
      %dma_wait3A_294 = arith.constant 0 : i32
      %dma_wait3A_295 = tpu.memref_slice %arg4[%add3A_144, %dma_wait3A_294] : memref<2048x80xi32, #tpu.memory_space<hbm>> -> memref<32x80xi32, #tpu.memory_space<hbm>>
      %dma_wait3A_296 = arith.constant 0 : i32
      %dma_wait3A_297 = tpu.memref_slice %arg4[%add3A_144, %dma_wait3A_296] : memref<2048x80xi32, #tpu.memory_space<hbm>> -> memref<32x80xi32, #tpu.memory_space<hbm>>
      tpu.wait_dma2 semaphore(%run_scoped3A : memref<!tpu.dma_semaphore, #tpu.memory_space<semaphore_mem>>) src(%dma_wait3A_297 : memref<32x80xi32, #tpu.memory_space<hbm>>) dst(%arg8 : memref<32x80xi32, #tpu.memory_space<vmem>>)
      tpu.yield
    }) : () -> ()
    %dma_start3A_145 = arith.constant 0 : i32
    %dma_start3A_146 = arith.constant 0 : i32
    %dma_start3A_147 = tpu.memref_slice %arg7[%dma_start3A_145, %dma_start3A_146] : memref<32x80xi32, #tpu.memory_space<vmem>> -> memref<1x80xi32, #tpu.memory_space<vmem>>
    %dma_start3A_148 = tpu.memref_squeeze %dma_start3A_147 : memref<1x80xi32, #tpu.memory_space<vmem>> -> memref<80xi32, #tpu.memory_space<vmem>>
    %dma_start3A_149 = arith.constant 0 : i32
    %dma_start3A_150 = arith.constant 0 : i32
    %dma_start3A_151 = tpu.memref_slice %arg2[%arg0, %dma_start3A_149, %dma_start3A_150] : memref<2x10112x128xf32, #tpu.memory_space<hbm>> -> memref<1x10112x128xf32, #tpu.memory_space<hbm>>
    %dma_start3A_152 = tpu.memref_squeeze %dma_start3A_151 : memref<1x10112x128xf32, #tpu.memory_space<hbm>> -> memref<10112x128xf32, #tpu.memory_space<hbm>>
    %dma_start3A_153 = arith.constant 0 : i32
    %dma_start3A_154 = arith.constant 0 : i32
    %dma_start3A_155 = tpu.memref_slice %dma_start3A_152[%dma_start3A_153, %dma_start3A_154] : memref<10112x128xf32, #tpu.memory_space<hbm>> -> memref<10112x128xf32, #tpu.memory_space<hbm>>
    tpu.enqueue_indirect_dma source(%dma_start3A_155 : memref<10112x128xf32, #tpu.memory_space<hbm>>) target(%arg9 : memref<80x128xf32, #tpu.memory_space<vmem>>) offsets(%dma_start3A_148 : memref<80xi32, #tpu.memory_space<vmem>>) semaphore(%arg14 : memref<!tpu.dma_semaphore, #tpu.memory_space<semaphore_mem>>)
    %dma_start3A_156 = arith.constant 1 : i32
    %dma_start3A_157 = arith.constant 0 : i32
    %dma_start3A_158 = tpu.memref_slice %arg7[%dma_start3A_156, %dma_start3A_157] : memref<32x80xi32, #tpu.memory_space<vmem>> -> memref<1x80xi32, #tpu.memory_space<vmem>>
    %dma_start3A_159 = tpu.memref_squeeze %dma_start3A_158 : memref<1x80xi32, #tpu.memory_space<vmem>> -> memref<80xi32, #tpu.memory_space<vmem>>
    %dma_start3A_160 = arith.constant 0 : i32
    %dma_start3A_161 = arith.constant 0 : i32
    %dma_start3A_162 = tpu.memref_slice %arg2[%arg0, %dma_start3A_160, %dma_start3A_161] : memref<2x10112x128xf32, #tpu.memory_space<hbm>> -> memref<1x10112x128xf32, #tpu.memory_space<hbm>>
    %dma_start3A_163 = tpu.memref_squeeze %dma_start3A_162 : memref<1x10112x128xf32, #tpu.memory_space<hbm>> -> memref<10112x128xf32, #tpu.memory_space<hbm>>
    %dma_start3A_164 = arith.constant 0 : i32
    %dma_start3A_165 = arith.constant 0 : i32
    %dma_start3A_166 = tpu.memref_slice %dma_start3A_163[%dma_start3A_164, %dma_start3A_165] : memref<10112x128xf32, #tpu.memory_space<hbm>> -> memref<10112x128xf32, #tpu.memory_space<hbm>>
    tpu.enqueue_indirect_dma source(%dma_start3A_166 : memref<10112x128xf32, #tpu.memory_space<hbm>>) target(%arg10 : memref<80x128xf32, #tpu.memory_space<vmem>>) offsets(%dma_start3A_159 : memref<80xi32, #tpu.memory_space<vmem>>) semaphore(%arg15 : memref<!tpu.dma_semaphore, #tpu.memory_space<semaphore_mem>>)
    %dma_start3A_167 = arith.constant 2 : i32
    %dma_start3A_168 = arith.constant 0 : i32
    %dma_start3A_169 = tpu.memref_slice %arg7[%dma_start3A_167, %dma_start3A_168] : memref<32x80xi32, #tpu.memory_space<vmem>> -> memref<1x80xi32, #tpu.memory_space<vmem>>
    %dma_start3A_170 = tpu.memref_squeeze %dma_start3A_169 : memref<1x80xi32, #tpu.memory_space<vmem>> -> memref<80xi32, #tpu.memory_space<vmem>>
    %dma_start3A_171 = arith.constant 0 : i32
    %dma_start3A_172 = arith.constant 0 : i32
    %dma_start3A_173 = tpu.memref_slice %arg2[%arg0, %dma_start3A_171, %dma_start3A_172] : memref<2x10112x128xf32, #tpu.memory_space<hbm>> -> memref<1x10112x128xf32, #tpu.memory_space<hbm>>
    %dma_start3A_174 = tpu.memref_squeeze %dma_start3A_173 : memref<1x10112x128xf32, #tpu.memory_space<hbm>> -> memref<10112x128xf32, #tpu.memory_space<hbm>>
    %dma_start3A_175 = arith.constant 0 : i32
    %dma_start3A_176 = arith.constant 0 : i32
    %dma_start3A_177 = tpu.memref_slice %dma_start3A_174[%dma_start3A_175, %dma_start3A_176] : memref<10112x128xf32, #tpu.memory_space<hbm>> -> memref<10112x128xf32, #tpu.memory_space<hbm>>
    tpu.enqueue_indirect_dma source(%dma_start3A_177 : memref<10112x128xf32, #tpu.memory_space<hbm>>) target(%arg11 : memref<80x128xf32, #tpu.memory_space<vmem>>) offsets(%dma_start3A_170 : memref<80xi32, #tpu.memory_space<vmem>>) semaphore(%arg16 : memref<!tpu.dma_semaphore, #tpu.memory_space<semaphore_mem>>)
    %scan3A_178 = arith.constant 0 : i32
    %scan3A_179 = arith.constant 0 : i32
    %scan3A_180 = arith.constant 32 : i32
    %scan3A_181 = arith.addi %scan3A_179, %scan3A_180 : i32
    %scan3A_182 = arith.constant 1 : i32
    %scan3A_183 = scf.for %scan3A_290 = %scan3A_179 to %scan3A_181 step %scan3A_182 iter_args(%scan3A_291 = %scan3A_178) -> (i32)  : i32 {
      %add3A_292 = arith.constant 3 : i32
      %add3A_293 = arith.addi %scan3A_290, %add3A_292 : i32
      %rem3A = arith.constant 4 : i32
      %rem3A_294 = arith.remsi %add3A_293, %rem3A : i32
      %rem3A_295 = arith.constant 4 : i32
      %rem3A_296 = arith.remsi %scan3A_290, %rem3A_295 : i32
      %eq3A = arith.constant 0 : i32
      %eq3A_297 = arith.cmpi eq, %rem3A_294, %eq3A : i32
      %lt3A = arith.constant 29 : i32
      %lt3A_298 = arith.cmpi slt, %scan3A_290, %lt3A : i32
      %and3A = arith.andi %eq3A_297, %lt3A_298 : i1
      %convert_element_type3A = arith.extui %and3A : i1 to i32
      %cond3A = arith.constant 0 : i32
      %cond3A_299 = arith.cmpi ne, %convert_element_type3A, %cond3A : i32
      scf.if %cond3A_299 {
        %ge3A = arith.constant 1 : i32
        %ge3A_345 = arith.cmpi sge, %scan3A_290, %ge3A : i32
        %convert_element_type3A_346 = arith.extui %ge3A_345 : i1 to i32
        %cond3A_347 = arith.constant 0 : i32
        %cond3A_348 = arith.cmpi ne, %convert_element_type3A_346, %cond3A_347 : i32
        scf.if %cond3A_348 {
          %dma_wait3A_361 = arith.constant 0 : i32
          %dma_wait3A_362 = arith.constant 0 : i32
          %dma_wait3A_363 = tpu.memref_slice %arg8[%dma_wait3A_361, %dma_wait3A_362] : memref<32x80xi32, #tpu.memory_space<vmem>> -> memref<1x80xi32, #tpu.memory_space<vmem>>
          %dma_wait3A_364 = tpu.memref_squeeze %dma_wait3A_363 : memref<1x80xi32, #tpu.memory_space<vmem>> -> memref<80xi32, #tpu.memory_space<vmem>>
          %dma_wait3A_365 = arith.constant 0 : i32
          %dma_wait3A_366 = arith.constant 0 : i32
          %dma_wait3A_367 = tpu.memref_slice %arg13[%dma_wait3A_365, %dma_wait3A_366] : memref<10112x128xf32, #tpu.memory_space<vmem_shared>> -> memref<10112x128xf32, #tpu.memory_space<vmem_shared>>
          tpu.wait_indirect_dma semaphore(%arg18 : memref<!tpu.dma_semaphore, #tpu.memory_space<semaphore_mem>>) src(%arg9 : memref<80x128xf32, #tpu.memory_space<vmem>>) dst(%dma_wait3A_367 : memref<10112x128xf32, #tpu.memory_space<vmem_shared>>)
        } else {
        }
        %add3A_349 = arith.constant 3 : i32
        %add3A_350 = arith.addi %scan3A_290, %add3A_349 : i32
        %dma_start3A_351 = arith.constant 0 : i32
        %dma_start3A_352 = tpu.memref_slice %arg7[%add3A_350, %dma_start3A_351] : memref<32x80xi32, #tpu.memory_space<vmem>> -> memref<1x80xi32, #tpu.memory_space<vmem>>
        %dma_start3A_353 = tpu.memref_squeeze %dma_start3A_352 : memref<1x80xi32, #tpu.memory_space<vmem>> -> memref<80xi32, #tpu.memory_space<vmem>>
        %dma_start3A_354 = arith.constant 0 : i32
        %dma_start3A_355 = arith.constant 0 : i32
        %dma_start3A_356 = tpu.memref_slice %arg2[%arg0, %dma_start3A_354, %dma_start3A_355] : memref<2x10112x128xf32, #tpu.memory_space<hbm>> -> memref<1x10112x128xf32, #tpu.memory_space<hbm>>
        %dma_start3A_357 = tpu.memref_squeeze %dma_start3A_356 : memref<1x10112x128xf32, #tpu.memory_space<hbm>> -> memref<10112x128xf32, #tpu.memory_space<hbm>>
        %dma_start3A_358 = arith.constant 0 : i32
        %dma_start3A_359 = arith.constant 0 : i32
        %dma_start3A_360 = tpu.memref_slice %dma_start3A_357[%dma_start3A_358, %dma_start3A_359] : memref<10112x128xf32, #tpu.memory_space<hbm>> -> memref<10112x128xf32, #tpu.memory_space<hbm>>
        tpu.enqueue_indirect_dma source(%dma_start3A_360 : memref<10112x128xf32, #tpu.memory_space<hbm>>) target(%arg9 : memref<80x128xf32, #tpu.memory_space<vmem>>) offsets(%dma_start3A_353 : memref<80xi32, #tpu.memory_space<vmem>>) semaphore(%arg14 : memref<!tpu.dma_semaphore, #tpu.memory_space<semaphore_mem>>)
      } else {
      }
      %eq3A_300 = arith.constant 1 : i32
      %eq3A_301 = arith.cmpi eq, %rem3A_294, %eq3A_300 : i32
      %lt3A_302 = arith.constant 29 : i32
      %lt3A_303 = arith.cmpi slt, %scan3A_290, %lt3A_302 : i32
      %and3A_304 = arith.andi %eq3A_301, %lt3A_303 : i1
      %convert_element_type3A_305 = arith.extui %and3A_304 : i1 to i32
      %cond3A_306 = arith.constant 0 : i32
      %cond3A_307 = arith.cmpi ne, %convert_element_type3A_305, %cond3A_306 : i32
      scf.if %cond3A_307 {
        %ge3A = arith.constant 1 : i32
        %ge3A_345 = arith.cmpi sge, %scan3A_290, %ge3A : i32
        %convert_element_type3A_346 = arith.extui %ge3A_345 : i1 to i32
        %cond3A_347 = arith.constant 0 : i32
        %cond3A_348 = arith.cmpi ne, %convert_element_type3A_346, %cond3A_347 : i32
        scf.if %cond3A_348 {
          %dma_wait3A_361 = arith.constant 0 : i32
          %dma_wait3A_362 = arith.constant 0 : i32
          %dma_wait3A_363 = tpu.memref_slice %arg8[%dma_wait3A_361, %dma_wait3A_362] : memref<32x80xi32, #tpu.memory_space<vmem>> -> memref<1x80xi32, #tpu.memory_space<vmem>>
          %dma_wait3A_364 = tpu.memref_squeeze %dma_wait3A_363 : memref<1x80xi32, #tpu.memory_space<vmem>> -> memref<80xi32, #tpu.memory_space<vmem>>
          %dma_wait3A_365 = arith.constant 0 : i32
          %dma_wait3A_366 = arith.constant 0 : i32
          %dma_wait3A_367 = tpu.memref_slice %arg13[%dma_wait3A_365, %dma_wait3A_366] : memref<10112x128xf32, #tpu.memory_space<vmem_shared>> -> memref<10112x128xf32, #tpu.memory_space<vmem_shared>>
          tpu.wait_indirect_dma semaphore(%arg19 : memref<!tpu.dma_semaphore, #tpu.memory_space<semaphore_mem>>) src(%arg10 : memref<80x128xf32, #tpu.memory_space<vmem>>) dst(%dma_wait3A_367 : memref<10112x128xf32, #tpu.memory_space<vmem_shared>>)
        } else {
        }
        %add3A_349 = arith.constant 3 : i32
        %add3A_350 = arith.addi %scan3A_290, %add3A_349 : i32
        %dma_start3A_351 = arith.constant 0 : i32
        %dma_start3A_352 = tpu.memref_slice %arg7[%add3A_350, %dma_start3A_351] : memref<32x80xi32, #tpu.memory_space<vmem>> -> memref<1x80xi32, #tpu.memory_space<vmem>>
        %dma_start3A_353 = tpu.memref_squeeze %dma_start3A_352 : memref<1x80xi32, #tpu.memory_space<vmem>> -> memref<80xi32, #tpu.memory_space<vmem>>
        %dma_start3A_354 = arith.constant 0 : i32
        %dma_start3A_355 = arith.constant 0 : i32
        %dma_start3A_356 = tpu.memref_slice %arg2[%arg0, %dma_start3A_354, %dma_start3A_355] : memref<2x10112x128xf32, #tpu.memory_space<hbm>> -> memref<1x10112x128xf32, #tpu.memory_space<hbm>>
        %dma_start3A_357 = tpu.memref_squeeze %dma_start3A_356 : memref<1x10112x128xf32, #tpu.memory_space<hbm>> -> memref<10112x128xf32, #tpu.memory_space<hbm>>
        %dma_start3A_358 = arith.constant 0 : i32
        %dma_start3A_359 = arith.constant 0 : i32
        %dma_start3A_360 = tpu.memref_slice %dma_start3A_357[%dma_start3A_358, %dma_start3A_359] : memref<10112x128xf32, #tpu.memory_space<hbm>> -> memref<10112x128xf32, #tpu.memory_space<hbm>>
        tpu.enqueue_indirect_dma source(%dma_start3A_360 : memref<10112x128xf32, #tpu.memory_space<hbm>>) target(%arg10 : memref<80x128xf32, #tpu.memory_space<vmem>>) offsets(%dma_start3A_353 : memref<80xi32, #tpu.memory_space<vmem>>) semaphore(%arg15 : memref<!tpu.dma_semaphore, #tpu.memory_space<semaphore_mem>>)
      } else {
      }
      %eq3A_308 = arith.constant 2 : i32
      %eq3A_309 = arith.cmpi eq, %rem3A_294, %eq3A_308 : i32
      %lt3A_310 = arith.constant 29 : i32
      %lt3A_311 = arith.cmpi slt, %scan3A_290, %lt3A_310 : i32
      %and3A_312 = arith.andi %eq3A_309, %lt3A_311 : i1
      %convert_element_type3A_313 = arith.extui %and3A_312 : i1 to i32
      %cond3A_314 = arith.constant 0 : i32
      %cond3A_315 = arith.cmpi ne, %convert_element_type3A_313, %cond3A_314 : i32
      scf.if %cond3A_315 {
        %ge3A = arith.constant 1 : i32
        %ge3A_345 = arith.cmpi sge, %scan3A_290, %ge3A : i32
        %convert_element_type3A_346 = arith.extui %ge3A_345 : i1 to i32
        %cond3A_347 = arith.constant 0 : i32
        %cond3A_348 = arith.cmpi ne, %convert_element_type3A_346, %cond3A_347 : i32
        scf.if %cond3A_348 {
          %dma_wait3A_361 = arith.constant 0 : i32
          %dma_wait3A_362 = arith.constant 0 : i32
          %dma_wait3A_363 = tpu.memref_slice %arg8[%dma_wait3A_361, %dma_wait3A_362] : memref<32x80xi32, #tpu.memory_space<vmem>> -> memref<1x80xi32, #tpu.memory_space<vmem>>
          %dma_wait3A_364 = tpu.memref_squeeze %dma_wait3A_363 : memref<1x80xi32, #tpu.memory_space<vmem>> -> memref<80xi32, #tpu.memory_space<vmem>>
          %dma_wait3A_365 = arith.constant 0 : i32
          %dma_wait3A_366 = arith.constant 0 : i32
          %dma_wait3A_367 = tpu.memref_slice %arg13[%dma_wait3A_365, %dma_wait3A_366] : memref<10112x128xf32, #tpu.memory_space<vmem_shared>> -> memref<10112x128xf32, #tpu.memory_space<vmem_shared>>
          tpu.wait_indirect_dma semaphore(%arg20 : memref<!tpu.dma_semaphore, #tpu.memory_space<semaphore_mem>>) src(%arg11 : memref<80x128xf32, #tpu.memory_space<vmem>>) dst(%dma_wait3A_367 : memref<10112x128xf32, #tpu.memory_space<vmem_shared>>)
        } else {
        }
        %add3A_349 = arith.constant 3 : i32
        %add3A_350 = arith.addi %scan3A_290, %add3A_349 : i32
        %dma_start3A_351 = arith.constant 0 : i32
        %dma_start3A_352 = tpu.memref_slice %arg7[%add3A_350, %dma_start3A_351] : memref<32x80xi32, #tpu.memory_space<vmem>> -> memref<1x80xi32, #tpu.memory_space<vmem>>
        %dma_start3A_353 = tpu.memref_squeeze %dma_start3A_352 : memref<1x80xi32, #tpu.memory_space<vmem>> -> memref<80xi32, #tpu.memory_space<vmem>>
        %dma_start3A_354 = arith.constant 0 : i32
        %dma_start3A_355 = arith.constant 0 : i32
        %dma_start3A_356 = tpu.memref_slice %arg2[%arg0, %dma_start3A_354, %dma_start3A_355] : memref<2x10112x128xf32, #tpu.memory_space<hbm>> -> memref<1x10112x128xf32, #tpu.memory_space<hbm>>
        %dma_start3A_357 = tpu.memref_squeeze %dma_start3A_356 : memref<1x10112x128xf32, #tpu.memory_space<hbm>> -> memref<10112x128xf32, #tpu.memory_space<hbm>>
        %dma_start3A_358 = arith.constant 0 : i32
        %dma_start3A_359 = arith.constant 0 : i32
        %dma_start3A_360 = tpu.memref_slice %dma_start3A_357[%dma_start3A_358, %dma_start3A_359] : memref<10112x128xf32, #tpu.memory_space<hbm>> -> memref<10112x128xf32, #tpu.memory_space<hbm>>
        tpu.enqueue_indirect_dma source(%dma_start3A_360 : memref<10112x128xf32, #tpu.memory_space<hbm>>) target(%arg11 : memref<80x128xf32, #tpu.memory_space<vmem>>) offsets(%dma_start3A_353 : memref<80xi32, #tpu.memory_space<vmem>>) semaphore(%arg16 : memref<!tpu.dma_semaphore, #tpu.memory_space<semaphore_mem>>)
      } else {
      }
      %eq3A_316 = arith.constant 3 : i32
      %eq3A_317 = arith.cmpi eq, %rem3A_294, %eq3A_316 : i32
      %lt3A_318 = arith.constant 29 : i32
      %lt3A_319 = arith.cmpi slt, %scan3A_290, %lt3A_318 : i32
      %and3A_320 = arith.andi %eq3A_317, %lt3A_319 : i1
      %convert_element_type3A_321 = arith.extui %and3A_320 : i1 to i32
      %cond3A_322 = arith.constant 0 : i32
      %cond3A_323 = arith.cmpi ne, %convert_element_type3A_321, %cond3A_322 : i32
      scf.if %cond3A_323 {
        %ge3A = arith.constant 1 : i32
        %ge3A_345 = arith.cmpi sge, %scan3A_290, %ge3A : i32
        %convert_element_type3A_346 = arith.extui %ge3A_345 : i1 to i32
        %cond3A_347 = arith.constant 0 : i32
        %cond3A_348 = arith.cmpi ne, %convert_element_type3A_346, %cond3A_347 : i32
        scf.if %cond3A_348 {
          %dma_wait3A_361 = arith.constant 0 : i32
          %dma_wait3A_362 = arith.constant 0 : i32
          %dma_wait3A_363 = tpu.memref_slice %arg8[%dma_wait3A_361, %dma_wait3A_362] : memref<32x80xi32, #tpu.memory_space<vmem>> -> memref<1x80xi32, #tpu.memory_space<vmem>>
          %dma_wait3A_364 = tpu.memref_squeeze %dma_wait3A_363 : memref<1x80xi32, #tpu.memory_space<vmem>> -> memref<80xi32, #tpu.memory_space<vmem>>
          %dma_wait3A_365 = arith.constant 0 : i32
          %dma_wait3A_366 = arith.constant 0 : i32
          %dma_wait3A_367 = tpu.memref_slice %arg13[%dma_wait3A_365, %dma_wait3A_366] : memref<10112x128xf32, #tpu.memory_space<vmem_shared>> -> memref<10112x128xf32, #tpu.memory_space<vmem_shared>>
          tpu.wait_indirect_dma semaphore(%arg21 : memref<!tpu.dma_semaphore, #tpu.memory_space<semaphore_mem>>) src(%arg12 : memref<80x128xf32, #tpu.memory_space<vmem>>) dst(%dma_wait3A_367 : memref<10112x128xf32, #tpu.memory_space<vmem_shared>>)
        } else {
        }
        %add3A_349 = arith.constant 3 : i32
        %add3A_350 = arith.addi %scan3A_290, %add3A_349 : i32
        %dma_start3A_351 = arith.constant 0 : i32
        %dma_start3A_352 = tpu.memref_slice %arg7[%add3A_350, %dma_start3A_351] : memref<32x80xi32, #tpu.memory_space<vmem>> -> memref<1x80xi32, #tpu.memory_space<vmem>>
        %dma_start3A_353 = tpu.memref_squeeze %dma_start3A_352 : memref<1x80xi32, #tpu.memory_space<vmem>> -> memref<80xi32, #tpu.memory_space<vmem>>
        %dma_start3A_354 = arith.constant 0 : i32
        %dma_start3A_355 = arith.constant 0 : i32
        %dma_start3A_356 = tpu.memref_slice %arg2[%arg0, %dma_start3A_354, %dma_start3A_355] : memref<2x10112x128xf32, #tpu.memory_space<hbm>> -> memref<1x10112x128xf32, #tpu.memory_space<hbm>>
        %dma_start3A_357 = tpu.memref_squeeze %dma_start3A_356 : memref<1x10112x128xf32, #tpu.memory_space<hbm>> -> memref<10112x128xf32, #tpu.memory_space<hbm>>
        %dma_start3A_358 = arith.constant 0 : i32
        %dma_start3A_359 = arith.constant 0 : i32
        %dma_start3A_360 = tpu.memref_slice %dma_start3A_357[%dma_start3A_358, %dma_start3A_359] : memref<10112x128xf32, #tpu.memory_space<hbm>> -> memref<10112x128xf32, #tpu.memory_space<hbm>>
        tpu.enqueue_indirect_dma source(%dma_start3A_360 : memref<10112x128xf32, #tpu.memory_space<hbm>>) target(%arg12 : memref<80x128xf32, #tpu.memory_space<vmem>>) offsets(%dma_start3A_353 : memref<80xi32, #tpu.memory_space<vmem>>) semaphore(%arg17 : memref<!tpu.dma_semaphore, #tpu.memory_space<semaphore_mem>>)
      } else {
      }
      %eq3A_324 = arith.constant 0 : i32
      %eq3A_325 = arith.cmpi eq, %rem3A_296, %eq3A_324 : i32
      %convert_element_type3A_326 = arith.extui %eq3A_325 : i1 to i32
      %cond3A_327 = arith.constant 0 : i32
      %cond3A_328 = arith.cmpi ne, %convert_element_type3A_326, %cond3A_327 : i32
      scf.if %cond3A_328 {
        %dma_wait3A_345 = arith.constant 0 : i32
        %dma_wait3A_346 = tpu.memref_slice %arg7[%scan3A_290, %dma_wait3A_345] : memref<32x80xi32, #tpu.memory_space<vmem>> -> memref<1x80xi32, #tpu.memory_space<vmem>>
        %dma_wait3A_347 = tpu.memref_squeeze %dma_wait3A_346 : memref<1x80xi32, #tpu.memory_space<vmem>> -> memref<80xi32, #tpu.memory_space<vmem>>
        %dma_wait3A_348 = arith.constant 0 : i32
        %dma_wait3A_349 = arith.constant 0 : i32
        %dma_wait3A_350 = tpu.memref_slice %arg2[%arg0, %dma_wait3A_348, %dma_wait3A_349] : memref<2x10112x128xf32, #tpu.memory_space<hbm>> -> memref<1x10112x128xf32, #tpu.memory_space<hbm>>
        %dma_wait3A_351 = tpu.memref_squeeze %dma_wait3A_350 : memref<1x10112x128xf32, #tpu.memory_space<hbm>> -> memref<10112x128xf32, #tpu.memory_space<hbm>>
        %dma_wait3A_352 = arith.constant 0 : i32
        %dma_wait3A_353 = arith.constant 0 : i32
        %dma_wait3A_354 = tpu.memref_slice %dma_wait3A_351[%dma_wait3A_352, %dma_wait3A_353] : memref<10112x128xf32, #tpu.memory_space<hbm>> -> memref<10112x128xf32, #tpu.memory_space<hbm>>
        tpu.wait_indirect_dma semaphore(%arg14 : memref<!tpu.dma_semaphore, #tpu.memory_space<semaphore_mem>>) src(%dma_wait3A_354 : memref<10112x128xf32, #tpu.memory_space<hbm>>) dst(%arg9 : memref<80x128xf32, #tpu.memory_space<vmem>>)
        %dma_start3A_355 = arith.constant 0 : i32
        %dma_start3A_356 = tpu.memref_slice %arg8[%scan3A_290, %dma_start3A_355] : memref<32x80xi32, #tpu.memory_space<vmem>> -> memref<1x80xi32, #tpu.memory_space<vmem>>
        %dma_start3A_357 = tpu.memref_squeeze %dma_start3A_356 : memref<1x80xi32, #tpu.memory_space<vmem>> -> memref<80xi32, #tpu.memory_space<vmem>>
        %dma_start3A_358 = arith.constant 0 : i32
        %dma_start3A_359 = arith.constant 0 : i32
        %dma_start3A_360 = tpu.memref_slice %arg13[%dma_start3A_358, %dma_start3A_359] : memref<10112x128xf32, #tpu.memory_space<vmem_shared>> -> memref<10112x128xf32, #tpu.memory_space<vmem_shared>>
        tpu.enqueue_indirect_dma source(%arg9 : memref<80x128xf32, #tpu.memory_space<vmem>>) target(%dma_start3A_360 : memref<10112x128xf32, #tpu.memory_space<vmem_shared>>) offsets(%dma_start3A_357 : memref<80xi32, #tpu.memory_space<vmem>>) semaphore(%arg18 : memref<!tpu.dma_semaphore, #tpu.memory_space<semaphore_mem>>) {add = true}
      } else {
      }
      %eq3A_329 = arith.constant 1 : i32
      %eq3A_330 = arith.cmpi eq, %rem3A_296, %eq3A_329 : i32
      %convert_element_type3A_331 = arith.extui %eq3A_330 : i1 to i32
      %cond3A_332 = arith.constant 0 : i32
      %cond3A_333 = arith.cmpi ne, %convert_element_type3A_331, %cond3A_332 : i32
      scf.if %cond3A_333 {
        %dma_wait3A_345 = arith.constant 0 : i32
        %dma_wait3A_346 = tpu.memref_slice %arg7[%scan3A_290, %dma_wait3A_345] : memref<32x80xi32, #tpu.memory_space<vmem>> -> memref<1x80xi32, #tpu.memory_space<vmem>>
        %dma_wait3A_347 = tpu.memref_squeeze %dma_wait3A_346 : memref<1x80xi32, #tpu.memory_space<vmem>> -> memref<80xi32, #tpu.memory_space<vmem>>
        %dma_wait3A_348 = arith.constant 0 : i32
        %dma_wait3A_349 = arith.constant 0 : i32
        %dma_wait3A_350 = tpu.memref_slice %arg2[%arg0, %dma_wait3A_348, %dma_wait3A_349] : memref<2x10112x128xf32, #tpu.memory_space<hbm>> -> memref<1x10112x128xf32, #tpu.memory_space<hbm>>
        %dma_wait3A_351 = tpu.memref_squeeze %dma_wait3A_350 : memref<1x10112x128xf32, #tpu.memory_space<hbm>> -> memref<10112x128xf32, #tpu.memory_space<hbm>>
        %dma_wait3A_352 = arith.constant 0 : i32
        %dma_wait3A_353 = arith.constant 0 : i32
        %dma_wait3A_354 = tpu.memref_slice %dma_wait3A_351[%dma_wait3A_352, %dma_wait3A_353] : memref<10112x128xf32, #tpu.memory_space<hbm>> -> memref<10112x128xf32, #tpu.memory_space<hbm>>
        tpu.wait_indirect_dma semaphore(%arg15 : memref<!tpu.dma_semaphore, #tpu.memory_space<semaphore_mem>>) src(%dma_wait3A_354 : memref<10112x128xf32, #tpu.memory_space<hbm>>) dst(%arg10 : memref<80x128xf32, #tpu.memory_space<vmem>>)
        %dma_start3A_355 = arith.constant 0 : i32
        %dma_start3A_356 = tpu.memref_slice %arg8[%scan3A_290, %dma_start3A_355] : memref<32x80xi32, #tpu.memory_space<vmem>> -> memref<1x80xi32, #tpu.memory_space<vmem>>
        %dma_start3A_357 = tpu.memref_squeeze %dma_start3A_356 : memref<1x80xi32, #tpu.memory_space<vmem>> -> memref<80xi32, #tpu.memory_space<vmem>>
        %dma_start3A_358 = arith.constant 0 : i32
        %dma_start3A_359 = arith.constant 0 : i32
        %dma_start3A_360 = tpu.memref_slice %arg13[%dma_start3A_358, %dma_start3A_359] : memref<10112x128xf32, #tpu.memory_space<vmem_shared>> -> memref<10112x128xf32, #tpu.memory_space<vmem_shared>>
        tpu.enqueue_indirect_dma source(%arg10 : memref<80x128xf32, #tpu.memory_space<vmem>>) target(%dma_start3A_360 : memref<10112x128xf32, #tpu.memory_space<vmem_shared>>) offsets(%dma_start3A_357 : memref<80xi32, #tpu.memory_space<vmem>>) semaphore(%arg19 : memref<!tpu.dma_semaphore, #tpu.memory_space<semaphore_mem>>) {add = true}
      } else {
      }
      %eq3A_334 = arith.constant 2 : i32
      %eq3A_335 = arith.cmpi eq, %rem3A_296, %eq3A_334 : i32
      %convert_element_type3A_336 = arith.extui %eq3A_335 : i1 to i32
      %cond3A_337 = arith.constant 0 : i32
      %cond3A_338 = arith.cmpi ne, %convert_element_type3A_336, %cond3A_337 : i32
      scf.if %cond3A_338 {
        %dma_wait3A_345 = arith.constant 0 : i32
        %dma_wait3A_346 = tpu.memref_slice %arg7[%scan3A_290, %dma_wait3A_345] : memref<32x80xi32, #tpu.memory_space<vmem>> -> memref<1x80xi32, #tpu.memory_space<vmem>>
        %dma_wait3A_347 = tpu.memref_squeeze %dma_wait3A_346 : memref<1x80xi32, #tpu.memory_space<vmem>> -> memref<80xi32, #tpu.memory_space<vmem>>
        %dma_wait3A_348 = arith.constant 0 : i32
        %dma_wait3A_349 = arith.constant 0 : i32
        %dma_wait3A_350 = tpu.memref_slice %arg2[%arg0, %dma_wait3A_348, %dma_wait3A_349] : memref<2x10112x128xf32, #tpu.memory_space<hbm>> -> memref<1x10112x128xf32, #tpu.memory_space<hbm>>
        %dma_wait3A_351 = tpu.memref_squeeze %dma_wait3A_350 : memref<1x10112x128xf32, #tpu.memory_space<hbm>> -> memref<10112x128xf32, #tpu.memory_space<hbm>>
        %dma_wait3A_352 = arith.constant 0 : i32
        %dma_wait3A_353 = arith.constant 0 : i32
        %dma_wait3A_354 = tpu.memref_slice %dma_wait3A_351[%dma_wait3A_352, %dma_wait3A_353] : memref<10112x128xf32, #tpu.memory_space<hbm>> -> memref<10112x128xf32, #tpu.memory_space<hbm>>
        tpu.wait_indirect_dma semaphore(%arg16 : memref<!tpu.dma_semaphore, #tpu.memory_space<semaphore_mem>>) src(%dma_wait3A_354 : memref<10112x128xf32, #tpu.memory_space<hbm>>) dst(%arg11 : memref<80x128xf32, #tpu.memory_space<vmem>>)
        %dma_start3A_355 = arith.constant 0 : i32
        %dma_start3A_356 = tpu.memref_slice %arg8[%scan3A_290, %dma_start3A_355] : memref<32x80xi32, #tpu.memory_space<vmem>> -> memref<1x80xi32, #tpu.memory_space<vmem>>
        %dma_start3A_357 = tpu.memref_squeeze %dma_start3A_356 : memref<1x80xi32, #tpu.memory_space<vmem>> -> memref<80xi32, #tpu.memory_space<vmem>>
        %dma_start3A_358 = arith.constant 0 : i32
        %dma_start3A_359 = arith.constant 0 : i32
        %dma_start3A_360 = tpu.memref_slice %arg13[%dma_start3A_358, %dma_start3A_359] : memref<10112x128xf32, #tpu.memory_space<vmem_shared>> -> memref<10112x128xf32, #tpu.memory_space<vmem_shared>>
        tpu.enqueue_indirect_dma source(%arg11 : memref<80x128xf32, #tpu.memory_space<vmem>>) target(%dma_start3A_360 : memref<10112x128xf32, #tpu.memory_space<vmem_shared>>) offsets(%dma_start3A_357 : memref<80xi32, #tpu.memory_space<vmem>>) semaphore(%arg20 : memref<!tpu.dma_semaphore, #tpu.memory_space<semaphore_mem>>) {add = true}
      } else {
      }
      %eq3A_339 = arith.constant 3 : i32
      %eq3A_340 = arith.cmpi eq, %rem3A_296, %eq3A_339 : i32
      %convert_element_type3A_341 = arith.extui %eq3A_340 : i1 to i32
      %cond3A_342 = arith.constant 0 : i32
      %cond3A_343 = arith.cmpi ne, %convert_element_type3A_341, %cond3A_342 : i32
      scf.if %cond3A_343 {
        %dma_wait3A_345 = arith.constant 0 : i32
        %dma_wait3A_346 = tpu.memref_slice %arg7[%scan3A_290, %dma_wait3A_345] : memref<32x80xi32, #tpu.memory_space<vmem>> -> memref<1x80xi32, #tpu.memory_space<vmem>>
        %dma_wait3A_347 = tpu.memref_squeeze %dma_wait3A_346 : memref<1x80xi32, #tpu.memory_space<vmem>> -> memref<80xi32, #tpu.memory_space<vmem>>
        %dma_wait3A_348 = arith.constant 0 : i32
        %dma_wait3A_349 = arith.constant 0 : i32
        %dma_wait3A_350 = tpu.memref_slice %arg2[%arg0, %dma_wait3A_348, %dma_wait3A_349] : memref<2x10112x128xf32, #tpu.memory_space<hbm>> -> memref<1x10112x128xf32, #tpu.memory_space<hbm>>
        %dma_wait3A_351 = tpu.memref_squeeze %dma_wait3A_350 : memref<1x10112x128xf32, #tpu.memory_space<hbm>> -> memref<10112x128xf32, #tpu.memory_space<hbm>>
        %dma_wait3A_352 = arith.constant 0 : i32
        %dma_wait3A_353 = arith.constant 0 : i32
        %dma_wait3A_354 = tpu.memref_slice %dma_wait3A_351[%dma_wait3A_352, %dma_wait3A_353] : memref<10112x128xf32, #tpu.memory_space<hbm>> -> memref<10112x128xf32, #tpu.memory_space<hbm>>
        tpu.wait_indirect_dma semaphore(%arg17 : memref<!tpu.dma_semaphore, #tpu.memory_space<semaphore_mem>>) src(%dma_wait3A_354 : memref<10112x128xf32, #tpu.memory_space<hbm>>) dst(%arg12 : memref<80x128xf32, #tpu.memory_space<vmem>>)
        %dma_start3A_355 = arith.constant 0 : i32
        %dma_start3A_356 = tpu.memref_slice %arg8[%scan3A_290, %dma_start3A_355] : memref<32x80xi32, #tpu.memory_space<vmem>> -> memref<1x80xi32, #tpu.memory_space<vmem>>
        %dma_start3A_357 = tpu.memref_squeeze %dma_start3A_356 : memref<1x80xi32, #tpu.memory_space<vmem>> -> memref<80xi32, #tpu.memory_space<vmem>>
        %dma_start3A_358 = arith.constant 0 : i32
        %dma_start3A_359 = arith.constant 0 : i32
        %dma_start3A_360 = tpu.memref_slice %arg13[%dma_start3A_358, %dma_start3A_359] : memref<10112x128xf32, #tpu.memory_space<vmem_shared>> -> memref<10112x128xf32, #tpu.memory_space<vmem_shared>>
        tpu.enqueue_indirect_dma source(%arg12 : memref<80x128xf32, #tpu.memory_space<vmem>>) target(%dma_start3A_360 : memref<10112x128xf32, #tpu.memory_space<vmem_shared>>) offsets(%dma_start3A_357 : memref<80xi32, #tpu.memory_space<vmem>>) semaphore(%arg21 : memref<!tpu.dma_semaphore, #tpu.memory_space<semaphore_mem>>) {add = true}
      } else {
      }
      %scan3A_344 = arith.constant 0 : i32
      scf.yield %scan3A_344 : i32
    }
    %scan3A_184 = arith.constant 32 : i32
    %dma_wait3A_185 = arith.constant 0 : i32
    %dma_wait3A_186 = arith.constant 0 : i32
    %dma_wait3A_187 = tpu.memref_slice %arg8[%dma_wait3A_185, %dma_wait3A_186] : memref<32x80xi32, #tpu.memory_space<vmem>> -> memref<1x80xi32, #tpu.memory_space<vmem>>
    %dma_wait3A_188 = tpu.memref_squeeze %dma_wait3A_187 : memref<1x80xi32, #tpu.memory_space<vmem>> -> memref<80xi32, #tpu.memory_space<vmem>>
    %dma_wait3A_189 = arith.constant 0 : i32
    %dma_wait3A_190 = arith.constant 0 : i32
    %dma_wait3A_191 = tpu.memref_slice %arg13[%dma_wait3A_189, %dma_wait3A_190] : memref<10112x128xf32, #tpu.memory_space<vmem_shared>> -> memref<10112x128xf32, #tpu.memory_space<vmem_shared>>
    tpu.wait_indirect_dma semaphore(%arg18 : memref<!tpu.dma_semaphore, #tpu.memory_space<semaphore_mem>>) src(%arg9 : memref<80x128xf32, #tpu.memory_space<vmem>>) dst(%dma_wait3A_191 : memref<10112x128xf32, #tpu.memory_space<vmem_shared>>)
    %dma_wait3A_192 = arith.constant 0 : i32
    %dma_wait3A_193 = arith.constant 0 : i32
    %dma_wait3A_194 = tpu.memref_slice %arg8[%dma_wait3A_192, %dma_wait3A_193] : memref<32x80xi32, #tpu.memory_space<vmem>> -> memref<1x80xi32, #tpu.memory_space<vmem>>
    %dma_wait3A_195 = tpu.memref_squeeze %dma_wait3A_194 : memref<1x80xi32, #tpu.memory_space<vmem>> -> memref<80xi32, #tpu.memory_space<vmem>>
    %dma_wait3A_196 = arith.constant 0 : i32
    %dma_wait3A_197 = arith.constant 0 : i32
    %dma_wait3A_198 = tpu.memref_slice %arg13[%dma_wait3A_196, %dma_wait3A_197] : memref<10112x128xf32, #tpu.memory_space<vmem_shared>> -> memref<10112x128xf32, #tpu.memory_space<vmem_shared>>
    tpu.wait_indirect_dma semaphore(%arg19 : memref<!tpu.dma_semaphore, #tpu.memory_space<semaphore_mem>>) src(%arg10 : memref<80x128xf32, #tpu.memory_space<vmem>>) dst(%dma_wait3A_198 : memref<10112x128xf32, #tpu.memory_space<vmem_shared>>)
    %dma_wait3A_199 = arith.constant 0 : i32
    %dma_wait3A_200 = arith.constant 0 : i32
    %dma_wait3A_201 = tpu.memref_slice %arg8[%dma_wait3A_199, %dma_wait3A_200] : memref<32x80xi32, #tpu.memory_space<vmem>> -> memref<1x80xi32, #tpu.memory_space<vmem>>
    %dma_wait3A_202 = tpu.memref_squeeze %dma_wait3A_201 : memref<1x80xi32, #tpu.memory_space<vmem>> -> memref<80xi32, #tpu.memory_space<vmem>>
    %dma_wait3A_203 = arith.constant 0 : i32
    %dma_wait3A_204 = arith.constant 0 : i32
    %dma_wait3A_205 = tpu.memref_slice %arg13[%dma_wait3A_203, %dma_wait3A_204] : memref<10112x128xf32, #tpu.memory_space<vmem_shared>> -> memref<10112x128xf32, #tpu.memory_space<vmem_shared>>
    tpu.wait_indirect_dma semaphore(%arg20 : memref<!tpu.dma_semaphore, #tpu.memory_space<semaphore_mem>>) src(%arg11 : memref<80x128xf32, #tpu.memory_space<vmem>>) dst(%dma_wait3A_205 : memref<10112x128xf32, #tpu.memory_space<vmem_shared>>)
    %dma_wait3A_206 = arith.constant 0 : i32
    %dma_wait3A_207 = arith.constant 0 : i32
    %dma_wait3A_208 = tpu.memref_slice %arg8[%dma_wait3A_206, %dma_wait3A_207] : memref<32x80xi32, #tpu.memory_space<vmem>> -> memref<1x80xi32, #tpu.memory_space<vmem>>
    %dma_wait3A_209 = tpu.memref_squeeze %dma_wait3A_208 : memref<1x80xi32, #tpu.memory_space<vmem>> -> memref<80xi32, #tpu.memory_space<vmem>>
    %dma_wait3A_210 = arith.constant 0 : i32
    %dma_wait3A_211 = arith.constant 0 : i32
    %dma_wait3A_212 = tpu.memref_slice %arg13[%dma_wait3A_210, %dma_wait3A_211] : memref<10112x128xf32, #tpu.memory_space<vmem_shared>> -> memref<10112x128xf32, #tpu.memory_space<vmem_shared>>
    tpu.wait_indirect_dma semaphore(%arg21 : memref<!tpu.dma_semaphore, #tpu.memory_space<semaphore_mem>>) src(%arg12 : memref<80x128xf32, #tpu.memory_space<vmem>>) dst(%dma_wait3A_212 : memref<10112x128xf32, #tpu.memory_space<vmem_shared>>)
    %mul3A_213 = arith.constant 128 : i32
    %mul3A_214 = arith.muli %arg1, %mul3A_213 : i32
    %add3A_215 = arith.constant 96 : i32
    %add3A_216 = arith.addi %mul3A_214, %add3A_215 : i32
    "tpu.region"() ({
      %run_scoped3A = tpu.sem_alloc : memref<!tpu.dma_semaphore, #tpu.memory_space<semaphore_mem>>
      %dma_start3A_290 = arith.constant 0 : i32
      %dma_start3A_291 = tpu.memref_slice %arg3[%add3A_216, %dma_start3A_290] : memref<2048x80xi32, #tpu.memory_space<hbm>> -> memref<32x80xi32, #tpu.memory_space<hbm>>
      %dma_start3A_292 = arith.constant 0 : i32
      %dma_start3A_293 = tpu.memref_slice %arg3[%add3A_216, %dma_start3A_292] : memref<2048x80xi32, #tpu.memory_space<hbm>> -> memref<32x80xi32, #tpu.memory_space<hbm>>
      tpu.enqueue_dma source(%dma_start3A_293 : memref<32x80xi32, #tpu.memory_space<hbm>>) target(%arg7 : memref<32x80xi32, #tpu.memory_space<vmem>>) target_semaphore(%run_scoped3A : memref<!tpu.dma_semaphore, #tpu.memory_space<semaphore_mem>>)
      %dma_wait3A_294 = arith.constant 0 : i32
      %dma_wait3A_295 = tpu.memref_slice %arg3[%add3A_216, %dma_wait3A_294] : memref<2048x80xi32, #tpu.memory_space<hbm>> -> memref<32x80xi32, #tpu.memory_space<hbm>>
      %dma_wait3A_296 = arith.constant 0 : i32
      %dma_wait3A_297 = tpu.memref_slice %arg3[%add3A_216, %dma_wait3A_296] : memref<2048x80xi32, #tpu.memory_space<hbm>> -> memref<32x80xi32, #tpu.memory_space<hbm>>
      tpu.wait_dma2 semaphore(%run_scoped3A : memref<!tpu.dma_semaphore, #tpu.memory_space<semaphore_mem>>) src(%dma_wait3A_297 : memref<32x80xi32, #tpu.memory_space<hbm>>) dst(%arg7 : memref<32x80xi32, #tpu.memory_space<vmem>>)
      tpu.yield
    }) : () -> ()
    "tpu.region"() ({
      %run_scoped3A = tpu.sem_alloc : memref<!tpu.dma_semaphore, #tpu.memory_space<semaphore_mem>>
      %dma_start3A_290 = arith.constant 0 : i32
      %dma_start3A_291 = tpu.memref_slice %arg4[%add3A_216, %dma_start3A_290] : memref<2048x80xi32, #tpu.memory_space<hbm>> -> memref<32x80xi32, #tpu.memory_space<hbm>>
      %dma_start3A_292 = arith.constant 0 : i32
      %dma_start3A_293 = tpu.memref_slice %arg4[%add3A_216, %dma_start3A_292] : memref<2048x80xi32, #tpu.memory_space<hbm>> -> memref<32x80xi32, #tpu.memory_space<hbm>>
      tpu.enqueue_dma source(%dma_start3A_293 : memref<32x80xi32, #tpu.memory_space<hbm>>) target(%arg8 : memref<32x80xi32, #tpu.memory_space<vmem>>) target_semaphore(%run_scoped3A : memref<!tpu.dma_semaphore, #tpu.memory_space<semaphore_mem>>)
      %dma_wait3A_294 = arith.constant 0 : i32
      %dma_wait3A_295 = tpu.memref_slice %arg4[%add3A_216, %dma_wait3A_294] : memref<2048x80xi32, #tpu.memory_space<hbm>> -> memref<32x80xi32, #tpu.memory_space<hbm>>
      %dma_wait3A_296 = arith.constant 0 : i32
      %dma_wait3A_297 = tpu.memref_slice %arg4[%add3A_216, %dma_wait3A_296] : memref<2048x80xi32, #tpu.memory_space<hbm>> -> memref<32x80xi32, #tpu.memory_space<hbm>>
      tpu.wait_dma2 semaphore(%run_scoped3A : memref<!tpu.dma_semaphore, #tpu.memory_space<semaphore_mem>>) src(%dma_wait3A_297 : memref<32x80xi32, #tpu.memory_space<hbm>>) dst(%arg8 : memref<32x80xi32, #tpu.memory_space<vmem>>)
      tpu.yield
    }) : () -> ()
    %dma_start3A_217 = arith.constant 0 : i32
    %dma_start3A_218 = arith.constant 0 : i32
    %dma_start3A_219 = tpu.memref_slice %arg7[%dma_start3A_217, %dma_start3A_218] : memref<32x80xi32, #tpu.memory_space<vmem>> -> memref<1x80xi32, #tpu.memory_space<vmem>>
    %dma_start3A_220 = tpu.memref_squeeze %dma_start3A_219 : memref<1x80xi32, #tpu.memory_space<vmem>> -> memref<80xi32, #tpu.memory_space<vmem>>
    %dma_start3A_221 = arith.constant 0 : i32
    %dma_start3A_222 = arith.constant 0 : i32
    %dma_start3A_223 = tpu.memref_slice %arg2[%arg0, %dma_start3A_221, %dma_start3A_222] : memref<2x10112x128xf32, #tpu.memory_space<hbm>> -> memref<1x10112x128xf32, #tpu.memory_space<hbm>>
    %dma_start3A_224 = tpu.memref_squeeze %dma_start3A_223 : memref<1x10112x128xf32, #tpu.memory_space<hbm>> -> memref<10112x128xf32, #tpu.memory_space<hbm>>
    %dma_start3A_225 = arith.constant 0 : i32
    %dma_start3A_226 = arith.constant 0 : i32
    %dma_start3A_227 = tpu.memref_slice %dma_start3A_224[%dma_start3A_225, %dma_start3A_226] : memref<10112x128xf32, #tpu.memory_space<hbm>> -> memref<10112x128xf32, #tpu.memory_space<hbm>>
    tpu.enqueue_indirect_dma source(%dma_start3A_227 : memref<10112x128xf32, #tpu.memory_space<hbm>>) target(%arg9 : memref<80x128xf32, #tpu.memory_space<vmem>>) offsets(%dma_start3A_220 : memref<80xi32, #tpu.memory_space<vmem>>) semaphore(%arg14 : memref<!tpu.dma_semaphore, #tpu.memory_space<semaphore_mem>>)
    %dma_start3A_228 = arith.constant 1 : i32
    %dma_start3A_229 = arith.constant 0 : i32
    %dma_start3A_230 = tpu.memref_slice %arg7[%dma_start3A_228, %dma_start3A_229] : memref<32x80xi32, #tpu.memory_space<vmem>> -> memref<1x80xi32, #tpu.memory_space<vmem>>
    %dma_start3A_231 = tpu.memref_squeeze %dma_start3A_230 : memref<1x80xi32, #tpu.memory_space<vmem>> -> memref<80xi32, #tpu.memory_space<vmem>>
    %dma_start3A_232 = arith.constant 0 : i32
    %dma_start3A_233 = arith.constant 0 : i32
    %dma_start3A_234 = tpu.memref_slice %arg2[%arg0, %dma_start3A_232, %dma_start3A_233] : memref<2x10112x128xf32, #tpu.memory_space<hbm>> -> memref<1x10112x128xf32, #tpu.memory_space<hbm>>
    %dma_start3A_235 = tpu.memref_squeeze %dma_start3A_234 : memref<1x10112x128xf32, #tpu.memory_space<hbm>> -> memref<10112x128xf32, #tpu.memory_space<hbm>>
    %dma_start3A_236 = arith.constant 0 : i32
    %dma_start3A_237 = arith.constant 0 : i32
    %dma_start3A_238 = tpu.memref_slice %dma_start3A_235[%dma_start3A_236, %dma_start3A_237] : memref<10112x128xf32, #tpu.memory_space<hbm>> -> memref<10112x128xf32, #tpu.memory_space<hbm>>
    tpu.enqueue_indirect_dma source(%dma_start3A_238 : memref<10112x128xf32, #tpu.memory_space<hbm>>) target(%arg10 : memref<80x128xf32, #tpu.memory_space<vmem>>) offsets(%dma_start3A_231 : memref<80xi32, #tpu.memory_space<vmem>>) semaphore(%arg15 : memref<!tpu.dma_semaphore, #tpu.memory_space<semaphore_mem>>)
    %dma_start3A_239 = arith.constant 2 : i32
    %dma_start3A_240 = arith.constant 0 : i32
    %dma_start3A_241 = tpu.memref_slice %arg7[%dma_start3A_239, %dma_start3A_240] : memref<32x80xi32, #tpu.memory_space<vmem>> -> memref<1x80xi32, #tpu.memory_space<vmem>>
    %dma_start3A_242 = tpu.memref_squeeze %dma_start3A_241 : memref<1x80xi32, #tpu.memory_space<vmem>> -> memref<80xi32, #tpu.memory_space<vmem>>
    %dma_start3A_243 = arith.constant 0 : i32
    %dma_start3A_244 = arith.constant 0 : i32
    %dma_start3A_245 = tpu.memref_slice %arg2[%arg0, %dma_start3A_243, %dma_start3A_244] : memref<2x10112x128xf32, #tpu.memory_space<hbm>> -> memref<1x10112x128xf32, #tpu.memory_space<hbm>>
    %dma_start3A_246 = tpu.memref_squeeze %dma_start3A_245 : memref<1x10112x128xf32, #tpu.memory_space<hbm>> -> memref<10112x128xf32, #tpu.memory_space<hbm>>
    %dma_start3A_247 = arith.constant 0 : i32
    %dma_start3A_248 = arith.constant 0 : i32
    %dma_start3A_249 = tpu.memref_slice %dma_start3A_246[%dma_start3A_247, %dma_start3A_248] : memref<10112x128xf32, #tpu.memory_space<hbm>> -> memref<10112x128xf32, #tpu.memory_space<hbm>>
    tpu.enqueue_indirect_dma source(%dma_start3A_249 : memref<10112x128xf32, #tpu.memory_space<hbm>>) target(%arg11 : memref<80x128xf32, #tpu.memory_space<vmem>>) offsets(%dma_start3A_242 : memref<80xi32, #tpu.memory_space<vmem>>) semaphore(%arg16 : memref<!tpu.dma_semaphore, #tpu.memory_space<semaphore_mem>>)
    %scan3A_250 = arith.constant 0 : i32
    %scan3A_251 = arith.constant 0 : i32
    %scan3A_252 = arith.constant 32 : i32
    %scan3A_253 = arith.addi %scan3A_251, %scan3A_252 : i32
    %scan3A_254 = arith.constant 1 : i32
    %scan3A_255 = scf.for %scan3A_290 = %scan3A_251 to %scan3A_253 step %scan3A_254 iter_args(%scan3A_291 = %scan3A_250) -> (i32)  : i32 {
      %add3A_292 = arith.constant 3 : i32
      %add3A_293 = arith.addi %scan3A_290, %add3A_292 : i32
      %rem3A = arith.constant 4 : i32
      %rem3A_294 = arith.remsi %add3A_293, %rem3A : i32
      %rem3A_295 = arith.constant 4 : i32
      %rem3A_296 = arith.remsi %scan3A_290, %rem3A_295 : i32
      %eq3A = arith.constant 0 : i32
      %eq3A_297 = arith.cmpi eq, %rem3A_294, %eq3A : i32
      %lt3A = arith.constant 29 : i32
      %lt3A_298 = arith.cmpi slt, %scan3A_290, %lt3A : i32
      %and3A = arith.andi %eq3A_297, %lt3A_298 : i1
      %convert_element_type3A = arith.extui %and3A : i1 to i32
      %cond3A = arith.constant 0 : i32
      %cond3A_299 = arith.cmpi ne, %convert_element_type3A, %cond3A : i32
      scf.if %cond3A_299 {
        %ge3A = arith.constant 1 : i32
        %ge3A_345 = arith.cmpi sge, %scan3A_290, %ge3A : i32
        %convert_element_type3A_346 = arith.extui %ge3A_345 : i1 to i32
        %cond3A_347 = arith.constant 0 : i32
        %cond3A_348 = arith.cmpi ne, %convert_element_type3A_346, %cond3A_347 : i32
        scf.if %cond3A_348 {
          %dma_wait3A_361 = arith.constant 0 : i32
          %dma_wait3A_362 = arith.constant 0 : i32
          %dma_wait3A_363 = tpu.memref_slice %arg8[%dma_wait3A_361, %dma_wait3A_362] : memref<32x80xi32, #tpu.memory_space<vmem>> -> memref<1x80xi32, #tpu.memory_space<vmem>>
          %dma_wait3A_364 = tpu.memref_squeeze %dma_wait3A_363 : memref<1x80xi32, #tpu.memory_space<vmem>> -> memref<80xi32, #tpu.memory_space<vmem>>
          %dma_wait3A_365 = arith.constant 0 : i32
          %dma_wait3A_366 = arith.constant 0 : i32
          %dma_wait3A_367 = tpu.memref_slice %arg13[%dma_wait3A_365, %dma_wait3A_366] : memref<10112x128xf32, #tpu.memory_space<vmem_shared>> -> memref<10112x128xf32, #tpu.memory_space<vmem_shared>>
          tpu.wait_indirect_dma semaphore(%arg18 : memref<!tpu.dma_semaphore, #tpu.memory_space<semaphore_mem>>) src(%arg9 : memref<80x128xf32, #tpu.memory_space<vmem>>) dst(%dma_wait3A_367 : memref<10112x128xf32, #tpu.memory_space<vmem_shared>>)
        } else {
        }
        %add3A_349 = arith.constant 3 : i32
        %add3A_350 = arith.addi %scan3A_290, %add3A_349 : i32
        %dma_start3A_351 = arith.constant 0 : i32
        %dma_start3A_352 = tpu.memref_slice %arg7[%add3A_350, %dma_start3A_351] : memref<32x80xi32, #tpu.memory_space<vmem>> -> memref<1x80xi32, #tpu.memory_space<vmem>>
        %dma_start3A_353 = tpu.memref_squeeze %dma_start3A_352 : memref<1x80xi32, #tpu.memory_space<vmem>> -> memref<80xi32, #tpu.memory_space<vmem>>
        %dma_start3A_354 = arith.constant 0 : i32
        %dma_start3A_355 = arith.constant 0 : i32
        %dma_start3A_356 = tpu.memref_slice %arg2[%arg0, %dma_start3A_354, %dma_start3A_355] : memref<2x10112x128xf32, #tpu.memory_space<hbm>> -> memref<1x10112x128xf32, #tpu.memory_space<hbm>>
        %dma_start3A_357 = tpu.memref_squeeze %dma_start3A_356 : memref<1x10112x128xf32, #tpu.memory_space<hbm>> -> memref<10112x128xf32, #tpu.memory_space<hbm>>
        %dma_start3A_358 = arith.constant 0 : i32
        %dma_start3A_359 = arith.constant 0 : i32
        %dma_start3A_360 = tpu.memref_slice %dma_start3A_357[%dma_start3A_358, %dma_start3A_359] : memref<10112x128xf32, #tpu.memory_space<hbm>> -> memref<10112x128xf32, #tpu.memory_space<hbm>>
        tpu.enqueue_indirect_dma source(%dma_start3A_360 : memref<10112x128xf32, #tpu.memory_space<hbm>>) target(%arg9 : memref<80x128xf32, #tpu.memory_space<vmem>>) offsets(%dma_start3A_353 : memref<80xi32, #tpu.memory_space<vmem>>) semaphore(%arg14 : memref<!tpu.dma_semaphore, #tpu.memory_space<semaphore_mem>>)
      } else {
      }
      %eq3A_300 = arith.constant 1 : i32
      %eq3A_301 = arith.cmpi eq, %rem3A_294, %eq3A_300 : i32
      %lt3A_302 = arith.constant 29 : i32
      %lt3A_303 = arith.cmpi slt, %scan3A_290, %lt3A_302 : i32
      %and3A_304 = arith.andi %eq3A_301, %lt3A_303 : i1
      %convert_element_type3A_305 = arith.extui %and3A_304 : i1 to i32
      %cond3A_306 = arith.constant 0 : i32
      %cond3A_307 = arith.cmpi ne, %convert_element_type3A_305, %cond3A_306 : i32
      scf.if %cond3A_307 {
        %ge3A = arith.constant 1 : i32
        %ge3A_345 = arith.cmpi sge, %scan3A_290, %ge3A : i32
        %convert_element_type3A_346 = arith.extui %ge3A_345 : i1 to i32
        %cond3A_347 = arith.constant 0 : i32
        %cond3A_348 = arith.cmpi ne, %convert_element_type3A_346, %cond3A_347 : i32
        scf.if %cond3A_348 {
          %dma_wait3A_361 = arith.constant 0 : i32
          %dma_wait3A_362 = arith.constant 0 : i32
          %dma_wait3A_363 = tpu.memref_slice %arg8[%dma_wait3A_361, %dma_wait3A_362] : memref<32x80xi32, #tpu.memory_space<vmem>> -> memref<1x80xi32, #tpu.memory_space<vmem>>
          %dma_wait3A_364 = tpu.memref_squeeze %dma_wait3A_363 : memref<1x80xi32, #tpu.memory_space<vmem>> -> memref<80xi32, #tpu.memory_space<vmem>>
          %dma_wait3A_365 = arith.constant 0 : i32
          %dma_wait3A_366 = arith.constant 0 : i32
          %dma_wait3A_367 = tpu.memref_slice %arg13[%dma_wait3A_365, %dma_wait3A_366] : memref<10112x128xf32, #tpu.memory_space<vmem_shared>> -> memref<10112x128xf32, #tpu.memory_space<vmem_shared>>
          tpu.wait_indirect_dma semaphore(%arg19 : memref<!tpu.dma_semaphore, #tpu.memory_space<semaphore_mem>>) src(%arg10 : memref<80x128xf32, #tpu.memory_space<vmem>>) dst(%dma_wait3A_367 : memref<10112x128xf32, #tpu.memory_space<vmem_shared>>)
        } else {
        }
        %add3A_349 = arith.constant 3 : i32
        %add3A_350 = arith.addi %scan3A_290, %add3A_349 : i32
        %dma_start3A_351 = arith.constant 0 : i32
        %dma_start3A_352 = tpu.memref_slice %arg7[%add3A_350, %dma_start3A_351] : memref<32x80xi32, #tpu.memory_space<vmem>> -> memref<1x80xi32, #tpu.memory_space<vmem>>
        %dma_start3A_353 = tpu.memref_squeeze %dma_start3A_352 : memref<1x80xi32, #tpu.memory_space<vmem>> -> memref<80xi32, #tpu.memory_space<vmem>>
        %dma_start3A_354 = arith.constant 0 : i32
        %dma_start3A_355 = arith.constant 0 : i32
        %dma_start3A_356 = tpu.memref_slice %arg2[%arg0, %dma_start3A_354, %dma_start3A_355] : memref<2x10112x128xf32, #tpu.memory_space<hbm>> -> memref<1x10112x128xf32, #tpu.memory_space<hbm>>
        %dma_start3A_357 = tpu.memref_squeeze %dma_start3A_356 : memref<1x10112x128xf32, #tpu.memory_space<hbm>> -> memref<10112x128xf32, #tpu.memory_space<hbm>>
        %dma_start3A_358 = arith.constant 0 : i32
        %dma_start3A_359 = arith.constant 0 : i32
        %dma_start3A_360 = tpu.memref_slice %dma_start3A_357[%dma_start3A_358, %dma_start3A_359] : memref<10112x128xf32, #tpu.memory_space<hbm>> -> memref<10112x128xf32, #tpu.memory_space<hbm>>
        tpu.enqueue_indirect_dma source(%dma_start3A_360 : memref<10112x128xf32, #tpu.memory_space<hbm>>) target(%arg10 : memref<80x128xf32, #tpu.memory_space<vmem>>) offsets(%dma_start3A_353 : memref<80xi32, #tpu.memory_space<vmem>>) semaphore(%arg15 : memref<!tpu.dma_semaphore, #tpu.memory_space<semaphore_mem>>)
      } else {
      }
      %eq3A_308 = arith.constant 2 : i32
      %eq3A_309 = arith.cmpi eq, %rem3A_294, %eq3A_308 : i32
      %lt3A_310 = arith.constant 29 : i32
      %lt3A_311 = arith.cmpi slt, %scan3A_290, %lt3A_310 : i32
      %and3A_312 = arith.andi %eq3A_309, %lt3A_311 : i1
      %convert_element_type3A_313 = arith.extui %and3A_312 : i1 to i32
      %cond3A_314 = arith.constant 0 : i32
      %cond3A_315 = arith.cmpi ne, %convert_element_type3A_313, %cond3A_314 : i32
      scf.if %cond3A_315 {
        %ge3A = arith.constant 1 : i32
        %ge3A_345 = arith.cmpi sge, %scan3A_290, %ge3A : i32
        %convert_element_type3A_346 = arith.extui %ge3A_345 : i1 to i32
        %cond3A_347 = arith.constant 0 : i32
        %cond3A_348 = arith.cmpi ne, %convert_element_type3A_346, %cond3A_347 : i32
        scf.if %cond3A_348 {
          %dma_wait3A_361 = arith.constant 0 : i32
          %dma_wait3A_362 = arith.constant 0 : i32
          %dma_wait3A_363 = tpu.memref_slice %arg8[%dma_wait3A_361, %dma_wait3A_362] : memref<32x80xi32, #tpu.memory_space<vmem>> -> memref<1x80xi32, #tpu.memory_space<vmem>>
          %dma_wait3A_364 = tpu.memref_squeeze %dma_wait3A_363 : memref<1x80xi32, #tpu.memory_space<vmem>> -> memref<80xi32, #tpu.memory_space<vmem>>
          %dma_wait3A_365 = arith.constant 0 : i32
          %dma_wait3A_366 = arith.constant 0 : i32
          %dma_wait3A_367 = tpu.memref_slice %arg13[%dma_wait3A_365, %dma_wait3A_366] : memref<10112x128xf32, #tpu.memory_space<vmem_shared>> -> memref<10112x128xf32, #tpu.memory_space<vmem_shared>>
          tpu.wait_indirect_dma semaphore(%arg20 : memref<!tpu.dma_semaphore, #tpu.memory_space<semaphore_mem>>) src(%arg11 : memref<80x128xf32, #tpu.memory_space<vmem>>) dst(%dma_wait3A_367 : memref<10112x128xf32, #tpu.memory_space<vmem_shared>>)
        } else {
        }
        %add3A_349 = arith.constant 3 : i32
        %add3A_350 = arith.addi %scan3A_290, %add3A_349 : i32
        %dma_start3A_351 = arith.constant 0 : i32
        %dma_start3A_352 = tpu.memref_slice %arg7[%add3A_350, %dma_start3A_351] : memref<32x80xi32, #tpu.memory_space<vmem>> -> memref<1x80xi32, #tpu.memory_space<vmem>>
        %dma_start3A_353 = tpu.memref_squeeze %dma_start3A_352 : memref<1x80xi32, #tpu.memory_space<vmem>> -> memref<80xi32, #tpu.memory_space<vmem>>
        %dma_start3A_354 = arith.constant 0 : i32
        %dma_start3A_355 = arith.constant 0 : i32
        %dma_start3A_356 = tpu.memref_slice %arg2[%arg0, %dma_start3A_354, %dma_start3A_355] : memref<2x10112x128xf32, #tpu.memory_space<hbm>> -> memref<1x10112x128xf32, #tpu.memory_space<hbm>>
        %dma_start3A_357 = tpu.memref_squeeze %dma_start3A_356 : memref<1x10112x128xf32, #tpu.memory_space<hbm>> -> memref<10112x128xf32, #tpu.memory_space<hbm>>
        %dma_start3A_358 = arith.constant 0 : i32
        %dma_start3A_359 = arith.constant 0 : i32
        %dma_start3A_360 = tpu.memref_slice %dma_start3A_357[%dma_start3A_358, %dma_start3A_359] : memref<10112x128xf32, #tpu.memory_space<hbm>> -> memref<10112x128xf32, #tpu.memory_space<hbm>>
        tpu.enqueue_indirect_dma source(%dma_start3A_360 : memref<10112x128xf32, #tpu.memory_space<hbm>>) target(%arg11 : memref<80x128xf32, #tpu.memory_space<vmem>>) offsets(%dma_start3A_353 : memref<80xi32, #tpu.memory_space<vmem>>) semaphore(%arg16 : memref<!tpu.dma_semaphore, #tpu.memory_space<semaphore_mem>>)
      } else {
      }
      %eq3A_316 = arith.constant 3 : i32
      %eq3A_317 = arith.cmpi eq, %rem3A_294, %eq3A_316 : i32
      %lt3A_318 = arith.constant 29 : i32
      %lt3A_319 = arith.cmpi slt, %scan3A_290, %lt3A_318 : i32
      %and3A_320 = arith.andi %eq3A_317, %lt3A_319 : i1
      %convert_element_type3A_321 = arith.extui %and3A_320 : i1 to i32
      %cond3A_322 = arith.constant 0 : i32
      %cond3A_323 = arith.cmpi ne, %convert_element_type3A_321, %cond3A_322 : i32
      scf.if %cond3A_323 {
        %ge3A = arith.constant 1 : i32
        %ge3A_345 = arith.cmpi sge, %scan3A_290, %ge3A : i32
        %convert_element_type3A_346 = arith.extui %ge3A_345 : i1 to i32
        %cond3A_347 = arith.constant 0 : i32
        %cond3A_348 = arith.cmpi ne, %convert_element_type3A_346, %cond3A_347 : i32
        scf.if %cond3A_348 {
          %dma_wait3A_361 = arith.constant 0 : i32
          %dma_wait3A_362 = arith.constant 0 : i32
          %dma_wait3A_363 = tpu.memref_slice %arg8[%dma_wait3A_361, %dma_wait3A_362] : memref<32x80xi32, #tpu.memory_space<vmem>> -> memref<1x80xi32, #tpu.memory_space<vmem>>
          %dma_wait3A_364 = tpu.memref_squeeze %dma_wait3A_363 : memref<1x80xi32, #tpu.memory_space<vmem>> -> memref<80xi32, #tpu.memory_space<vmem>>
          %dma_wait3A_365 = arith.constant 0 : i32
          %dma_wait3A_366 = arith.constant 0 : i32
          %dma_wait3A_367 = tpu.memref_slice %arg13[%dma_wait3A_365, %dma_wait3A_366] : memref<10112x128xf32, #tpu.memory_space<vmem_shared>> -> memref<10112x128xf32, #tpu.memory_space<vmem_shared>>
          tpu.wait_indirect_dma semaphore(%arg21 : memref<!tpu.dma_semaphore, #tpu.memory_space<semaphore_mem>>) src(%arg12 : memref<80x128xf32, #tpu.memory_space<vmem>>) dst(%dma_wait3A_367 : memref<10112x128xf32, #tpu.memory_space<vmem_shared>>)
        } else {
        }
        %add3A_349 = arith.constant 3 : i32
        %add3A_350 = arith.addi %scan3A_290, %add3A_349 : i32
        %dma_start3A_351 = arith.constant 0 : i32
        %dma_start3A_352 = tpu.memref_slice %arg7[%add3A_350, %dma_start3A_351] : memref<32x80xi32, #tpu.memory_space<vmem>> -> memref<1x80xi32, #tpu.memory_space<vmem>>
        %dma_start3A_353 = tpu.memref_squeeze %dma_start3A_352 : memref<1x80xi32, #tpu.memory_space<vmem>> -> memref<80xi32, #tpu.memory_space<vmem>>
        %dma_start3A_354 = arith.constant 0 : i32
        %dma_start3A_355 = arith.constant 0 : i32
        %dma_start3A_356 = tpu.memref_slice %arg2[%arg0, %dma_start3A_354, %dma_start3A_355] : memref<2x10112x128xf32, #tpu.memory_space<hbm>> -> memref<1x10112x128xf32, #tpu.memory_space<hbm>>
        %dma_start3A_357 = tpu.memref_squeeze %dma_start3A_356 : memref<1x10112x128xf32, #tpu.memory_space<hbm>> -> memref<10112x128xf32, #tpu.memory_space<hbm>>
        %dma_start3A_358 = arith.constant 0 : i32
        %dma_start3A_359 = arith.constant 0 : i32
        %dma_start3A_360 = tpu.memref_slice %dma_start3A_357[%dma_start3A_358, %dma_start3A_359] : memref<10112x128xf32, #tpu.memory_space<hbm>> -> memref<10112x128xf32, #tpu.memory_space<hbm>>
        tpu.enqueue_indirect_dma source(%dma_start3A_360 : memref<10112x128xf32, #tpu.memory_space<hbm>>) target(%arg12 : memref<80x128xf32, #tpu.memory_space<vmem>>) offsets(%dma_start3A_353 : memref<80xi32, #tpu.memory_space<vmem>>) semaphore(%arg17 : memref<!tpu.dma_semaphore, #tpu.memory_space<semaphore_mem>>)
      } else {
      }
      %eq3A_324 = arith.constant 0 : i32
      %eq3A_325 = arith.cmpi eq, %rem3A_296, %eq3A_324 : i32
      %convert_element_type3A_326 = arith.extui %eq3A_325 : i1 to i32
      %cond3A_327 = arith.constant 0 : i32
      %cond3A_328 = arith.cmpi ne, %convert_element_type3A_326, %cond3A_327 : i32
      scf.if %cond3A_328 {
        %dma_wait3A_345 = arith.constant 0 : i32
        %dma_wait3A_346 = tpu.memref_slice %arg7[%scan3A_290, %dma_wait3A_345] : memref<32x80xi32, #tpu.memory_space<vmem>> -> memref<1x80xi32, #tpu.memory_space<vmem>>
        %dma_wait3A_347 = tpu.memref_squeeze %dma_wait3A_346 : memref<1x80xi32, #tpu.memory_space<vmem>> -> memref<80xi32, #tpu.memory_space<vmem>>
        %dma_wait3A_348 = arith.constant 0 : i32
        %dma_wait3A_349 = arith.constant 0 : i32
        %dma_wait3A_350 = tpu.memref_slice %arg2[%arg0, %dma_wait3A_348, %dma_wait3A_349] : memref<2x10112x128xf32, #tpu.memory_space<hbm>> -> memref<1x10112x128xf32, #tpu.memory_space<hbm>>
        %dma_wait3A_351 = tpu.memref_squeeze %dma_wait3A_350 : memref<1x10112x128xf32, #tpu.memory_space<hbm>> -> memref<10112x128xf32, #tpu.memory_space<hbm>>
        %dma_wait3A_352 = arith.constant 0 : i32
        %dma_wait3A_353 = arith.constant 0 : i32
        %dma_wait3A_354 = tpu.memref_slice %dma_wait3A_351[%dma_wait3A_352, %dma_wait3A_353] : memref<10112x128xf32, #tpu.memory_space<hbm>> -> memref<10112x128xf32, #tpu.memory_space<hbm>>
        tpu.wait_indirect_dma semaphore(%arg14 : memref<!tpu.dma_semaphore, #tpu.memory_space<semaphore_mem>>) src(%dma_wait3A_354 : memref<10112x128xf32, #tpu.memory_space<hbm>>) dst(%arg9 : memref<80x128xf32, #tpu.memory_space<vmem>>)
        %dma_start3A_355 = arith.constant 0 : i32
        %dma_start3A_356 = tpu.memref_slice %arg8[%scan3A_290, %dma_start3A_355] : memref<32x80xi32, #tpu.memory_space<vmem>> -> memref<1x80xi32, #tpu.memory_space<vmem>>
        %dma_start3A_357 = tpu.memref_squeeze %dma_start3A_356 : memref<1x80xi32, #tpu.memory_space<vmem>> -> memref<80xi32, #tpu.memory_space<vmem>>
        %dma_start3A_358 = arith.constant 0 : i32
        %dma_start3A_359 = arith.constant 0 : i32
        %dma_start3A_360 = tpu.memref_slice %arg13[%dma_start3A_358, %dma_start3A_359] : memref<10112x128xf32, #tpu.memory_space<vmem_shared>> -> memref<10112x128xf32, #tpu.memory_space<vmem_shared>>
        tpu.enqueue_indirect_dma source(%arg9 : memref<80x128xf32, #tpu.memory_space<vmem>>) target(%dma_start3A_360 : memref<10112x128xf32, #tpu.memory_space<vmem_shared>>) offsets(%dma_start3A_357 : memref<80xi32, #tpu.memory_space<vmem>>) semaphore(%arg18 : memref<!tpu.dma_semaphore, #tpu.memory_space<semaphore_mem>>) {add = true}
      } else {
      }
      %eq3A_329 = arith.constant 1 : i32
      %eq3A_330 = arith.cmpi eq, %rem3A_296, %eq3A_329 : i32
      %convert_element_type3A_331 = arith.extui %eq3A_330 : i1 to i32
      %cond3A_332 = arith.constant 0 : i32
      %cond3A_333 = arith.cmpi ne, %convert_element_type3A_331, %cond3A_332 : i32
      scf.if %cond3A_333 {
        %dma_wait3A_345 = arith.constant 0 : i32
        %dma_wait3A_346 = tpu.memref_slice %arg7[%scan3A_290, %dma_wait3A_345] : memref<32x80xi32, #tpu.memory_space<vmem>> -> memref<1x80xi32, #tpu.memory_space<vmem>>
        %dma_wait3A_347 = tpu.memref_squeeze %dma_wait3A_346 : memref<1x80xi32, #tpu.memory_space<vmem>> -> memref<80xi32, #tpu.memory_space<vmem>>
        %dma_wait3A_348 = arith.constant 0 : i32
        %dma_wait3A_349 = arith.constant 0 : i32
        %dma_wait3A_350 = tpu.memref_slice %arg2[%arg0, %dma_wait3A_348, %dma_wait3A_349] : memref<2x10112x128xf32, #tpu.memory_space<hbm>> -> memref<1x10112x128xf32, #tpu.memory_space<hbm>>
        %dma_wait3A_351 = tpu.memref_squeeze %dma_wait3A_350 : memref<1x10112x128xf32, #tpu.memory_space<hbm>> -> memref<10112x128xf32, #tpu.memory_space<hbm>>
        %dma_wait3A_352 = arith.constant 0 : i32
        %dma_wait3A_353 = arith.constant 0 : i32
        %dma_wait3A_354 = tpu.memref_slice %dma_wait3A_351[%dma_wait3A_352, %dma_wait3A_353] : memref<10112x128xf32, #tpu.memory_space<hbm>> -> memref<10112x128xf32, #tpu.memory_space<hbm>>
        tpu.wait_indirect_dma semaphore(%arg15 : memref<!tpu.dma_semaphore, #tpu.memory_space<semaphore_mem>>) src(%dma_wait3A_354 : memref<10112x128xf32, #tpu.memory_space<hbm>>) dst(%arg10 : memref<80x128xf32, #tpu.memory_space<vmem>>)
        %dma_start3A_355 = arith.constant 0 : i32
        %dma_start3A_356 = tpu.memref_slice %arg8[%scan3A_290, %dma_start3A_355] : memref<32x80xi32, #tpu.memory_space<vmem>> -> memref<1x80xi32, #tpu.memory_space<vmem>>
        %dma_start3A_357 = tpu.memref_squeeze %dma_start3A_356 : memref<1x80xi32, #tpu.memory_space<vmem>> -> memref<80xi32, #tpu.memory_space<vmem>>
        %dma_start3A_358 = arith.constant 0 : i32
        %dma_start3A_359 = arith.constant 0 : i32
        %dma_start3A_360 = tpu.memref_slice %arg13[%dma_start3A_358, %dma_start3A_359] : memref<10112x128xf32, #tpu.memory_space<vmem_shared>> -> memref<10112x128xf32, #tpu.memory_space<vmem_shared>>
        tpu.enqueue_indirect_dma source(%arg10 : memref<80x128xf32, #tpu.memory_space<vmem>>) target(%dma_start3A_360 : memref<10112x128xf32, #tpu.memory_space<vmem_shared>>) offsets(%dma_start3A_357 : memref<80xi32, #tpu.memory_space<vmem>>) semaphore(%arg19 : memref<!tpu.dma_semaphore, #tpu.memory_space<semaphore_mem>>) {add = true}
      } else {
      }
      %eq3A_334 = arith.constant 2 : i32
      %eq3A_335 = arith.cmpi eq, %rem3A_296, %eq3A_334 : i32
      %convert_element_type3A_336 = arith.extui %eq3A_335 : i1 to i32
      %cond3A_337 = arith.constant 0 : i32
      %cond3A_338 = arith.cmpi ne, %convert_element_type3A_336, %cond3A_337 : i32
      scf.if %cond3A_338 {
        %dma_wait3A_345 = arith.constant 0 : i32
        %dma_wait3A_346 = tpu.memref_slice %arg7[%scan3A_290, %dma_wait3A_345] : memref<32x80xi32, #tpu.memory_space<vmem>> -> memref<1x80xi32, #tpu.memory_space<vmem>>
        %dma_wait3A_347 = tpu.memref_squeeze %dma_wait3A_346 : memref<1x80xi32, #tpu.memory_space<vmem>> -> memref<80xi32, #tpu.memory_space<vmem>>
        %dma_wait3A_348 = arith.constant 0 : i32
        %dma_wait3A_349 = arith.constant 0 : i32
        %dma_wait3A_350 = tpu.memref_slice %arg2[%arg0, %dma_wait3A_348, %dma_wait3A_349] : memref<2x10112x128xf32, #tpu.memory_space<hbm>> -> memref<1x10112x128xf32, #tpu.memory_space<hbm>>
        %dma_wait3A_351 = tpu.memref_squeeze %dma_wait3A_350 : memref<1x10112x128xf32, #tpu.memory_space<hbm>> -> memref<10112x128xf32, #tpu.memory_space<hbm>>
        %dma_wait3A_352 = arith.constant 0 : i32
        %dma_wait3A_353 = arith.constant 0 : i32
        %dma_wait3A_354 = tpu.memref_slice %dma_wait3A_351[%dma_wait3A_352, %dma_wait3A_353] : memref<10112x128xf32, #tpu.memory_space<hbm>> -> memref<10112x128xf32, #tpu.memory_space<hbm>>
        tpu.wait_indirect_dma semaphore(%arg16 : memref<!tpu.dma_semaphore, #tpu.memory_space<semaphore_mem>>) src(%dma_wait3A_354 : memref<10112x128xf32, #tpu.memory_space<hbm>>) dst(%arg11 : memref<80x128xf32, #tpu.memory_space<vmem>>)
        %dma_start3A_355 = arith.constant 0 : i32
        %dma_start3A_356 = tpu.memref_slice %arg8[%scan3A_290, %dma_start3A_355] : memref<32x80xi32, #tpu.memory_space<vmem>> -> memref<1x80xi32, #tpu.memory_space<vmem>>
        %dma_start3A_357 = tpu.memref_squeeze %dma_start3A_356 : memref<1x80xi32, #tpu.memory_space<vmem>> -> memref<80xi32, #tpu.memory_space<vmem>>
        %dma_start3A_358 = arith.constant 0 : i32
        %dma_start3A_359 = arith.constant 0 : i32
        %dma_start3A_360 = tpu.memref_slice %arg13[%dma_start3A_358, %dma_start3A_359] : memref<10112x128xf32, #tpu.memory_space<vmem_shared>> -> memref<10112x128xf32, #tpu.memory_space<vmem_shared>>
        tpu.enqueue_indirect_dma source(%arg11 : memref<80x128xf32, #tpu.memory_space<vmem>>) target(%dma_start3A_360 : memref<10112x128xf32, #tpu.memory_space<vmem_shared>>) offsets(%dma_start3A_357 : memref<80xi32, #tpu.memory_space<vmem>>) semaphore(%arg20 : memref<!tpu.dma_semaphore, #tpu.memory_space<semaphore_mem>>) {add = true}
      } else {
      }
      %eq3A_339 = arith.constant 3 : i32
      %eq3A_340 = arith.cmpi eq, %rem3A_296, %eq3A_339 : i32
      %convert_element_type3A_341 = arith.extui %eq3A_340 : i1 to i32
      %cond3A_342 = arith.constant 0 : i32
      %cond3A_343 = arith.cmpi ne, %convert_element_type3A_341, %cond3A_342 : i32
      scf.if %cond3A_343 {
        %dma_wait3A_345 = arith.constant 0 : i32
        %dma_wait3A_346 = tpu.memref_slice %arg7[%scan3A_290, %dma_wait3A_345] : memref<32x80xi32, #tpu.memory_space<vmem>> -> memref<1x80xi32, #tpu.memory_space<vmem>>
        %dma_wait3A_347 = tpu.memref_squeeze %dma_wait3A_346 : memref<1x80xi32, #tpu.memory_space<vmem>> -> memref<80xi32, #tpu.memory_space<vmem>>
        %dma_wait3A_348 = arith.constant 0 : i32
        %dma_wait3A_349 = arith.constant 0 : i32
        %dma_wait3A_350 = tpu.memref_slice %arg2[%arg0, %dma_wait3A_348, %dma_wait3A_349] : memref<2x10112x128xf32, #tpu.memory_space<hbm>> -> memref<1x10112x128xf32, #tpu.memory_space<hbm>>
        %dma_wait3A_351 = tpu.memref_squeeze %dma_wait3A_350 : memref<1x10112x128xf32, #tpu.memory_space<hbm>> -> memref<10112x128xf32, #tpu.memory_space<hbm>>
        %dma_wait3A_352 = arith.constant 0 : i32
        %dma_wait3A_353 = arith.constant 0 : i32
        %dma_wait3A_354 = tpu.memref_slice %dma_wait3A_351[%dma_wait3A_352, %dma_wait3A_353] : memref<10112x128xf32, #tpu.memory_space<hbm>> -> memref<10112x128xf32, #tpu.memory_space<hbm>>
        tpu.wait_indirect_dma semaphore(%arg17 : memref<!tpu.dma_semaphore, #tpu.memory_space<semaphore_mem>>) src(%dma_wait3A_354 : memref<10112x128xf32, #tpu.memory_space<hbm>>) dst(%arg12 : memref<80x128xf32, #tpu.memory_space<vmem>>)
        %dma_start3A_355 = arith.constant 0 : i32
        %dma_start3A_356 = tpu.memref_slice %arg8[%scan3A_290, %dma_start3A_355] : memref<32x80xi32, #tpu.memory_space<vmem>> -> memref<1x80xi32, #tpu.memory_space<vmem>>
        %dma_start3A_357 = tpu.memref_squeeze %dma_start3A_356 : memref<1x80xi32, #tpu.memory_space<vmem>> -> memref<80xi32, #tpu.memory_space<vmem>>
        %dma_start3A_358 = arith.constant 0 : i32
        %dma_start3A_359 = arith.constant 0 : i32
        %dma_start3A_360 = tpu.memref_slice %arg13[%dma_start3A_358, %dma_start3A_359] : memref<10112x128xf32, #tpu.memory_space<vmem_shared>> -> memref<10112x128xf32, #tpu.memory_space<vmem_shared>>
        tpu.enqueue_indirect_dma source(%arg12 : memref<80x128xf32, #tpu.memory_space<vmem>>) target(%dma_start3A_360 : memref<10112x128xf32, #tpu.memory_space<vmem_shared>>) offsets(%dma_start3A_357 : memref<80xi32, #tpu.memory_space<vmem>>) semaphore(%arg21 : memref<!tpu.dma_semaphore, #tpu.memory_space<semaphore_mem>>) {add = true}
      } else {
      }
      %scan3A_344 = arith.constant 0 : i32
      scf.yield %scan3A_344 : i32
    }
    %scan3A_256 = arith.constant 32 : i32
    %dma_wait3A_257 = arith.constant 0 : i32
    %dma_wait3A_258 = arith.constant 0 : i32
    %dma_wait3A_259 = tpu.memref_slice %arg8[%dma_wait3A_257, %dma_wait3A_258] : memref<32x80xi32, #tpu.memory_space<vmem>> -> memref<1x80xi32, #tpu.memory_space<vmem>>
    %dma_wait3A_260 = tpu.memref_squeeze %dma_wait3A_259 : memref<1x80xi32, #tpu.memory_space<vmem>> -> memref<80xi32, #tpu.memory_space<vmem>>
    %dma_wait3A_261 = arith.constant 0 : i32
    %dma_wait3A_262 = arith.constant 0 : i32
    %dma_wait3A_263 = tpu.memref_slice %arg13[%dma_wait3A_261, %dma_wait3A_262] : memref<10112x128xf32, #tpu.memory_space<vmem_shared>> -> memref<10112x128xf32, #tpu.memory_space<vmem_shared>>
    tpu.wait_indirect_dma semaphore(%arg18 : memref<!tpu.dma_semaphore, #tpu.memory_space<semaphore_mem>>) src(%arg9 : memref<80x128xf32, #tpu.memory_space<vmem>>) dst(%dma_wait3A_263 : memref<10112x128xf32, #tpu.memory_space<vmem_shared>>)
    %dma_wait3A_264 = arith.constant 0 : i32
    %dma_wait3A_265 = arith.constant 0 : i32
    %dma_wait3A_266 = tpu.memref_slice %arg8[%dma_wait3A_264, %dma_wait3A_265] : memref<32x80xi32, #tpu.memory_space<vmem>> -> memref<1x80xi32, #tpu.memory_space<vmem>>
    %dma_wait3A_267 = tpu.memref_squeeze %dma_wait3A_266 : memref<1x80xi32, #tpu.memory_space<vmem>> -> memref<80xi32, #tpu.memory_space<vmem>>
    %dma_wait3A_268 = arith.constant 0 : i32
    %dma_wait3A_269 = arith.constant 0 : i32
    %dma_wait3A_270 = tpu.memref_slice %arg13[%dma_wait3A_268, %dma_wait3A_269] : memref<10112x128xf32, #tpu.memory_space<vmem_shared>> -> memref<10112x128xf32, #tpu.memory_space<vmem_shared>>
    tpu.wait_indirect_dma semaphore(%arg19 : memref<!tpu.dma_semaphore, #tpu.memory_space<semaphore_mem>>) src(%arg10 : memref<80x128xf32, #tpu.memory_space<vmem>>) dst(%dma_wait3A_270 : memref<10112x128xf32, #tpu.memory_space<vmem_shared>>)
    %dma_wait3A_271 = arith.constant 0 : i32
    %dma_wait3A_272 = arith.constant 0 : i32
    %dma_wait3A_273 = tpu.memref_slice %arg8[%dma_wait3A_271, %dma_wait3A_272] : memref<32x80xi32, #tpu.memory_space<vmem>> -> memref<1x80xi32, #tpu.memory_space<vmem>>
    %dma_wait3A_274 = tpu.memref_squeeze %dma_wait3A_273 : memref<1x80xi32, #tpu.memory_space<vmem>> -> memref<80xi32, #tpu.memory_space<vmem>>
    %dma_wait3A_275 = arith.constant 0 : i32
    %dma_wait3A_276 = arith.constant 0 : i32
    %dma_wait3A_277 = tpu.memref_slice %arg13[%dma_wait3A_275, %dma_wait3A_276] : memref<10112x128xf32, #tpu.memory_space<vmem_shared>> -> memref<10112x128xf32, #tpu.memory_space<vmem_shared>>
    tpu.wait_indirect_dma semaphore(%arg20 : memref<!tpu.dma_semaphore, #tpu.memory_space<semaphore_mem>>) src(%arg11 : memref<80x128xf32, #tpu.memory_space<vmem>>) dst(%dma_wait3A_277 : memref<10112x128xf32, #tpu.memory_space<vmem_shared>>)
    %dma_wait3A_278 = arith.constant 0 : i32
    %dma_wait3A_279 = arith.constant 0 : i32
    %dma_wait3A_280 = tpu.memref_slice %arg8[%dma_wait3A_278, %dma_wait3A_279] : memref<32x80xi32, #tpu.memory_space<vmem>> -> memref<1x80xi32, #tpu.memory_space<vmem>>
    %dma_wait3A_281 = tpu.memref_squeeze %dma_wait3A_280 : memref<1x80xi32, #tpu.memory_space<vmem>> -> memref<80xi32, #tpu.memory_space<vmem>>
    %dma_wait3A_282 = arith.constant 0 : i32
    %dma_wait3A_283 = arith.constant 0 : i32
    %dma_wait3A_284 = tpu.memref_slice %arg13[%dma_wait3A_282, %dma_wait3A_283] : memref<10112x128xf32, #tpu.memory_space<vmem_shared>> -> memref<10112x128xf32, #tpu.memory_space<vmem_shared>>
    tpu.wait_indirect_dma semaphore(%arg21 : memref<!tpu.dma_semaphore, #tpu.memory_space<semaphore_mem>>) src(%arg12 : memref<80x128xf32, #tpu.memory_space<vmem>>) dst(%dma_wait3A_284 : memref<10112x128xf32, #tpu.memory_space<vmem_shared>>)
    %barrier3A_285 = arith.constant 0 : index
    tpu.barrier barrier_id(%barrier3A_285)
    %mul3A_286 = arith.constant 632 : i32
    %mul3A_287 = arith.muli %arg1, %mul3A_286 : i32
    %mul3A_288 = arith.constant 632 : i32
    %mul3A_289 = arith.muli %arg1, %mul3A_288 : i32
    "tpu.region"() ({
      %run_scoped3A = tpu.sem_alloc : memref<!tpu.dma_semaphore, #tpu.memory_space<semaphore_mem>>
      %dma_start3A_290 = arith.constant 0 : i32
      %dma_start3A_291 = tpu.memref_slice %arg6[%arg0, %mul3A_289, %dma_start3A_290] : memref<2x10112x128xf32, #tpu.memory_space<hbm>> -> memref<1x632x128xf32, #tpu.memory_space<hbm>>
      %dma_start3A_292 = tpu.memref_squeeze %dma_start3A_291 : memref<1x632x128xf32, #tpu.memory_space<hbm>> -> memref<632x128xf32, #tpu.memory_space<hbm>>
      %dma_start3A_293 = arith.constant 0 : i32
      %dma_start3A_294 = tpu.memref_slice %arg13[%mul3A_287, %dma_start3A_293] : memref<10112x128xf32, #tpu.memory_space<vmem_shared>> -> memref<632x128xf32, #tpu.memory_space<vmem_shared>>
      tpu.enqueue_dma source(%dma_start3A_294 : memref<632x128xf32, #tpu.memory_space<vmem_shared>>) target(%dma_start3A_292 : memref<632x128xf32, #tpu.memory_space<hbm>>) target_semaphore(%run_scoped3A : memref<!tpu.dma_semaphore, #tpu.memory_space<semaphore_mem>>)
      %dma_wait3A_295 = arith.constant 0 : i32
      %dma_wait3A_296 = tpu.memref_slice %arg6[%arg0, %mul3A_289, %dma_wait3A_295] : memref<2x10112x128xf32, #tpu.memory_space<hbm>> -> memref<1x632x128xf32, #tpu.memory_space<hbm>>
      %dma_wait3A_297 = tpu.memref_squeeze %dma_wait3A_296 : memref<1x632x128xf32, #tpu.memory_space<hbm>> -> memref<632x128xf32, #tpu.memory_space<hbm>>
      %dma_wait3A_298 = arith.constant 0 : i32
      %dma_wait3A_299 = tpu.memref_slice %arg13[%mul3A_287, %dma_wait3A_298] : memref<10112x128xf32, #tpu.memory_space<vmem_shared>> -> memref<632x128xf32, #tpu.memory_space<vmem_shared>>
      tpu.wait_dma2 semaphore(%run_scoped3A : memref<!tpu.dma_semaphore, #tpu.memory_space<semaphore_mem>>) src(%dma_wait3A_299 : memref<632x128xf32, #tpu.memory_space<vmem_shared>>) dst(%dma_wait3A_297 : memref<632x128xf32, #tpu.memory_space<hbm>>)
      tpu.yield
    }) : () -> ()
    return
  }
}

module attributes {stable_mosaic.version = 14 : i64} {
  func.func @_mm_body(%arg0: i32, %arg1: memref<632x256xf32, #tpu.memory_space<vmem>>, %arg2: memref<256x256xf32, #tpu.memory_space<vmem>>, %arg3: memref<632x256xf32, #tpu.memory_space<vmem>>) attributes {dimension_semantics = [#tpu.dimension_semantics<arbitrary>], iteration_bounds = array<i64: 16>, scalar_prefetch = 0 : i64, scratch_operands = 0 : i64, tpu.core_type = #tpu.core_type<tc>, window_params = [{transform_indices = @transform_0, window_bounds = array<i64: 632, 256>}, {pipeline_mode = #tpu.pipeline_mode<synchronous>, transform_indices = @transform_1, window_bounds = array<i64: 256, 256>}, {transform_indices = @transform_2, window_bounds = array<i64: 632, 256>}]} {
    %get3A = arith.constant 0 : index
    %get3A_0 = arith.constant 0 : index
    %get3A_1 = vector.load %arg1[%get3A, %get3A_0] : memref<632x256xf32, #tpu.memory_space<vmem>>, vector<632x256xf32>
    %get3A_2 = arith.constant 0 : index
    %get3A_3 = arith.constant 0 : index
    %get3A_4 = vector.load %arg2[%get3A_2, %get3A_3] : memref<256x256xf32, #tpu.memory_space<vmem>>, vector<256x256xf32>
    %dot_general3A = arith.constant dense<0.000000e+00> : vector<632x256xf32>
    %dot_general3A_5 = tpu.matmul %get3A_1, %get3A_4, %dot_general3A {dimension_numbers = #tpu.dot_dimension_numbers<[1], [0], [0], [1], [0, 0, 1, 1], [], []>, transpose_lhs_hint = false} : vector<632x256xf32>, vector<256x256xf32>, vector<632x256xf32> -> vector<632x256xf32>
    %swap3A = arith.constant 0 : index
    %swap3A_6 = arith.constant 0 : index
    %swap3A_7 = vector.load %arg3[%swap3A, %swap3A_6] : memref<632x256xf32, #tpu.memory_space<vmem>>, vector<632x256xf32>
    tpu.vector_store %arg3[%swap3A, %swap3A_6], %dot_general3A_5 {strides = array<i32>} : memref<632x256xf32, #tpu.memory_space<vmem>>, vector<632x256xf32>,
    return
  }
  func.func @transform_0(%arg0: i32) -> (i32, i32) {
    %c0_i32 = arith.constant 0 : i32
    %c0_i32_0 = arith.constant 0 : i32
    return %arg0, %c0_i32 : i32, i32
  }
  func.func @transform_1(%arg0: i32) -> (i32, i32) {
    %c0_i32 = arith.constant 0 : i32
    %c0_i32_0 = arith.constant 0 : i32
    %c0_i32_1 = arith.constant 0 : i32
    return %c0_i32, %c0_i32_0 : i32, i32
  }
  func.func @transform_2(%arg0: i32) -> (i32, i32) {
    %c0_i32 = arith.constant 0 : i32
    %c0_i32_0 = arith.constant 0 : i32
    return %arg0, %c0_i32 : i32, i32
  }
}

module attributes {stable_mosaic.version = 14 : i64} {
  func.func @_scale_body(%arg0: i32, %arg1: memref<632x256xf32, #tpu.memory_space<vmem>>, %arg2: memref<2x632x128xf32, #tpu.memory_space<vmem>>, %arg3: memref<2x632x128xf32, #tpu.memory_space<vmem>>, %arg4: memref<2x632x8xf32, #tpu.memory_space<vmem>>) attributes {dimension_semantics = [#tpu.dimension_semantics<arbitrary>], iteration_bounds = array<i64: 16>, scalar_prefetch = 0 : i64, scratch_operands = 0 : i64, tpu.core_type = #tpu.core_type<tc>, window_params = [{transform_indices = @transform_0, window_bounds = array<i64: 632, 256>}, {transform_indices = @transform_1, window_bounds = array<i64: 2, 632, 128>}, {transform_indices = @transform_2, window_bounds = array<i64: 2, 632, 128>}, {transform_indices = @transform_3, window_bounds = array<i64: 2, 632, 8>}]} {
    %get3A = arith.constant 0 : index
    %get3A_0 = arith.constant 0 : index
    %get3A_1 = arith.constant 0 : index
    %get3A_2 = vector.load %arg2[%get3A, %get3A_0, %get3A_1] : memref<2x632x128xf32, #tpu.memory_space<vmem>>, vector<2x632x8xf32>
    %add3A = arith.constant 1.000000e+00 : f32
    %add3A_3 = vector.broadcast %add3A : f32 to vector<2x632x8xf32>
    %add3A_4 = arith.addf %add3A_3, %get3A_2 : vector<2x632x8xf32>
    %rsqrt3A = math.rsqrt %add3A_4 : vector<2x632x8xf32>
    %swap3A = arith.constant 0 : index
    %swap3A_5 = arith.constant 0 : index
    %swap3A_6 = arith.constant 0 : index
    %swap3A_7 = vector.load %arg4[%swap3A, %swap3A_5, %swap3A_6] : memref<2x632x8xf32, #tpu.memory_space<vmem>>, vector<2x632x8xf32>
    tpu.vector_store %arg4[%swap3A, %swap3A_5, %swap3A_6], %rsqrt3A {strides = array<i32>} : memref<2x632x8xf32, #tpu.memory_space<vmem>>, vector<2x632x8xf32>,
    %slice3A = vector.extract_strided_slice %rsqrt3A {offsets = [0, 0, 0], sizes = [1, 632, 1], strides = [1, 1, 1]} : vector<2x632x8xf32> to vector<1x632x1xf32>
    %squeeze3A = vector.shape_cast %slice3A : vector<1x632x1xf32> to vector<632x1xf32>
    %get3A_8 = arith.constant 0 : index
    %get3A_9 = arith.constant 0 : index
    %get3A_10 = vector.load %arg1[%get3A_8, %get3A_9] : memref<632x256xf32, #tpu.memory_space<vmem>>, vector<632x256xf32>
    %mul3A = vector.broadcast %squeeze3A : vector<632x1xf32> to vector<632x256xf32>
    %mul3A_11 = arith.mulf %get3A_10, %mul3A : vector<632x256xf32>
    %slice3A_12 = vector.extract_strided_slice %mul3A_11 {offsets = [0, 0], sizes = [632, 128], strides = [1, 1]} : vector<632x256xf32> to vector<632x128xf32>
    %swap3A_13 = arith.constant 0 : index
    %swap3A_14 = arith.constant 0 : index
    %swap3A_15 = arith.constant 0 : index
    %swap3A_16 = vector.load %arg3[%swap3A_13, %swap3A_14, %swap3A_15] : memref<2x632x128xf32, #tpu.memory_space<vmem>>, vector<1x632x128xf32>
    %swap3A_17 = vector.shape_cast %swap3A_16 : vector<1x632x128xf32> to vector<632x128xf32>
    %swap3A_18 = vector.shape_cast %slice3A_12 : vector<632x128xf32> to vector<1x632x128xf32>
    tpu.vector_store %arg3[%swap3A_13, %swap3A_14, %swap3A_15], %swap3A_18 {strides = array<i32>} : memref<2x632x128xf32, #tpu.memory_space<vmem>>, vector<1x632x128xf32>,
    %slice3A_19 = vector.extract_strided_slice %mul3A_11 {offsets = [0, 128], sizes = [632, 128], strides = [1, 1]} : vector<632x256xf32> to vector<632x128xf32>
    %swap3A_20 = arith.constant 1 : index
    %swap3A_21 = arith.constant 0 : index
    %swap3A_22 = arith.constant 0 : index
    %swap3A_23 = vector.load %arg3[%swap3A_20, %swap3A_21, %swap3A_22] : memref<2x632x128xf32, #tpu.memory_space<vmem>>, vector<1x632x128xf32>
    %swap3A_24 = vector.shape_cast %swap3A_23 : vector<1x632x128xf32> to vector<632x128xf32>
    %swap3A_25 = vector.shape_cast %slice3A_19 : vector<632x128xf32> to vector<1x632x128xf32>
    tpu.vector_store %arg3[%swap3A_20, %swap3A_21, %swap3A_22], %swap3A_25 {strides = array<i32>} : memref<2x632x128xf32, #tpu.memory_space<vmem>>, vector<1x632x128xf32>,
    return
  }
  func.func @transform_0(%arg0: i32) -> (i32, i32) {
    %c0_i32 = arith.constant 0 : i32
    %c0_i32_0 = arith.constant 0 : i32
    return %arg0, %c0_i32 : i32, i32
  }
  func.func @transform_1(%arg0: i32) -> (i32, i32, i32) {
    %c0_i32 = arith.constant 0 : i32
    %c0_i32_0 = arith.constant 0 : i32
    %c0_i32_1 = arith.constant 0 : i32
    return %c0_i32, %arg0, %c0_i32_0 : i32, i32, i32
  }
  func.func @transform_2(%arg0: i32) -> (i32, i32, i32) {
    %c0_i32 = arith.constant 0 : i32
    %c0_i32_0 = arith.constant 0 : i32
    %c0_i32_1 = arith.constant 0 : i32
    return %c0_i32, %arg0, %c0_i32_0 : i32, i32, i32
  }
  func.func @transform_3(%arg0: i32) -> (i32, i32, i32) {
    %c0_i32 = arith.constant 0 : i32
    %c0_i32_0 = arith.constant 0 : i32
    %c0_i32_1 = arith.constant 0 : i32
    return %c0_i32, %arg0, %c0_i32_0 : i32, i32, i32
  }
}

module attributes {stable_mosaic.version = 14 : i64} {
  func.func @_mid_body(%arg0: i32, %arg1: memref<2x632x128xf32, #tpu.memory_space<vmem>>, %arg2: memref<2x632x128xf32, #tpu.memory_space<vmem>>, %arg3: memref<2x632x8xf32, #tpu.memory_space<vmem>>, %arg4: memref<256x256xf32, #tpu.memory_space<vmem>>, %arg5: memref<1x256xf32, #tpu.memory_space<vmem>>, %arg6: memref<2x632x128xf32, #tpu.memory_space<vmem>>) attributes {dimension_semantics = [#tpu.dimension_semantics<arbitrary>], iteration_bounds = array<i64: 16>, scalar_prefetch = 0 : i64, scratch_operands = 0 : i64, tpu.core_type = #tpu.core_type<tc>, window_params = [{transform_indices = @transform_0, window_bounds = array<i64: 2, 632, 128>}, {transform_indices = @transform_1, window_bounds = array<i64: 2, 632, 128>}, {transform_indices = @transform_2, window_bounds = array<i64: 2, 632, 8>}, {pipeline_mode = #tpu.pipeline_mode<synchronous>, transform_indices = @transform_3, window_bounds = array<i64: 256, 256>}, {pipeline_mode = #tpu.pipeline_mode<synchronous>, transform_indices = @transform_4, window_bounds = array<i64: 1, 256>}, {transform_indices = @transform_5, window_bounds = array<i64: 2, 632, 128>}]} {
    %get3A = arith.constant 1 : index
    %get3A_0 = arith.constant 0 : index
    %get3A_1 = arith.constant 0 : index
    %get3A_2 = vector.load %arg3[%get3A, %get3A_0, %get3A_1] : memref<2x632x8xf32, #tpu.memory_space<vmem>>, vector<1x632x1xf32>
    %get3A_3 = vector.shape_cast %get3A_2 : vector<1x632x1xf32> to vector<632x1xf32>
    %get3A_4 = arith.constant 0 : index
    %get3A_5 = arith.constant 0 : index
    %get3A_6 = arith.constant 0 : index
    %get3A_7 = vector.load %arg3[%get3A_4, %get3A_5, %get3A_6] : memref<2x632x8xf32, #tpu.memory_space<vmem>>, vector<1x632x1xf32>
    %get3A_8 = vector.shape_cast %get3A_7 : vector<1x632x1xf32> to vector<632x1xf32>
    %get3A_9 = arith.constant 0 : index
    %get3A_10 = arith.constant 0 : index
    %get3A_11 = arith.constant 0 : index
    %get3A_12 = vector.load %arg1[%get3A_9, %get3A_10, %get3A_11] : memref<2x632x128xf32, #tpu.memory_space<vmem>>, vector<1x632x128xf32>
    %get3A_13 = vector.shape_cast %get3A_12 : vector<1x632x128xf32> to vector<632x128xf32>
    %get3A_14 = arith.constant 0 : index
    %get3A_15 = arith.constant 0 : index
    %get3A_16 = arith.constant 0 : index
    %get3A_17 = vector.load %arg2[%get3A_14, %get3A_15, %get3A_16] : memref<2x632x128xf32, #tpu.memory_space<vmem>>, vector<1x632x128xf32>
    %get3A_18 = vector.shape_cast %get3A_17 : vector<1x632x128xf32> to vector<632x128xf32>
    %add3A = arith.addf %get3A_13, %get3A_18 : vector<632x128xf32>
    %mul3A = vector.broadcast %get3A_3 : vector<632x1xf32> to vector<632x128xf32>
    %mul3A_19 = arith.mulf %add3A, %mul3A : vector<632x128xf32>
    %get3A_20 = arith.constant 0 : index
    %get3A_21 = arith.constant 0 : index
    %get3A_22 = vector.load %arg5[%get3A_20, %get3A_21] : memref<1x256xf32, #tpu.memory_space<vmem>>, vector<1x128xf32>
    %add3A_23 = vector.broadcast %get3A_22 : vector<1x128xf32> to vector<632x128xf32>
    %add3A_24 = arith.addf %mul3A_19, %add3A_23 : vector<632x128xf32>
    %max3A = arith.constant 0.000000e+00 : f32
    %max3A_25 = vector.broadcast %max3A : f32 to vector<632x128xf32>
    %max3A_26 = arith.maximumf %add3A_24, %max3A_25 : vector<632x128xf32>
    %get3A_27 = arith.constant 1 : index
    %get3A_28 = arith.constant 0 : index
    %get3A_29 = arith.constant 0 : index
    %get3A_30 = vector.load %arg1[%get3A_27, %get3A_28, %get3A_29] : memref<2x632x128xf32, #tpu.memory_space<vmem>>, vector<1x632x128xf32>
    %get3A_31 = vector.shape_cast %get3A_30 : vector<1x632x128xf32> to vector<632x128xf32>
    %get3A_32 = arith.constant 1 : index
    %get3A_33 = arith.constant 0 : index
    %get3A_34 = arith.constant 0 : index
    %get3A_35 = vector.load %arg2[%get3A_32, %get3A_33, %get3A_34] : memref<2x632x128xf32, #tpu.memory_space<vmem>>, vector<1x632x128xf32>
    %get3A_36 = vector.shape_cast %get3A_35 : vector<1x632x128xf32> to vector<632x128xf32>
    %add3A_37 = arith.addf %get3A_31, %get3A_36 : vector<632x128xf32>
    %mul3A_38 = vector.broadcast %get3A_3 : vector<632x1xf32> to vector<632x128xf32>
    %mul3A_39 = arith.mulf %add3A_37, %mul3A_38 : vector<632x128xf32>
    %get3A_40 = arith.constant 0 : index
    %get3A_41 = arith.constant 128 : index
    %get3A_42 = vector.load %arg5[%get3A_40, %get3A_41] : memref<1x256xf32, #tpu.memory_space<vmem>>, vector<1x128xf32>
    %add3A_43 = vector.broadcast %get3A_42 : vector<1x128xf32> to vector<632x128xf32>
    %add3A_44 = arith.addf %mul3A_39, %add3A_43 : vector<632x128xf32>
    %max3A_45 = arith.constant 0.000000e+00 : f32
    %max3A_46 = vector.broadcast %max3A_45 : f32 to vector<632x128xf32>
    %max3A_47 = arith.maximumf %add3A_44, %max3A_46 : vector<632x128xf32>
    %get3A_48 = arith.constant 0 : index
    %get3A_49 = arith.constant 0 : index
    %get3A_50 = vector.load %arg4[%get3A_48, %get3A_49] : memref<256x256xf32, #tpu.memory_space<vmem>>, vector<128x256xf32>
    %dot_general3A = arith.constant dense<0.000000e+00> : vector<632x256xf32>
    %dot_general3A_51 = tpu.matmul %max3A_26, %get3A_50, %dot_general3A {dimension_numbers = #tpu.dot_dimension_numbers<[1], [0], [0], [1], [0, 0, 1, 1], [], []>, transpose_lhs_hint = false} : vector<632x128xf32>, vector<128x256xf32>, vector<632x256xf32> -> vector<632x256xf32>
    %get3A_52 = arith.constant 128 : index
    %get3A_53 = arith.constant 0 : index
    %get3A_54 = vector.load %arg4[%get3A_52, %get3A_53] : memref<256x256xf32, #tpu.memory_space<vmem>>, vector<128x256xf32>
    %dot_general3A_55 = arith.constant dense<0.000000e+00> : vector<632x256xf32>
    %dot_general3A_56 = tpu.matmul %max3A_47, %get3A_54, %dot_general3A_55 {dimension_numbers = #tpu.dot_dimension_numbers<[1], [0], [0], [1], [0, 0, 1, 1], [], []>, transpose_lhs_hint = false} : vector<632x128xf32>, vector<128x256xf32>, vector<632x256xf32> -> vector<632x256xf32>
    %add3A_57 = arith.addf %dot_general3A_51, %dot_general3A_56 : vector<632x256xf32>
    %mul3A_58 = vector.broadcast %get3A_8 : vector<632x1xf32> to vector<632x256xf32>
    %mul3A_59 = arith.mulf %add3A_57, %mul3A_58 : vector<632x256xf32>
    %slice3A = vector.extract_strided_slice %mul3A_59 {offsets = [0, 0], sizes = [632, 128], strides = [1, 1]} : vector<632x256xf32> to vector<632x128xf32>
    %swap3A = arith.constant 0 : index
    %swap3A_60 = arith.constant 0 : index
    %swap3A_61 = arith.constant 0 : index
    %swap3A_62 = vector.load %arg6[%swap3A, %swap3A_60, %swap3A_61] : memref<2x632x128xf32, #tpu.memory_space<vmem>>, vector<1x632x128xf32>
    %swap3A_63 = vector.shape_cast %swap3A_62 : vector<1x632x128xf32> to vector<632x128xf32>
    %swap3A_64 = vector.shape_cast %slice3A : vector<632x128xf32> to vector<1x632x128xf32>
    tpu.vector_store %arg6[%swap3A, %swap3A_60, %swap3A_61], %swap3A_64 {strides = array<i32>} : memref<2x632x128xf32, #tpu.memory_space<vmem>>, vector<1x632x128xf32>,
    %slice3A_65 = vector.extract_strided_slice %mul3A_59 {offsets = [0, 128], sizes = [632, 128], strides = [1, 1]} : vector<632x256xf32> to vector<632x128xf32>
    %swap3A_66 = arith.constant 1 : index
    %swap3A_67 = arith.constant 0 : index
    %swap3A_68 = arith.constant 0 : index
    %swap3A_69 = vector.load %arg6[%swap3A_66, %swap3A_67, %swap3A_68] : memref<2x632x128xf32, #tpu.memory_space<vmem>>, vector<1x632x128xf32>
    %swap3A_70 = vector.shape_cast %swap3A_69 : vector<1x632x128xf32> to vector<632x128xf32>
    %swap3A_71 = vector.shape_cast %slice3A_65 : vector<632x128xf32> to vector<1x632x128xf32>
    tpu.vector_store %arg6[%swap3A_66, %swap3A_67, %swap3A_68], %swap3A_71 {strides = array<i32>} : memref<2x632x128xf32, #tpu.memory_space<vmem>>, vector<1x632x128xf32>,
    return
  }
  func.func @transform_0(%arg0: i32) -> (i32, i32, i32) {
    %c0_i32 = arith.constant 0 : i32
    %c0_i32_0 = arith.constant 0 : i32
    %c0_i32_1 = arith.constant 0 : i32
    return %c0_i32, %arg0, %c0_i32_0 : i32, i32, i32
  }
  func.func @transform_1(%arg0: i32) -> (i32, i32, i32) {
    %c0_i32 = arith.constant 0 : i32
    %c0_i32_0 = arith.constant 0 : i32
    %c0_i32_1 = arith.constant 0 : i32
    return %c0_i32, %arg0, %c0_i32_0 : i32, i32, i32
  }
  func.func @transform_2(%arg0: i32) -> (i32, i32, i32) {
    %c0_i32 = arith.constant 0 : i32
    %c0_i32_0 = arith.constant 0 : i32
    %c0_i32_1 = arith.constant 0 : i32
    return %c0_i32, %arg0, %c0_i32_0 : i32, i32, i32
  }
  func.func @transform_3(%arg0: i32) -> (i32, i32) {
    %c0_i32 = arith.constant 0 : i32
    %c0_i32_0 = arith.constant 0 : i32
    %c0_i32_1 = arith.constant 0 : i32
    return %c0_i32, %c0_i32_0 : i32, i32
  }
  func.func @transform_4(%arg0: i32) -> (i32, i32) {
    %c0_i32 = arith.constant 0 : i32
    %c0_i32_0 = arith.constant 0 : i32
    %c0_i32_1 = arith.constant 0 : i32
    return %c0_i32, %c0_i32_0 : i32, i32
  }
  func.func @transform_5(%arg0: i32) -> (i32, i32, i32) {
    %c0_i32 = arith.constant 0 : i32
    %c0_i32_0 = arith.constant 0 : i32
    %c0_i32_1 = arith.constant 0 : i32
    return %c0_i32, %arg0, %c0_i32_0 : i32, i32, i32
  }
}

module attributes {stable_mosaic.version = 14 : i64} {
  func.func @_final_body(%arg0: i32, %arg1: memref<2x632x128xf32, #tpu.memory_space<vmem>>, %arg2: memref<2x632x128xf32, #tpu.memory_space<vmem>>, %arg3: memref<2x632x8xf32, #tpu.memory_space<vmem>>, %arg4: memref<1x256xf32, #tpu.memory_space<vmem>>, %arg5: memref<632x256xf32, #tpu.memory_space<vmem>>) attributes {dimension_semantics = [#tpu.dimension_semantics<arbitrary>], iteration_bounds = array<i64: 16>, scalar_prefetch = 0 : i64, scratch_operands = 0 : i64, tpu.core_type = #tpu.core_type<tc>, window_params = [{transform_indices = @transform_0, window_bounds = array<i64: 2, 632, 128>}, {transform_indices = @transform_1, window_bounds = array<i64: 2, 632, 128>}, {transform_indices = @transform_2, window_bounds = array<i64: 2, 632, 8>}, {pipeline_mode = #tpu.pipeline_mode<synchronous>, transform_indices = @transform_3, window_bounds = array<i64: 1, 256>}, {transform_indices = @transform_4, window_bounds = array<i64: 632, 256>}]} {
    %get3A = arith.constant 1 : index
    %get3A_0 = arith.constant 0 : index
    %get3A_1 = arith.constant 0 : index
    %get3A_2 = vector.load %arg3[%get3A, %get3A_0, %get3A_1] : memref<2x632x8xf32, #tpu.memory_space<vmem>>, vector<1x632x1xf32>
    %get3A_3 = vector.shape_cast %get3A_2 : vector<1x632x1xf32> to vector<632x1xf32>
    %get3A_4 = arith.constant 0 : index
    %get3A_5 = arith.constant 0 : index
    %get3A_6 = arith.constant 0 : index
    %get3A_7 = vector.load %arg1[%get3A_4, %get3A_5, %get3A_6] : memref<2x632x128xf32, #tpu.memory_space<vmem>>, vector<1x632x128xf32>
    %get3A_8 = vector.shape_cast %get3A_7 : vector<1x632x128xf32> to vector<632x128xf32>
    %get3A_9 = arith.constant 0 : index
    %get3A_10 = arith.constant 0 : index
    %get3A_11 = arith.constant 0 : index
    %get3A_12 = vector.load %arg2[%get3A_9, %get3A_10, %get3A_11] : memref<2x632x128xf32, #tpu.memory_space<vmem>>, vector<1x632x128xf32>
    %get3A_13 = vector.shape_cast %get3A_12 : vector<1x632x128xf32> to vector<632x128xf32>
    %add3A = arith.addf %get3A_8, %get3A_13 : vector<632x128xf32>
    %mul3A = vector.broadcast %get3A_3 : vector<632x1xf32> to vector<632x128xf32>
    %mul3A_14 = arith.mulf %add3A, %mul3A : vector<632x128xf32>
    %get3A_15 = arith.constant 0 : index
    %get3A_16 = arith.constant 0 : index
    %get3A_17 = vector.load %arg4[%get3A_15, %get3A_16] : memref<1x256xf32, #tpu.memory_space<vmem>>, vector<1x128xf32>
    %add3A_18 = vector.broadcast %get3A_17 : vector<1x128xf32> to vector<632x128xf32>
    %add3A_19 = arith.addf %mul3A_14, %add3A_18 : vector<632x128xf32>
    %swap3A = arith.constant 0 : index
    %swap3A_20 = arith.constant 0 : index
    %swap3A_21 = vector.load %arg5[%swap3A, %swap3A_20] : memref<632x256xf32, #tpu.memory_space<vmem>>, vector<632x128xf32>
    tpu.vector_store %arg5[%swap3A, %swap3A_20], %add3A_19 {strides = array<i32>} : memref<632x256xf32, #tpu.memory_space<vmem>>, vector<632x128xf32>,
    %get3A_22 = arith.constant 1 : index
    %get3A_23 = arith.constant 0 : index
    %get3A_24 = arith.constant 0 : index
    %get3A_25 = vector.load %arg1[%get3A_22, %get3A_23, %get3A_24] : memref<2x632x128xf32, #tpu.memory_space<vmem>>, vector<1x632x128xf32>
    %get3A_26 = vector.shape_cast %get3A_25 : vector<1x632x128xf32> to vector<632x128xf32>
    %get3A_27 = arith.constant 1 : index
    %get3A_28 = arith.constant 0 : index
    %get3A_29 = arith.constant 0 : index
    %get3A_30 = vector.load %arg2[%get3A_27, %get3A_28, %get3A_29] : memref<2x632x128xf32, #tpu.memory_space<vmem>>, vector<1x632x128xf32>
    %get3A_31 = vector.shape_cast %get3A_30 : vector<1x632x128xf32> to vector<632x128xf32>
    %add3A_32 = arith.addf %get3A_26, %get3A_31 : vector<632x128xf32>
    %mul3A_33 = vector.broadcast %get3A_3 : vector<632x1xf32> to vector<632x128xf32>
    %mul3A_34 = arith.mulf %add3A_32, %mul3A_33 : vector<632x128xf32>
    %get3A_35 = arith.constant 0 : index
    %get3A_36 = arith.constant 128 : index
    %get3A_37 = vector.load %arg4[%get3A_35, %get3A_36] : memref<1x256xf32, #tpu.memory_space<vmem>>, vector<1x128xf32>
    %add3A_38 = vector.broadcast %get3A_37 : vector<1x128xf32> to vector<632x128xf32>
    %add3A_39 = arith.addf %mul3A_34, %add3A_38 : vector<632x128xf32>
    %swap3A_40 = arith.constant 0 : index
    %swap3A_41 = arith.constant 128 : index
    %swap3A_42 = vector.load %arg5[%swap3A_40, %swap3A_41] : memref<632x256xf32, #tpu.memory_space<vmem>>, vector<632x128xf32>
    tpu.vector_store %arg5[%swap3A_40, %swap3A_41], %add3A_39 {strides = array<i32>} : memref<632x256xf32, #tpu.memory_space<vmem>>, vector<632x128xf32>,
    return
  }
  func.func @transform_0(%arg0: i32) -> (i32, i32, i32) {
    %c0_i32 = arith.constant 0 : i32
    %c0_i32_0 = arith.constant 0 : i32
    %c0_i32_1 = arith.constant 0 : i32
    return %c0_i32, %arg0, %c0_i32_0 : i32, i32, i32
  }
  func.func @transform_1(%arg0: i32) -> (i32, i32, i32) {
    %c0_i32 = arith.constant 0 : i32
    %c0_i32_0 = arith.constant 0 : i32
    %c0_i32_1 = arith.constant 0 : i32
    return %c0_i32, %arg0, %c0_i32_0 : i32, i32, i32
  }
  func.func @transform_2(%arg0: i32) -> (i32, i32, i32) {
    %c0_i32 = arith.constant 0 : i32
    %c0_i32_0 = arith.constant 0 : i32
    %c0_i32_1 = arith.constant 0 : i32
    return %c0_i32, %arg0, %c0_i32_0 : i32, i32, i32
  }
  func.func @transform_3(%arg0: i32) -> (i32, i32) {
    %c0_i32 = arith.constant 0 : i32
    %c0_i32_0 = arith.constant 0 : i32
    %c0_i32_1 = arith.constant 0 : i32
    return %c0_i32, %c0_i32_0 : i32, i32
  }
  func.func @transform_4(%arg0: i32) -> (i32, i32) {
    %c0_i32 = arith.constant 0 : i32
    %c0_i32_0 = arith.constant 0 : i32
    return %arg0, %c0_i32 : i32, i32
  }
}

</mosaic_0001>

<sc_bundles>
// kernel: kernel.12.cloned.1.call-start
scs
__scs_entry_jumppad:
0x0: {  	(pc) =	sbr.rel $0x88, $3  }
0x1: {  	(tag) =	ssettag $0x0;
	lr =	simm.s32 $0x1  }
0x2: {  	[smem:$0x3F9B] =	sst lr;
	_ =	strace $0xD0000000  }
0x3: {  	_ = 	snop  }
0x4: {  	_ = 	snop  }
0x5: {  	_ = 	snop  }
0x6: {  	_ = 	snop  }
0x7: {  	_ = 	snop  }
__scs_overlays_trampoline_lowered:
0x8: {  	[smem:$0x3FAA] =	sst s0  }
0x9: {  	[smem:$0x3FAB] =	sst s1  }
0xa: {  	[smem:$0x3FAC] =	sst s2  }
0xb: {  	[smem:$0x3FAD] =	sst s3  }
0xc: {  	[smem:$0x3FAE] =	sst s4  }
0xd: {  	[smem:$0x3FAF] =	sst s5  }
0xe: {  	[smem:$0x3FB0] =	sst s6  }
0xf: {  	[smem:$0x3FB1] =	sst s7  }
0x10: {  	[smem:$0x3FB2] =	sst s8  }
0x11: {  	[smem:$0x3FB3] =	sst s9;
	s0 =	simm.s32 @!p0 $0x0  }
0x12: {  	s1 =	sld [smem:$0x3F99];
	s0 =	simm.s32 @p0 $0x1  }
0x13: {  	[smem:$0x3FB4] =	sst s0;
	s0 =	simm.s32 @!p1 $0x0  }
0x14: {  	s2 =	sld [smem:$0x3F98];
	s0 =	simm.s32 @p1 $0x1  }
0x15: {  	[smem:$0x3FB5] =	sst s0;
	s0 =	simm.s32 @!p2 $0x0  }
0x16: {  	s3 =	sld [smem:$0x3FDB];
	s0 =	simm.s32 @p2 $0x1  }
0x17: {  	s4 =	simm.s32 $0x1BF5;
	[smem:$0x3FB7] =	sst s0  }
0x18: {  	s0 =	sld [smem:$0x3F9A];
	_ =	swait.ge [sflag:s4], $0x0  }
0x19: {  	s7 =	sld [smem:$0x3F9B]  }
0x1a: {  	s8 =	sadd.s32 $0xFFFFE003, lr  }
0x1b: {  	s9 =	sadd.s32 $0xFFFFFEF7, lr;
	s5 =	simm.s32 $0xFFFFFFFF;
	p2 =	slt.u32 s8, $0xFFFFF086  }
0x1c: {  	p1 =	slt.u32 s9, $0xF7A;
	s5 =	simm.s32 @!p2 $0x0  }
0x1d: {  	s5 =	simm.s32 @p1 $0x1;
	p0 =	seq.s32 s7, s2  }
0x1e: {  	s7 =	smul.u32 @!p0 $0xF7A, s2;
	p2 =	seq.s32 @!p0 s5, $0x0  }
0x1f: {  	s9 =	smul.u32 $0xF7A, s1;
	s8 =	simm.s32 @!p0 $0x1BF5;
	p2 =	por !p2, p0  }
0x20: {  	[sflag:s8] =	ssyncset.s32 @!p0 $0xFFFFF086;
	s6 =	sadd.s32 @!p0 s3, s7;
	s7 =	simm.s32 @!p0 $0x108  }
0x21: {  	s3 =	sadd.s32 s3, s9;
	s6 =	sadd.s32 @!p0 $0x88, s6;
	s7 =	simm.s32 @p2 $0x1082  }
0x22: {  	[simem:s7], [sflag:s8] =	dma.local @!p0 [hbm:s6], $0xF7A  }
0x23: {  	s9 =	sor.u32 $0xD0000000, s2;
	s6 =	simm.s32 $0x108;
	_ =	swait.ge @!p0 [sflag:s8], $0x0  }
0x24: {  	s3 =	sadd.s32 $0x88, s3;
	s6 =	simm.s32 @!p1 $0x1082;
	[sflag:s4] =	ssyncset.s32 $0xFFFFF086  }
0x25: {  	[simem:s6], [sflag:s4] =	dma.local [hbm:s3], $0xF7A  }
0x26: {  	[smem:$0x3F9B] =	sst s1;
	(tag) =	ssettag s2;
	_ =	strace s9  }
0x27: {  	s1 =	sld [smem:$0x3FAB]  }
0x28: {  	s2 =	sld [smem:$0x3FAC]  }
0x29: {  	s4 =	sld [smem:$0x3FAE]  }
0x2a: {  	p0 =	seq.s32 s5, $0x0;
	s5 =	sld [smem:$0x3FAF]  }
0x2b: {  	s6 =	sld [smem:$0x3FB0]  }
0x2c: {  	s7 =	sld [smem:$0x3FB1]  }
0x2d: {  	s3 =	simm.s32 $0x108;
	s8 =	sld [smem:$0x3FB2]  }
0x2e: {  	s3 =	simm.s32 @!p0 $0x1082;
	s9 =	sld [smem:$0x3FB3]  }
0x2f: {  	lr =	sadd.s32 s0, s3;
	s0 =	sld [smem:$0x3FAA]  }
0x30: {  	s3 =	sld [smem:$0x3FAD]  }
0x31: {  	[smem:$0x3FB6] =	sst s10  }
0x32: {  	s10 =	sld [smem:$0x3FB4];
	_ =	sdelay $0x3  }
0x33: {  	p0 =	seq.s32 s10, $0x1;
	s10 =	sld [smem:$0x3FB6];
	_ =	sdelay $0x3  }
0x34: {  	[smem:$0x3FB6] =	sst s10  }
0x35: {  	s10 =	sld [smem:$0x3FB5];
	_ =	sdelay $0x3  }
0x36: {  	p1 =	seq.s32 s10, $0x1;
	s10 =	sld [smem:$0x3FB6];
	_ =	sdelay $0x3  }
0x37: {  	[smem:$0x3FB6] =	sst s10  }
0x38: {  	s10 =	sld [smem:$0x3FB7]  }
0x39: {  	_ = 	snop;
	(pc) =	sbr.ind lr, $3  }
0x3a: {  	_ = 	snop  }
0x3b: {  	_ = 	snop  }
0x3c: {  	p2 =	seq.s32 s10, $0x1;
	s10 =	sld [smem:$0x3FB6]  }
0x3d: {  	_ =	shalt  }
0x3e: {  	_ =	shalt  }
0x3f: {  	_ =	shalt  }
0x40: {  	_ =	shalt  }
0x41: {  	_ =	shalt  }
0x42: {  	_ =	shalt  }
0x43: {  	_ =	shalt  }
0x44: {  	_ =	shalt  }
0x45: {  	_ =	shalt  }
0x46: {  	_ =	shalt  }
0x47: {  	_ =	shalt  }
0x48: {  	_ =	shalt  }
0x49: {  	_ =	shalt  }
0x4a: {  	_ =	shalt  }
0x4b: {  	_ =	shalt  }
0x4c: {  	_ =	shalt  }
0x4d: {  	_ =	shalt  }
0x4e: {  	_ =	shalt  }
0x4f: {  	_ =	shalt  }
0x50: {  	_ =	shalt  }
0x51: {  	_ =	shalt  }
0x52: {  	_ =	shalt  }
0x53: {  	_ =	shalt  }
0x54: {  	_ =	shalt  }
0x55: {  	_ =	shalt  }
0x56: {  	_ =	shalt  }
0x57: {  	_ =	shalt  }
0x58: {  	_ =	shalt  }
0x59: {  	_ =	shalt  }
0x5a: {  	_ =	shalt  }
0x5b: {  	_ =	shalt  }
0x5c: {  	_ =	shalt  }
0x5d: {  	_ =	shalt  }
0x5e: {  	_ =	shalt  }
0x5f: {  	_ =	shalt  }
0x60: {  	_ =	shalt  }
0x61: {  	_ =	shalt  }
0x62: {  	_ =	shalt  }
0x63: {  	_ =	shalt  }
0x64: {  	_ =	shalt  }
0x65: {  	_ =	shalt  }
0x66: {  	_ =	shalt  }
0x67: {  	_ =	shalt  }
0x68: {  	_ =	shalt  }
0x69: {  	_ =	shalt  }
0x6a: {  	_ =	shalt  }
0x6b: {  	_ =	shalt  }
0x6c: {  	_ =	shalt  }
0x6d: {  	_ =	shalt  }
0x6e: {  	_ =	shalt  }
0x6f: {  	_ =	shalt  }
0x70: {  	_ =	shalt  }
0x71: {  	_ =	shalt  }
0x72: {  	_ =	shalt  }
0x73: {  	_ =	shalt  }
0x74: {  	_ =	shalt  }
0x75: {  	_ =	shalt  }
0x76: {  	_ =	shalt  }
0x77: {  	_ =	shalt  }
0x78: {  	_ =	shalt  }
0x79: {  	_ =	shalt  }
0x7a: {  	_ =	shalt  }
0x7b: {  	_ =	shalt  }
0x7c: {  	_ =	shalt  }
0x7d: {  	_ =	shalt  }
0x7e: {  	_ =	shalt  }
0x7f: {  	_ =	shalt  }
0x80: {  	_ =	shalt  }
0x81: {  	_ =	shalt  }
0x82: {  	_ =	shalt  }
0x83: {  	_ =	shalt  }
0x84: {  	_ =	shalt  }
0x85: {  	_ =	shalt  }
0x86: {  	_ =	shalt  }
0x87: {  	_ =	shalt  }
.Lfunc_end0:
.L_simem_size_0:
called_computation.1_lowered:
.L_overlay_start_0:
0x88: {  	s2 =	sld [smem:$0x3FD9]  }
0x89: {  	s3 =	sld [smem:$0x3FFE];
	_ =	sdelay $0x1  }
0x8a: {  	s1 =	srdreg.scid  }
0x8b: {  	s0 =	sand.u32 $0x1, s1  }
0x8c: {  	s17 =	sshll.u32 s0, $0xA;
	s2 =	sadd.s32 s3, s2  }
0x8d: {  	s2 =	sadd.s32 s2, s17  }
0x8e: {  	[smem:$0x3FC2] =	sst s2  }
0x8f: {  	_ = 	snop  }
0x90: {  	s2 =	sld [smem:$0x3FD0];
	(tm) =	ssettm $0x1  }
0x91: {  	s18 =	sld [smem:$0x3FFB];
	_ =	sdelay $0x3  }
0x92: {  	_ =	strace s18  }
0x93: {  	s3 =	sld [smem:$0x3FFC];
	_ =	sdelay $0x3  }
0x94: {  	_ =	strace s3  }
0x95: {  	s3 =	sld [smem:$0x3FFD];
	_ =	sdelay $0x3  }
0x96: {  	_ =	strace s3  }
0x97: {  	_ =	strace $0x8FFFFFFF  }
0x98: {  	s19 =	sld [smem:$0x3FDB];
	_ =	sdelay $0x1  }
0x99: {  	s4 =	simm.s32 $_scs_section_size  }
0x9a: {  	s5 =	simm.s32 $_size__tile_overlayer_lowered;
	s6 =	simm.s32 $_tile_overlayer_lowered  }
0x9b: {  	s22 =	simm.s32 $0x1BFF;
	s21 =	sshll.u32 s6, $0x1;
	s3 =	sadd.s32 s4, s19  }
0x9c: {  	s7 =	simm.s32 $0x0;
	s20 =	sshll.u32 s5, $0x1;
	s5 =	sadd.s32 s21, s3  }
0x9d: {  	[timem:s7], [sflag:s22] =	dma.local [hbm:s5], s20  }
0x9e: {  	_ =	swait.ge [sflag:s22], s20  }
0x9f: {  	s4 =	ssub.s32 $0x0, s20;
	[sflag:s22] =	ssyncset.done $0x0  }
0xa0: {  	[sflag:s22] =	ssyncadd.s32 s4;
	_ =	sdelay $0x1  }
0xa1: {  	s23 =	simm.s32 $0x1B8B  }
0xa2: {  	_ =	swait.ge [sflag:s23], $0x1  }
0xa3: {  	[sflag:s23] =	ssyncset.done $0x0  }
0xa4: {  	s25 =	simm.s32 $0x1B8E;
	s24 =	sld [smem:$0x3FFE];
	[sflag:s23] =	ssyncadd.s32 $0xFFFFFFFF  }
0xa5: {  	s26 =	simm.s32 $execute0_lowered;
	[smem:$0x3FD2] =	sst s25  }
0xa6: {  	s5 =	sshll.u32 s26, $0x1;
	_ =	strace $0x80000049;
	[dreg:$0x1] =	wrdreg $0xFFFFFFFF  }
0xa7: {  	s28 =	simm.s32 $_size_execute0_lowered;
	s3 =	sadd.s32 s3, s5;
	[dreg:$0x0] =	wrdreg $0x0  }
0xa8: {  	s5 =	sshll.u32 s28, $0x1;
	[dreg:$0x2] =	wrdreg s3  }
0xa9: {  	[dreg:$0x3] =	wrdreg s5  }
0xaa: {  	[dreg:$0x4] =	wrdreg $0xC0  }
0xab: {  	_ =	task [dreg:s7], $0x5FFFF  }
0xac: {  	[dreg:$0x1] =	wrdreg $0xFFFFFFFF  }
0xad: {  	[dreg:$0x0] =	wrdreg $0x60  }
0xae: {  	[dreg:$0x2] =	wrdreg s24  }
0xaf: {  	[dreg:$0x3] =	wrdreg s2  }
0xb0: {  	[dreg:$0x4] =	wrdreg $0xC0000  }
0xb1: {  	[dreg:$0x5] =	wrdreg $0x9  }
0xb2: {  	_ =	task.clear_ibuf [dreg:s7], $0x6FFFF;
	_ =	strace $0x90000049  }
0xb3: {  	s29 =	simm.s32 $0x9;
	_ =	strace $0x8000004B  }
0xb4: {  	_ =	swait.ge [sflag:s29], $0x1  }
0xb5: {  	[sflag:s29] =	ssyncadd.s32 $0xFFFFFFFF  }
0xb6: {  	_ =	strace $0x9000004B  }
0xb7: {  	_ =	sfence  }
0xb8: {  	s30 =	sld [smem:$0x0];
	_ =	sdelay $0x2  }
0xb9: {  	s31 =	sshll.u32 s1, $0xD;
	s1 =	sshrl.u32 s1, $0x2  }
0xba: {  	s3 =	sand.u32 $0x4000, s31;
	s1 =	sadd.s32 s1, s30  }
0xbb: {  	s0 =	sor.u32 s3, s0;
	s1 =	sshll.u32 s1, $0x11  }
0xbc: {  	s0 =	sor.u32 s1, s0  }
0xbd: {  	s0 =	sadd.s32 $0x8F2B, s0  }
0xbe: {  	[sflag:s0] =	ssyncadd.remote.s32 $0x1  }
0xbf: {  	_ =	sfence.sel $0xFFFF  }
0xc0: {  	[dreg:$0x0] =	wrdreg $0xFFFFFFFF;
	(pc) =	sbr.abs _section_cstart, $3  }
0xc1: {  	[dreg:$0x1] =	wrdreg $0xFFFFFFFF  }
0xc2: {  	_ =	task.clear_ibuf [dreg:s7], $0x2FFFF;
	_ =	strace $0x9FFFFFFF  }
0xc3: {  	(tm) =	ssettm $0x7FFFFFFF  }
tec
execute0_lowered:
.L_overlay_start_1:
0x0: {  	(tag) =	ssettag $0x1  }
0x1: {  	s0 =	rddreg [dreg:$0x0]  }
0x2: {  	s2 =	rddreg [dreg:$0x1]  }
0x3: {  	s1 =	rddreg [dreg:$0x2]  }
0x4: {  	s3 =	srdreg.scid;
	s8 =	stileid.u32;
	s28 =	simm.s32 $0x7  }
0x5: {  	s29 =	simm.s32 $0x8;
	s30 =	simm.s32 $0x0;
	s4 =	sand.u32 $0x1, s3  }
0x6: {  	s3 =	simm.s32 $0x0;
	s6 =	smul.u32 $0x13C00, s8;
	s9 =	sadd.s32 $0x2600, s0  }
0x7: {  	s17 =	smul.u32 $0x4F000, s8;
	s10 =	sadd.s32 $0xAC00, s0;
	s20 =	sshll.u32 s8, $0x6  }
0x8: {  	s22 =	sshll.u32 s8, $0xB;
	s5 =	smul.u32 $0x13C000, s4;
	[smem:$0x7FF] =	sst s3  }
0x9: {  	s4 =	ssub.s32 $0x2, s4;
	s8 =	sadd.s32 s2, s22;
	s23 =	sadd.s32 s9, s22  }
0xa: {  	s11 =	sor.u32 $0x200, s22;
	_ =	strace $0x8000004A;
	[dreg:$0x4] =	wrdreg s10  }
0xb: {  	s25 =	sor.u32 $0x400, s22;
	s18 =	sshrl.u32 s4, $0x1;
	[dreg:$0x5] =	wrdreg s8  }
0xc: {  	s19 =	sshrl.u32 s17, $0x2;
	[dreg:$0x6] =	wrdreg s23;
	s24 =	sadd.s32 s2, s11  }
0xd: {  	s11 =	sadd.s32 s9, s11;
	s26 =	sadd.s32 s2, s25;
	s23 =	simm.s32 $0x100  }
0xe: {  	s7 =	sshrl.u32 s5, $0x3;
	s5 =	sadd.s32 s6, s5;
	[dreg:$0x7] =	wrdreg s24  }
0xf: {  	s4 =	ssub.s32 s4, s18;
	s21 =	sadd.s32 s19, s1;
	[dreg:$0x8] =	wrdreg s11  }
0x10: {  	[dreg:$0x9] =	wrdreg s26;
	s6 =	sor.u32 $0x600, s22;
	s18 =	simm.s32 $0x9  }
0x11: {  	s19 =	simm.s32 $0x50;
	s22 =	simm.s32 $0x4800;
	s24 =	simm.s32 $0x7000  }
0x12: {  	s26 =	simm.s32 $0x6;
	s7 =	sadd.s32 s7, s0;
	s5 =	sshrl.u32 s5, $0x3  }
0x13: {  	s2 =	sadd.s32 s2, s6;
	s31 =	sadd.s32 s9, s6;
	s16 =	smax.u32 s4, $0x1  }
0x14: {  	s17 =	sshrl.u32 s21, $0x3;
	s21 =	simm.s32 $0x80;
	s0 =	sadd.s32 s5, s0  }
0x15: {  	s5 =	sor.u32 $0x1C09, s20;
	s8 =	sadd.s32 $0xD400, s7;
	[dreg:$0xb] =	wrdreg s2  }
0x16: {  	s7 =	sadd.s32 s9, s25;
	[dreg:$0xc] =	wrdreg s31;
	s20 =	simm.s32 $0x2000  }
0x17: {  	s25 =	simm.s32 $0x5;
	[dreg:$0xa] =	wrdreg s7;
	s15 =	sadd.s32 $0xAB400, s0  }
.LBB2_1:
0x18: {  	s0 =	rddreg [dreg:$0x4]  }
0x19: {  	[spmem:s17], [sflag:s5] =	dma.local [hbm:s0], $0x2780  }
0x1a: {  	_ =	swait.ge [sflag:s18], $0x2780  }
0x1b: {  	[sflag:s18] =	ssyncset.done $0x0  }
0x1c: {  	[sflag:s18] =	ssyncadd.s32 $0xFFFFD880  }
0x1d: {  	[bflag:$0x0] =	sbarrier.arrive $0xFFFF  }
0x1e: {  	s31 =	rddreg [dreg:$0x5]  }
0x1f: {  	[tilespmem:s3], [sflag:$0x9] =	stream.linear.gather [hbm4b:s31+s3], $0x1000, $0x38;
	[tilespmem:$0x1FC00] =	vst v63  }
0x20: {  	_ =	swait.ge [sflag:s18], $0x1000  }
0x21: {  	[sflag:s18] =	ssyncset.done $0x0  }
0x22: {  	s0 =	simm.s32 $0x1000;
	s2 =	rddreg [dreg:$0x6];
	[sflag:s18] =	ssyncadd.s32 $0xFFFFF000  }
0x23: {  	[tilespmem:s0], [sflag:$0x9] =	stream.linear.gather [hbm4b:s2+s3], $0x1000, $0x38;
	[tilespmem:$0x1FC00] =	vst v63  }
0x24: {  	_ =	swait.ge [sflag:s18], $0x1000  }
0x25: {  	[sflag:s18] =	ssyncset.done $0x0  }
0x26: {  	[sflag:s18] =	ssyncadd.s32 $0xFFFFF000  }
0x27: {  	[tilespmem:s20], [sflag:$0x1] =	stream.indirect.gather [hbm4b:s8+s19], $0x80, s3, s19, $0xb8;
	[tilespmem:$0x1FC00] =	vst v63  }
0x28: {  	_ = 	snop  }
0x29: {  	[tilespmem:s22], [sflag:$0x2] =	stream.indirect.gather [hbm4b:s8+s19], $0x80, s21, s19, $0xb8;
	[tilespmem:$0x1FC00] =	vst v63  }
0x2a: {  	s4 =	simm.s32 $0x0;
	s2 =	simm.s32 $0x180  }
0x2b: {  	[tilespmem:s24], [sflag:$0x3] =	stream.indirect.gather [hbm4b:s8+s19], $0x80, s23, s19, $0xb8;
	[tilespmem:$0x1FC00] =	vst v63  }
.LBB2_2:
0x2c: {  	s6 =	sadd.s32 $0xFFFFFFFF, s4  }
0x2d: {  	p0 =	sgt.u32 s4, $0x1C;
	s6 =	sand.u32 $0x3, s6  }
0x2e: {  	p1 =	sne.s32 @!p0 s6, $0x0  }
0x2f: {  	p2 =	por p1, p0  }
0x30: {  	p3 =	seq.s32 @!p2 s4, $0x0  }
0x31: {  	p1 =	por @!p0 p3, p1  }
0x32: {  	p1 =	por p1, p0  }
0x33: {  	s7 =	simm.s32 @!p1 $0x5  }
0x34: {  	_ =	swait.ge @!p1 [sflag:s7], $0x2800  }
0x35: {  	s9 =	simm.s32 @!p2 $0x2000;
	[sflag:s7] =	ssyncset.done @!p1 $0x0  }
0x36: {  	[sflag:s7] =	ssyncadd.s32 @!p1 $0xFFFFD800;
	s7 =	simm.s32 @!p2 $0x50;
	p1 =	sne.s32 @!p0 s6, $0x1  }
0x37: {  	[tilespmem:s9], [sflag:$0x1] =	stream.indirect.gather @!p2 [hbm4b:s8+s7], $0x80, s2, s7, $0xb8;
	[tilespmem:$0x1FC00] =	vst v63  }
0x38: {  	p2 =	por p1, p0  }
0x39: {  	p3 =	seq.s32 @!p2 s4, $0x0  }
0x3a: {  	p1 =	por @!p0 p3, p1  }
0x3b: {  	p1 =	por p1, p0  }
0x3c: {  	s7 =	simm.s32 @!p1 $0x6  }
0x3d: {  	_ =	swait.ge @!p1 [sflag:s7], $0x2800  }
0x3e: {  	s9 =	simm.s32 @!p2 $0x4800;
	[sflag:s7] =	ssyncset.done @!p1 $0x0  }
0x3f: {  	[sflag:s7] =	ssyncadd.s32 @!p1 $0xFFFFD800;
	s7 =	simm.s32 @!p2 $0x50;
	p1 =	sne.s32 @!p0 s6, $0x2  }
0x40: {  	[tilespmem:s9], [sflag:$0x2] =	stream.indirect.gather @!p2 [hbm4b:s8+s7], $0x80, s2, s7, $0xb8;
	[tilespmem:$0x1FC00] =	vst v63  }
0x41: {  	p2 =	por p1, p0  }
0x42: {  	p3 =	seq.s32 @!p2 s4, $0x0  }
0x43: {  	p1 =	por @!p0 p3, p1  }
0x44: {  	p1 =	por p1, p0  }
0x45: {  	s7 =	simm.s32 @!p1 $0x7  }
0x46: {  	_ =	swait.ge @!p1 [sflag:s7], $0x2800  }
0x47: {  	s9 =	simm.s32 @!p2 $0x7000;
	[sflag:s7] =	ssyncset.done @!p1 $0x0  }
0x48: {  	[sflag:s7] =	ssyncadd.s32 @!p1 $0xFFFFD800;
	s7 =	simm.s32 @!p2 $0x50;
	p1 =	sne.s32 @!p0 s6, $0x3  }
0x49: {  	[tilespmem:s9], [sflag:$0x3] =	stream.indirect.gather @!p2 [hbm4b:s8+s7], $0x80, s2, s7, $0xb8;
	[tilespmem:$0x1FC00] =	vst v63  }
0x4a: {  	p2 =	por p1, p0  }
0x4b: {  	p3 =	seq.s32 @!p2 s4, $0x0  }
0x4c: {  	p1 =	por @!p0 p3, p1  }
0x4d: {  	p0 =	por p1, p0  }
0x4e: {  	s6 =	simm.s32 @!p0 $0x8  }
0x4f: {  	_ =	swait.ge @!p0 [sflag:s6], $0x2800  }
0x50: {  	s7 =	sand.u32 $0x3, s4;
	s9 =	simm.s32 @!p2 $0x9800;
	[sflag:s6] =	ssyncset.done @!p0 $0x0  }
0x51: {  	[sflag:s6] =	ssyncadd.s32 @!p0 $0xFFFFD800;
	s6 =	simm.s32 @!p2 $0x50;
	p0 =	sgt.s32 s7, $0x1  }
0x52: {  	[tilespmem:s9], [sflag:$0x4] =	stream.indirect.gather @!p2 [hbm4b:s8+s6], $0x80, s2, s6, $0xb8;
	[tilespmem:$0x1FC00] =	vst v63  }
0x53: {  	p1 =	seq.s32 @p0 s7, $0x2  }
0x54: {  	p2 =	por !p1, !p0  }
0x55: {  	s6 =	simm.s32 @!p2 $0x3  }
0x56: {  	_ =	swait.ge @!p2 [sflag:s6], $0x2800  }
0x57: {  	p1 =	por p1, !p0;
	[sflag:s6] =	ssyncset.done @!p2 $0x0  }
0x58: {  	s9 =	simm.s32 @!p2 $0x7000;
	[sflag:s6] =	ssyncadd.s32 @!p2 $0xFFFFD800;
	s6 =	simm.s32 @!p2 $0x50  }
0x59: {  	[spmem:s1] =	stream.indirect.scatter.add.f32 @!p2 [tilespmem:s9], [sflag:$0x7], $0x80, s0, s6, $0xb8;
	[tilespmem:$0x1FC00] =	vst v63  }
0x5a: {  	s6 =	simm.s32 @!p1 $0x4  }
0x5b: {  	_ =	swait.ge @!p1 [sflag:s6], $0x2800  }
0x5c: {  	[sflag:s6] =	ssyncset.done @!p1 $0x0  }
0x5d: {  	s9 =	simm.s32 @!p1 $0x9800;
	[sflag:s6] =	ssyncadd.s32 @!p1 $0xFFFFD800;
	s6 =	simm.s32 @!p1 $0x50  }
0x5e: {  	[spmem:s1] =	stream.indirect.scatter.add.f32 @!p1 [tilespmem:s9], [sflag:$0x8], $0x80, s0, s6, $0xb8;
	[tilespmem:$0x1FC00] =	vst v63  }
0x5f: {  	p1 =	seq.s32 @!p0 s7, $0x0  }
0x60: {  	p2 =	por !p1, p0  }
0x61: {  	s6 =	simm.s32 @!p2 $0x1  }
0x62: {  	_ =	swait.ge @!p2 [sflag:s6], $0x2800  }
0x63: {  	p0 =	por p1, p0;
	[sflag:s6] =	ssyncset.done @!p2 $0x0  }
0x64: {  	s7 =	simm.s32 @!p2 $0x2000;
	[sflag:s6] =	ssyncadd.s32 @!p2 $0xFFFFD800;
	s6 =	simm.s32 @!p2 $0x50  }
0x65: {  	[spmem:s1] =	stream.indirect.scatter.add.f32 @!p2 [tilespmem:s7], [sflag:$0x5], $0x80, s0, s6, $0xb8;
	[tilespmem:$0x1FC00] =	vst v63  }
0x66: {  	s6 =	simm.s32 @!p0 $0x2  }
0x67: {  	_ =	swait.ge @!p0 [sflag:s6], $0x2800  }
0x68: {  	s4 =	sadd.s32 $0x1, s4;
	[sflag:s6] =	ssyncset.done @!p0 $0x0  }
0x69: {  	s7 =	simm.s32 @!p0 $0x4800;
	[sflag:s6] =	ssyncadd.s32 @!p0 $0xFFFFD800;
	s6 =	simm.s32 @!p0 $0x50  }
0x6a: {  	[spmem:s1] =	stream.indirect.scatter.add.f32 @!p0 [tilespmem:s7], [sflag:$0x6], $0x80, s0, s6, $0xb8;
	[tilespmem:$0x1FC00] =	vst v63  }
0x6b: {  	p0 =	sne.s32 s4, $0x20  }
.Ltmp0:
0x6c: {  	_ = 	snop;
	(pc) =	sbr.rel @p0 .LBB2_2-.Ltmp0, $2  }
0x6d: {  	_ =	sdelay $0x2  }
0x6e: {  	s2 =	sadd.s32 $0x80, s2;
	s0 =	sadd.s32 $0x80, s0  }
0x6f: {  	_ =	swait.ge [sflag:s25], $0x2800  }
0x70: {  	[sflag:s25] =	ssyncset.done $0x0  }
0x71: {  	[sflag:s25] =	ssyncadd.s32 $0xFFFFD800  }
0x72: {  	_ =	swait.ge [sflag:s26], $0x2800  }
0x73: {  	[sflag:s26] =	ssyncset.done $0x0  }
0x74: {  	[sflag:s26] =	ssyncadd.s32 $0xFFFFD800  }
0x75: {  	_ =	swait.ge [sflag:s28], $0x2800  }
0x76: {  	[sflag:s28] =	ssyncset.done $0x0  }
0x77: {  	[sflag:s28] =	ssyncadd.s32 $0xFFFFD800  }
0x78: {  	_ =	swait.ge [sflag:s29], $0x2800  }
0x79: {  	[sflag:s29] =	ssyncset.done $0x0  }
0x7a: {  	s2 =	simm.s32 $0x0;
	s0 =	rddreg [dreg:$0x7];
	[sflag:s29] =	ssyncadd.s32 $0xFFFFD800  }
0x7b: {  	[tilespmem:s2], [sflag:$0x9] =	stream.linear.gather [hbm4b:s0+s2], $0x1000, $0x38;
	[tilespmem:$0x1FC00] =	vst v63  }
0x7c: {  	_ =	swait.ge [sflag:s18], $0x1000  }
0x7d: {  	p0 =	por $0x0, $0x0;
	s13 =	simm.s32 $0xFFFFFFFF;
	[sflag:s18] =	ssyncset.done $0x0  }
0x7e: {  	s0 =	simm.s32 $0x1000;
	s4 =	rddreg [dreg:$0x8];
	[sflag:s18] =	ssyncadd.s32 $0xFFFFF000  }
0x7f: {  	[tilespmem:s0], [sflag:$0x9] =	stream.linear.gather [hbm4b:s4+s2], $0x1000, $0x38;
	[tilespmem:$0x1FC00] =	vst v63  }
0x80: {  	p0 =	por p0, p0;
	s4 =	sand.u32 $0x3, s13  }
0x81: {  	_ =	swait.ge [sflag:s18], $0x1000;
	p1 =	sne.s32 @!p0 s4, $0x0  }
0x82: {  	[sflag:s18] =	ssyncset.done $0x0;
	p3 =	por p1, p0  }
0x83: {  	[sflag:s18] =	ssyncadd.s32 $0xFFFFF000;
	p2 =	por @!p3 $0x1, $0x1  }
0x84: {  	[tilespmem:s20], [sflag:$0x1] =	stream.indirect.gather [hbm4b:s8+s19], $0x80, s2, s19, $0xb8;
	[tilespmem:$0x1FC00] =	vst v63  }
0x85: {  	p4 =	sne.s32 @!p0 s4, $0x1;
	p2 =	por @!p0 p2, p1  }
0x86: {  	s6 =	simm.s32 $0x180;
	p1 =	por p4, p0;
	p2 =	por p2, p0  }
0x87: {  	[tilespmem:s22], [sflag:$0x2] =	stream.indirect.gather [hbm4b:s8+s19], $0x80, s21, s19, $0xb8;
	[tilespmem:$0x1FC00] =	vst v63  }
0x88: {  	s9 =	simm.s32 @!p3 $0x2000;
	p5 =	por @!p1 $0x1, $0x1;
	s7 =	simm.s32 @!p2 $0x5  }
0x89: {  	[tilespmem:s24], [sflag:$0x3] =	stream.indirect.gather [hbm4b:s8+s19], $0x80, s23, s19, $0xb8;
	[tilespmem:$0x1FC00] =	vst v63  }
0x8a: {  	s10 =	simm.s32 @!p3 $0x50;
	p4 =	por @!p0 p5, p4;
	_ =	swait.ge @!p2 [sflag:s7], $0x2800  }
0x8b: {  	p5 =	sne.s32 @!p0 s4, $0x2;
	p4 =	por p4, p0;
	[sflag:s7] =	ssyncset.done @!p2 $0x0  }
0x8c: {  	[sflag:s7] =	ssyncadd.s32 @!p2 $0xFFFFD800;
	p2 =	por p5, p0;
	s7 =	simm.s32 @!p4 $0x6  }
0x8d: {  	[tilespmem:s9], [sflag:$0x1] =	stream.indirect.gather @!p3 [hbm4b:s8+s10], $0x80, s6, s10, $0xb8;
	[tilespmem:$0x1FC00] =	vst v63  }
0x8e: {  	p3 =	por @!p2 $0x1, $0x1;
	s9 =	simm.s32 @!p1 $0x4800;
	_ =	swait.ge @!p4 [sflag:s7], $0x2800  }
0x8f: {  	p3 =	por @!p0 p3, p5;
	p5 =	sne.s32 @!p0 s4, $0x3;
	[sflag:s7] =	ssyncset.done @!p4 $0x0  }
0x90: {  	s4 =	simm.s32 @!p1 $0x50;
	p3 =	por p3, p0;
	[sflag:s7] =	ssyncadd.s32 @!p4 $0xFFFFD800  }
0x91: {  	[tilespmem:s9], [sflag:$0x2] =	stream.indirect.gather @!p1 [hbm4b:s8+s4], $0x80, s6, s4, $0xb8;
	[tilespmem:$0x1FC00] =	vst v63  }
0x92: {  	s7 =	simm.s32 @!p3 $0x7;
	p1 =	por p5, p0  }
0x93: {  	p6 =	por $0x0, $0x0;
	_ =	swait.ge @!p3 [sflag:s7], $0x2800;
	p4 =	por @!p1 $0x1, $0x1  }
0x94: {  	s4 =	simm.s32 @!p2 $0x7000;
	[sflag:s7] =	ssyncset.done @!p3 $0x0;
	p4 =	por @!p0 p4, p5  }
0x95: {  	[sflag:s7] =	ssyncadd.s32 @!p3 $0xFFFFD800;
	s7 =	simm.s32 @!p2 $0x50;
	p4 =	por p4, p0  }
0x96: {  	[tilespmem:s4], [sflag:$0x3] =	stream.indirect.gather @!p2 [hbm4b:s8+s7], $0x80, s6, s7, $0xb8;
	[tilespmem:$0x1FC00] =	vst v63  }
0x97: {  	s14 =	simm.s32 $0x0;
	s4 =	sand.u32 $0x3, s2;
	s2 =	simm.s32 @!p4 $0x8  }
0x98: {  	s31 =	simm.s32 $0x1080;
	_ =	swait.ge @!p4 [sflag:s2], $0x2800;
	p3 =	sgt.s32 s4, $0x1  }
0x99: {  	s7 =	simm.s32 @!p1 $0x9800;
	[sflag:s2] =	ssyncset.done @!p4 $0x0;
	p0 =	seq.s32 @p3 s4, $0x2  }
0x9a: {  	[sflag:s2] =	ssyncadd.s32 @!p4 $0xFFFFD800;
	s2 =	simm.s32 @!p1 $0x50;
	p2 =	por !p0, !p3  }
0x9b: {  	[tilespmem:s7], [sflag:$0x4] =	stream.indirect.gather @!p1 [hbm4b:s8+s2], $0x80, s6, s2, $0xb8;
	[tilespmem:$0x1FC00] =	vst v63  }
0x9c: {  	p4 =	por p6, p6;
	p5 =	por p0, !p3;
	s7 =	simm.s32 @!p2 $0x3  }
0x9d: {  	s2 =	simm.s32 $0x1;
	s6 =	simm.s32 $0x2;
	_ =	swait.ge @!p2 [sflag:s7], $0x2800  }
0x9e: {  	s9 =	simm.s32 @!p2 $0x7000;
	p1 =	seq.s32 @!p3 s4, $0x0;
	[sflag:s7] =	ssyncset.done @!p2 $0x0  }
0x9f: {  	s10 =	simm.s32 @!p5 $0x4;
	[sflag:s7] =	ssyncadd.s32 @!p2 $0xFFFFD800;
	s7 =	simm.s32 @!p2 $0x50  }
0xa0: {  	[spmem:s1] =	stream.indirect.scatter.add.f32 @!p2 [tilespmem:s9], [sflag:$0x7], $0x80, s0, s7, $0xb8;
	[tilespmem:$0x1FC00] =	vst v63  }
0xa1: {  	s4 =	simm.s32 $0x200;
	s7 =	sand.u32 $0x3, s14;
	_ =	swait.ge @!p5 [sflag:s10], $0x2800  }
.LBB2_4:
0xa2: {  	p0 =	sgt.u32 s6, $0x1C  }
0xa3: {  	s9 =	simm.s32 @!p0 $0x0  }
0xa4: {  	s9 =	simm.s32 @p0 $0x1;
	p0 =	sne.s32 @!p4 s7, $0x0  }
0xa5: {  	p6 =	por !p1, p3;
	p2 =	por p1, p3;
	p1 =	por p0, p4  }
0xa6: {  	s12 =	simm.s32 @!p1 $0x0  }
0xa7: {  	[smem:$0x7FC] =	sst s9;
	p3 =	seq.s32 @!p1 s2, $0x0;
	s12 =	simm.s32 @p1 $0x1  }
0xa8: {  	p0 =	por @!p4 p3, p0;
	[smem:$0x7FB] =	sst s12  }
0xa9: {  	[sflag:s10] =	ssyncset.done @!p5 $0x0;
	[smem:$0x7F9] =	sst s0;
	s0 =	simm.s32 @!p0 $0x0  }
0xaa: {  	s0 =	simm.s32 @p0 $0x1  }
0xab: {  	s11 =	simm.s32 @!p5 $0x50;
	[smem:$0x7FA] =	sst s0  }
0xac: {  	s13 =	simm.s32 @!p2 $0x2;
	p0 =	sne.s32 @!p4 s7, $0x1;
	s0 =	sld [smem:$0x7F9]  }
0xad: {  	s14 =	simm.s32 @!p6 $0x1;
	s9 =	smov.u32 s6;
	p3 =	por p0, p4  }
0xae: {  	s12 =	simm.s32 @!p5 $0x9800;
	[sflag:s10] =	ssyncadd.s32 @!p5 $0xFFFFD800;
	p1 =	seq.s32 @!p3 s2, $0x0  }
0xaf: {  	[spmem:s1] =	stream.indirect.scatter.add.f32 @!p5 [tilespmem:s12], [sflag:$0x8], $0x80, s0, s11, $0xb8;
	[tilespmem:$0x1FC00] =	vst v63  }
0xb0: {  	s6 =	sadd.s32 $0x1, s6;
	p0 =	por @!p4 p1, p0;
	_ =	swait.ge @!p6 [sflag:s14], $0x2800  }
0xb1: {  	s10 =	simm.s32 @!p6 $0x2000;
	p0 =	por p0, p4;
	[sflag:s14] =	ssyncset.done @!p6 $0x0  }
0xb2: {  	s11 =	simm.s32 @!p6 $0x50;
	s12 =	sld [smem:$0x7FA];
	[sflag:s14] =	ssyncadd.s32 @!p6 $0xFFFFD800  }
0xb3: {  	[spmem:s1] =	stream.indirect.scatter.add.f32 @!p6 [tilespmem:s10], [sflag:$0x5], $0x80, s0, s11, $0xb8;
	[tilespmem:$0x1FC00] =	vst v63  }
0xb4: {  	s11 =	simm.s32 @!p2 $0x4800;
	p6 =	sne.s32 @!p4 s7, $0x2;
	_ =	swait.ge @!p2 [sflag:s13], $0x2800  }
0xb5: {  	p5 =	seq.s32 s12, $0x1;
	[sflag:s13] =	ssyncset.done @!p2 $0x0;
	s14 =	sld [smem:$0x7FB]  }
0xb6: {  	s12 =	simm.s32 @!p2 $0x50;
	p5 =	por p5, p4;
	[sflag:s13] =	ssyncadd.s32 @!p2 $0xFFFFD800  }
0xb7: {  	[spmem:s1] =	stream.indirect.scatter.add.f32 @!p2 [tilespmem:s11], [sflag:$0x6], $0x80, s0, s12, $0xb8;
	[tilespmem:$0x1FC00] =	vst v63  }
0xb8: {  	s10 =	simm.s32 @!p5 $0x5;
	p2 =	por p6, p6;
	p1 =	seq.s32 s14, $0x1  }
0xb9: {  	_ =	swait.ge @!p5 [sflag:s10], $0x2800;
	s14 =	simm.s32 @!p1 $0x2000;
	s0 =	simm.s32 @!p1 $0x50  }
0xba: {  	p1 =	sne.s32 s6, $0x20;
	[sflag:s10] =	ssyncset.done @!p5 $0x0;
	s13 =	sld [smem:$0x7FB]  }
0xbb: {  	p6 =	por p6, p4;
	s11 =	simm.s32 @!p1 $0x0;
	[sflag:s10] =	ssyncadd.s32 @!p5 $0xFFFFD800  }
0xbc: {  	s10 =	simm.s32 @!p0 $0x6;
	s11 =	simm.s32 @p1 $0x1;
	p1 =	seq.s32 @!p6 s2, $0x0  }
0xbd: {  	[smem:$0x7FD] =	sst s11;
	s11 =	simm.s32 @!p3 $0x4800;
	p5 =	seq.s32 s13, $0x1  }
0xbe: {  	[tilespmem:s14], [sflag:$0x1] =	stream.indirect.gather @!p5 [hbm4b:s8+s0], $0x80, s4, s0, $0xb8;
	[tilespmem:$0x1FC00] =	vst v63  }
0xbf: {  	p1 =	por @!p4 p1, p2;
	p5 =	sne.s32 @!p4 s7, $0x3;
	_ =	swait.ge @!p0 [sflag:s10], $0x2800  }
0xc0: {  	p1 =	por p1, p4;
	s0 =	simm.s32 @!p3 $0x50;
	[sflag:s10] =	ssyncset.done @!p0 $0x0  }
0xc1: {  	p2 =	por p5, p4;
	s7 =	simm.s32 @!p1 $0x7;
	[sflag:s10] =	ssyncadd.s32 @!p0 $0xFFFFD800  }
0xc2: {  	[tilespmem:s11], [sflag:$0x2] =	stream.indirect.gather @!p3 [hbm4b:s8+s0], $0x80, s4, s0, $0xb8;
	[tilespmem:$0x1FC00] =	vst v63  }
0xc3: {  	p0 =	seq.s32 @!p2 s2, $0x0;
	_ =	swait.ge @!p1 [sflag:s7], $0x2800  }
0xc4: {  	s10 =	simm.s32 @!p6 $0x7000;
	p0 =	por @!p4 p0, p5;
	[sflag:s7] =	ssyncset.done @!p1 $0x0  }
0xc5: {  	p0 =	por p0, p4;
	[sflag:s7] =	ssyncadd.s32 @!p1 $0xFFFFD800;
	s7 =	simm.s32 @!p6 $0x50  }
0xc6: {  	[tilespmem:s10], [sflag:$0x3] =	stream.indirect.gather @!p6 [hbm4b:s8+s7], $0x80, s4, s7, $0xb8;
	[tilespmem:$0x1FC00] =	vst v63  }
0xc7: {  	s7 =	sand.u32 $0x3, s2;
	s10 =	simm.s32 @!p0 $0x8  }
0xc8: {  	s2 =	smov.u32 s9;
	_ =	swait.ge @!p0 [sflag:s10], $0x2800;
	p3 =	sgt.s32 s7, $0x1  }
0xc9: {  	s9 =	simm.s32 @!p2 $0x9800;
	[sflag:s10] =	ssyncset.done @!p0 $0x0;
	p5 =	seq.s32 @p3 s7, $0x2  }
0xca: {  	[sflag:s10] =	ssyncadd.s32 @!p0 $0xFFFFD800;
	s10 =	simm.s32 @!p2 $0x50;
	p0 =	por !p5, !p3  }
0xcb: {  	[tilespmem:s9], [sflag:$0x4] =	stream.indirect.gather @!p2 [hbm4b:s8+s10], $0x80, s4, s10, $0xb8;
	[tilespmem:$0x1FC00] =	vst v63  }
0xcc: {  	s9 =	simm.s32 @!p0 $0x3  }
0xcd: {  	s12 =	sld [smem:$0x7FC];
	_ =	swait.ge @!p0 [sflag:s9], $0x2800  }
0xce: {  	p5 =	por p5, !p3;
	s11 =	simm.s32 @!p0 $0x7000;
	[sflag:s9] =	ssyncset.done @!p0 $0x0  }
0xcf: {  	s10 =	simm.s32 @!p5 $0x4;
	[sflag:s9] =	ssyncadd.s32 @!p0 $0xFFFFD800;
	s9 =	simm.s32 @!p0 $0x50  }
0xd0: {  	[spmem:s1] =	stream.indirect.scatter.add.f32 @!p0 [tilespmem:s11], [sflag:$0x7], $0x80, s31, s9, $0xb8;
	[tilespmem:$0x1FC00] =	vst v63  }
0xd1: {  	_ =	swait.ge @!p5 [sflag:s10], $0x2800  }
0xd2: {  	s14 =	sld [smem:$0x7FD];
	_ =	sdelay $0x2  }
0xd3: {  	p0 =	seq.s32 s14, $0x1  }
.Ltmp1:
0xd4: {  	_ = 	snop;
	(pc) =	sbr.rel @p0 .LBB2_4-.Ltmp1, $4  }
0xd5: {  	_ = 	snop  }
0xd6: {  	s0 =	smov.u32 s31;
	s13 =	sadd.s32 $0xFFFFFFFF, s2  }
0xd7: {  	p1 =	seq.s32 @!p3 s7, $0x0;
	s7 =	sand.u32 $0x3, s13;
	p6 =	seq.s32 s12, $0x1  }
0xd8: {  	s4 =	sadd.s32 $0x80, s4;
	p4 =	por p6, p6;
	s31 =	sadd.s32 $0x80, s31  }
0xd9: {  	p6 =	por !p1, p3;
	p0 =	sne.s32 @!p4 s7, $0x0;
	s6 =	simm.s32 @!p5 $0x50  }
0xda: {  	p3 =	por p1, p3;
	s9 =	simm.s32 @!p5 $0x9800;
	[sflag:s10] =	ssyncset.done @!p5 $0x0  }
0xdb: {  	p2 =	por p0, p4;
	s12 =	simm.s32 @!p6 $0x1;
	[sflag:s10] =	ssyncadd.s32 @!p5 $0xFFFFD800  }
0xdc: {  	[spmem:s1] =	stream.indirect.scatter.add.f32 @!p5 [tilespmem:s9], [sflag:$0x8], $0x80, s0, s6, $0xb8;
	[tilespmem:$0x1FC00] =	vst v63  }
0xdd: {  	s11 =	simm.s32 @!p3 $0x2;
	s10 =	simm.s32 @!p3 $0x50;
	_ =	swait.ge @!p6 [sflag:s12], $0x2800  }
0xde: {  	p1 =	seq.s32 @!p2 s2, $0x0;
	p5 =	sne.s32 @!p4 s7, $0x1;
	[sflag:s12] =	ssyncset.done @!p6 $0x0  }
0xdf: {  	s6 =	simm.s32 @!p6 $0x2000;
	s9 =	simm.s32 @!p6 $0x50;
	[sflag:s12] =	ssyncadd.s32 @!p6 $0xFFFFD800  }
0xe0: {  	[spmem:s1] =	stream.indirect.scatter.add.f32 @!p6 [tilespmem:s6], [sflag:$0x5], $0x80, s0, s9, $0xb8;
	[tilespmem:$0x1FC00] =	vst v63  }
0xe1: {  	p1 =	por @!p4 p1, p0;
	p0 =	por p5, p4;
	_ =	swait.ge @!p3 [sflag:s11], $0x2800  }
0xe2: {  	p1 =	por p1, p4;
	p6 =	seq.s32 @!p0 s2, $0x0;
	[sflag:s11] =	ssyncset.done @!p3 $0x0  }
0xe3: {  	s6 =	simm.s32 @!p1 $0x5;
	s9 =	simm.s32 @!p3 $0x4800;
	[sflag:s11] =	ssyncadd.s32 @!p3 $0xFFFFD800  }
0xe4: {  	[spmem:s1] =	stream.indirect.scatter.add.f32 @!p3 [tilespmem:s9], [sflag:$0x6], $0x80, s0, s10, $0xb8;
	[tilespmem:$0x1FC00] =	vst v63  }
0xe5: {  	p5 =	por @!p4 p6, p5;
	p6 =	sne.s32 @!p4 s7, $0x2;
	_ =	swait.ge @!p1 [sflag:s6], $0x2800  }
0xe6: {  	p5 =	por p5, p4;
	s0 =	simm.s32 @!p2 $0x2000;
	[sflag:s6] =	ssyncset.done @!p1 $0x0  }
0xe7: {  	s9 =	simm.s32 @!p2 $0x50;
	p3 =	por p6, p4;
	[sflag:s6] =	ssyncadd.s32 @!p1 $0xFFFFD800  }
0xe8: {  	[tilespmem:s0], [sflag:$0x1] =	stream.indirect.gather @!p2 [hbm4b:s8+s9], $0x80, s4, s9, $0xb8;
	[tilespmem:$0x1FC00] =	vst v63  }
0xe9: {  	s6 =	simm.s32 @!p5 $0x6;
	p1 =	seq.s32 @!p3 s2, $0x0;
	s0 =	simm.s32 @!p0 $0x4800  }
0xea: {  	p1 =	por @!p4 p1, p6;
	p6 =	sne.s32 @!p4 s7, $0x3;
	_ =	swait.ge @!p5 [sflag:s6], $0x2800  }
0xeb: {  	p1 =	por p1, p4;
	p2 =	por p6, p4;
	[sflag:s6] =	ssyncset.done @!p5 $0x0  }
0xec: {  	s7 =	simm.s32 @!p1 $0x7;
	[sflag:s6] =	ssyncadd.s32 @!p5 $0xFFFFD800;
	s6 =	simm.s32 @!p0 $0x50  }
0xed: {  	[tilespmem:s0], [sflag:$0x2] =	stream.indirect.gather @!p0 [hbm4b:s8+s6], $0x80, s4, s6, $0xb8;
	[tilespmem:$0x1FC00] =	vst v63  }
0xee: {  	p0 =	seq.s32 @!p2 s2, $0x0;
	_ =	swait.ge @!p1 [sflag:s7], $0x2800  }
0xef: {  	s0 =	simm.s32 @!p3 $0x7000;
	p0 =	por @!p4 p0, p6;
	[sflag:s7] =	ssyncset.done @!p1 $0x0  }
0xf0: {  	s6 =	simm.s32 @!p3 $0x50;
	[sflag:s7] =	ssyncadd.s32 @!p1 $0xFFFFD800;
	p1 =	por p0, p4  }
0xf1: {  	[tilespmem:s0], [sflag:$0x3] =	stream.indirect.gather @!p3 [hbm4b:s8+s6], $0x80, s4, s6, $0xb8;
	[tilespmem:$0x1FC00] =	vst v63  }
0xf2: {  	s0 =	sand.u32 $0x3, s2;
	s2 =	simm.s32 @!p1 $0x8  }
0xf3: {  	_ =	swait.ge @!p1 [sflag:s2], $0x2800;
	p0 =	sgt.s32 s0, $0x1  }
0xf4: {  	s6 =	simm.s32 @!p2 $0x9800;
	[sflag:s2] =	ssyncset.done @!p1 $0x0;
	p3 =	seq.s32 @p0 s0, $0x2  }
0xf5: {  	[sflag:s2] =	ssyncadd.s32 @!p1 $0xFFFFD800;
	s2 =	simm.s32 @!p2 $0x50;
	p1 =	por !p3, !p0  }
0xf6: {  	[tilespmem:s6], [sflag:$0x4] =	stream.indirect.gather @!p2 [hbm4b:s8+s2], $0x80, s4, s2, $0xb8;
	[tilespmem:$0x1FC00] =	vst v63  }
0xf7: {  	s2 =	simm.s32 @!p1 $0x3  }
0xf8: {  	_ =	swait.ge @!p1 [sflag:s2], $0x2800  }
0xf9: {  	s4 =	simm.s32 @!p1 $0x7000;
	p2 =	por p3, !p0;
	[sflag:s2] =	ssyncset.done @!p1 $0x0  }
0xfa: {  	s6 =	simm.s32 @!p2 $0x4;
	[sflag:s2] =	ssyncadd.s32 @!p1 $0xFFFFD800;
	s2 =	simm.s32 @!p1 $0x50  }
0xfb: {  	[spmem:s1] =	stream.indirect.scatter.add.f32 @!p1 [tilespmem:s4], [sflag:$0x7], $0x80, s31, s2, $0xb8;
	[tilespmem:$0x1FC00] =	vst v63  }
0xfc: {  	p1 =	seq.s32 @!p0 s0, $0x0;
	_ =	swait.ge @!p2 [sflag:s6], $0x2800  }
0xfd: {  	s0 =	simm.s32 @!p2 $0x50;
	p3 =	por !p1, p0;
	[sflag:s6] =	ssyncset.done @!p2 $0x0  }
0xfe: {  	s2 =	simm.s32 @!p2 $0x9800;
	s4 =	simm.s32 @!p3 $0x1;
	[sflag:s6] =	ssyncadd.s32 @!p2 $0xFFFFD800  }
0xff: {  	[spmem:s1] =	stream.indirect.scatter.add.f32 @!p2 [tilespmem:s2], [sflag:$0x8], $0x80, s31, s0, $0xb8;
	[tilespmem:$0x1FC00] =	vst v63  }
0x100: {  	_ =	swait.ge @!p3 [sflag:s4], $0x2800  }
0x101: {  	p0 =	por p1, p0;
	s6 =	simm.s32 @!p3 $0x50;
	[sflag:s4] =	ssyncset.done @!p3 $0x0  }
0x102: {  	s0 =	simm.s32 @!p0 $0x2;
	s2 =	simm.s32 @!p3 $0x2000;
	[sflag:s4] =	ssyncadd.s32 @!p3 $0xFFFFD800  }
0x103: {  	[spmem:s1] =	stream.indirect.scatter.add.f32 @!p3 [tilespmem:s2], [sflag:$0x5], $0x80, s31, s6, $0xb8;
	[tilespmem:$0x1FC00] =	vst v63  }
0x104: {  	_ =	swait.ge @!p0 [sflag:s0], $0x2800  }
0x105: {  	[sflag:s0] =	ssyncset.done @!p0 $0x0  }
0x106: {  	s4 =	simm.s32 @!p0 $0x50;
	s2 =	simm.s32 @!p0 $0x4800;
	[sflag:s0] =	ssyncadd.s32 @!p0 $0xFFFFD800  }
0x107: {  	[spmem:s1] =	stream.indirect.scatter.add.f32 @!p0 [tilespmem:s2], [sflag:$0x6], $0x80, s31, s4, $0xb8;
	[tilespmem:$0x1FC00] =	vst v63  }
0x108: {  	_ =	swait.ge [sflag:s25], $0x2800  }
0x109: {  	[sflag:s25] =	ssyncset.done $0x0  }
0x10a: {  	[sflag:s25] =	ssyncadd.s32 $0xFFFFD800  }
0x10b: {  	_ =	swait.ge [sflag:s26], $0x2800  }
0x10c: {  	[sflag:s26] =	ssyncset.done $0x0  }
0x10d: {  	[sflag:s26] =	ssyncadd.s32 $0xFFFFD800  }
0x10e: {  	_ =	swait.ge [sflag:s28], $0x2800  }
0x10f: {  	[sflag:s28] =	ssyncset.done $0x0  }
0x110: {  	[sflag:s28] =	ssyncadd.s32 $0xFFFFD800  }
0x111: {  	_ =	swait.ge [sflag:s29], $0x2800  }
0x112: {  	s14 =	simm.s32 $0x0;
	[sflag:s29] =	ssyncset.done $0x0  }
0x113: {  	s13 =	simm.s32 $0xFFFFFFFF;
	s11 =	rddreg [dreg:$0x9];
	[sflag:s29] =	ssyncadd.s32 $0xFFFFD800  }
0x114: {  	[tilespmem:s14], [sflag:$0x9] =	stream.linear.gather [hbm4b:s11+s14], $0x1000, $0x38;
	[tilespmem:$0x1FC00] =	vst v63  }
0x115: {  	p5 =	por $0x0, $0x0;
	s0 =	simm.s32 $0x1000;
	_ =	swait.ge [sflag:s18], $0x1000  }
0x116: {  	p0 =	por p5, p5;
	s4 =	sand.u32 $0x3, s13;
	[sflag:s18] =	ssyncset.done $0x0  }
0x117: {  	p1 =	sne.s32 @!p0 s4, $0x0;
	s12 =	rddreg [dreg:$0xa];
	[sflag:s18] =	ssyncadd.s32 $0xFFFFF000  }
0x118: {  	[tilespmem:s0], [sflag:$0x9] =	stream.linear.gather [hbm4b:s12+s14], $0x1000, $0x38;
	[tilespmem:$0x1FC00] =	vst v63  }
0x119: {  	p3 =	por p1, p0;
	_ =	swait.ge [sflag:s18], $0x1000  }
0x11a: {  	p2 =	por @!p3 $0x1, $0x1;
	[sflag:s18] =	ssyncset.done $0x0  }
0x11b: {  	p4 =	sne.s32 @!p0 s4, $0x1;
	p2 =	por @!p0 p2, p1;
	[sflag:s18] =	ssyncadd.s32 $0xFFFFF000  }
0x11c: {  	[tilespmem:s20], [sflag:$0x1] =	stream.indirect.gather [hbm4b:s8+s19], $0x80, s14, s19, $0xb8;
	[tilespmem:$0x1FC00] =	vst v63  }
0x11d: {  	s6 =	simm.s32 $0x180;
	p1 =	por p4, p0;
	p2 =	por p2, p0  }
0x11e: {  	[tilespmem:s22], [sflag:$0x2] =	stream.indirect.gather [hbm4b:s8+s19], $0x80, s21, s19, $0xb8;
	[tilespmem:$0x1FC00] =	vst v63  }
0x11f: {  	s9 =	simm.s32 @!p3 $0x2000;
	p5 =	por @!p1 $0x1, $0x1;
	s7 =	simm.s32 @!p2 $0x5  }
0x120: {  	[tilespmem:s24], [sflag:$0x3] =	stream.indirect.gather [hbm4b:s8+s19], $0x80, s23, s19, $0xb8;
	[tilespmem:$0x1FC00] =	vst v63  }
0x121: {  	s10 =	simm.s32 @!p3 $0x50;
	p4 =	por @!p0 p5, p4;
	_ =	swait.ge @!p2 [sflag:s7], $0x2800  }
0x122: {  	p5 =	sne.s32 @!p0 s4, $0x2;
	p4 =	por p4, p0;
	[sflag:s7] =	ssyncset.done @!p2 $0x0  }
0x123: {  	[sflag:s7] =	ssyncadd.s32 @!p2 $0xFFFFD800;
	p2 =	por p5, p0;
	s7 =	simm.s32 @!p4 $0x6  }
0x124: {  	[tilespmem:s9], [sflag:$0x1] =	stream.indirect.gather @!p3 [hbm4b:s8+s10], $0x80, s6, s10, $0xb8;
	[tilespmem:$0x1FC00] =	vst v63  }
0x125: {  	p3 =	por @!p2 $0x1, $0x1;
	s9 =	simm.s32 @!p1 $0x4800;
	_ =	swait.ge @!p4 [sflag:s7], $0x2800  }
0x126: {  	p3 =	por @!p0 p3, p5;
	p5 =	sne.s32 @!p0 s4, $0x3;
	[sflag:s7] =	ssyncset.done @!p4 $0x0  }
0x127: {  	s4 =	simm.s32 @!p1 $0x50;
	p3 =	por p3, p0;
	[sflag:s7] =	ssyncadd.s32 @!p4 $0xFFFFD800  }
0x128: {  	[tilespmem:s9], [sflag:$0x2] =	stream.indirect.gather @!p1 [hbm4b:s8+s4], $0x80, s6, s4, $0xb8;
	[tilespmem:$0x1FC00] =	vst v63  }
0x129: {  	s7 =	simm.s32 @!p3 $0x7;
	p1 =	por p5, p0  }
0x12a: {  	p6 =	por $0x0, $0x0;
	_ =	swait.ge @!p3 [sflag:s7], $0x2800;
	p4 =	por @!p1 $0x1, $0x1  }
0x12b: {  	s4 =	simm.s32 @!p2 $0x7000;
	[sflag:s7] =	ssyncset.done @!p3 $0x0;
	p4 =	por @!p0 p4, p5  }
0x12c: {  	[sflag:s7] =	ssyncadd.s32 @!p3 $0xFFFFD800;
	s7 =	simm.s32 @!p2 $0x50;
	p4 =	por p4, p0  }
0x12d: {  	[tilespmem:s4], [sflag:$0x3] =	stream.indirect.gather @!p2 [hbm4b:s8+s7], $0x80, s6, s7, $0xb8;
	[tilespmem:$0x1FC00] =	vst v63  }
0x12e: {  	s31 =	simm.s32 $0x1080;
	s4 =	sand.u32 $0x3, s14;
	s2 =	simm.s32 @!p4 $0x8  }
0x12f: {  	s7 =	simm.s32 @!p1 $0x9800;
	_ =	swait.ge @!p4 [sflag:s2], $0x2800;
	p3 =	sgt.s32 s4, $0x1  }
0x130: {  	s14 =	simm.s32 $0x0;
	[sflag:s2] =	ssyncset.done @!p4 $0x0;
	p0 =	seq.s32 @p3 s4, $0x2  }
0x131: {  	[sflag:s2] =	ssyncadd.s32 @!p4 $0xFFFFD800;
	s2 =	simm.s32 @!p1 $0x50;
	p2 =	por !p0, !p3  }
0x132: {  	[tilespmem:s7], [sflag:$0x4] =	stream.indirect.gather @!p1 [hbm4b:s8+s2], $0x80, s6, s2, $0xb8;
	[tilespmem:$0x1FC00] =	vst v63  }
0x133: {  	p4 =	por p6, p6;
	p5 =	por p0, !p3;
	s7 =	simm.s32 @!p2 $0x3  }
0x134: {  	s2 =	simm.s32 $0x1;
	s6 =	simm.s32 $0x2;
	_ =	swait.ge @!p2 [sflag:s7], $0x2800  }
0x135: {  	s9 =	simm.s32 @!p2 $0x7000;
	p1 =	seq.s32 @!p3 s4, $0x0;
	[sflag:s7] =	ssyncset.done @!p2 $0x0  }
0x136: {  	s10 =	simm.s32 @!p5 $0x4;
	[sflag:s7] =	ssyncadd.s32 @!p2 $0xFFFFD800;
	s7 =	simm.s32 @!p2 $0x50  }
0x137: {  	[spmem:s1] =	stream.indirect.scatter.add.f32 @!p2 [tilespmem:s9], [sflag:$0x7], $0x80, s0, s7, $0xb8;
	[tilespmem:$0x1FC00] =	vst v63  }
0x138: {  	s4 =	simm.s32 $0x200;
	s7 =	sand.u32 $0x3, s14;
	_ =	swait.ge @!p5 [sflag:s10], $0x2800  }
.LBB2_6:
0x139: {  	p0 =	sgt.u32 s6, $0x1C  }
0x13a: {  	s9 =	simm.s32 @!p0 $0x0  }
0x13b: {  	s9 =	simm.s32 @p0 $0x1;
	p0 =	sne.s32 @!p4 s7, $0x0  }
0x13c: {  	p6 =	por !p1, p3;
	p2 =	por p1, p3;
	p1 =	por p0, p4  }
0x13d: {  	s12 =	simm.s32 @!p1 $0x0  }
0x13e: {  	[smem:$0x7F7] =	sst s9;
	p3 =	seq.s32 @!p1 s2, $0x0;
	s12 =	simm.s32 @p1 $0x1  }
0x13f: {  	p0 =	por @!p4 p3, p0;
	[smem:$0x7F6] =	sst s12  }
0x140: {  	[sflag:s10] =	ssyncset.done @!p5 $0x0;
	[smem:$0x7F9] =	sst s0;
	s0 =	simm.s32 @!p0 $0x0  }
0x141: {  	s0 =	simm.s32 @p0 $0x1  }
0x142: {  	s11 =	simm.s32 @!p5 $0x50;
	[smem:$0x7F5] =	sst s0  }
0x143: {  	s13 =	simm.s32 @!p2 $0x2;
	p0 =	sne.s32 @!p4 s7, $0x1;
	s0 =	sld [smem:$0x7F9]  }
0x144: {  	s14 =	simm.s32 @!p6 $0x1;
	s9 =	smov.u32 s6;
	p3 =	por p0, p4  }
0x145: {  	s12 =	simm.s32 @!p5 $0x9800;
	[sflag:s10] =	ssyncadd.s32 @!p5 $0xFFFFD800;
	p1 =	seq.s32 @!p3 s2, $0x0  }
0x146: {  	[spmem:s1] =	stream.indirect.scatter.add.f32 @!p5 [tilespmem:s12], [sflag:$0x8], $0x80, s0, s11, $0xb8;
	[tilespmem:$0x1FC00] =	vst v63  }
0x147: {  	s6 =	sadd.s32 $0x1, s6;
	p0 =	por @!p4 p1, p0;
	_ =	swait.ge @!p6 [sflag:s14], $0x2800  }
0x148: {  	s10 =	simm.s32 @!p6 $0x2000;
	p0 =	por p0, p4;
	[sflag:s14] =	ssyncset.done @!p6 $0x0  }
0x149: {  	s11 =	simm.s32 @!p6 $0x50;
	s12 =	sld [smem:$0x7F5];
	[sflag:s14] =	ssyncadd.s32 @!p6 $0xFFFFD800  }
0x14a: {  	[spmem:s1] =	stream.indirect.scatter.add.f32 @!p6 [tilespmem:s10], [sflag:$0x5], $0x80, s0, s11, $0xb8;
	[tilespmem:$0x1FC00] =	vst v63  }
0x14b: {  	s11 =	simm.s32 @!p2 $0x4800;
	p6 =	sne.s32 @!p4 s7, $0x2;
	_ =	swait.ge @!p2 [sflag:s13], $0x2800  }
0x14c: {  	p5 =	seq.s32 s12, $0x1;
	[sflag:s13] =	ssyncset.done @!p2 $0x0;
	s14 =	sld [smem:$0x7F6]  }
0x14d: {  	s12 =	simm.s32 @!p2 $0x50;
	p5 =	por p5, p4;
	[sflag:s13] =	ssyncadd.s32 @!p2 $0xFFFFD800  }
0x14e: {  	[spmem:s1] =	stream.indirect.scatter.add.f32 @!p2 [tilespmem:s11], [sflag:$0x6], $0x80, s0, s12, $0xb8;
	[tilespmem:$0x1FC00] =	vst v63  }
0x14f: {  	s10 =	simm.s32 @!p5 $0x5;
	p2 =	por p6, p6;
	p1 =	seq.s32 s14, $0x1  }
0x150: {  	_ =	swait.ge @!p5 [sflag:s10], $0x2800;
	s14 =	simm.s32 @!p1 $0x2000;
	s0 =	simm.s32 @!p1 $0x50  }
0x151: {  	p1 =	sne.s32 s6, $0x20;
	[sflag:s10] =	ssyncset.done @!p5 $0x0;
	s13 =	sld [smem:$0x7F6]  }
0x152: {  	p6 =	por p6, p4;
	s11 =	simm.s32 @!p1 $0x0;
	[sflag:s10] =	ssyncadd.s32 @!p5 $0xFFFFD800  }
0x153: {  	s10 =	simm.s32 @!p0 $0x6;
	s11 =	simm.s32 @p1 $0x1;
	p1 =	seq.s32 @!p6 s2, $0x0  }
0x154: {  	[smem:$0x7F8] =	sst s11;
	s11 =	simm.s32 @!p3 $0x4800;
	p5 =	seq.s32 s13, $0x1  }
0x155: {  	[tilespmem:s14], [sflag:$0x1] =	stream.indirect.gather @!p5 [hbm4b:s8+s0], $0x80, s4, s0, $0xb8;
	[tilespmem:$0x1FC00] =	vst v63  }
0x156: {  	p1 =	por @!p4 p1, p2;
	p5 =	sne.s32 @!p4 s7, $0x3;
	_ =	swait.ge @!p0 [sflag:s10], $0x2800  }
0x157: {  	p1 =	por p1, p4;
	s0 =	simm.s32 @!p3 $0x50;
	[sflag:s10] =	ssyncset.done @!p0 $0x0  }
0x158: {  	p2 =	por p5, p4;
	s7 =	simm.s32 @!p1 $0x7;
	[sflag:s10] =	ssyncadd.s32 @!p0 $0xFFFFD800  }
0x159: {  	[tilespmem:s11], [sflag:$0x2] =	stream.indirect.gather @!p3 [hbm4b:s8+s0], $0x80, s4, s0, $0xb8;
	[tilespmem:$0x1FC00] =	vst v63  }
0x15a: {  	p0 =	seq.s32 @!p2 s2, $0x0;
	_ =	swait.ge @!p1 [sflag:s7], $0x2800  }
0x15b: {  	s10 =	simm.s32 @!p6 $0x7000;
	p0 =	por @!p4 p0, p5;
	[sflag:s7] =	ssyncset.done @!p1 $0x0  }
0x15c: {  	p0 =	por p0, p4;
	[sflag:s7] =	ssyncadd.s32 @!p1 $0xFFFFD800;
	s7 =	simm.s32 @!p6 $0x50  }
0x15d: {  	[tilespmem:s10], [sflag:$0x3] =	stream.indirect.gather @!p6 [hbm4b:s8+s7], $0x80, s4, s7, $0xb8;
	[tilespmem:$0x1FC00] =	vst v63  }
0x15e: {  	s7 =	sand.u32 $0x3, s2;
	s10 =	simm.s32 @!p0 $0x8  }
0x15f: {  	s2 =	smov.u32 s9;
	_ =	swait.ge @!p0 [sflag:s10], $0x2800;
	p3 =	sgt.s32 s7, $0x1  }
0x160: {  	s9 =	simm.s32 @!p2 $0x9800;
	[sflag:s10] =	ssyncset.done @!p0 $0x0;
	p5 =	seq.s32 @p3 s7, $0x2  }
0x161: {  	[sflag:s10] =	ssyncadd.s32 @!p0 $0xFFFFD800;
	s10 =	simm.s32 @!p2 $0x50;
	p0 =	por !p5, !p3  }
0x162: {  	[tilespmem:s9], [sflag:$0x4] =	stream.indirect.gather @!p2 [hbm4b:s8+s10], $0x80, s4, s10, $0xb8;
	[tilespmem:$0x1FC00] =	vst v63  }
0x163: {  	s9 =	simm.s32 @!p0 $0x3  }
0x164: {  	s12 =	sld [smem:$0x7F7];
	_ =	swait.ge @!p0 [sflag:s9], $0x2800  }
0x165: {  	p5 =	por p5, !p3;
	s11 =	simm.s32 @!p0 $0x7000;
	[sflag:s9] =	ssyncset.done @!p0 $0x0  }
0x166: {  	s10 =	simm.s32 @!p5 $0x4;
	[sflag:s9] =	ssyncadd.s32 @!p0 $0xFFFFD800;
	s9 =	simm.s32 @!p0 $0x50  }
0x167: {  	[spmem:s1] =	stream.indirect.scatter.add.f32 @!p0 [tilespmem:s11], [sflag:$0x7], $0x80, s31, s9, $0xb8;
	[tilespmem:$0x1FC00] =	vst v63  }
0x168: {  	_ =	swait.ge @!p5 [sflag:s10], $0x2800  }
0x169: {  	s14 =	sld [smem:$0x7F8];
	_ =	sdelay $0x2  }
0x16a: {  	p0 =	seq.s32 s14, $0x1  }
.Ltmp2:
0x16b: {  	_ = 	snop;
	(pc) =	sbr.rel @p0 .LBB2_6-.Ltmp2, $4  }
0x16c: {  	_ = 	snop  }
0x16d: {  	s0 =	smov.u32 s31;
	s13 =	sadd.s32 $0xFFFFFFFF, s2  }
0x16e: {  	p1 =	seq.s32 @!p3 s7, $0x0;
	s7 =	sand.u32 $0x3, s13;
	p6 =	seq.s32 s12, $0x1  }
0x16f: {  	s4 =	sadd.s32 $0x80, s4;
	p4 =	por p6, p6;
	s31 =	sadd.s32 $0x80, s31  }
0x170: {  	p6 =	por !p1, p3;
	p0 =	sne.s32 @!p4 s7, $0x0;
	s6 =	simm.s32 @!p5 $0x50  }
0x171: {  	p3 =	por p1, p3;
	s9 =	simm.s32 @!p5 $0x9800;
	[sflag:s10] =	ssyncset.done @!p5 $0x0  }
0x172: {  	p2 =	por p0, p4;
	s12 =	simm.s32 @!p6 $0x1;
	[sflag:s10] =	ssyncadd.s32 @!p5 $0xFFFFD800  }
0x173: {  	[spmem:s1] =	stream.indirect.scatter.add.f32 @!p5 [tilespmem:s9], [sflag:$0x8], $0x80, s0, s6, $0xb8;
	[tilespmem:$0x1FC00] =	vst v63  }
0x174: {  	s11 =	simm.s32 @!p3 $0x2;
	s10 =	simm.s32 @!p3 $0x50;
	_ =	swait.ge @!p6 [sflag:s12], $0x2800  }
0x175: {  	p1 =	seq.s32 @!p2 s2, $0x0;
	p5 =	sne.s32 @!p4 s7, $0x1;
	[sflag:s12] =	ssyncset.done @!p6 $0x0  }
0x176: {  	s6 =	simm.s32 @!p6 $0x2000;
	s9 =	simm.s32 @!p6 $0x50;
	[sflag:s12] =	ssyncadd.s32 @!p6 $0xFFFFD800  }
0x177: {  	[spmem:s1] =	stream.indirect.scatter.add.f32 @!p6 [tilespmem:s6], [sflag:$0x5], $0x80, s0, s9, $0xb8;
	[tilespmem:$0x1FC00] =	vst v63  }
0x178: {  	p1 =	por @!p4 p1, p0;
	p0 =	por p5, p4;
	_ =	swait.ge @!p3 [sflag:s11], $0x2800  }
0x179: {  	p1 =	por p1, p4;
	p6 =	seq.s32 @!p0 s2, $0x0;
	[sflag:s11] =	ssyncset.done @!p3 $0x0  }
0x17a: {  	s6 =	simm.s32 @!p1 $0x5;
	s9 =	simm.s32 @!p3 $0x4800;
	[sflag:s11] =	ssyncadd.s32 @!p3 $0xFFFFD800  }
0x17b: {  	[spmem:s1] =	stream.indirect.scatter.add.f32 @!p3 [tilespmem:s9], [sflag:$0x6], $0x80, s0, s10, $0xb8;
	[tilespmem:$0x1FC00] =	vst v63  }
0x17c: {  	p5 =	por @!p4 p6, p5;
	p6 =	sne.s32 @!p4 s7, $0x2;
	_ =	swait.ge @!p1 [sflag:s6], $0x2800  }
0x17d: {  	p5 =	por p5, p4;
	s0 =	simm.s32 @!p2 $0x2000;
	[sflag:s6] =	ssyncset.done @!p1 $0x0  }
0x17e: {  	s9 =	simm.s32 @!p2 $0x50;
	p3 =	por p6, p4;
	[sflag:s6] =	ssyncadd.s32 @!p1 $0xFFFFD800  }
0x17f: {  	[tilespmem:s0], [sflag:$0x1] =	stream.indirect.gather @!p2 [hbm4b:s8+s9], $0x80, s4, s9, $0xb8;
	[tilespmem:$0x1FC00] =	vst v63  }
0x180: {  	s6 =	simm.s32 @!p5 $0x6;
	p1 =	seq.s32 @!p3 s2, $0x0;
	s0 =	simm.s32 @!p0 $0x4800  }
0x181: {  	p1 =	por @!p4 p1, p6;
	p6 =	sne.s32 @!p4 s7, $0x3;
	_ =	swait.ge @!p5 [sflag:s6], $0x2800  }
0x182: {  	p1 =	por p1, p4;
	p2 =	por p6, p4;
	[sflag:s6] =	ssyncset.done @!p5 $0x0  }
0x183: {  	s7 =	simm.s32 @!p1 $0x7;
	[sflag:s6] =	ssyncadd.s32 @!p5 $0xFFFFD800;
	s6 =	simm.s32 @!p0 $0x50  }
0x184: {  	[tilespmem:s0], [sflag:$0x2] =	stream.indirect.gather @!p0 [hbm4b:s8+s6], $0x80, s4, s6, $0xb8;
	[tilespmem:$0x1FC00] =	vst v63  }
0x185: {  	p0 =	seq.s32 @!p2 s2, $0x0;
	_ =	swait.ge @!p1 [sflag:s7], $0x2800  }
0x186: {  	s0 =	simm.s32 @!p3 $0x7000;
	p0 =	por @!p4 p0, p6;
	[sflag:s7] =	ssyncset.done @!p1 $0x0  }
0x187: {  	s6 =	simm.s32 @!p3 $0x50;
	[sflag:s7] =	ssyncadd.s32 @!p1 $0xFFFFD800;
	p1 =	por p0, p4  }
0x188: {  	[tilespmem:s0], [sflag:$0x3] =	stream.indirect.gather @!p3 [hbm4b:s8+s6], $0x80, s4, s6, $0xb8;
	[tilespmem:$0x1FC00] =	vst v63  }
0x189: {  	s0 =	sand.u32 $0x3, s2;
	s2 =	simm.s32 @!p1 $0x8  }
0x18a: {  	_ =	swait.ge @!p1 [sflag:s2], $0x2800;
	p0 =	sgt.s32 s0, $0x1  }
0x18b: {  	s6 =	simm.s32 @!p2 $0x9800;
	[sflag:s2] =	ssyncset.done @!p1 $0x0;
	p3 =	seq.s32 @p0 s0, $0x2  }
0x18c: {  	[sflag:s2] =	ssyncadd.s32 @!p1 $0xFFFFD800;
	s2 =	simm.s32 @!p2 $0x50;
	p1 =	por !p3, !p0  }
0x18d: {  	[tilespmem:s6], [sflag:$0x4] =	stream.indirect.gather @!p2 [hbm4b:s8+s2], $0x80, s4, s2, $0xb8;
	[tilespmem:$0x1FC00] =	vst v63  }
0x18e: {  	s2 =	simm.s32 @!p1 $0x3  }
0x18f: {  	_ =	swait.ge @!p1 [sflag:s2], $0x2800  }
0x190: {  	s4 =	simm.s32 @!p1 $0x7000;
	p2 =	por p3, !p0;
	[sflag:s2] =	ssyncset.done @!p1 $0x0  }
0x191: {  	s6 =	simm.s32 @!p2 $0x4;
	[sflag:s2] =	ssyncadd.s32 @!p1 $0xFFFFD800;
	s2 =	simm.s32 @!p1 $0x50  }
0x192: {  	[spmem:s1] =	stream.indirect.scatter.add.f32 @!p1 [tilespmem:s4], [sflag:$0x7], $0x80, s31, s2, $0xb8;
	[tilespmem:$0x1FC00] =	vst v63  }
0x193: {  	p1 =	seq.s32 @!p0 s0, $0x0;
	_ =	swait.ge @!p2 [sflag:s6], $0x2800  }
0x194: {  	s0 =	simm.s32 @!p2 $0x50;
	p3 =	por !p1, p0;
	[sflag:s6] =	ssyncset.done @!p2 $0x0  }
0x195: {  	s2 =	simm.s32 @!p2 $0x9800;
	s4 =	simm.s32 @!p3 $0x1;
	[sflag:s6] =	ssyncadd.s32 @!p2 $0xFFFFD800  }
0x196: {  	[spmem:s1] =	stream.indirect.scatter.add.f32 @!p2 [tilespmem:s2], [sflag:$0x8], $0x80, s31, s0, $0xb8;
	[tilespmem:$0x1FC00] =	vst v63  }
0x197: {  	_ =	swait.ge @!p3 [sflag:s4], $0x2800  }
0x198: {  	p0 =	por p1, p0;
	s6 =	simm.s32 @!p3 $0x50;
	[sflag:s4] =	ssyncset.done @!p3 $0x0  }
0x199: {  	s0 =	simm.s32 @!p0 $0x2;
	s2 =	simm.s32 @!p3 $0x2000;
	[sflag:s4] =	ssyncadd.s32 @!p3 $0xFFFFD800  }
0x19a: {  	[spmem:s1] =	stream.indirect.scatter.add.f32 @!p3 [tilespmem:s2], [sflag:$0x5], $0x80, s31, s6, $0xb8;
	[tilespmem:$0x1FC00] =	vst v63  }
0x19b: {  	_ =	swait.ge @!p0 [sflag:s0], $0x2800  }
0x19c: {  	[sflag:s0] =	ssyncset.done @!p0 $0x0  }
0x19d: {  	s4 =	simm.s32 @!p0 $0x50;
	s2 =	simm.s32 @!p0 $0x4800;
	[sflag:s0] =	ssyncadd.s32 @!p0 $0xFFFFD800  }
0x19e: {  	[spmem:s1] =	stream.indirect.scatter.add.f32 @!p0 [tilespmem:s2], [sflag:$0x6], $0x80, s31, s4, $0xb8;
	[tilespmem:$0x1FC00] =	vst v63  }
0x19f: {  	_ =	swait.ge [sflag:s25], $0x2800  }
0x1a0: {  	[sflag:s25] =	ssyncset.done $0x0  }
0x1a1: {  	[sflag:s25] =	ssyncadd.s32 $0xFFFFD800  }
0x1a2: {  	_ =	swait.ge [sflag:s26], $0x2800  }
0x1a3: {  	[sflag:s26] =	ssyncset.done $0x0  }
0x1a4: {  	[sflag:s26] =	ssyncadd.s32 $0xFFFFD800  }
0x1a5: {  	_ =	swait.ge [sflag:s28], $0x2800  }
0x1a6: {  	[sflag:s28] =	ssyncset.done $0x0  }
0x1a7: {  	[sflag:s28] =	ssyncadd.s32 $0xFFFFD800  }
0x1a8: {  	_ =	swait.ge [sflag:s29], $0x2800  }
0x1a9: {  	s14 =	simm.s32 $0x0;
	[sflag:s29] =	ssyncset.done $0x0  }
0x1aa: {  	s13 =	simm.s32 $0xFFFFFFFF;
	s11 =	rddreg [dreg:$0xb];
	[sflag:s29] =	ssyncadd.s32 $0xFFFFD800  }
0x1ab: {  	[tilespmem:s14], [sflag:$0x9] =	stream.linear.gather [hbm4b:s11+s14], $0x1000, $0x38;
	[tilespmem:$0x1FC00] =	vst v63  }
0x1ac: {  	p5 =	por $0x0, $0x0;
	s2 =	simm.s32 $0x1000;
	_ =	swait.ge [sflag:s18], $0x1000  }
0x1ad: {  	p0 =	por p5, p5;
	s4 =	sand.u32 $0x3, s13;
	[sflag:s18] =	ssyncset.done $0x0  }
0x1ae: {  	p1 =	sne.s32 @!p0 s4, $0x0;
	s12 =	rddreg [dreg:$0xc];
	[sflag:s18] =	ssyncadd.s32 $0xFFFFF000  }
0x1af: {  	[tilespmem:s2], [sflag:$0x9] =	stream.linear.gather [hbm4b:s12+s14], $0x1000, $0x38;
	[tilespmem:$0x1FC00] =	vst v63  }
0x1b0: {  	p3 =	por p1, p0;
	_ =	swait.ge [sflag:s18], $0x1000  }
0x1b1: {  	p2 =	por @!p3 $0x1, $0x1;
	[sflag:s18] =	ssyncset.done $0x0  }
0x1b2: {  	p4 =	sne.s32 @!p0 s4, $0x1;
	p2 =	por @!p0 p2, p1;
	[sflag:s18] =	ssyncadd.s32 $0xFFFFF000  }
0x1b3: {  	[tilespmem:s20], [sflag:$0x1] =	stream.indirect.gather [hbm4b:s8+s19], $0x80, s14, s19, $0xb8;
	[tilespmem:$0x1FC00] =	vst v63  }
0x1b4: {  	s6 =	simm.s32 $0x180;
	p1 =	por p4, p0;
	p2 =	por p2, p0  }
0x1b5: {  	[tilespmem:s22], [sflag:$0x2] =	stream.indirect.gather [hbm4b:s8+s19], $0x80, s21, s19, $0xb8;
	[tilespmem:$0x1FC00] =	vst v63  }
0x1b6: {  	s9 =	simm.s32 @!p3 $0x2000;
	p5 =	por @!p1 $0x1, $0x1;
	s7 =	simm.s32 @!p2 $0x5  }
0x1b7: {  	[tilespmem:s24], [sflag:$0x3] =	stream.indirect.gather [hbm4b:s8+s19], $0x80, s23, s19, $0xb8;
	[tilespmem:$0x1FC00] =	vst v63  }
0x1b8: {  	s10 =	simm.s32 @!p3 $0x50;
	p4 =	por @!p0 p5, p4;
	_ =	swait.ge @!p2 [sflag:s7], $0x2800  }
0x1b9: {  	p5 =	sne.s32 @!p0 s4, $0x2;
	p4 =	por p4, p0;
	[sflag:s7] =	ssyncset.done @!p2 $0x0  }
0x1ba: {  	[sflag:s7] =	ssyncadd.s32 @!p2 $0xFFFFD800;
	p2 =	por p5, p0;
	s7 =	simm.s32 @!p4 $0x6  }
0x1bb: {  	[tilespmem:s9], [sflag:$0x1] =	stream.indirect.gather @!p3 [hbm4b:s8+s10], $0x80, s6, s10, $0xb8;
	[tilespmem:$0x1FC00] =	vst v63  }
0x1bc: {  	p3 =	por @!p2 $0x1, $0x1;
	s9 =	simm.s32 @!p1 $0x4800;
	_ =	swait.ge @!p4 [sflag:s7], $0x2800  }
0x1bd: {  	p3 =	por @!p0 p3, p5;
	p5 =	sne.s32 @!p0 s4, $0x3;
	[sflag:s7] =	ssyncset.done @!p4 $0x0  }
0x1be: {  	s4 =	simm.s32 @!p1 $0x50;
	p3 =	por p3, p0;
	[sflag:s7] =	ssyncadd.s32 @!p4 $0xFFFFD800  }
0x1bf: {  	[tilespmem:s9], [sflag:$0x2] =	stream.indirect.gather @!p1 [hbm4b:s8+s4], $0x80, s6, s4, $0xb8;
	[tilespmem:$0x1FC00] =	vst v63  }
0x1c0: {  	s7 =	simm.s32 @!p3 $0x7;
	p1 =	por p5, p0  }
0x1c1: {  	p6 =	por $0x0, $0x0;
	_ =	swait.ge @!p3 [sflag:s7], $0x2800;
	p4 =	por @!p1 $0x1, $0x1  }
0x1c2: {  	s4 =	simm.s32 @!p2 $0x7000;
	[sflag:s7] =	ssyncset.done @!p3 $0x0;
	p4 =	por @!p0 p4, p5  }
0x1c3: {  	[sflag:s7] =	ssyncadd.s32 @!p3 $0xFFFFD800;
	s7 =	simm.s32 @!p2 $0x50;
	p3 =	por p4, p0  }
0x1c4: {  	[tilespmem:s4], [sflag:$0x3] =	stream.indirect.gather @!p2 [hbm4b:s8+s7], $0x80, s6, s7, $0xb8;
	[tilespmem:$0x1FC00] =	vst v63  }
0x1c5: {  	s31 =	simm.s32 $0x1080;
	s4 =	sand.u32 $0x3, s14;
	s0 =	simm.s32 @!p3 $0x8  }
0x1c6: {  	p4 =	por p6, p6;
	_ =	swait.ge @!p3 [sflag:s0], $0x2800;
	p2 =	sgt.s32 s4, $0x1  }
0x1c7: {  	s7 =	simm.s32 @!p1 $0x9800;
	[sflag:s0] =	ssyncset.done @!p3 $0x0;
	p0 =	seq.s32 @p2 s4, $0x2  }
0x1c8: {  	[sflag:s0] =	ssyncadd.s32 @!p3 $0xFFFFD800;
	s0 =	simm.s32 @!p1 $0x50;
	p3 =	por !p0, !p2  }
0x1c9: {  	[tilespmem:s7], [sflag:$0x4] =	stream.indirect.gather @!p1 [hbm4b:s8+s0], $0x80, s6, s0, $0xb8;
	[tilespmem:$0x1FC00] =	vst v63  }
0x1ca: {  	s14 =	simm.s32 $0x0;
	p5 =	por p0, !p2;
	s7 =	simm.s32 @!p3 $0x3  }
0x1cb: {  	s0 =	simm.s32 $0x1;
	s6 =	simm.s32 $0x2;
	_ =	swait.ge @!p3 [sflag:s7], $0x2800  }
0x1cc: {  	s9 =	simm.s32 @!p3 $0x7000;
	p1 =	seq.s32 @!p2 s4, $0x0;
	[sflag:s7] =	ssyncset.done @!p3 $0x0  }
0x1cd: {  	s10 =	simm.s32 @!p5 $0x4;
	[sflag:s7] =	ssyncadd.s32 @!p3 $0xFFFFD800;
	s7 =	simm.s32 @!p3 $0x50  }
0x1ce: {  	[spmem:s1] =	stream.indirect.scatter.add.f32 @!p3 [tilespmem:s9], [sflag:$0x7], $0x80, s2, s7, $0xb8;
	[tilespmem:$0x1FC00] =	vst v63  }
0x1cf: {  	s4 =	simm.s32 $0x200;
	s7 =	sand.u32 $0x3, s14;
	_ =	swait.ge @!p5 [sflag:s10], $0x2800  }
.LBB2_8:
0x1d0: {  	p0 =	sgt.u32 s6, $0x1C  }
0x1d1: {  	p6 =	por !p1, p2;
	s9 =	simm.s32 @!p0 $0x0  }
0x1d2: {  	s11 =	simm.s32 @!p5 $0x50;
	s9 =	simm.s32 @p0 $0x1;
	p0 =	sne.s32 @!p4 s7, $0x0  }
0x1d3: {  	p3 =	por p1, p2;
	[sflag:s10] =	ssyncset.done @!p5 $0x0;
	p1 =	por p0, p4  }
0x1d4: {  	[sflag:s10] =	ssyncadd.s32 @!p5 $0xFFFFD800;
	s12 =	simm.s32 @!p1 $0x0;
	p2 =	seq.s32 @!p1 s0, $0x0  }
0x1d5: {  	s12 =	simm.s32 @p1 $0x1;
	p2 =	por @!p4 p2, p0;
	p0 =	sne.s32 @!p4 s7, $0x1  }
0x1d6: {  	[smem:$0x7F1] =	sst s12;
	s12 =	simm.s32 @!p5 $0x9800;
	p1 =	por p0, p4  }
0x1d7: {  	[spmem:s1] =	stream.indirect.scatter.add.f32 @!p5 [tilespmem:s12], [sflag:$0x8], $0x80, s2, s11, $0xb8;
	[tilespmem:$0x1FC00] =	vst v63  }
0x1d8: {  	s10 =	simm.s32 @!p1 $0x0  }
0x1d9: {  	[smem:$0x7F3] =	sst s9;
	s10 =	simm.s32 @p1 $0x1  }
0x1da: {  	s14 =	simm.s32 @!p6 $0x1;
	[smem:$0x7F2] =	sst s10  }
0x1db: {  	_ =	swait.ge @!p6 [sflag:s14], $0x2800  }
0x1dc: {  	s13 =	simm.s32 @!p3 $0x2;
	[sflag:s14] =	ssyncset.done @!p6 $0x0  }
0x1dd: {  	s11 =	simm.s32 @!p6 $0x50;
	s10 =	simm.s32 @!p6 $0x2000;
	[sflag:s14] =	ssyncadd.s32 @!p6 $0xFFFFD800  }
0x1de: {  	[spmem:s1] =	stream.indirect.scatter.add.f32 @!p6 [tilespmem:s10], [sflag:$0x5], $0x80, s2, s11, $0xb8;
	[tilespmem:$0x1FC00] =	vst v63  }
0x1df: {  	s9 =	smov.u32 s6;
	p5 =	por p2, p4;
	_ =	swait.ge @!p3 [sflag:s13], $0x2800  }
0x1e0: {  	s12 =	simm.s32 @!p3 $0x50;
	[sflag:s13] =	ssyncset.done @!p3 $0x0;
	s14 =	sld [smem:$0x7F1]  }
0x1e1: {  	p1 =	seq.s32 @!p1 s0, $0x0;
	s11 =	simm.s32 @!p3 $0x4800;
	[sflag:s13] =	ssyncadd.s32 @!p3 $0xFFFFD800  }
0x1e2: {  	[spmem:s1] =	stream.indirect.scatter.add.f32 @!p3 [tilespmem:s11], [sflag:$0x6], $0x80, s2, s12, $0xb8;
	[tilespmem:$0x1FC00] =	vst v63  }
0x1e3: {  	p0 =	por @!p4 p1, p0;
	s10 =	simm.s32 @!p5 $0x5;
	p1 =	seq.s32 s14, $0x1  }
0x1e4: {  	s6 =	sadd.s32 $0x1, s6;
	_ =	swait.ge @!p5 [sflag:s10], $0x2800;
	s14 =	simm.s32 @!p1 $0x2000  }
0x1e5: {  	s2 =	simm.s32 @!p1 $0x50;
	p3 =	por p1, p1;
	p1 =	sne.s32 s6, $0x20  }
0x1e6: {  	p0 =	por p0, p4;
	[sflag:s10] =	ssyncset.done @!p5 $0x0;
	s11 =	simm.s32 @!p1 $0x0  }
0x1e7: {  	s13 =	sld [smem:$0x7F2];
	[sflag:s10] =	ssyncadd.s32 @!p5 $0xFFFFD800;
	s11 =	simm.s32 @p1 $0x1  }
0x1e8: {  	[tilespmem:s14], [sflag:$0x1] =	stream.indirect.gather @!p3 [hbm4b:s8+s2], $0x80, s4, s2, $0xb8;
	[tilespmem:$0x1FC00] =	vst v63  }
0x1e9: {  	s10 =	simm.s32 @!p0 $0x6;
	[smem:$0x7F4] =	sst s11  }
0x1ea: {  	p2 =	sne.s32 @!p4 s7, $0x2;
	_ =	swait.ge @!p0 [sflag:s10], $0x2800  }
0x1eb: {  	p6 =	por p2, p4;
	[sflag:s10] =	ssyncset.done @!p0 $0x0  }
0x1ec: {  	p1 =	seq.s32 s13, $0x1;
	[sflag:s10] =	ssyncadd.s32 @!p0 $0xFFFFD800;
	s10 =	sld [smem:$0x7F2]  }
0x1ed: {  	s11 =	simm.s32 @!p1 $0x4800;
	p1 =	seq.s32 @!p6 s0, $0x0  }
0x1ee: {  	p1 =	por @!p4 p1, p2  }
0x1ef: {  	p5 =	sne.s32 @!p4 s7, $0x3;
	p1 =	por p1, p4;
	p0 =	seq.s32 s10, $0x1  }
0x1f0: {  	p3 =	por p5, p4;
	s7 =	simm.s32 @!p1 $0x7;
	s2 =	simm.s32 @!p0 $0x50  }
0x1f1: {  	[tilespmem:s11], [sflag:$0x2] =	stream.indirect.gather @!p0 [hbm4b:s8+s2], $0x80, s4, s2, $0xb8;
	[tilespmem:$0x1FC00] =	vst v63  }
0x1f2: {  	p0 =	seq.s32 @!p3 s0, $0x0;
	_ =	swait.ge @!p1 [sflag:s7], $0x2800  }
0x1f3: {  	s10 =	simm.s32 @!p6 $0x7000;
	p0 =	por @!p4 p0, p5;
	[sflag:s7] =	ssyncset.done @!p1 $0x0  }
0x1f4: {  	p0 =	por p0, p4;
	[sflag:s7] =	ssyncadd.s32 @!p1 $0xFFFFD800;
	s7 =	simm.s32 @!p6 $0x50  }
0x1f5: {  	[tilespmem:s10], [sflag:$0x3] =	stream.indirect.gather @!p6 [hbm4b:s8+s7], $0x80, s4, s7, $0xb8;
	[tilespmem:$0x1FC00] =	vst v63  }
0x1f6: {  	s7 =	sand.u32 $0x3, s0;
	s10 =	simm.s32 @!p0 $0x8  }
0x1f7: {  	s0 =	smov.u32 s9;
	_ =	swait.ge @!p0 [sflag:s10], $0x2800;
	p2 =	sgt.s32 s7, $0x1  }
0x1f8: {  	s9 =	simm.s32 @!p3 $0x9800;
	[sflag:s10] =	ssyncset.done @!p0 $0x0;
	p5 =	seq.s32 @p2 s7, $0x2  }
0x1f9: {  	[sflag:s10] =	ssyncadd.s32 @!p0 $0xFFFFD800;
	s10 =	simm.s32 @!p3 $0x50;
	p0 =	por !p5, !p2  }
0x1fa: {  	[tilespmem:s9], [sflag:$0x4] =	stream.indirect.gather @!p3 [hbm4b:s8+s10], $0x80, s4, s10, $0xb8;
	[tilespmem:$0x1FC00] =	vst v63  }
0x1fb: {  	s9 =	simm.s32 @!p0 $0x3  }
0x1fc: {  	s12 =	sld [smem:$0x7F3];
	_ =	swait.ge @!p0 [sflag:s9], $0x2800  }
0x1fd: {  	p5 =	por p5, !p2;
	s11 =	simm.s32 @!p0 $0x7000;
	[sflag:s9] =	ssyncset.done @!p0 $0x0  }
0x1fe: {  	s10 =	simm.s32 @!p5 $0x4;
	[sflag:s9] =	ssyncadd.s32 @!p0 $0xFFFFD800;
	s9 =	simm.s32 @!p0 $0x50  }
0x1ff: {  	[spmem:s1] =	stream.indirect.scatter.add.f32 @!p0 [tilespmem:s11], [sflag:$0x7], $0x80, s31, s9, $0xb8;
	[tilespmem:$0x1FC00] =	vst v63  }
0x200: {  	_ =	swait.ge @!p5 [sflag:s10], $0x2800  }
0x201: {  	s14 =	sld [smem:$0x7F4];
	_ =	sdelay $0x2  }
0x202: {  	p0 =	seq.s32 s14, $0x1  }
.Ltmp3:
0x203: {  	_ = 	snop;
	(pc) =	sbr.rel @p0 .LBB2_8-.Ltmp3, $4  }
0x204: {  	_ = 	snop  }
0x205: {  	s2 =	smov.u32 s31;
	s13 =	sadd.s32 $0xFFFFFFFF, s0  }
0x206: {  	p1 =	seq.s32 @!p2 s7, $0x0;
	s7 =	sand.u32 $0x3, s13;
	p6 =	seq.s32 s12, $0x1  }
0x207: {  	s4 =	sadd.s32 $0x80, s4;
	p4 =	por p6, p6;
	s31 =	sadd.s32 $0x80, s31  }
0x208: {  	p6 =	por !p1, p2;
	p0 =	sne.s32 @!p4 s7, $0x0  }
0x209: {  	s6 =	simm.s32 @!p5 $0x50;
	[sflag:s10] =	ssyncset.done @!p5 $0x0;
	s9 =	simm.s32 @!p5 $0x9800  }
0x20a: {  	p3 =	por p1, p2;
	s11 =	simm.s32 @!p6 $0x1;
	[sflag:s10] =	ssyncadd.s32 @!p5 $0xFFFFD800  }
0x20b: {  	[spmem:s1] =	stream.indirect.scatter.add.f32 @!p5 [tilespmem:s9], [sflag:$0x8], $0x80, s2, s6, $0xb8;
	[tilespmem:$0x1FC00] =	vst v63  }
0x20c: {  	p2 =	por p0, p0;
	p0 =	por p0, p4;
	_ =	swait.ge @!p6 [sflag:s11], $0x2800  }
0x20d: {  	s10 =	simm.s32 @!p6 $0x50;
	s6 =	simm.s32 @!p3 $0x2;
	[sflag:s11] =	ssyncset.done @!p6 $0x0  }
0x20e: {  	p1 =	seq.s32 @!p0 s0, $0x0;
	s9 =	simm.s32 @!p6 $0x2000;
	[sflag:s11] =	ssyncadd.s32 @!p6 $0xFFFFD800  }
0x20f: {  	[spmem:s1] =	stream.indirect.scatter.add.f32 @!p6 [tilespmem:s9], [sflag:$0x5], $0x80, s2, s10, $0xb8;
	[tilespmem:$0x1FC00] =	vst v63  }
0x210: {  	p5 =	sne.s32 @!p4 s7, $0x1;
	p1 =	por @!p4 p1, p2;
	_ =	swait.ge @!p3 [sflag:s6], $0x2800  }
0x211: {  	p2 =	por p5, p4;
	p1 =	por p1, p4;
	[sflag:s6] =	ssyncset.done @!p3 $0x0  }
0x212: {  	s9 =	simm.s32 @!p3 $0x4800;
	s10 =	simm.s32 @!p3 $0x50;
	[sflag:s6] =	ssyncadd.s32 @!p3 $0xFFFFD800  }
0x213: {  	[spmem:s1] =	stream.indirect.scatter.add.f32 @!p3 [tilespmem:s9], [sflag:$0x6], $0x80, s2, s10, $0xb8;
	[tilespmem:$0x1FC00] =	vst v63  }
0x214: {  	s6 =	simm.s32 @!p0 $0x2000;
	p3 =	seq.s32 @!p2 s0, $0x0;
	s2 =	simm.s32 @!p1 $0x5  }
0x215: {  	s9 =	simm.s32 @!p0 $0x50;
	p3 =	por @!p4 p3, p5;
	_ =	swait.ge @!p1 [sflag:s2], $0x2800  }
0x216: {  	p5 =	sne.s32 @!p4 s7, $0x2;
	p6 =	por p3, p4;
	[sflag:s2] =	ssyncset.done @!p1 $0x0  }
0x217: {  	p3 =	por p5, p4;
	[sflag:s2] =	ssyncadd.s32 @!p1 $0xFFFFD800;
	s2 =	simm.s32 @!p6 $0x6  }
0x218: {  	[tilespmem:s6], [sflag:$0x1] =	stream.indirect.gather @!p0 [hbm4b:s8+s9], $0x80, s4, s9, $0xb8;
	[tilespmem:$0x1FC00] =	vst v63  }
0x219: {  	p1 =	sne.s32 @!p4 s7, $0x3;
	p0 =	seq.s32 @!p3 s0, $0x0;
	_ =	swait.ge @!p6 [sflag:s2], $0x2800  }
0x21a: {  	s6 =	simm.s32 @!p2 $0x4800;
	p0 =	por @!p4 p0, p5;
	[sflag:s2] =	ssyncset.done @!p6 $0x0  }
0x21b: {  	p0 =	por p0, p4;
	[sflag:s2] =	ssyncadd.s32 @!p6 $0xFFFFD800;
	s2 =	simm.s32 @!p2 $0x50  }
0x21c: {  	[tilespmem:s6], [sflag:$0x2] =	stream.indirect.gather @!p2 [hbm4b:s8+s2], $0x80, s4, s2, $0xb8;
	[tilespmem:$0x1FC00] =	vst v63  }
0x21d: {  	s7 =	simm.s32 @!p0 $0x7;
	p2 =	por p1, p4  }
0x21e: {  	_ =	swait.ge @!p0 [sflag:s7], $0x2800;
	p5 =	seq.s32 @!p2 s0, $0x0  }
0x21f: {  	s2 =	simm.s32 @!p3 $0x7000;
	[sflag:s7] =	ssyncset.done @!p0 $0x0;
	p1 =	por @!p4 p5, p1  }
0x220: {  	s6 =	simm.s32 @!p3 $0x50;
	[sflag:s7] =	ssyncadd.s32 @!p0 $0xFFFFD800;
	p1 =	por p1, p4  }
0x221: {  	[tilespmem:s2], [sflag:$0x3] =	stream.indirect.gather @!p3 [hbm4b:s8+s6], $0x80, s4, s6, $0xb8;
	[tilespmem:$0x1FC00] =	vst v63  }
0x222: {  	s2 =	simm.s32 @!p1 $0x8  }
0x223: {  	s0 =	sand.u32 $0x3, s0;
	_ =	swait.ge @!p1 [sflag:s2], $0x2800  }
0x224: {  	p0 =	sgt.s32 s0, $0x1;
	s6 =	simm.s32 @!p2 $0x9800;
	[sflag:s2] =	ssyncset.done @!p1 $0x0  }
0x225: {  	[sflag:s2] =	ssyncadd.s32 @!p1 $0xFFFFD800;
	p1 =	seq.s32 @p0 s0, $0x2;
	s2 =	simm.s32 @!p2 $0x50  }
0x226: {  	[tilespmem:s6], [sflag:$0x4] =	stream.indirect.gather @!p2 [hbm4b:s8+s2], $0x80, s4, s2, $0xb8;
	[tilespmem:$0x1FC00] =	vst v63  }
0x227: {  	p2 =	por !p1, !p0  }
0x228: {  	s2 =	simm.s32 @!p2 $0x3  }
0x229: {  	_ =	swait.ge @!p2 [sflag:s2], $0x2800  }
0x22a: {  	p1 =	por p1, !p0;
	s4 =	simm.s32 @!p2 $0x7000;
	[sflag:s2] =	ssyncset.done @!p2 $0x0  }
0x22b: {  	s6 =	simm.s32 @!p1 $0x4;
	[sflag:s2] =	ssyncadd.s32 @!p2 $0xFFFFD800;
	s2 =	simm.s32 @!p2 $0x50  }
0x22c: {  	[spmem:s1] =	stream.indirect.scatter.add.f32 @!p2 [tilespmem:s4], [sflag:$0x7], $0x80, s31, s2, $0xb8;
	[tilespmem:$0x1FC00] =	vst v63  }
0x22d: {  	_ =	swait.ge @!p1 [sflag:s6], $0x2800  }
0x22e: {  	p2 =	seq.s32 @!p0 s0, $0x0;
	[sflag:s6] =	ssyncset.done @!p1 $0x0  }
0x22f: {  	s0 =	simm.s32 @!p1 $0x50;
	s2 =	simm.s32 @!p1 $0x9800;
	[sflag:s6] =	ssyncadd.s32 @!p1 $0xFFFFD800  }
0x230: {  	[spmem:s1] =	stream.indirect.scatter.add.f32 @!p1 [tilespmem:s2], [sflag:$0x8], $0x80, s31, s0, $0xb8;
	[tilespmem:$0x1FC00] =	vst v63  }
0x231: {  	p1 =	por !p2, p0  }
0x232: {  	s0 =	simm.s32 @!p1 $0x1  }
0x233: {  	_ =	swait.ge @!p1 [sflag:s0], $0x2800  }
0x234: {  	p0 =	por p2, p0;
	s2 =	simm.s32 @!p1 $0x2000;
	[sflag:s0] =	ssyncset.done @!p1 $0x0  }
0x235: {  	s4 =	simm.s32 @!p1 $0x50;
	[sflag:s0] =	ssyncadd.s32 @!p1 $0xFFFFD800;
	s0 =	simm.s32 @!p0 $0x2  }
0x236: {  	[spmem:s1] =	stream.indirect.scatter.add.f32 @!p1 [tilespmem:s2], [sflag:$0x5], $0x80, s31, s4, $0xb8;
	[tilespmem:$0x1FC00] =	vst v63  }
0x237: {  	_ =	swait.ge @!p0 [sflag:s0], $0x2800  }
0x238: {  	[sflag:s0] =	ssyncset.done @!p0 $0x0  }
0x239: {  	s2 =	simm.s32 @!p0 $0x4800;
	s4 =	simm.s32 @!p0 $0x50;
	[sflag:s0] =	ssyncadd.s32 @!p0 $0xFFFFD800  }
0x23a: {  	[spmem:s1] =	stream.indirect.scatter.add.f32 @!p0 [tilespmem:s2], [sflag:$0x6], $0x80, s31, s4, $0xb8;
	[tilespmem:$0x1FC00] =	vst v63  }
0x23b: {  	_ =	swait.ge [sflag:s25], $0x2800  }
0x23c: {  	[sflag:s25] =	ssyncset.done $0x0  }
0x23d: {  	[sflag:s25] =	ssyncadd.s32 $0xFFFFD800  }
0x23e: {  	_ =	swait.ge [sflag:s26], $0x2800  }
0x23f: {  	[sflag:s26] =	ssyncset.done $0x0  }
0x240: {  	[sflag:s26] =	ssyncadd.s32 $0xFFFFD800  }
0x241: {  	_ =	swait.ge [sflag:s28], $0x2800  }
0x242: {  	[sflag:s28] =	ssyncset.done $0x0  }
0x243: {  	[sflag:s28] =	ssyncadd.s32 $0xFFFFD800  }
0x244: {  	_ =	swait.ge [sflag:s29], $0x2800  }
0x245: {  	s30 =	sadd.s32 $0x1, s30;
	[sflag:s29] =	ssyncset.done $0x0  }
0x246: {  	p0 =	sne.s32 s30, s16;
	[sflag:s29] =	ssyncadd.s32 $0xFFFFD800  }
.Ltmp4:
0x247: {  	[bflag:$0x0] =	sbarrier.arrive $0xFFFF;
	(pc) =	sbr.rel @p0 .LBB2_1-.Ltmp4, $4  }
0x248: {  	[hbm:s15], [sflag:s5] =	dma.local [spmem:s17], $0x2780  }
0x249: {  	_ =	swait.ge [sflag:s18], $0x2780  }
0x24a: {  	[sflag:s18] =	ssyncset.done $0x0  }
0x24b: {  	[sflag:s18] =	ssyncadd.s32 $0xFFFFD880  }
0x24c: {  	_ =	sfence.sel $0x180000  }
0x24d: {  	[bflag:$0x0] =	sbarrier.arrive $0xFFFF  }
0x24e: {  	_ =	strace $0x9000004A  }
0x24f: {  	s0 =	stileid.u32;
	[bflag:$0x2] =	sbarrier.arrive $0xFFFF  }
0x250: {  	p0 =	sne.s32 s0, $0x0;
	s0 =	rddreg [dreg:$0x3]  }
0x251: {  	s0 =	sadd.s32 @!p0 $0x100000, s0  }
0x252: {  	[sflag:s0] =	ssyncadd.tile.s32 @!p0 $0x1;
	_ =	shalt  }
.Lfunc_end2:
_tile_overlayer_lowered:
.L_overlay_start_2:
0x253: {  	(tag) =	ssettag $0x2  }
0x254: {  	s0 =	rddreg [dreg:$0x0];
	s2 =	stileid.u32  }
0x255: {  	s1 =	rddreg [dreg:$0x1];
	p0 =	sne.s32 s2, $0x0  }
0x256: {  	s3 =	rddreg [dreg:$0x2];
	[bflag:$0x3] =	sbarrier.arrive $0xFFFF;
	s2 =	simm.s32 @!p0 $0x1C09  }
0x257: {  	[timem:s3], [sflag:s2] =	dma.local @!p0 [hbm:s0], s1  }
0x258: {  	s0 =	simm.s32 @!p0 $0x9  }
0x259: {  	_ =	swait.ge @!p0 [sflag:s0], s1  }
0x25a: {  	s1 =	ssub.s32 @!p0 $0x0, s1;
	[sflag:s0] =	ssyncset.done @!p0 $0x0  }
0x25b: {  	[sflag:s0] =	ssyncadd.s32 @!p0 s1  }
0x25c: {  	[bflag:$0x3] =	sbarrier.arrive $0xFFFF  }
0x25d: {  	_ =	shalt  }

// kernel: kernel.15.cloned.1.call-start
scs
__scs_entry_jumppad:
0x0: {  	(pc) =	sbr.rel $0x88, $3  }
0x1: {  	(tag) =	ssettag $0x0;
	lr =	simm.s32 $0x1  }
0x2: {  	[smem:$0x3F9B] =	sst lr;
	_ =	strace $0xD0000000  }
0x3: {  	_ = 	snop  }
0x4: {  	_ = 	snop  }
0x5: {  	_ = 	snop  }
0x6: {  	_ = 	snop  }
0x7: {  	_ = 	snop  }
__scs_overlays_trampoline_lowered:
0x8: {  	[smem:$0x3FAA] =	sst s0  }
0x9: {  	[smem:$0x3FAB] =	sst s1  }
0xa: {  	[smem:$0x3FAC] =	sst s2  }
0xb: {  	[smem:$0x3FAD] =	sst s3  }
0xc: {  	[smem:$0x3FAE] =	sst s4  }
0xd: {  	[smem:$0x3FAF] =	sst s5  }
0xe: {  	[smem:$0x3FB0] =	sst s6  }
0xf: {  	[smem:$0x3FB1] =	sst s7  }
0x10: {  	[smem:$0x3FB2] =	sst s8  }
0x11: {  	[smem:$0x3FB3] =	sst s9;
	s0 =	simm.s32 @!p0 $0x0  }
0x12: {  	s1 =	sld [smem:$0x3F99];
	s0 =	simm.s32 @p0 $0x1  }
0x13: {  	[smem:$0x3FB4] =	sst s0;
	s0 =	simm.s32 @!p1 $0x0  }
0x14: {  	s2 =	sld [smem:$0x3F98];
	s0 =	simm.s32 @p1 $0x1  }
0x15: {  	[smem:$0x3FB5] =	sst s0;
	s0 =	simm.s32 @!p2 $0x0  }
0x16: {  	s3 =	sld [smem:$0x3FDB];
	s0 =	simm.s32 @p2 $0x1  }
0x17: {  	s4 =	simm.s32 $0x1BF5;
	[smem:$0x3FB7] =	sst s0  }
0x18: {  	s0 =	sld [smem:$0x3F9A];
	_ =	swait.ge [sflag:s4], $0x0  }
0x19: {  	s7 =	sld [smem:$0x3F9B]  }
0x1a: {  	s8 =	sadd.s32 $0xFFFFE003, lr  }
0x1b: {  	s9 =	sadd.s32 $0xFFFFFEF7, lr;
	s5 =	simm.s32 $0xFFFFFFFF;
	p2 =	slt.u32 s8, $0xFFFFF086  }
0x1c: {  	p1 =	slt.u32 s9, $0xF7A;
	s5 =	simm.s32 @!p2 $0x0  }
0x1d: {  	s5 =	simm.s32 @p1 $0x1;
	p0 =	seq.s32 s7, s2  }
0x1e: {  	s7 =	smul.u32 @!p0 $0xF7A, s2;
	p2 =	seq.s32 @!p0 s5, $0x0  }
0x1f: {  	s9 =	smul.u32 $0xF7A, s1;
	s8 =	simm.s32 @!p0 $0x1BF5;
	p2 =	por !p2, p0  }
0x20: {  	[sflag:s8] =	ssyncset.s32 @!p0 $0xFFFFF086;
	s6 =	sadd.s32 @!p0 s3, s7;
	s7 =	simm.s32 @!p0 $0x108  }
0x21: {  	s3 =	sadd.s32 s3, s9;
	s6 =	sadd.s32 @!p0 $0x88, s6;
	s7 =	simm.s32 @p2 $0x1082  }
0x22: {  	[simem:s7], [sflag:s8] =	dma.local @!p0 [hbm:s6], $0xF7A  }
0x23: {  	s9 =	sor.u32 $0xD0000000, s2;
	s6 =	simm.s32 $0x108;
	_ =	swait.ge @!p0 [sflag:s8], $0x0  }
0x24: {  	s3 =	sadd.s32 $0x88, s3;
	s6 =	simm.s32 @!p1 $0x1082;
	[sflag:s4] =	ssyncset.s32 $0xFFFFF086  }
0x25: {  	[simem:s6], [sflag:s4] =	dma.local [hbm:s3], $0xF7A  }
0x26: {  	[smem:$0x3F9B] =	sst s1;
	(tag) =	ssettag s2;
	_ =	strace s9  }
0x27: {  	s1 =	sld [smem:$0x3FAB]  }
0x28: {  	s2 =	sld [smem:$0x3FAC]  }
0x29: {  	s4 =	sld [smem:$0x3FAE]  }
0x2a: {  	p0 =	seq.s32 s5, $0x0;
	s5 =	sld [smem:$0x3FAF]  }
0x2b: {  	s6 =	sld [smem:$0x3FB0]  }
0x2c: {  	s7 =	sld [smem:$0x3FB1]  }
0x2d: {  	s3 =	simm.s32 $0x108;
	s8 =	sld [smem:$0x3FB2]  }
0x2e: {  	s3 =	simm.s32 @!p0 $0x1082;
	s9 =	sld [smem:$0x3FB3]  }
0x2f: {  	lr =	sadd.s32 s0, s3;
	s0 =	sld [smem:$0x3FAA]  }
0x30: {  	s3 =	sld [smem:$0x3FAD]  }
0x31: {  	[smem:$0x3FB6] =	sst s10  }
0x32: {  	s10 =	sld [smem:$0x3FB4];
	_ =	sdelay $0x3  }
0x33: {  	p0 =	seq.s32 s10, $0x1;
	s10 =	sld [smem:$0x3FB6];
	_ =	sdelay $0x3  }
0x34: {  	[smem:$0x3FB6] =	sst s10  }
0x35: {  	s10 =	sld [smem:$0x3FB5];
	_ =	sdelay $0x3  }
0x36: {  	p1 =	seq.s32 s10, $0x1;
	s10 =	sld [smem:$0x3FB6];
	_ =	sdelay $0x3  }
0x37: {  	[smem:$0x3FB6] =	sst s10  }
0x38: {  	s10 =	sld [smem:$0x3FB7]  }
0x39: {  	_ = 	snop;
	(pc) =	sbr.ind lr, $3  }
0x3a: {  	_ = 	snop  }
0x3b: {  	_ = 	snop  }
0x3c: {  	p2 =	seq.s32 s10, $0x1;
	s10 =	sld [smem:$0x3FB6]  }
0x3d: {  	_ =	shalt  }
0x3e: {  	_ =	shalt  }
0x3f: {  	_ =	shalt  }
0x40: {  	_ =	shalt  }
0x41: {  	_ =	shalt  }
0x42: {  	_ =	shalt  }
0x43: {  	_ =	shalt  }
0x44: {  	_ =	shalt  }
0x45: {  	_ =	shalt  }
0x46: {  	_ =	shalt  }
0x47: {  	_ =	shalt  }
0x48: {  	_ =	shalt  }
0x49: {  	_ =	shalt  }
0x4a: {  	_ =	shalt  }
0x4b: {  	_ =	shalt  }
0x4c: {  	_ =	shalt  }
0x4d: {  	_ =	shalt  }
0x4e: {  	_ =	shalt  }
0x4f: {  	_ =	shalt  }
0x50: {  	_ =	shalt  }
0x51: {  	_ =	shalt  }
0x52: {  	_ =	shalt  }
0x53: {  	_ =	shalt  }
0x54: {  	_ =	shalt  }
0x55: {  	_ =	shalt  }
0x56: {  	_ =	shalt  }
0x57: {  	_ =	shalt  }
0x58: {  	_ =	shalt  }
0x59: {  	_ =	shalt  }
0x5a: {  	_ =	shalt  }
0x5b: {  	_ =	shalt  }
0x5c: {  	_ =	shalt  }
0x5d: {  	_ =	shalt  }
0x5e: {  	_ =	shalt  }
0x5f: {  	_ =	shalt  }
0x60: {  	_ =	shalt  }
0x61: {  	_ =	shalt  }
0x62: {  	_ =	shalt  }
0x63: {  	_ =	shalt  }
0x64: {  	_ =	shalt  }
0x65: {  	_ =	shalt  }
0x66: {  	_ =	shalt  }
0x67: {  	_ =	shalt  }
0x68: {  	_ =	shalt  }
0x69: {  	_ =	shalt  }
0x6a: {  	_ =	shalt  }
0x6b: {  	_ =	shalt  }
0x6c: {  	_ =	shalt  }
0x6d: {  	_ =	shalt  }
0x6e: {  	_ =	shalt  }
0x6f: {  	_ =	shalt  }
0x70: {  	_ =	shalt  }
0x71: {  	_ =	shalt  }
0x72: {  	_ =	shalt  }
0x73: {  	_ =	shalt  }
0x74: {  	_ =	shalt  }
0x75: {  	_ =	shalt  }
0x76: {  	_ =	shalt  }
0x77: {  	_ =	shalt  }
0x78: {  	_ =	shalt  }
0x79: {  	_ =	shalt  }
0x7a: {  	_ =	shalt  }
0x7b: {  	_ =	shalt  }
0x7c: {  	_ =	shalt  }
0x7d: {  	_ =	shalt  }
0x7e: {  	_ =	shalt  }
0x7f: {  	_ =	shalt  }
0x80: {  	_ =	shalt  }
0x81: {  	_ =	shalt  }
0x82: {  	_ =	shalt  }
0x83: {  	_ =	shalt  }
0x84: {  	_ =	shalt  }
0x85: {  	_ =	shalt  }
0x86: {  	_ =	shalt  }
0x87: {  	_ =	shalt  }
.Lfunc_end0:
.L_simem_size_0:
called_computation.2_lowered:
.L_overlay_start_0:
0x88: {  	s2 =	sld [smem:$0x3FD9]  }
0x89: {  	s3 =	sld [smem:$0x3FFE];
	_ =	sdelay $0x1  }
0x8a: {  	s1 =	srdreg.scid  }
0x8b: {  	s0 =	sand.u32 $0x1, s1  }
0x8c: {  	s17 =	sshll.u32 s0, $0xA;
	s2 =	sadd.s32 s3, s2  }
0x8d: {  	s2 =	sadd.s32 s2, s17  }
0x8e: {  	[smem:$0x3FC2] =	sst s2  }
0x8f: {  	_ = 	snop  }
0x90: {  	s2 =	sld [smem:$0x3FD0];
	(tm) =	ssettm $0x1  }
0x91: {  	s18 =	sld [smem:$0x3FFB];
	_ =	sdelay $0x3  }
0x92: {  	_ =	strace s18  }
0x93: {  	s3 =	sld [smem:$0x3FFC];
	_ =	sdelay $0x3  }
0x94: {  	_ =	strace s3  }
0x95: {  	s3 =	sld [smem:$0x3FFD];
	_ =	sdelay $0x3  }
0x96: {  	_ =	strace s3  }
0x97: {  	_ =	strace $0x8FFFFFFF  }
0x98: {  	s19 =	sld [smem:$0x3FDB];
	_ =	sdelay $0x1  }
0x99: {  	s4 =	simm.s32 $_scs_section_size  }
0x9a: {  	s5 =	simm.s32 $_size__tile_overlayer_lowered;
	s6 =	simm.s32 $_tile_overlayer_lowered  }
0x9b: {  	s22 =	simm.s32 $0x1BFF;
	s21 =	sshll.u32 s6, $0x1;
	s3 =	sadd.s32 s4, s19  }
0x9c: {  	s7 =	simm.s32 $0x0;
	s20 =	sshll.u32 s5, $0x1;
	s5 =	sadd.s32 s21, s3  }
0x9d: {  	[timem:s7], [sflag:s22] =	dma.local [hbm:s5], s20  }
0x9e: {  	_ =	swait.ge [sflag:s22], s20  }
0x9f: {  	s4 =	ssub.s32 $0x0, s20;
	[sflag:s22] =	ssyncset.done $0x0  }
0xa0: {  	[sflag:s22] =	ssyncadd.s32 s4;
	_ =	sdelay $0x1  }
0xa1: {  	s23 =	simm.s32 $0x1B8B  }
0xa2: {  	_ =	swait.ge [sflag:s23], $0x1  }
0xa3: {  	[sflag:s23] =	ssyncset.done $0x0  }
0xa4: {  	s25 =	simm.s32 $0x1B8E;
	s24 =	sld [smem:$0x3FFE];
	[sflag:s23] =	ssyncadd.s32 $0xFFFFFFFF  }
0xa5: {  	s26 =	simm.s32 $execute0_lowered;
	[smem:$0x3FD2] =	sst s25  }
0xa6: {  	s5 =	sshll.u32 s26, $0x1;
	_ =	strace $0x8000004C;
	[dreg:$0x1] =	wrdreg $0xFFFFFFFF  }
0xa7: {  	s28 =	simm.s32 $_size_execute0_lowered;
	s3 =	sadd.s32 s3, s5;
	[dreg:$0x0] =	wrdreg $0x0  }
0xa8: {  	s5 =	sshll.u32 s28, $0x1;
	[dreg:$0x2] =	wrdreg s3  }
0xa9: {  	[dreg:$0x3] =	wrdreg s5  }
0xaa: {  	[dreg:$0x4] =	wrdreg $0xC0  }
0xab: {  	_ =	task [dreg:s7], $0x5FFFF  }
0xac: {  	[dreg:$0x1] =	wrdreg $0xFFFFFFFF  }
0xad: {  	[dreg:$0x0] =	wrdreg $0x60  }
0xae: {  	[dreg:$0x2] =	wrdreg s24  }
0xaf: {  	[dreg:$0x3] =	wrdreg s2  }
0xb0: {  	[dreg:$0x4] =	wrdreg $0xC0000  }
0xb1: {  	[dreg:$0x5] =	wrdreg $0x9  }
0xb2: {  	_ =	task.clear_ibuf [dreg:s7], $0x6FFFF;
	_ =	strace $0x9000004C  }
0xb3: {  	s29 =	simm.s32 $0x9;
	_ =	strace $0x8000004E  }
0xb4: {  	_ =	swait.ge [sflag:s29], $0x1  }
0xb5: {  	[sflag:s29] =	ssyncadd.s32 $0xFFFFFFFF  }
0xb6: {  	_ =	strace $0x9000004E  }
0xb7: {  	_ =	sfence  }
0xb8: {  	s30 =	sld [smem:$0x0];
	_ =	sdelay $0x2  }
0xb9: {  	s31 =	sshll.u32 s1, $0xD;
	s1 =	sshrl.u32 s1, $0x2  }
0xba: {  	s3 =	sand.u32 $0x4000, s31;
	s1 =	sadd.s32 s1, s30  }
0xbb: {  	s0 =	sor.u32 s3, s0;
	s1 =	sshll.u32 s1, $0x11  }
0xbc: {  	s0 =	sor.u32 s1, s0  }
0xbd: {  	s0 =	sadd.s32 $0x8F2B, s0  }
0xbe: {  	[sflag:s0] =	ssyncadd.remote.s32 $0x1  }
0xbf: {  	_ =	sfence.sel $0xFFFF  }
0xc0: {  	[dreg:$0x0] =	wrdreg $0xFFFFFFFF;
	(pc) =	sbr.abs _section_cstart, $3  }
0xc1: {  	[dreg:$0x1] =	wrdreg $0xFFFFFFFF  }
0xc2: {  	_ =	task.clear_ibuf [dreg:s7], $0x2FFFF;
	_ =	strace $0x9FFFFFFF  }
0xc3: {  	(tm) =	ssettm $0x7FFFFFFF  }
tec
execute0_lowered:
.L_overlay_start_1:
0x0: {  	(tag) =	ssettag $0x1  }
0x1: {  	s0 =	rddreg [dreg:$0x0]  }
0x2: {  	s2 =	rddreg [dreg:$0x1]  }
0x3: {  	s1 =	rddreg [dreg:$0x2]  }
0x4: {  	s3 =	srdreg.scid;
	s8 =	stileid.u32;
	s28 =	simm.s32 $0x7  }
0x5: {  	s29 =	simm.s32 $0x8;
	s30 =	simm.s32 $0x0;
	s4 =	sand.u32 $0x1, s3  }
0x6: {  	s3 =	simm.s32 $0x0;
	s6 =	smul.u32 $0x13C00, s8;
	s9 =	sadd.s32 $0x2600, s0  }
0x7: {  	s17 =	smul.u32 $0x4F000, s8;
	s10 =	sadd.s32 $0xAC00, s0;
	s20 =	sshll.u32 s8, $0x6  }
0x8: {  	s22 =	sshll.u32 s8, $0xB;
	s5 =	smul.u32 $0x13C000, s4;
	[smem:$0x7FF] =	sst s3  }
0x9: {  	s4 =	ssub.s32 $0x2, s4;
	s8 =	sadd.s32 s2, s22;
	s23 =	sadd.s32 s9, s22  }
0xa: {  	s11 =	sor.u32 $0x200, s22;
	_ =	strace $0x8000004D;
	[dreg:$0x4] =	wrdreg s10  }
0xb: {  	s25 =	sor.u32 $0x400, s22;
	s18 =	sshrl.u32 s4, $0x1;
	[dreg:$0x5] =	wrdreg s8  }
0xc: {  	s19 =	sshrl.u32 s17, $0x2;
	[dreg:$0x6] =	wrdreg s23;
	s24 =	sadd.s32 s2, s11  }
0xd: {  	s11 =	sadd.s32 s9, s11;
	s26 =	sadd.s32 s2, s25;
	s23 =	simm.s32 $0x100  }
0xe: {  	s7 =	sshrl.u32 s5, $0x3;
	s5 =	sadd.s32 s6, s5;
	[dreg:$0x7] =	wrdreg s24  }
0xf: {  	s4 =	ssub.s32 s4, s18;
	s21 =	sadd.s32 s19, s1;
	[dreg:$0x8] =	wrdreg s11  }
0x10: {  	[dreg:$0x9] =	wrdreg s26;
	s6 =	sor.u32 $0x600, s22;
	s18 =	simm.s32 $0x9  }
0x11: {  	s19 =	simm.s32 $0x50;
	s22 =	simm.s32 $0x4800;
	s24 =	simm.s32 $0x7000  }
0x12: {  	s26 =	simm.s32 $0x6;
	s7 =	sadd.s32 s7, s0;
	s5 =	sshrl.u32 s5, $0x3  }
0x13: {  	s2 =	sadd.s32 s2, s6;
	s31 =	sadd.s32 s9, s6;
	s16 =	smax.u32 s4, $0x1  }
0x14: {  	s17 =	sshrl.u32 s21, $0x3;
	s21 =	simm.s32 $0x80;
	s0 =	sadd.s32 s5, s0  }
0x15: {  	s5 =	sor.u32 $0x1C09, s20;
	s8 =	sadd.s32 $0xD400, s7;
	[dreg:$0xb] =	wrdreg s2  }
0x16: {  	s7 =	sadd.s32 s9, s25;
	[dreg:$0xc] =	wrdreg s31;
	s20 =	simm.s32 $0x2000  }
0x17: {  	s25 =	simm.s32 $0x5;
	[dreg:$0xa] =	wrdreg s7;
	s15 =	sadd.s32 $0xAB400, s0  }
.LBB2_1:
0x18: {  	s0 =	rddreg [dreg:$0x4]  }
0x19: {  	[spmem:s17], [sflag:s5] =	dma.local [hbm:s0], $0x2780  }
0x1a: {  	_ =	swait.ge [sflag:s18], $0x2780  }
0x1b: {  	[sflag:s18] =	ssyncset.done $0x0  }
0x1c: {  	[sflag:s18] =	ssyncadd.s32 $0xFFFFD880  }
0x1d: {  	[bflag:$0x0] =	sbarrier.arrive $0xFFFF  }
0x1e: {  	s31 =	rddreg [dreg:$0x5]  }
0x1f: {  	[tilespmem:s3], [sflag:$0x9] =	stream.linear.gather [hbm4b:s31+s3], $0x1000, $0x38;
	[tilespmem:$0x1FC00] =	vst v63  }
0x20: {  	_ =	swait.ge [sflag:s18], $0x1000  }
0x21: {  	[sflag:s18] =	ssyncset.done $0x0  }
0x22: {  	s0 =	simm.s32 $0x1000;
	s2 =	rddreg [dreg:$0x6];
	[sflag:s18] =	ssyncadd.s32 $0xFFFFF000  }
0x23: {  	[tilespmem:s0], [sflag:$0x9] =	stream.linear.gather [hbm4b:s2+s3], $0x1000, $0x38;
	[tilespmem:$0x1FC00] =	vst v63  }
0x24: {  	_ =	swait.ge [sflag:s18], $0x1000  }
0x25: {  	[sflag:s18] =	ssyncset.done $0x0  }
0x26: {  	[sflag:s18] =	ssyncadd.s32 $0xFFFFF000  }
0x27: {  	[tilespmem:s20], [sflag:$0x1] =	stream.indirect.gather [hbm4b:s8+s19], $0x80, s3, s19, $0xb8;
	[tilespmem:$0x1FC00] =	vst v63  }
0x28: {  	_ = 	snop  }
0x29: {  	[tilespmem:s22], [sflag:$0x2] =	stream.indirect.gather [hbm4b:s8+s19], $0x80, s21, s19, $0xb8;
	[tilespmem:$0x1FC00] =	vst v63  }
0x2a: {  	s4 =	simm.s32 $0x0;
	s2 =	simm.s32 $0x180  }
0x2b: {  	[tilespmem:s24], [sflag:$0x3] =	stream.indirect.gather [hbm4b:s8+s19], $0x80, s23, s19, $0xb8;
	[tilespmem:$0x1FC00] =	vst v63  }
.LBB2_2:
0x2c: {  	s6 =	sadd.s32 $0xFFFFFFFF, s4  }
0x2d: {  	p0 =	sgt.u32 s4, $0x1C;
	s6 =	sand.u32 $0x3, s6  }
0x2e: {  	p1 =	sne.s32 @!p0 s6, $0x0  }
0x2f: {  	p2 =	por p1, p0  }
0x30: {  	p3 =	seq.s32 @!p2 s4, $0x0  }
0x31: {  	p1 =	por @!p0 p3, p1  }
0x32: {  	p1 =	por p1, p0  }
0x33: {  	s7 =	simm.s32 @!p1 $0x5  }
0x34: {  	_ =	swait.ge @!p1 [sflag:s7], $0x2800  }
0x35: {  	s9 =	simm.s32 @!p2 $0x2000;
	[sflag:s7] =	ssyncset.done @!p1 $0x0  }
0x36: {  	[sflag:s7] =	ssyncadd.s32 @!p1 $0xFFFFD800;
	s7 =	simm.s32 @!p2 $0x50;
	p1 =	sne.s32 @!p0 s6, $0x1  }
0x37: {  	[tilespmem:s9], [sflag:$0x1] =	stream.indirect.gather @!p2 [hbm4b:s8+s7], $0x80, s2, s7, $0xb8;
	[tilespmem:$0x1FC00] =	vst v63  }
0x38: {  	p2 =	por p1, p0  }
0x39: {  	p3 =	seq.s32 @!p2 s4, $0x0  }
0x3a: {  	p1 =	por @!p0 p3, p1  }
0x3b: {  	p1 =	por p1, p0  }
0x3c: {  	s7 =	simm.s32 @!p1 $0x6  }
0x3d: {  	_ =	swait.ge @!p1 [sflag:s7], $0x2800  }
0x3e: {  	s9 =	simm.s32 @!p2 $0x4800;
	[sflag:s7] =	ssyncset.done @!p1 $0x0  }
0x3f: {  	[sflag:s7] =	ssyncadd.s32 @!p1 $0xFFFFD800;
	s7 =	simm.s32 @!p2 $0x50;
	p1 =	sne.s32 @!p0 s6, $0x2  }
0x40: {  	[tilespmem:s9], [sflag:$0x2] =	stream.indirect.gather @!p2 [hbm4b:s8+s7], $0x80, s2, s7, $0xb8;
	[tilespmem:$0x1FC00] =	vst v63  }
0x41: {  	p2 =	por p1, p0  }
0x42: {  	p3 =	seq.s32 @!p2 s4, $0x0  }
0x43: {  	p1 =	por @!p0 p3, p1  }
0x44: {  	p1 =	por p1, p0  }
0x45: {  	s7 =	simm.s32 @!p1 $0x7  }
0x46: {  	_ =	swait.ge @!p1 [sflag:s7], $0x2800  }
0x47: {  	s9 =	simm.s32 @!p2 $0x7000;
	[sflag:s7] =	ssyncset.done @!p1 $0x0  }
0x48: {  	[sflag:s7] =	ssyncadd.s32 @!p1 $0xFFFFD800;
	s7 =	simm.s32 @!p2 $0x50;
	p1 =	sne.s32 @!p0 s6, $0x3  }
0x49: {  	[tilespmem:s9], [sflag:$0x3] =	stream.indirect.gather @!p2 [hbm4b:s8+s7], $0x80, s2, s7, $0xb8;
	[tilespmem:$0x1FC00] =	vst v63  }
0x4a: {  	p2 =	por p1, p0  }
0x4b: {  	p3 =	seq.s32 @!p2 s4, $0x0  }
0x4c: {  	p1 =	por @!p0 p3, p1  }
0x4d: {  	p0 =	por p1, p0  }
0x4e: {  	s6 =	simm.s32 @!p0 $0x8  }
0x4f: {  	_ =	swait.ge @!p0 [sflag:s6], $0x2800  }
0x50: {  	s7 =	sand.u32 $0x3, s4;
	s9 =	simm.s32 @!p2 $0x9800;
	[sflag:s6] =	ssyncset.done @!p0 $0x0  }
0x51: {  	[sflag:s6] =	ssyncadd.s32 @!p0 $0xFFFFD800;
	s6 =	simm.s32 @!p2 $0x50;
	p0 =	sgt.s32 s7, $0x1  }
0x52: {  	[tilespmem:s9], [sflag:$0x4] =	stream.indirect.gather @!p2 [hbm4b:s8+s6], $0x80, s2, s6, $0xb8;
	[tilespmem:$0x1FC00] =	vst v63  }
0x53: {  	p1 =	seq.s32 @p0 s7, $0x2  }
0x54: {  	p2 =	por !p1, !p0  }
0x55: {  	s6 =	simm.s32 @!p2 $0x3  }
0x56: {  	_ =	swait.ge @!p2 [sflag:s6], $0x2800  }
0x57: {  	p1 =	por p1, !p0;
	[sflag:s6] =	ssyncset.done @!p2 $0x0  }
0x58: {  	s9 =	simm.s32 @!p2 $0x7000;
	[sflag:s6] =	ssyncadd.s32 @!p2 $0xFFFFD800;
	s6 =	simm.s32 @!p2 $0x50  }
0x59: {  	[spmem:s1] =	stream.indirect.scatter.add.f32 @!p2 [tilespmem:s9], [sflag:$0x7], $0x80, s0, s6, $0xb8;
	[tilespmem:$0x1FC00] =	vst v63  }
0x5a: {  	s6 =	simm.s32 @!p1 $0x4  }
0x5b: {  	_ =	swait.ge @!p1 [sflag:s6], $0x2800  }
0x5c: {  	[sflag:s6] =	ssyncset.done @!p1 $0x0  }
0x5d: {  	s9 =	simm.s32 @!p1 $0x9800;
	[sflag:s6] =	ssyncadd.s32 @!p1 $0xFFFFD800;
	s6 =	simm.s32 @!p1 $0x50  }
0x5e: {  	[spmem:s1] =	stream.indirect.scatter.add.f32 @!p1 [tilespmem:s9], [sflag:$0x8], $0x80, s0, s6, $0xb8;
	[tilespmem:$0x1FC00] =	vst v63  }
0x5f: {  	p1 =	seq.s32 @!p0 s7, $0x0  }
0x60: {  	p2 =	por !p1, p0  }
0x61: {  	s6 =	simm.s32 @!p2 $0x1  }
0x62: {  	_ =	swait.ge @!p2 [sflag:s6], $0x2800  }
0x63: {  	p0 =	por p1, p0;
	[sflag:s6] =	ssyncset.done @!p2 $0x0  }
0x64: {  	s7 =	simm.s32 @!p2 $0x2000;
	[sflag:s6] =	ssyncadd.s32 @!p2 $0xFFFFD800;
	s6 =	simm.s32 @!p2 $0x50  }
0x65: {  	[spmem:s1] =	stream.indirect.scatter.add.f32 @!p2 [tilespmem:s7], [sflag:$0x5], $0x80, s0, s6, $0xb8;
	[tilespmem:$0x1FC00] =	vst v63  }
0x66: {  	s6 =	simm.s32 @!p0 $0x2  }
0x67: {  	_ =	swait.ge @!p0 [sflag:s6], $0x2800  }
0x68: {  	s4 =	sadd.s32 $0x1, s4;
	[sflag:s6] =	ssyncset.done @!p0 $0x0  }
0x69: {  	s7 =	simm.s32 @!p0 $0x4800;
	[sflag:s6] =	ssyncadd.s32 @!p0 $0xFFFFD800;
	s6 =	simm.s32 @!p0 $0x50  }
0x6a: {  	[spmem:s1] =	stream.indirect.scatter.add.f32 @!p0 [tilespmem:s7], [sflag:$0x6], $0x80, s0, s6, $0xb8;
	[tilespmem:$0x1FC00] =	vst v63  }
0x6b: {  	p0 =	sne.s32 s4, $0x20  }
.Ltmp0:
0x6c: {  	_ = 	snop;
	(pc) =	sbr.rel @p0 .LBB2_2-.Ltmp0, $2  }
0x6d: {  	_ =	sdelay $0x2  }
0x6e: {  	s2 =	sadd.s32 $0x80, s2;
	s0 =	sadd.s32 $0x80, s0  }
0x6f: {  	_ =	swait.ge [sflag:s25], $0x2800  }
0x70: {  	[sflag:s25] =	ssyncset.done $0x0  }
0x71: {  	[sflag:s25] =	ssyncadd.s32 $0xFFFFD800  }
0x72: {  	_ =	swait.ge [sflag:s26], $0x2800  }
0x73: {  	[sflag:s26] =	ssyncset.done $0x0  }
0x74: {  	[sflag:s26] =	ssyncadd.s32 $0xFFFFD800  }
0x75: {  	_ =	swait.ge [sflag:s28], $0x2800  }
0x76: {  	[sflag:s28] =	ssyncset.done $0x0  }
0x77: {  	[sflag:s28] =	ssyncadd.s32 $0xFFFFD800  }
0x78: {  	_ =	swait.ge [sflag:s29], $0x2800  }
0x79: {  	[sflag:s29] =	ssyncset.done $0x0  }
0x7a: {  	s2 =	simm.s32 $0x0;
	s0 =	rddreg [dreg:$0x7];
	[sflag:s29] =	ssyncadd.s32 $0xFFFFD800  }
0x7b: {  	[tilespmem:s2], [sflag:$0x9] =	stream.linear.gather [hbm4b:s0+s2], $0x1000, $0x38;
	[tilespmem:$0x1FC00] =	vst v63  }
0x7c: {  	_ =	swait.ge [sflag:s18], $0x1000  }
0x7d: {  	p0 =	por $0x0, $0x0;
	s13 =	simm.s32 $0xFFFFFFFF;
	[sflag:s18] =	ssyncset.done $0x0  }
0x7e: {  	s0 =	simm.s32 $0x1000;
	s4 =	rddreg [dreg:$0x8];
	[sflag:s18] =	ssyncadd.s32 $0xFFFFF000  }
0x7f: {  	[tilespmem:s0], [sflag:$0x9] =	stream.linear.gather [hbm4b:s4+s2], $0x1000, $0x38;
	[tilespmem:$0x1FC00] =	vst v63  }
0x80: {  	p0 =	por p0, p0;
	s4 =	sand.u32 $0x3, s13  }
0x81: {  	_ =	swait.ge [sflag:s18], $0x1000;
	p1 =	sne.s32 @!p0 s4, $0x0  }
0x82: {  	[sflag:s18] =	ssyncset.done $0x0;
	p3 =	por p1, p0  }
0x83: {  	[sflag:s18] =	ssyncadd.s32 $0xFFFFF000;
	p2 =	por @!p3 $0x1, $0x1  }
0x84: {  	[tilespmem:s20], [sflag:$0x1] =	stream.indirect.gather [hbm4b:s8+s19], $0x80, s2, s19, $0xb8;
	[tilespmem:$0x1FC00] =	vst v63  }
0x85: {  	p4 =	sne.s32 @!p0 s4, $0x1;
	p2 =	por @!p0 p2, p1  }
0x86: {  	s6 =	simm.s32 $0x180;
	p1 =	por p4, p0;
	p2 =	por p2, p0  }
0x87: {  	[tilespmem:s22], [sflag:$0x2] =	stream.indirect.gather [hbm4b:s8+s19], $0x80, s21, s19, $0xb8;
	[tilespmem:$0x1FC00] =	vst v63  }
0x88: {  	s9 =	simm.s32 @!p3 $0x2000;
	p5 =	por @!p1 $0x1, $0x1;
	s7 =	simm.s32 @!p2 $0x5  }
0x89: {  	[tilespmem:s24], [sflag:$0x3] =	stream.indirect.gather [hbm4b:s8+s19], $0x80, s23, s19, $0xb8;
	[tilespmem:$0x1FC00] =	vst v63  }
0x8a: {  	s10 =	simm.s32 @!p3 $0x50;
	p4 =	por @!p0 p5, p4;
	_ =	swait.ge @!p2 [sflag:s7], $0x2800  }
0x8b: {  	p5 =	sne.s32 @!p0 s4, $0x2;
	p4 =	por p4, p0;
	[sflag:s7] =	ssyncset.done @!p2 $0x0  }
0x8c: {  	[sflag:s7] =	ssyncadd.s32 @!p2 $0xFFFFD800;
	p2 =	por p5, p0;
	s7 =	simm.s32 @!p4 $0x6  }
0x8d: {  	[tilespmem:s9], [sflag:$0x1] =	stream.indirect.gather @!p3 [hbm4b:s8+s10], $0x80, s6, s10, $0xb8;
	[tilespmem:$0x1FC00] =	vst v63  }
0x8e: {  	p3 =	por @!p2 $0x1, $0x1;
	s9 =	simm.s32 @!p1 $0x4800;
	_ =	swait.ge @!p4 [sflag:s7], $0x2800  }
0x8f: {  	p3 =	por @!p0 p3, p5;
	p5 =	sne.s32 @!p0 s4, $0x3;
	[sflag:s7] =	ssyncset.done @!p4 $0x0  }
0x90: {  	s4 =	simm.s32 @!p1 $0x50;
	p3 =	por p3, p0;
	[sflag:s7] =	ssyncadd.s32 @!p4 $0xFFFFD800  }
0x91: {  	[tilespmem:s9], [sflag:$0x2] =	stream.indirect.gather @!p1 [hbm4b:s8+s4], $0x80, s6, s4, $0xb8;
	[tilespmem:$0x1FC00] =	vst v63  }
0x92: {  	s7 =	simm.s32 @!p3 $0x7;
	p1 =	por p5, p0  }
0x93: {  	p6 =	por $0x0, $0x0;
	_ =	swait.ge @!p3 [sflag:s7], $0x2800;
	p4 =	por @!p1 $0x1, $0x1  }
0x94: {  	s4 =	simm.s32 @!p2 $0x7000;
	[sflag:s7] =	ssyncset.done @!p3 $0x0;
	p4 =	por @!p0 p4, p5  }
0x95: {  	[sflag:s7] =	ssyncadd.s32 @!p3 $0xFFFFD800;
	s7 =	simm.s32 @!p2 $0x50;
	p4 =	por p4, p0  }
0x96: {  	[tilespmem:s4], [sflag:$0x3] =	stream.indirect.gather @!p2 [hbm4b:s8+s7], $0x80, s6, s7, $0xb8;
	[tilespmem:$0x1FC00] =	vst v63  }
0x97: {  	s14 =	simm.s32 $0x0;
	s4 =	sand.u32 $0x3, s2;
	s2 =	simm.s32 @!p4 $0x8  }
0x98: {  	s31 =	simm.s32 $0x1080;
	_ =	swait.ge @!p4 [sflag:s2], $0x2800;
	p3 =	sgt.s32 s4, $0x1  }
0x99: {  	s7 =	simm.s32 @!p1 $0x9800;
	[sflag:s2] =	ssyncset.done @!p4 $0x0;
	p0 =	seq.s32 @p3 s4, $0x2  }
0x9a: {  	[sflag:s2] =	ssyncadd.s32 @!p4 $0xFFFFD800;
	s2 =	simm.s32 @!p1 $0x50;
	p2 =	por !p0, !p3  }
0x9b: {  	[tilespmem:s7], [sflag:$0x4] =	stream.indirect.gather @!p1 [hbm4b:s8+s2], $0x80, s6, s2, $0xb8;
	[tilespmem:$0x1FC00] =	vst v63  }
0x9c: {  	p4 =	por p6, p6;
	p5 =	por p0, !p3;
	s7 =	simm.s32 @!p2 $0x3  }
0x9d: {  	s2 =	simm.s32 $0x1;
	s6 =	simm.s32 $0x2;
	_ =	swait.ge @!p2 [sflag:s7], $0x2800  }
0x9e: {  	s9 =	simm.s32 @!p2 $0x7000;
	p1 =	seq.s32 @!p3 s4, $0x0;
	[sflag:s7] =	ssyncset.done @!p2 $0x0  }
0x9f: {  	s10 =	simm.s32 @!p5 $0x4;
	[sflag:s7] =	ssyncadd.s32 @!p2 $0xFFFFD800;
	s7 =	simm.s32 @!p2 $0x50  }
0xa0: {  	[spmem:s1] =	stream.indirect.scatter.add.f32 @!p2 [tilespmem:s9], [sflag:$0x7], $0x80, s0, s7, $0xb8;
	[tilespmem:$0x1FC00] =	vst v63  }
0xa1: {  	s4 =	simm.s32 $0x200;
	s7 =	sand.u32 $0x3, s14;
	_ =	swait.ge @!p5 [sflag:s10], $0x2800  }
.LBB2_4:
0xa2: {  	p0 =	sgt.u32 s6, $0x1C  }
0xa3: {  	s9 =	simm.s32 @!p0 $0x0  }
0xa4: {  	s9 =	simm.s32 @p0 $0x1;
	p0 =	sne.s32 @!p4 s7, $0x0  }
0xa5: {  	p6 =	por !p1, p3;
	p2 =	por p1, p3;
	p1 =	por p0, p4  }
0xa6: {  	s12 =	simm.s32 @!p1 $0x0  }
0xa7: {  	[smem:$0x7FC] =	sst s9;
	p3 =	seq.s32 @!p1 s2, $0x0;
	s12 =	simm.s32 @p1 $0x1  }
0xa8: {  	p0 =	por @!p4 p3, p0;
	[smem:$0x7FB] =	sst s12  }
0xa9: {  	[sflag:s10] =	ssyncset.done @!p5 $0x0;
	[smem:$0x7F9] =	sst s0;
	s0 =	simm.s32 @!p0 $0x0  }
0xaa: {  	s0 =	simm.s32 @p0 $0x1  }
0xab: {  	s11 =	simm.s32 @!p5 $0x50;
	[smem:$0x7FA] =	sst s0  }
0xac: {  	s13 =	simm.s32 @!p2 $0x2;
	p0 =	sne.s32 @!p4 s7, $0x1;
	s0 =	sld [smem:$0x7F9]  }
0xad: {  	s14 =	simm.s32 @!p6 $0x1;
	s9 =	smov.u32 s6;
	p3 =	por p0, p4  }
0xae: {  	s12 =	simm.s32 @!p5 $0x9800;
	[sflag:s10] =	ssyncadd.s32 @!p5 $0xFFFFD800;
	p1 =	seq.s32 @!p3 s2, $0x0  }
0xaf: {  	[spmem:s1] =	stream.indirect.scatter.add.f32 @!p5 [tilespmem:s12], [sflag:$0x8], $0x80, s0, s11, $0xb8;
	[tilespmem:$0x1FC00] =	vst v63  }
0xb0: {  	s6 =	sadd.s32 $0x1, s6;
	p0 =	por @!p4 p1, p0;
	_ =	swait.ge @!p6 [sflag:s14], $0x2800  }
0xb1: {  	s10 =	simm.s32 @!p6 $0x2000;
	p0 =	por p0, p4;
	[sflag:s14] =	ssyncset.done @!p6 $0x0  }
0xb2: {  	s11 =	simm.s32 @!p6 $0x50;
	s12 =	sld [smem:$0x7FA];
	[sflag:s14] =	ssyncadd.s32 @!p6 $0xFFFFD800  }
0xb3: {  	[spmem:s1] =	stream.indirect.scatter.add.f32 @!p6 [tilespmem:s10], [sflag:$0x5], $0x80, s0, s11, $0xb8;
	[tilespmem:$0x1FC00] =	vst v63  }
0xb4: {  	s11 =	simm.s32 @!p2 $0x4800;
	p6 =	sne.s32 @!p4 s7, $0x2;
	_ =	swait.ge @!p2 [sflag:s13], $0x2800  }
0xb5: {  	p5 =	seq.s32 s12, $0x1;
	[sflag:s13] =	ssyncset.done @!p2 $0x0;
	s14 =	sld [smem:$0x7FB]  }
0xb6: {  	s12 =	simm.s32 @!p2 $0x50;
	p5 =	por p5, p4;
	[sflag:s13] =	ssyncadd.s32 @!p2 $0xFFFFD800  }
0xb7: {  	[spmem:s1] =	stream.indirect.scatter.add.f32 @!p2 [tilespmem:s11], [sflag:$0x6], $0x80, s0, s12, $0xb8;
	[tilespmem:$0x1FC00] =	vst v63  }
0xb8: {  	s10 =	simm.s32 @!p5 $0x5;
	p2 =	por p6, p6;
	p1 =	seq.s32 s14, $0x1  }
0xb9: {  	_ =	swait.ge @!p5 [sflag:s10], $0x2800;
	s14 =	simm.s32 @!p1 $0x2000;
	s0 =	simm.s32 @!p1 $0x50  }
0xba: {  	p1 =	sne.s32 s6, $0x20;
	[sflag:s10] =	ssyncset.done @!p5 $0x0;
	s13 =	sld [smem:$0x7FB]  }
0xbb: {  	p6 =	por p6, p4;
	s11 =	simm.s32 @!p1 $0x0;
	[sflag:s10] =	ssyncadd.s32 @!p5 $0xFFFFD800  }
0xbc: {  	s10 =	simm.s32 @!p0 $0x6;
	s11 =	simm.s32 @p1 $0x1;
	p1 =	seq.s32 @!p6 s2, $0x0  }
0xbd: {  	[smem:$0x7FD] =	sst s11;
	s11 =	simm.s32 @!p3 $0x4800;
	p5 =	seq.s32 s13, $0x1  }
0xbe: {  	[tilespmem:s14], [sflag:$0x1] =	stream.indirect.gather @!p5 [hbm4b:s8+s0], $0x80, s4, s0, $0xb8;
	[tilespmem:$0x1FC00] =	vst v63  }
0xbf: {  	p1 =	por @!p4 p1, p2;
	p5 =	sne.s32 @!p4 s7, $0x3;
	_ =	swait.ge @!p0 [sflag:s10], $0x2800  }
0xc0: {  	p1 =	por p1, p4;
	s0 =	simm.s32 @!p3 $0x50;
	[sflag:s10] =	ssyncset.done @!p0 $0x0  }
0xc1: {  	p2 =	por p5, p4;
	s7 =	simm.s32 @!p1 $0x7;
	[sflag:s10] =	ssyncadd.s32 @!p0 $0xFFFFD800  }
0xc2: {  	[tilespmem:s11], [sflag:$0x2] =	stream.indirect.gather @!p3 [hbm4b:s8+s0], $0x80, s4, s0, $0xb8;
	[tilespmem:$0x1FC00] =	vst v63  }
0xc3: {  	p0 =	seq.s32 @!p2 s2, $0x0;
	_ =	swait.ge @!p1 [sflag:s7], $0x2800  }
0xc4: {  	s10 =	simm.s32 @!p6 $0x7000;
	p0 =	por @!p4 p0, p5;
	[sflag:s7] =	ssyncset.done @!p1 $0x0  }
0xc5: {  	p0 =	por p0, p4;
	[sflag:s7] =	ssyncadd.s32 @!p1 $0xFFFFD800;
	s7 =	simm.s32 @!p6 $0x50  }
0xc6: {  	[tilespmem:s10], [sflag:$0x3] =	stream.indirect.gather @!p6 [hbm4b:s8+s7], $0x80, s4, s7, $0xb8;
	[tilespmem:$0x1FC00] =	vst v63  }
0xc7: {  	s7 =	sand.u32 $0x3, s2;
	s10 =	simm.s32 @!p0 $0x8  }
0xc8: {  	s2 =	smov.u32 s9;
	_ =	swait.ge @!p0 [sflag:s10], $0x2800;
	p3 =	sgt.s32 s7, $0x1  }
0xc9: {  	s9 =	simm.s32 @!p2 $0x9800;
	[sflag:s10] =	ssyncset.done @!p0 $0x0;
	p5 =	seq.s32 @p3 s7, $0x2  }
0xca: {  	[sflag:s10] =	ssyncadd.s32 @!p0 $0xFFFFD800;
	s10 =	simm.s32 @!p2 $0x50;
	p0 =	por !p5, !p3  }
0xcb: {  	[tilespmem:s9], [sflag:$0x4] =	stream.indirect.gather @!p2 [hbm4b:s8+s10], $0x80, s4, s10, $0xb8;
	[tilespmem:$0x1FC00] =	vst v63  }
0xcc: {  	s9 =	simm.s32 @!p0 $0x3  }
0xcd: {  	s12 =	sld [smem:$0x7FC];
	_ =	swait.ge @!p0 [sflag:s9], $0x2800  }
0xce: {  	p5 =	por p5, !p3;
	s11 =	simm.s32 @!p0 $0x7000;
	[sflag:s9] =	ssyncset.done @!p0 $0x0  }
0xcf: {  	s10 =	simm.s32 @!p5 $0x4;
	[sflag:s9] =	ssyncadd.s32 @!p0 $0xFFFFD800;
	s9 =	simm.s32 @!p0 $0x50  }
0xd0: {  	[spmem:s1] =	stream.indirect.scatter.add.f32 @!p0 [tilespmem:s11], [sflag:$0x7], $0x80, s31, s9, $0xb8;
	[tilespmem:$0x1FC00] =	vst v63  }
0xd1: {  	_ =	swait.ge @!p5 [sflag:s10], $0x2800  }
0xd2: {  	s14 =	sld [smem:$0x7FD];
	_ =	sdelay $0x2  }
0xd3: {  	p0 =	seq.s32 s14, $0x1  }
.Ltmp1:
0xd4: {  	_ = 	snop;
	(pc) =	sbr.rel @p0 .LBB2_4-.Ltmp1, $4  }
0xd5: {  	_ = 	snop  }
0xd6: {  	s0 =	smov.u32 s31;
	s13 =	sadd.s32 $0xFFFFFFFF, s2  }
0xd7: {  	p1 =	seq.s32 @!p3 s7, $0x0;
	s7 =	sand.u32 $0x3, s13;
	p6 =	seq.s32 s12, $0x1  }
0xd8: {  	s4 =	sadd.s32 $0x80, s4;
	p4 =	por p6, p6;
	s31 =	sadd.s32 $0x80, s31  }
0xd9: {  	p6 =	por !p1, p3;
	p0 =	sne.s32 @!p4 s7, $0x0;
	s6 =	simm.s32 @!p5 $0x50  }
0xda: {  	p3 =	por p1, p3;
	s9 =	simm.s32 @!p5 $0x9800;
	[sflag:s10] =	ssyncset.done @!p5 $0x0  }
0xdb: {  	p2 =	por p0, p4;
	s12 =	simm.s32 @!p6 $0x1;
	[sflag:s10] =	ssyncadd.s32 @!p5 $0xFFFFD800  }
0xdc: {  	[spmem:s1] =	stream.indirect.scatter.add.f32 @!p5 [tilespmem:s9], [sflag:$0x8], $0x80, s0, s6, $0xb8;
	[tilespmem:$0x1FC00] =	vst v63  }
0xdd: {  	s11 =	simm.s32 @!p3 $0x2;
	s10 =	simm.s32 @!p3 $0x50;
	_ =	swait.ge @!p6 [sflag:s12], $0x2800  }
0xde: {  	p1 =	seq.s32 @!p2 s2, $0x0;
	p5 =	sne.s32 @!p4 s7, $0x1;
	[sflag:s12] =	ssyncset.done @!p6 $0x0  }
0xdf: {  	s6 =	simm.s32 @!p6 $0x2000;
	s9 =	simm.s32 @!p6 $0x50;
	[sflag:s12] =	ssyncadd.s32 @!p6 $0xFFFFD800  }
0xe0: {  	[spmem:s1] =	stream.indirect.scatter.add.f32 @!p6 [tilespmem:s6], [sflag:$0x5], $0x80, s0, s9, $0xb8;
	[tilespmem:$0x1FC00] =	vst v63  }
0xe1: {  	p1 =	por @!p4 p1, p0;
	p0 =	por p5, p4;
	_ =	swait.ge @!p3 [sflag:s11], $0x2800  }
0xe2: {  	p1 =	por p1, p4;
	p6 =	seq.s32 @!p0 s2, $0x0;
	[sflag:s11] =	ssyncset.done @!p3 $0x0  }
0xe3: {  	s6 =	simm.s32 @!p1 $0x5;
	s9 =	simm.s32 @!p3 $0x4800;
	[sflag:s11] =	ssyncadd.s32 @!p3 $0xFFFFD800  }
0xe4: {  	[spmem:s1] =	stream.indirect.scatter.add.f32 @!p3 [tilespmem:s9], [sflag:$0x6], $0x80, s0, s10, $0xb8;
	[tilespmem:$0x1FC00] =	vst v63  }
0xe5: {  	p5 =	por @!p4 p6, p5;
	p6 =	sne.s32 @!p4 s7, $0x2;
	_ =	swait.ge @!p1 [sflag:s6], $0x2800  }
0xe6: {  	p5 =	por p5, p4;
	s0 =	simm.s32 @!p2 $0x2000;
	[sflag:s6] =	ssyncset.done @!p1 $0x0  }
0xe7: {  	s9 =	simm.s32 @!p2 $0x50;
	p3 =	por p6, p4;
	[sflag:s6] =	ssyncadd.s32 @!p1 $0xFFFFD800  }
0xe8: {  	[tilespmem:s0], [sflag:$0x1] =	stream.indirect.gather @!p2 [hbm4b:s8+s9], $0x80, s4, s9, $0xb8;
	[tilespmem:$0x1FC00] =	vst v63  }
0xe9: {  	s6 =	simm.s32 @!p5 $0x6;
	p1 =	seq.s32 @!p3 s2, $0x0;
	s0 =	simm.s32 @!p0 $0x4800  }
0xea: {  	p1 =	por @!p4 p1, p6;
	p6 =	sne.s32 @!p4 s7, $0x3;
	_ =	swait.ge @!p5 [sflag:s6], $0x2800  }
0xeb: {  	p1 =	por p1, p4;
	p2 =	por p6, p4;
	[sflag:s6] =	ssyncset.done @!p5 $0x0  }
0xec: {  	s7 =	simm.s32 @!p1 $0x7;
	[sflag:s6] =	ssyncadd.s32 @!p5 $0xFFFFD800;
	s6 =	simm.s32 @!p0 $0x50  }
0xed: {  	[tilespmem:s0], [sflag:$0x2] =	stream.indirect.gather @!p0 [hbm4b:s8+s6], $0x80, s4, s6, $0xb8;
	[tilespmem:$0x1FC00] =	vst v63  }
0xee: {  	p0 =	seq.s32 @!p2 s2, $0x0;
	_ =	swait.ge @!p1 [sflag:s7], $0x2800  }
0xef: {  	s0 =	simm.s32 @!p3 $0x7000;
	p0 =	por @!p4 p0, p6;
	[sflag:s7] =	ssyncset.done @!p1 $0x0  }
0xf0: {  	s6 =	simm.s32 @!p3 $0x50;
	[sflag:s7] =	ssyncadd.s32 @!p1 $0xFFFFD800;
	p1 =	por p0, p4  }
0xf1: {  	[tilespmem:s0], [sflag:$0x3] =	stream.indirect.gather @!p3 [hbm4b:s8+s6], $0x80, s4, s6, $0xb8;
	[tilespmem:$0x1FC00] =	vst v63  }
0xf2: {  	s0 =	sand.u32 $0x3, s2;
	s2 =	simm.s32 @!p1 $0x8  }
0xf3: {  	_ =	swait.ge @!p1 [sflag:s2], $0x2800;
	p0 =	sgt.s32 s0, $0x1  }
0xf4: {  	s6 =	simm.s32 @!p2 $0x9800;
	[sflag:s2] =	ssyncset.done @!p1 $0x0;
	p3 =	seq.s32 @p0 s0, $0x2  }
0xf5: {  	[sflag:s2] =	ssyncadd.s32 @!p1 $0xFFFFD800;
	s2 =	simm.s32 @!p2 $0x50;
	p1 =	por !p3, !p0  }
0xf6: {  	[tilespmem:s6], [sflag:$0x4] =	stream.indirect.gather @!p2 [hbm4b:s8+s2], $0x80, s4, s2, $0xb8;
	[tilespmem:$0x1FC00] =	vst v63  }
0xf7: {  	s2 =	simm.s32 @!p1 $0x3  }
0xf8: {  	_ =	swait.ge @!p1 [sflag:s2], $0x2800  }
0xf9: {  	s4 =	simm.s32 @!p1 $0x7000;
	p2 =	por p3, !p0;
	[sflag:s2] =	ssyncset.done @!p1 $0x0  }
0xfa: {  	s6 =	simm.s32 @!p2 $0x4;
	[sflag:s2] =	ssyncadd.s32 @!p1 $0xFFFFD800;
	s2 =	simm.s32 @!p1 $0x50  }
0xfb: {  	[spmem:s1] =	stream.indirect.scatter.add.f32 @!p1 [tilespmem:s4], [sflag:$0x7], $0x80, s31, s2, $0xb8;
	[tilespmem:$0x1FC00] =	vst v63  }
0xfc: {  	p1 =	seq.s32 @!p0 s0, $0x0;
	_ =	swait.ge @!p2 [sflag:s6], $0x2800  }
0xfd: {  	s0 =	simm.s32 @!p2 $0x50;
	p3 =	por !p1, p0;
	[sflag:s6] =	ssyncset.done @!p2 $0x0  }
0xfe: {  	s2 =	simm.s32 @!p2 $0x9800;
	s4 =	simm.s32 @!p3 $0x1;
	[sflag:s6] =	ssyncadd.s32 @!p2 $0xFFFFD800  }
0xff: {  	[spmem:s1] =	stream.indirect.scatter.add.f32 @!p2 [tilespmem:s2], [sflag:$0x8], $0x80, s31, s0, $0xb8;
	[tilespmem:$0x1FC00] =	vst v63  }
0x100: {  	_ =	swait.ge @!p3 [sflag:s4], $0x2800  }
0x101: {  	p0 =	por p1, p0;
	s6 =	simm.s32 @!p3 $0x50;
	[sflag:s4] =	ssyncset.done @!p3 $0x0  }
0x102: {  	s0 =	simm.s32 @!p0 $0x2;
	s2 =	simm.s32 @!p3 $0x2000;
	[sflag:s4] =	ssyncadd.s32 @!p3 $0xFFFFD800  }
0x103: {  	[spmem:s1] =	stream.indirect.scatter.add.f32 @!p3 [tilespmem:s2], [sflag:$0x5], $0x80, s31, s6, $0xb8;
	[tilespmem:$0x1FC00] =	vst v63  }
0x104: {  	_ =	swait.ge @!p0 [sflag:s0], $0x2800  }
0x105: {  	[sflag:s0] =	ssyncset.done @!p0 $0x0  }
0x106: {  	s4 =	simm.s32 @!p0 $0x50;
	s2 =	simm.s32 @!p0 $0x4800;
	[sflag:s0] =	ssyncadd.s32 @!p0 $0xFFFFD800  }
0x107: {  	[spmem:s1] =	stream.indirect.scatter.add.f32 @!p0 [tilespmem:s2], [sflag:$0x6], $0x80, s31, s4, $0xb8;
	[tilespmem:$0x1FC00] =	vst v63  }
0x108: {  	_ =	swait.ge [sflag:s25], $0x2800  }
0x109: {  	[sflag:s25] =	ssyncset.done $0x0  }
0x10a: {  	[sflag:s25] =	ssyncadd.s32 $0xFFFFD800  }
0x10b: {  	_ =	swait.ge [sflag:s26], $0x2800  }
0x10c: {  	[sflag:s26] =	ssyncset.done $0x0  }
0x10d: {  	[sflag:s26] =	ssyncadd.s32 $0xFFFFD800  }
0x10e: {  	_ =	swait.ge [sflag:s28], $0x2800  }
0x10f: {  	[sflag:s28] =	ssyncset.done $0x0  }
0x110: {  	[sflag:s28] =	ssyncadd.s32 $0xFFFFD800  }
0x111: {  	_ =	swait.ge [sflag:s29], $0x2800  }
0x112: {  	s14 =	simm.s32 $0x0;
	[sflag:s29] =	ssyncset.done $0x0  }
0x113: {  	s13 =	simm.s32 $0xFFFFFFFF;
	s11 =	rddreg [dreg:$0x9];
	[sflag:s29] =	ssyncadd.s32 $0xFFFFD800  }
0x114: {  	[tilespmem:s14], [sflag:$0x9] =	stream.linear.gather [hbm4b:s11+s14], $0x1000, $0x38;
	[tilespmem:$0x1FC00] =	vst v63  }
0x115: {  	p5 =	por $0x0, $0x0;
	s0 =	simm.s32 $0x1000;
	_ =	swait.ge [sflag:s18], $0x1000  }
0x116: {  	p0 =	por p5, p5;
	s4 =	sand.u32 $0x3, s13;
	[sflag:s18] =	ssyncset.done $0x0  }
0x117: {  	p1 =	sne.s32 @!p0 s4, $0x0;
	s12 =	rddreg [dreg:$0xa];
	[sflag:s18] =	ssyncadd.s32 $0xFFFFF000  }
0x118: {  	[tilespmem:s0], [sflag:$0x9] =	stream.linear.gather [hbm4b:s12+s14], $0x1000, $0x38;
	[tilespmem:$0x1FC00] =	vst v63  }
0x119: {  	p3 =	por p1, p0;
	_ =	swait.ge [sflag:s18], $0x1000  }
0x11a: {  	p2 =	por @!p3 $0x1, $0x1;
	[sflag:s18] =	ssyncset.done $0x0  }
0x11b: {  	p4 =	sne.s32 @!p0 s4, $0x1;
	p2 =	por @!p0 p2, p1;
	[sflag:s18] =	ssyncadd.s32 $0xFFFFF000  }
0x11c: {  	[tilespmem:s20], [sflag:$0x1] =	stream.indirect.gather [hbm4b:s8+s19], $0x80, s14, s19, $0xb8;
	[tilespmem:$0x1FC00] =	vst v63  }
0x11d: {  	s6 =	simm.s32 $0x180;
	p1 =	por p4, p0;
	p2 =	por p2, p0  }
0x11e: {  	[tilespmem:s22], [sflag:$0x2] =	stream.indirect.gather [hbm4b:s8+s19], $0x80, s21, s19, $0xb8;
	[tilespmem:$0x1FC00] =	vst v63  }
0x11f: {  	s9 =	simm.s32 @!p3 $0x2000;
	p5 =	por @!p1 $0x1, $0x1;
	s7 =	simm.s32 @!p2 $0x5  }
0x120: {  	[tilespmem:s24], [sflag:$0x3] =	stream.indirect.gather [hbm4b:s8+s19], $0x80, s23, s19, $0xb8;
	[tilespmem:$0x1FC00] =	vst v63  }
0x121: {  	s10 =	simm.s32 @!p3 $0x50;
	p4 =	por @!p0 p5, p4;
	_ =	swait.ge @!p2 [sflag:s7], $0x2800  }
0x122: {  	p5 =	sne.s32 @!p0 s4, $0x2;
	p4 =	por p4, p0;
	[sflag:s7] =	ssyncset.done @!p2 $0x0  }
0x123: {  	[sflag:s7] =	ssyncadd.s32 @!p2 $0xFFFFD800;
	p2 =	por p5, p0;
	s7 =	simm.s32 @!p4 $0x6  }
0x124: {  	[tilespmem:s9], [sflag:$0x1] =	stream.indirect.gather @!p3 [hbm4b:s8+s10], $0x80, s6, s10, $0xb8;
	[tilespmem:$0x1FC00] =	vst v63  }
0x125: {  	p3 =	por @!p2 $0x1, $0x1;
	s9 =	simm.s32 @!p1 $0x4800;
	_ =	swait.ge @!p4 [sflag:s7], $0x2800  }
0x126: {  	p3 =	por @!p0 p3, p5;
	p5 =	sne.s32 @!p0 s4, $0x3;
	[sflag:s7] =	ssyncset.done @!p4 $0x0  }
0x127: {  	s4 =	simm.s32 @!p1 $0x50;
	p3 =	por p3, p0;
	[sflag:s7] =	ssyncadd.s32 @!p4 $0xFFFFD800  }
0x128: {  	[tilespmem:s9], [sflag:$0x2] =	stream.indirect.gather @!p1 [hbm4b:s8+s4], $0x80, s6, s4, $0xb8;
	[tilespmem:$0x1FC00] =	vst v63  }
0x129: {  	s7 =	simm.s32 @!p3 $0x7;
	p1 =	por p5, p0  }
0x12a: {  	p6 =	por $0x0, $0x0;
	_ =	swait.ge @!p3 [sflag:s7], $0x2800;
	p4 =	por @!p1 $0x1, $0x1  }
0x12b: {  	s4 =	simm.s32 @!p2 $0x7000;
	[sflag:s7] =	ssyncset.done @!p3 $0x0;
	p4 =	por @!p0 p4, p5  }
0x12c: {  	[sflag:s7] =	ssyncadd.s32 @!p3 $0xFFFFD800;
	s7 =	simm.s32 @!p2 $0x50;
	p4 =	por p4, p0  }
0x12d: {  	[tilespmem:s4], [sflag:$0x3] =	stream.indirect.gather @!p2 [hbm4b:s8+s7], $0x80, s6, s7, $0xb8;
	[tilespmem:$0x1FC00] =	vst v63  }
0x12e: {  	s31 =	simm.s32 $0x1080;
	s4 =	sand.u32 $0x3, s14;
	s2 =	simm.s32 @!p4 $0x8  }
0x12f: {  	s7 =	simm.s32 @!p1 $0x9800;
	_ =	swait.ge @!p4 [sflag:s2], $0x2800;
	p3 =	sgt.s32 s4, $0x1  }
0x130: {  	s14 =	simm.s32 $0x0;
	[sflag:s2] =	ssyncset.done @!p4 $0x0;
	p0 =	seq.s32 @p3 s4, $0x2  }
0x131: {  	[sflag:s2] =	ssyncadd.s32 @!p4 $0xFFFFD800;
	s2 =	simm.s32 @!p1 $0x50;
	p2 =	por !p0, !p3  }
0x132: {  	[tilespmem:s7], [sflag:$0x4] =	stream.indirect.gather @!p1 [hbm4b:s8+s2], $0x80, s6, s2, $0xb8;
	[tilespmem:$0x1FC00] =	vst v63  }
0x133: {  	p4 =	por p6, p6;
	p5 =	por p0, !p3;
	s7 =	simm.s32 @!p2 $0x3  }
0x134: {  	s2 =	simm.s32 $0x1;
	s6 =	simm.s32 $0x2;
	_ =	swait.ge @!p2 [sflag:s7], $0x2800  }
0x135: {  	s9 =	simm.s32 @!p2 $0x7000;
	p1 =	seq.s32 @!p3 s4, $0x0;
	[sflag:s7] =	ssyncset.done @!p2 $0x0  }
0x136: {  	s10 =	simm.s32 @!p5 $0x4;
	[sflag:s7] =	ssyncadd.s32 @!p2 $0xFFFFD800;
	s7 =	simm.s32 @!p2 $0x50  }
0x137: {  	[spmem:s1] =	stream.indirect.scatter.add.f32 @!p2 [tilespmem:s9], [sflag:$0x7], $0x80, s0, s7, $0xb8;
	[tilespmem:$0x1FC00] =	vst v63  }
0x138: {  	s4 =	simm.s32 $0x200;
	s7 =	sand.u32 $0x3, s14;
	_ =	swait.ge @!p5 [sflag:s10], $0x2800  }
.LBB2_6:
0x139: {  	p0 =	sgt.u32 s6, $0x1C  }
0x13a: {  	s9 =	simm.s32 @!p0 $0x0  }
0x13b: {  	s9 =	simm.s32 @p0 $0x1;
	p0 =	sne.s32 @!p4 s7, $0x0  }
0x13c: {  	p6 =	por !p1, p3;
	p2 =	por p1, p3;
	p1 =	por p0, p4  }
0x13d: {  	s12 =	simm.s32 @!p1 $0x0  }
0x13e: {  	[smem:$0x7F7] =	sst s9;
	p3 =	seq.s32 @!p1 s2, $0x0;
	s12 =	simm.s32 @p1 $0x1  }
0x13f: {  	p0 =	por @!p4 p3, p0;
	[smem:$0x7F6] =	sst s12  }
0x140: {  	[sflag:s10] =	ssyncset.done @!p5 $0x0;
	[smem:$0x7F9] =	sst s0;
	s0 =	simm.s32 @!p0 $0x0  }
0x141: {  	s0 =	simm.s32 @p0 $0x1  }
0x142: {  	s11 =	simm.s32 @!p5 $0x50;
	[smem:$0x7F5] =	sst s0  }
0x143: {  	s13 =	simm.s32 @!p2 $0x2;
	p0 =	sne.s32 @!p4 s7, $0x1;
	s0 =	sld [smem:$0x7F9]  }
0x144: {  	s14 =	simm.s32 @!p6 $0x1;
	s9 =	smov.u32 s6;
	p3 =	por p0, p4  }
0x145: {  	s12 =	simm.s32 @!p5 $0x9800;
	[sflag:s10] =	ssyncadd.s32 @!p5 $0xFFFFD800;
	p1 =	seq.s32 @!p3 s2, $0x0  }
0x146: {  	[spmem:s1] =	stream.indirect.scatter.add.f32 @!p5 [tilespmem:s12], [sflag:$0x8], $0x80, s0, s11, $0xb8;
	[tilespmem:$0x1FC00] =	vst v63  }
0x147: {  	s6 =	sadd.s32 $0x1, s6;
	p0 =	por @!p4 p1, p0;
	_ =	swait.ge @!p6 [sflag:s14], $0x2800  }
0x148: {  	s10 =	simm.s32 @!p6 $0x2000;
	p0 =	por p0, p4;
	[sflag:s14] =	ssyncset.done @!p6 $0x0  }
0x149: {  	s11 =	simm.s32 @!p6 $0x50;
	s12 =	sld [smem:$0x7F5];
	[sflag:s14] =	ssyncadd.s32 @!p6 $0xFFFFD800  }
0x14a: {  	[spmem:s1] =	stream.indirect.scatter.add.f32 @!p6 [tilespmem:s10], [sflag:$0x5], $0x80, s0, s11, $0xb8;
	[tilespmem:$0x1FC00] =	vst v63  }
0x14b: {  	s11 =	simm.s32 @!p2 $0x4800;
	p6 =	sne.s32 @!p4 s7, $0x2;
	_ =	swait.ge @!p2 [sflag:s13], $0x2800  }
0x14c: {  	p5 =	seq.s32 s12, $0x1;
	[sflag:s13] =	ssyncset.done @!p2 $0x0;
	s14 =	sld [smem:$0x7F6]  }
0x14d: {  	s12 =	simm.s32 @!p2 $0x50;
	p5 =	por p5, p4;
	[sflag:s13] =	ssyncadd.s32 @!p2 $0xFFFFD800  }
0x14e: {  	[spmem:s1] =	stream.indirect.scatter.add.f32 @!p2 [tilespmem:s11], [sflag:$0x6], $0x80, s0, s12, $0xb8;
	[tilespmem:$0x1FC00] =	vst v63  }
0x14f: {  	s10 =	simm.s32 @!p5 $0x5;
	p2 =	por p6, p6;
	p1 =	seq.s32 s14, $0x1  }
0x150: {  	_ =	swait.ge @!p5 [sflag:s10], $0x2800;
	s14 =	simm.s32 @!p1 $0x2000;
	s0 =	simm.s32 @!p1 $0x50  }
0x151: {  	p1 =	sne.s32 s6, $0x20;
	[sflag:s10] =	ssyncset.done @!p5 $0x0;
	s13 =	sld [smem:$0x7F6]  }
0x152: {  	p6 =	por p6, p4;
	s11 =	simm.s32 @!p1 $0x0;
	[sflag:s10] =	ssyncadd.s32 @!p5 $0xFFFFD800  }
0x153: {  	s10 =	simm.s32 @!p0 $0x6;
	s11 =	simm.s32 @p1 $0x1;
	p1 =	seq.s32 @!p6 s2, $0x0  }
0x154: {  	[smem:$0x7F8] =	sst s11;
	s11 =	simm.s32 @!p3 $0x4800;
	p5 =	seq.s32 s13, $0x1  }
0x155: {  	[tilespmem:s14], [sflag:$0x1] =	stream.indirect.gather @!p5 [hbm4b:s8+s0], $0x80, s4, s0, $0xb8;
	[tilespmem:$0x1FC00] =	vst v63  }
0x156: {  	p1 =	por @!p4 p1, p2;
	p5 =	sne.s32 @!p4 s7, $0x3;
	_ =	swait.ge @!p0 [sflag:s10], $0x2800  }
0x157: {  	p1 =	por p1, p4;
	s0 =	simm.s32 @!p3 $0x50;
	[sflag:s10] =	ssyncset.done @!p0 $0x0  }
0x158: {  	p2 =	por p5, p4;
	s7 =	simm.s32 @!p1 $0x7;
	[sflag:s10] =	ssyncadd.s32 @!p0 $0xFFFFD800  }
0x159: {  	[tilespmem:s11], [sflag:$0x2] =	stream.indirect.gather @!p3 [hbm4b:s8+s0], $0x80, s4, s0, $0xb8;
	[tilespmem:$0x1FC00] =	vst v63  }
0x15a: {  	p0 =	seq.s32 @!p2 s2, $0x0;
	_ =	swait.ge @!p1 [sflag:s7], $0x2800  }
0x15b: {  	s10 =	simm.s32 @!p6 $0x7000;
	p0 =	por @!p4 p0, p5;
	[sflag:s7] =	ssyncset.done @!p1 $0x0  }
0x15c: {  	p0 =	por p0, p4;
	[sflag:s7] =	ssyncadd.s32 @!p1 $0xFFFFD800;
	s7 =	simm.s32 @!p6 $0x50  }
0x15d: {  	[tilespmem:s10], [sflag:$0x3] =	stream.indirect.gather @!p6 [hbm4b:s8+s7], $0x80, s4, s7, $0xb8;
	[tilespmem:$0x1FC00] =	vst v63  }
0x15e: {  	s7 =	sand.u32 $0x3, s2;
	s10 =	simm.s32 @!p0 $0x8  }
0x15f: {  	s2 =	smov.u32 s9;
	_ =	swait.ge @!p0 [sflag:s10], $0x2800;
	p3 =	sgt.s32 s7, $0x1  }
0x160: {  	s9 =	simm.s32 @!p2 $0x9800;
	[sflag:s10] =	ssyncset.done @!p0 $0x0;
	p5 =	seq.s32 @p3 s7, $0x2  }
0x161: {  	[sflag:s10] =	ssyncadd.s32 @!p0 $0xFFFFD800;
	s10 =	simm.s32 @!p2 $0x50;
	p0 =	por !p5, !p3  }
0x162: {  	[tilespmem:s9], [sflag:$0x4] =	stream.indirect.gather @!p2 [hbm4b:s8+s10], $0x80, s4, s10, $0xb8;
	[tilespmem:$0x1FC00] =	vst v63  }
0x163: {  	s9 =	simm.s32 @!p0 $0x3  }
0x164: {  	s12 =	sld [smem:$0x7F7];
	_ =	swait.ge @!p0 [sflag:s9], $0x2800  }
0x165: {  	p5 =	por p5, !p3;
	s11 =	simm.s32 @!p0 $0x7000;
	[sflag:s9] =	ssyncset.done @!p0 $0x0  }
0x166: {  	s10 =	simm.s32 @!p5 $0x4;
	[sflag:s9] =	ssyncadd.s32 @!p0 $0xFFFFD800;
	s9 =	simm.s32 @!p0 $0x50  }
0x167: {  	[spmem:s1] =	stream.indirect.scatter.add.f32 @!p0 [tilespmem:s11], [sflag:$0x7], $0x80, s31, s9, $0xb8;
	[tilespmem:$0x1FC00] =	vst v63  }
0x168: {  	_ =	swait.ge @!p5 [sflag:s10], $0x2800  }
0x169: {  	s14 =	sld [smem:$0x7F8];
	_ =	sdelay $0x2  }
0x16a: {  	p0 =	seq.s32 s14, $0x1  }
.Ltmp2:
0x16b: {  	_ = 	snop;
	(pc) =	sbr.rel @p0 .LBB2_6-.Ltmp2, $4  }
0x16c: {  	_ = 	snop  }
0x16d: {  	s0 =	smov.u32 s31;
	s13 =	sadd.s32 $0xFFFFFFFF, s2  }
0x16e: {  	p1 =	seq.s32 @!p3 s7, $0x0;
	s7 =	sand.u32 $0x3, s13;
	p6 =	seq.s32 s12, $0x1  }
0x16f: {  	s4 =	sadd.s32 $0x80, s4;
	p4 =	por p6, p6;
	s31 =	sadd.s32 $0x80, s31  }
0x170: {  	p6 =	por !p1, p3;
	p0 =	sne.s32 @!p4 s7, $0x0;
	s6 =	simm.s32 @!p5 $0x50  }
0x171: {  	p3 =	por p1, p3;
	s9 =	simm.s32 @!p5 $0x9800;
	[sflag:s10] =	ssyncset.done @!p5 $0x0  }
0x172: {  	p2 =	por p0, p4;
	s12 =	simm.s32 @!p6 $0x1;
	[sflag:s10] =	ssyncadd.s32 @!p5 $0xFFFFD800  }
0x173: {  	[spmem:s1] =	stream.indirect.scatter.add.f32 @!p5 [tilespmem:s9], [sflag:$0x8], $0x80, s0, s6, $0xb8;
	[tilespmem:$0x1FC00] =	vst v63  }
0x174: {  	s11 =	simm.s32 @!p3 $0x2;
	s10 =	simm.s32 @!p3 $0x50;
	_ =	swait.ge @!p6 [sflag:s12], $0x2800  }
0x175: {  	p1 =	seq.s32 @!p2 s2, $0x0;
	p5 =	sne.s32 @!p4 s7, $0x1;
	[sflag:s12] =	ssyncset.done @!p6 $0x0  }
0x176: {  	s6 =	simm.s32 @!p6 $0x2000;
	s9 =	simm.s32 @!p6 $0x50;
	[sflag:s12] =	ssyncadd.s32 @!p6 $0xFFFFD800  }
0x177: {  	[spmem:s1] =	stream.indirect.scatter.add.f32 @!p6 [tilespmem:s6], [sflag:$0x5], $0x80, s0, s9, $0xb8;
	[tilespmem:$0x1FC00] =	vst v63  }
0x178: {  	p1 =	por @!p4 p1, p0;
	p0 =	por p5, p4;
	_ =	swait.ge @!p3 [sflag:s11], $0x2800  }
0x179: {  	p1 =	por p1, p4;
	p6 =	seq.s32 @!p0 s2, $0x0;
	[sflag:s11] =	ssyncset.done @!p3 $0x0  }
0x17a: {  	s6 =	simm.s32 @!p1 $0x5;
	s9 =	simm.s32 @!p3 $0x4800;
	[sflag:s11] =	ssyncadd.s32 @!p3 $0xFFFFD800  }
0x17b: {  	[spmem:s1] =	stream.indirect.scatter.add.f32 @!p3 [tilespmem:s9], [sflag:$0x6], $0x80, s0, s10, $0xb8;
	[tilespmem:$0x1FC00] =	vst v63  }
0x17c: {  	p5 =	por @!p4 p6, p5;
	p6 =	sne.s32 @!p4 s7, $0x2;
	_ =	swait.ge @!p1 [sflag:s6], $0x2800  }
0x17d: {  	p5 =	por p5, p4;
	s0 =	simm.s32 @!p2 $0x2000;
	[sflag:s6] =	ssyncset.done @!p1 $0x0  }
0x17e: {  	s9 =	simm.s32 @!p2 $0x50;
	p3 =	por p6, p4;
	[sflag:s6] =	ssyncadd.s32 @!p1 $0xFFFFD800  }
0x17f: {  	[tilespmem:s0], [sflag:$0x1] =	stream.indirect.gather @!p2 [hbm4b:s8+s9], $0x80, s4, s9, $0xb8;
	[tilespmem:$0x1FC00] =	vst v63  }
0x180: {  	s6 =	simm.s32 @!p5 $0x6;
	p1 =	seq.s32 @!p3 s2, $0x0;
	s0 =	simm.s32 @!p0 $0x4800  }
0x181: {  	p1 =	por @!p4 p1, p6;
	p6 =	sne.s32 @!p4 s7, $0x3;
	_ =	swait.ge @!p5 [sflag:s6], $0x2800  }
0x182: {  	p1 =	por p1, p4;
	p2 =	por p6, p4;
	[sflag:s6] =	ssyncset.done @!p5 $0x0  }
0x183: {  	s7 =	simm.s32 @!p1 $0x7;
	[sflag:s6] =	ssyncadd.s32 @!p5 $0xFFFFD800;
	s6 =	simm.s32 @!p0 $0x50  }
0x184: {  	[tilespmem:s0], [sflag:$0x2] =	stream.indirect.gather @!p0 [hbm4b:s8+s6], $0x80, s4, s6, $0xb8;
	[tilespmem:$0x1FC00] =	vst v63  }
0x185: {  	p0 =	seq.s32 @!p2 s2, $0x0;
	_ =	swait.ge @!p1 [sflag:s7], $0x2800  }
0x186: {  	s0 =	simm.s32 @!p3 $0x7000;
	p0 =	por @!p4 p0, p6;
	[sflag:s7] =	ssyncset.done @!p1 $0x0  }
0x187: {  	s6 =	simm.s32 @!p3 $0x50;
	[sflag:s7] =	ssyncadd.s32 @!p1 $0xFFFFD800;
	p1 =	por p0, p4  }
0x188: {  	[tilespmem:s0], [sflag:$0x3] =	stream.indirect.gather @!p3 [hbm4b:s8+s6], $0x80, s4, s6, $0xb8;
	[tilespmem:$0x1FC00] =	vst v63  }
0x189: {  	s0 =	sand.u32 $0x3, s2;
	s2 =	simm.s32 @!p1 $0x8  }
0x18a: {  	_ =	swait.ge @!p1 [sflag:s2], $0x2800;
	p0 =	sgt.s32 s0, $0x1  }
0x18b: {  	s6 =	simm.s32 @!p2 $0x9800;
	[sflag:s2] =	ssyncset.done @!p1 $0x0;
	p3 =	seq.s32 @p0 s0, $0x2  }
0x18c: {  	[sflag:s2] =	ssyncadd.s32 @!p1 $0xFFFFD800;
	s2 =	simm.s32 @!p2 $0x50;
	p1 =	por !p3, !p0  }
0x18d: {  	[tilespmem:s6], [sflag:$0x4] =	stream.indirect.gather @!p2 [hbm4b:s8+s2], $0x80, s4, s2, $0xb8;
	[tilespmem:$0x1FC00] =	vst v63  }
0x18e: {  	s2 =	simm.s32 @!p1 $0x3  }
0x18f: {  	_ =	swait.ge @!p1 [sflag:s2], $0x2800  }
0x190: {  	s4 =	simm.s32 @!p1 $0x7000;
	p2 =	por p3, !p0;
	[sflag:s2] =	ssyncset.done @!p1 $0x0  }
0x191: {  	s6 =	simm.s32 @!p2 $0x4;
	[sflag:s2] =	ssyncadd.s32 @!p1 $0xFFFFD800;
	s2 =	simm.s32 @!p1 $0x50  }
0x192: {  	[spmem:s1] =	stream.indirect.scatter.add.f32 @!p1 [tilespmem:s4], [sflag:$0x7], $0x80, s31, s2, $0xb8;
	[tilespmem:$0x1FC00] =	vst v63  }
0x193: {  	p1 =	seq.s32 @!p0 s0, $0x0;
	_ =	swait.ge @!p2 [sflag:s6], $0x2800  }
0x194: {  	s0 =	simm.s32 @!p2 $0x50;
	p3 =	por !p1, p0;
	[sflag:s6] =	ssyncset.done @!p2 $0x0  }
0x195: {  	s2 =	simm.s32 @!p2 $0x9800;
	s4 =	simm.s32 @!p3 $0x1;
	[sflag:s6] =	ssyncadd.s32 @!p2 $0xFFFFD800  }
0x196: {  	[spmem:s1] =	stream.indirect.scatter.add.f32 @!p2 [tilespmem:s2], [sflag:$0x8], $0x80, s31, s0, $0xb8;
	[tilespmem:$0x1FC00] =	vst v63  }
0x197: {  	_ =	swait.ge @!p3 [sflag:s4], $0x2800  }
0x198: {  	p0 =	por p1, p0;
	s6 =	simm.s32 @!p3 $0x50;
	[sflag:s4] =	ssyncset.done @!p3 $0x0  }
0x199: {  	s0 =	simm.s32 @!p0 $0x2;
	s2 =	simm.s32 @!p3 $0x2000;
	[sflag:s4] =	ssyncadd.s32 @!p3 $0xFFFFD800  }
0x19a: {  	[spmem:s1] =	stream.indirect.scatter.add.f32 @!p3 [tilespmem:s2], [sflag:$0x5], $0x80, s31, s6, $0xb8;
	[tilespmem:$0x1FC00] =	vst v63  }
0x19b: {  	_ =	swait.ge @!p0 [sflag:s0], $0x2800  }
0x19c: {  	[sflag:s0] =	ssyncset.done @!p0 $0x0  }
0x19d: {  	s4 =	simm.s32 @!p0 $0x50;
	s2 =	simm.s32 @!p0 $0x4800;
	[sflag:s0] =	ssyncadd.s32 @!p0 $0xFFFFD800  }
0x19e: {  	[spmem:s1] =	stream.indirect.scatter.add.f32 @!p0 [tilespmem:s2], [sflag:$0x6], $0x80, s31, s4, $0xb8;
	[tilespmem:$0x1FC00] =	vst v63  }
0x19f: {  	_ =	swait.ge [sflag:s25], $0x2800  }
0x1a0: {  	[sflag:s25] =	ssyncset.done $0x0  }
0x1a1: {  	[sflag:s25] =	ssyncadd.s32 $0xFFFFD800  }
0x1a2: {  	_ =	swait.ge [sflag:s26], $0x2800  }
0x1a3: {  	[sflag:s26] =	ssyncset.done $0x0  }
0x1a4: {  	[sflag:s26] =	ssyncadd.s32 $0xFFFFD800  }
0x1a5: {  	_ =	swait.ge [sflag:s28], $0x2800  }
0x1a6: {  	[sflag:s28] =	ssyncset.done $0x0  }
0x1a7: {  	[sflag:s28] =	ssyncadd.s32 $0xFFFFD800  }
0x1a8: {  	_ =	swait.ge [sflag:s29], $0x2800  }
0x1a9: {  	s14 =	simm.s32 $0x0;
	[sflag:s29] =	ssyncset.done $0x0  }
0x1aa: {  	s13 =	simm.s32 $0xFFFFFFFF;
	s11 =	rddreg [dreg:$0xb];
	[sflag:s29] =	ssyncadd.s32 $0xFFFFD800  }
0x1ab: {  	[tilespmem:s14], [sflag:$0x9] =	stream.linear.gather [hbm4b:s11+s14], $0x1000, $0x38;
	[tilespmem:$0x1FC00] =	vst v63  }
0x1ac: {  	p5 =	por $0x0, $0x0;
	s2 =	simm.s32 $0x1000;
	_ =	swait.ge [sflag:s18], $0x1000  }
0x1ad: {  	p0 =	por p5, p5;
	s4 =	sand.u32 $0x3, s13;
	[sflag:s18] =	ssyncset.done $0x0  }
0x1ae: {  	p1 =	sne.s32 @!p0 s4, $0x0;
	s12 =	rddreg [dreg:$0xc];
	[sflag:s18] =	ssyncadd.s32 $0xFFFFF000  }
0x1af: {  	[tilespmem:s2], [sflag:$0x9] =	stream.linear.gather [hbm4b:s12+s14], $0x1000, $0x38;
	[tilespmem:$0x1FC00] =	vst v63  }
0x1b0: {  	p3 =	por p1, p0;
	_ =	swait.ge [sflag:s18], $0x1000  }
0x1b1: {  	p2 =	por @!p3 $0x1, $0x1;
	[sflag:s18] =	ssyncset.done $0x0  }
0x1b2: {  	p4 =	sne.s32 @!p0 s4, $0x1;
	p2 =	por @!p0 p2, p1;
	[sflag:s18] =	ssyncadd.s32 $0xFFFFF000  }
0x1b3: {  	[tilespmem:s20], [sflag:$0x1] =	stream.indirect.gather [hbm4b:s8+s19], $0x80, s14, s19, $0xb8;
	[tilespmem:$0x1FC00] =	vst v63  }
0x1b4: {  	s6 =	simm.s32 $0x180;
	p1 =	por p4, p0;
	p2 =	por p2, p0  }
0x1b5: {  	[tilespmem:s22], [sflag:$0x2] =	stream.indirect.gather [hbm4b:s8+s19], $0x80, s21, s19, $0xb8;
	[tilespmem:$0x1FC00] =	vst v63  }
0x1b6: {  	s9 =	simm.s32 @!p3 $0x2000;
	p5 =	por @!p1 $0x1, $0x1;
	s7 =	simm.s32 @!p2 $0x5  }
0x1b7: {  	[tilespmem:s24], [sflag:$0x3] =	stream.indirect.gather [hbm4b:s8+s19], $0x80, s23, s19, $0xb8;
	[tilespmem:$0x1FC00] =	vst v63  }
0x1b8: {  	s10 =	simm.s32 @!p3 $0x50;
	p4 =	por @!p0 p5, p4;
	_ =	swait.ge @!p2 [sflag:s7], $0x2800  }
0x1b9: {  	p5 =	sne.s32 @!p0 s4, $0x2;
	p4 =	por p4, p0;
	[sflag:s7] =	ssyncset.done @!p2 $0x0  }
0x1ba: {  	[sflag:s7] =	ssyncadd.s32 @!p2 $0xFFFFD800;
	p2 =	por p5, p0;
	s7 =	simm.s32 @!p4 $0x6  }
0x1bb: {  	[tilespmem:s9], [sflag:$0x1] =	stream.indirect.gather @!p3 [hbm4b:s8+s10], $0x80, s6, s10, $0xb8;
	[tilespmem:$0x1FC00] =	vst v63  }
0x1bc: {  	p3 =	por @!p2 $0x1, $0x1;
	s9 =	simm.s32 @!p1 $0x4800;
	_ =	swait.ge @!p4 [sflag:s7], $0x2800  }
0x1bd: {  	p3 =	por @!p0 p3, p5;
	p5 =	sne.s32 @!p0 s4, $0x3;
	[sflag:s7] =	ssyncset.done @!p4 $0x0  }
0x1be: {  	s4 =	simm.s32 @!p1 $0x50;
	p3 =	por p3, p0;
	[sflag:s7] =	ssyncadd.s32 @!p4 $0xFFFFD800  }
0x1bf: {  	[tilespmem:s9], [sflag:$0x2] =	stream.indirect.gather @!p1 [hbm4b:s8+s4], $0x80, s6, s4, $0xb8;
	[tilespmem:$0x1FC00] =	vst v63  }
0x1c0: {  	s7 =	simm.s32 @!p3 $0x7;
	p1 =	por p5, p0  }
0x1c1: {  	p6 =	por $0x0, $0x0;
	_ =	swait.ge @!p3 [sflag:s7], $0x2800;
	p4 =	por @!p1 $0x1, $0x1  }
0x1c2: {  	s4 =	simm.s32 @!p2 $0x7000;
	[sflag:s7] =	ssyncset.done @!p3 $0x0;
	p4 =	por @!p0 p4, p5  }
0x1c3: {  	[sflag:s7] =	ssyncadd.s32 @!p3 $0xFFFFD800;
	s7 =	simm.s32 @!p2 $0x50;
	p3 =	por p4, p0  }
0x1c4: {  	[tilespmem:s4], [sflag:$0x3] =	stream.indirect.gather @!p2 [hbm4b:s8+s7], $0x80, s6, s7, $0xb8;
	[tilespmem:$0x1FC00] =	vst v63  }
0x1c5: {  	s31 =	simm.s32 $0x1080;
	s4 =	sand.u32 $0x3, s14;
	s0 =	simm.s32 @!p3 $0x8  }
0x1c6: {  	p4 =	por p6, p6;
	_ =	swait.ge @!p3 [sflag:s0], $0x2800;
	p2 =	sgt.s32 s4, $0x1  }
0x1c7: {  	s7 =	simm.s32 @!p1 $0x9800;
	[sflag:s0] =	ssyncset.done @!p3 $0x0;
	p0 =	seq.s32 @p2 s4, $0x2  }
0x1c8: {  	[sflag:s0] =	ssyncadd.s32 @!p3 $0xFFFFD800;
	s0 =	simm.s32 @!p1 $0x50;
	p3 =	por !p0, !p2  }
0x1c9: {  	[tilespmem:s7], [sflag:$0x4] =	stream.indirect.gather @!p1 [hbm4b:s8+s0], $0x80, s6, s0, $0xb8;
	[tilespmem:$0x1FC00] =	vst v63  }
0x1ca: {  	s14 =	simm.s32 $0x0;
	p5 =	por p0, !p2;
	s7 =	simm.s32 @!p3 $0x3  }
0x1cb: {  	s0 =	simm.s32 $0x1;
	s6 =	simm.s32 $0x2;
	_ =	swait.ge @!p3 [sflag:s7], $0x2800  }
0x1cc: {  	s9 =	simm.s32 @!p3 $0x7000;
	p1 =	seq.s32 @!p2 s4, $0x0;
	[sflag:s7] =	ssyncset.done @!p3 $0x0  }
0x1cd: {  	s10 =	simm.s32 @!p5 $0x4;
	[sflag:s7] =	ssyncadd.s32 @!p3 $0xFFFFD800;
	s7 =	simm.s32 @!p3 $0x50  }
0x1ce: {  	[spmem:s1] =	stream.indirect.scatter.add.f32 @!p3 [tilespmem:s9], [sflag:$0x7], $0x80, s2, s7, $0xb8;
	[tilespmem:$0x1FC00] =	vst v63  }
0x1cf: {  	s4 =	simm.s32 $0x200;
	s7 =	sand.u32 $0x3, s14;
	_ =	swait.ge @!p5 [sflag:s10], $0x2800  }
.LBB2_8:
0x1d0: {  	p0 =	sgt.u32 s6, $0x1C  }
0x1d1: {  	p6 =	por !p1, p2;
	s9 =	simm.s32 @!p0 $0x0  }
0x1d2: {  	s11 =	simm.s32 @!p5 $0x50;
	s9 =	simm.s32 @p0 $0x1;
	p0 =	sne.s32 @!p4 s7, $0x0  }
0x1d3: {  	p3 =	por p1, p2;
	[sflag:s10] =	ssyncset.done @!p5 $0x0;
	p1 =	por p0, p4  }
0x1d4: {  	[sflag:s10] =	ssyncadd.s32 @!p5 $0xFFFFD800;
	s12 =	simm.s32 @!p1 $0x0;
	p2 =	seq.s32 @!p1 s0, $0x0  }
0x1d5: {  	s12 =	simm.s32 @p1 $0x1;
	p2 =	por @!p4 p2, p0;
	p0 =	sne.s32 @!p4 s7, $0x1  }
0x1d6: {  	[smem:$0x7F1] =	sst s12;
	s12 =	simm.s32 @!p5 $0x9800;
	p1 =	por p0, p4  }
0x1d7: {  	[spmem:s1] =	stream.indirect.scatter.add.f32 @!p5 [tilespmem:s12], [sflag:$0x8], $0x80, s2, s11, $0xb8;
	[tilespmem:$0x1FC00] =	vst v63  }
0x1d8: {  	s10 =	simm.s32 @!p1 $0x0  }
0x1d9: {  	[smem:$0x7F3] =	sst s9;
	s10 =	simm.s32 @p1 $0x1  }
0x1da: {  	s14 =	simm.s32 @!p6 $0x1;
	[smem:$0x7F2] =	sst s10  }
0x1db: {  	_ =	swait.ge @!p6 [sflag:s14], $0x2800  }
0x1dc: {  	s13 =	simm.s32 @!p3 $0x2;
	[sflag:s14] =	ssyncset.done @!p6 $0x0  }
0x1dd: {  	s11 =	simm.s32 @!p6 $0x50;
	s10 =	simm.s32 @!p6 $0x2000;
	[sflag:s14] =	ssyncadd.s32 @!p6 $0xFFFFD800  }
0x1de: {  	[spmem:s1] =	stream.indirect.scatter.add.f32 @!p6 [tilespmem:s10], [sflag:$0x5], $0x80, s2, s11, $0xb8;
	[tilespmem:$0x1FC00] =	vst v63  }
0x1df: {  	s9 =	smov.u32 s6;
	p5 =	por p2, p4;
	_ =	swait.ge @!p3 [sflag:s13], $0x2800  }
0x1e0: {  	s12 =	simm.s32 @!p3 $0x50;
	[sflag:s13] =	ssyncset.done @!p3 $0x0;
	s14 =	sld [smem:$0x7F1]  }
0x1e1: {  	p1 =	seq.s32 @!p1 s0, $0x0;
	s11 =	simm.s32 @!p3 $0x4800;
	[sflag:s13] =	ssyncadd.s32 @!p3 $0xFFFFD800  }
0x1e2: {  	[spmem:s1] =	stream.indirect.scatter.add.f32 @!p3 [tilespmem:s11], [sflag:$0x6], $0x80, s2, s12, $0xb8;
	[tilespmem:$0x1FC00] =	vst v63  }
0x1e3: {  	p0 =	por @!p4 p1, p0;
	s10 =	simm.s32 @!p5 $0x5;
	p1 =	seq.s32 s14, $0x1  }
0x1e4: {  	s6 =	sadd.s32 $0x1, s6;
	_ =	swait.ge @!p5 [sflag:s10], $0x2800;
	s14 =	simm.s32 @!p1 $0x2000  }
0x1e5: {  	s2 =	simm.s32 @!p1 $0x50;
	p3 =	por p1, p1;
	p1 =	sne.s32 s6, $0x20  }
0x1e6: {  	p0 =	por p0, p4;
	[sflag:s10] =	ssyncset.done @!p5 $0x0;
	s11 =	simm.s32 @!p1 $0x0  }
0x1e7: {  	s13 =	sld [smem:$0x7F2];
	[sflag:s10] =	ssyncadd.s32 @!p5 $0xFFFFD800;
	s11 =	simm.s32 @p1 $0x1  }
0x1e8: {  	[tilespmem:s14], [sflag:$0x1] =	stream.indirect.gather @!p3 [hbm4b:s8+s2], $0x80, s4, s2, $0xb8;
	[tilespmem:$0x1FC00] =	vst v63  }
0x1e9: {  	s10 =	simm.s32 @!p0 $0x6;
	[smem:$0x7F4] =	sst s11  }
0x1ea: {  	p2 =	sne.s32 @!p4 s7, $0x2;
	_ =	swait.ge @!p0 [sflag:s10], $0x2800  }
0x1eb: {  	p6 =	por p2, p4;
	[sflag:s10] =	ssyncset.done @!p0 $0x0  }
0x1ec: {  	p1 =	seq.s32 s13, $0x1;
	[sflag:s10] =	ssyncadd.s32 @!p0 $0xFFFFD800;
	s10 =	sld [smem:$0x7F2]  }
0x1ed: {  	s11 =	simm.s32 @!p1 $0x4800;
	p1 =	seq.s32 @!p6 s0, $0x0  }
0x1ee: {  	p1 =	por @!p4 p1, p2  }
0x1ef: {  	p5 =	sne.s32 @!p4 s7, $0x3;
	p1 =	por p1, p4;
	p0 =	seq.s32 s10, $0x1  }
0x1f0: {  	p3 =	por p5, p4;
	s7 =	simm.s32 @!p1 $0x7;
	s2 =	simm.s32 @!p0 $0x50  }
0x1f1: {  	[tilespmem:s11], [sflag:$0x2] =	stream.indirect.gather @!p0 [hbm4b:s8+s2], $0x80, s4, s2, $0xb8;
	[tilespmem:$0x1FC00] =	vst v63  }
0x1f2: {  	p0 =	seq.s32 @!p3 s0, $0x0;
	_ =	swait.ge @!p1 [sflag:s7], $0x2800  }
0x1f3: {  	s10 =	simm.s32 @!p6 $0x7000;
	p0 =	por @!p4 p0, p5;
	[sflag:s7] =	ssyncset.done @!p1 $0x0  }
0x1f4: {  	p0 =	por p0, p4;
	[sflag:s7] =	ssyncadd.s32 @!p1 $0xFFFFD800;
	s7 =	simm.s32 @!p6 $0x50  }
0x1f5: {  	[tilespmem:s10], [sflag:$0x3] =	stream.indirect.gather @!p6 [hbm4b:s8+s7], $0x80, s4, s7, $0xb8;
	[tilespmem:$0x1FC00] =	vst v63  }
0x1f6: {  	s7 =	sand.u32 $0x3, s0;
	s10 =	simm.s32 @!p0 $0x8  }
0x1f7: {  	s0 =	smov.u32 s9;
	_ =	swait.ge @!p0 [sflag:s10], $0x2800;
	p2 =	sgt.s32 s7, $0x1  }
0x1f8: {  	s9 =	simm.s32 @!p3 $0x9800;
	[sflag:s10] =	ssyncset.done @!p0 $0x0;
	p5 =	seq.s32 @p2 s7, $0x2  }
0x1f9: {  	[sflag:s10] =	ssyncadd.s32 @!p0 $0xFFFFD800;
	s10 =	simm.s32 @!p3 $0x50;
	p0 =	por !p5, !p2  }
0x1fa: {  	[tilespmem:s9], [sflag:$0x4] =	stream.indirect.gather @!p3 [hbm4b:s8+s10], $0x80, s4, s10, $0xb8;
	[tilespmem:$0x1FC00] =	vst v63  }
0x1fb: {  	s9 =	simm.s32 @!p0 $0x3  }
0x1fc: {  	s12 =	sld [smem:$0x7F3];
	_ =	swait.ge @!p0 [sflag:s9], $0x2800  }
0x1fd: {  	p5 =	por p5, !p2;
	s11 =	simm.s32 @!p0 $0x7000;
	[sflag:s9] =	ssyncset.done @!p0 $0x0  }
0x1fe: {  	s10 =	simm.s32 @!p5 $0x4;
	[sflag:s9] =	ssyncadd.s32 @!p0 $0xFFFFD800;
	s9 =	simm.s32 @!p0 $0x50  }
0x1ff: {  	[spmem:s1] =	stream.indirect.scatter.add.f32 @!p0 [tilespmem:s11], [sflag:$0x7], $0x80, s31, s9, $0xb8;
	[tilespmem:$0x1FC00] =	vst v63  }
0x200: {  	_ =	swait.ge @!p5 [sflag:s10], $0x2800  }
0x201: {  	s14 =	sld [smem:$0x7F4];
	_ =	sdelay $0x2  }
0x202: {  	p0 =	seq.s32 s14, $0x1  }
.Ltmp3:
0x203: {  	_ = 	snop;
	(pc) =	sbr.rel @p0 .LBB2_8-.Ltmp3, $4  }
0x204: {  	_ = 	snop  }
0x205: {  	s2 =	smov.u32 s31;
	s13 =	sadd.s32 $0xFFFFFFFF, s0  }
0x206: {  	p1 =	seq.s32 @!p2 s7, $0x0;
	s7 =	sand.u32 $0x3, s13;
	p6 =	seq.s32 s12, $0x1  }
0x207: {  	s4 =	sadd.s32 $0x80, s4;
	p4 =	por p6, p6;
	s31 =	sadd.s32 $0x80, s31  }
0x208: {  	p6 =	por !p1, p2;
	p0 =	sne.s32 @!p4 s7, $0x0  }
0x209: {  	s6 =	simm.s32 @!p5 $0x50;
	[sflag:s10] =	ssyncset.done @!p5 $0x0;
	s9 =	simm.s32 @!p5 $0x9800  }
0x20a: {  	p3 =	por p1, p2;
	s11 =	simm.s32 @!p6 $0x1;
	[sflag:s10] =	ssyncadd.s32 @!p5 $0xFFFFD800  }
0x20b: {  	[spmem:s1] =	stream.indirect.scatter.add.f32 @!p5 [tilespmem:s9], [sflag:$0x8], $0x80, s2, s6, $0xb8;
	[tilespmem:$0x1FC00] =	vst v63  }
0x20c: {  	p2 =	por p0, p0;
	p0 =	por p0, p4;
	_ =	swait.ge @!p6 [sflag:s11], $0x2800  }
0x20d: {  	s10 =	simm.s32 @!p6 $0x50;
	s6 =	simm.s32 @!p3 $0x2;
	[sflag:s11] =	ssyncset.done @!p6 $0x0  }
0x20e: {  	p1 =	seq.s32 @!p0 s0, $0x0;
	s9 =	simm.s32 @!p6 $0x2000;
	[sflag:s11] =	ssyncadd.s32 @!p6 $0xFFFFD800  }
0x20f: {  	[spmem:s1] =	stream.indirect.scatter.add.f32 @!p6 [tilespmem:s9], [sflag:$0x5], $0x80, s2, s10, $0xb8;
	[tilespmem:$0x1FC00] =	vst v63  }
0x210: {  	p5 =	sne.s32 @!p4 s7, $0x1;
	p1 =	por @!p4 p1, p2;
	_ =	swait.ge @!p3 [sflag:s6], $0x2800  }
0x211: {  	p2 =	por p5, p4;
	p1 =	por p1, p4;
	[sflag:s6] =	ssyncset.done @!p3 $0x0  }
0x212: {  	s9 =	simm.s32 @!p3 $0x4800;
	s10 =	simm.s32 @!p3 $0x50;
	[sflag:s6] =	ssyncadd.s32 @!p3 $0xFFFFD800  }
0x213: {  	[spmem:s1] =	stream.indirect.scatter.add.f32 @!p3 [tilespmem:s9], [sflag:$0x6], $0x80, s2, s10, $0xb8;
	[tilespmem:$0x1FC00] =	vst v63  }
0x214: {  	s6 =	simm.s32 @!p0 $0x2000;
	p3 =	seq.s32 @!p2 s0, $0x0;
	s2 =	simm.s32 @!p1 $0x5  }
0x215: {  	s9 =	simm.s32 @!p0 $0x50;
	p3 =	por @!p4 p3, p5;
	_ =	swait.ge @!p1 [sflag:s2], $0x2800  }
0x216: {  	p5 =	sne.s32 @!p4 s7, $0x2;
	p6 =	por p3, p4;
	[sflag:s2] =	ssyncset.done @!p1 $0x0  }
0x217: {  	p3 =	por p5, p4;
	[sflag:s2] =	ssyncadd.s32 @!p1 $0xFFFFD800;
	s2 =	simm.s32 @!p6 $0x6  }
0x218: {  	[tilespmem:s6], [sflag:$0x1] =	stream.indirect.gather @!p0 [hbm4b:s8+s9], $0x80, s4, s9, $0xb8;
	[tilespmem:$0x1FC00] =	vst v63  }
0x219: {  	p1 =	sne.s32 @!p4 s7, $0x3;
	p0 =	seq.s32 @!p3 s0, $0x0;
	_ =	swait.ge @!p6 [sflag:s2], $0x2800  }
0x21a: {  	s6 =	simm.s32 @!p2 $0x4800;
	p0 =	por @!p4 p0, p5;
	[sflag:s2] =	ssyncset.done @!p6 $0x0  }
0x21b: {  	p0 =	por p0, p4;
	[sflag:s2] =	ssyncadd.s32 @!p6 $0xFFFFD800;
	s2 =	simm.s32 @!p2 $0x50  }
0x21c: {  	[tilespmem:s6], [sflag:$0x2] =	stream.indirect.gather @!p2 [hbm4b:s8+s2], $0x80, s4, s2, $0xb8;
	[tilespmem:$0x1FC00] =	vst v63  }
0x21d: {  	s7 =	simm.s32 @!p0 $0x7;
	p2 =	por p1, p4  }
0x21e: {  	_ =	swait.ge @!p0 [sflag:s7], $0x2800;
	p5 =	seq.s32 @!p2 s0, $0x0  }
0x21f: {  	s2 =	simm.s32 @!p3 $0x7000;
	[sflag:s7] =	ssyncset.done @!p0 $0x0;
	p1 =	por @!p4 p5, p1  }
0x220: {  	s6 =	simm.s32 @!p3 $0x50;
	[sflag:s7] =	ssyncadd.s32 @!p0 $0xFFFFD800;
	p1 =	por p1, p4  }
0x221: {  	[tilespmem:s2], [sflag:$0x3] =	stream.indirect.gather @!p3 [hbm4b:s8+s6], $0x80, s4, s6, $0xb8;
	[tilespmem:$0x1FC00] =	vst v63  }
0x222: {  	s2 =	simm.s32 @!p1 $0x8  }
0x223: {  	s0 =	sand.u32 $0x3, s0;
	_ =	swait.ge @!p1 [sflag:s2], $0x2800  }
0x224: {  	p0 =	sgt.s32 s0, $0x1;
	s6 =	simm.s32 @!p2 $0x9800;
	[sflag:s2] =	ssyncset.done @!p1 $0x0  }
0x225: {  	[sflag:s2] =	ssyncadd.s32 @!p1 $0xFFFFD800;
	p1 =	seq.s32 @p0 s0, $0x2;
	s2 =	simm.s32 @!p2 $0x50  }
0x226: {  	[tilespmem:s6], [sflag:$0x4] =	stream.indirect.gather @!p2 [hbm4b:s8+s2], $0x80, s4, s2, $0xb8;
	[tilespmem:$0x1FC00] =	vst v63  }
0x227: {  	p2 =	por !p1, !p0  }
0x228: {  	s2 =	simm.s32 @!p2 $0x3  }
0x229: {  	_ =	swait.ge @!p2 [sflag:s2], $0x2800  }
0x22a: {  	p1 =	por p1, !p0;
	s4 =	simm.s32 @!p2 $0x7000;
	[sflag:s2] =	ssyncset.done @!p2 $0x0  }
0x22b: {  	s6 =	simm.s32 @!p1 $0x4;
	[sflag:s2] =	ssyncadd.s32 @!p2 $0xFFFFD800;
	s2 =	simm.s32 @!p2 $0x50  }
0x22c: {  	[spmem:s1] =	stream.indirect.scatter.add.f32 @!p2 [tilespmem:s4], [sflag:$0x7], $0x80, s31, s2, $0xb8;
	[tilespmem:$0x1FC00] =	vst v63  }
0x22d: {  	_ =	swait.ge @!p1 [sflag:s6], $0x2800  }
0x22e: {  	p2 =	seq.s32 @!p0 s0, $0x0;
	[sflag:s6] =	ssyncset.done @!p1 $0x0  }
0x22f: {  	s0 =	simm.s32 @!p1 $0x50;
	s2 =	simm.s32 @!p1 $0x9800;
	[sflag:s6] =	ssyncadd.s32 @!p1 $0xFFFFD800  }
0x230: {  	[spmem:s1] =	stream.indirect.scatter.add.f32 @!p1 [tilespmem:s2], [sflag:$0x8], $0x80, s31, s0, $0xb8;
	[tilespmem:$0x1FC00] =	vst v63  }
0x231: {  	p1 =	por !p2, p0  }
0x232: {  	s0 =	simm.s32 @!p1 $0x1  }
0x233: {  	_ =	swait.ge @!p1 [sflag:s0], $0x2800  }
0x234: {  	p0 =	por p2, p0;
	s2 =	simm.s32 @!p1 $0x2000;
	[sflag:s0] =	ssyncset.done @!p1 $0x0  }
0x235: {  	s4 =	simm.s32 @!p1 $0x50;
	[sflag:s0] =	ssyncadd.s32 @!p1 $0xFFFFD800;
	s0 =	simm.s32 @!p0 $0x2  }
0x236: {  	[spmem:s1] =	stream.indirect.scatter.add.f32 @!p1 [tilespmem:s2], [sflag:$0x5], $0x80, s31, s4, $0xb8;
	[tilespmem:$0x1FC00] =	vst v63  }
0x237: {  	_ =	swait.ge @!p0 [sflag:s0], $0x2800  }
0x238: {  	[sflag:s0] =	ssyncset.done @!p0 $0x0  }
0x239: {  	s2 =	simm.s32 @!p0 $0x4800;
	s4 =	simm.s32 @!p0 $0x50;
	[sflag:s0] =	ssyncadd.s32 @!p0 $0xFFFFD800  }
0x23a: {  	[spmem:s1] =	stream.indirect.scatter.add.f32 @!p0 [tilespmem:s2], [sflag:$0x6], $0x80, s31, s4, $0xb8;
	[tilespmem:$0x1FC00] =	vst v63  }
0x23b: {  	_ =	swait.ge [sflag:s25], $0x2800  }
0x23c: {  	[sflag:s25] =	ssyncset.done $0x0  }
0x23d: {  	[sflag:s25] =	ssyncadd.s32 $0xFFFFD800  }
0x23e: {  	_ =	swait.ge [sflag:s26], $0x2800  }
0x23f: {  	[sflag:s26] =	ssyncset.done $0x0  }
0x240: {  	[sflag:s26] =	ssyncadd.s32 $0xFFFFD800  }
0x241: {  	_ =	swait.ge [sflag:s28], $0x2800  }
0x242: {  	[sflag:s28] =	ssyncset.done $0x0  }
0x243: {  	[sflag:s28] =	ssyncadd.s32 $0xFFFFD800  }
0x244: {  	_ =	swait.ge [sflag:s29], $0x2800  }
0x245: {  	s30 =	sadd.s32 $0x1, s30;
	[sflag:s29] =	ssyncset.done $0x0  }
0x246: {  	p0 =	sne.s32 s30, s16;
	[sflag:s29] =	ssyncadd.s32 $0xFFFFD800  }
.Ltmp4:
0x247: {  	[bflag:$0x0] =	sbarrier.arrive $0xFFFF;
	(pc) =	sbr.rel @p0 .LBB2_1-.Ltmp4, $4  }
0x248: {  	[hbm:s15], [sflag:s5] =	dma.local [spmem:s17], $0x2780  }
0x249: {  	_ =	swait.ge [sflag:s18], $0x2780  }
0x24a: {  	[sflag:s18] =	ssyncset.done $0x0  }
0x24b: {  	[sflag:s18] =	ssyncadd.s32 $0xFFFFD880  }
0x24c: {  	_ =	sfence.sel $0x180000  }
0x24d: {  	[bflag:$0x0] =	sbarrier.arrive $0xFFFF  }
0x24e: {  	_ =	strace $0x9000004D  }
0x24f: {  	s0 =	stileid.u32;
	[bflag:$0x2] =	sbarrier.arrive $0xFFFF  }
0x250: {  	p0 =	sne.s32 s0, $0x0;
	s0 =	rddreg [dreg:$0x3]  }
0x251: {  	s0 =	sadd.s32 @!p0 $0x100000, s0  }
0x252: {  	[sflag:s0] =	ssyncadd.tile.s32 @!p0 $0x1;
	_ =	shalt  }
.Lfunc_end2:
_tile_overlayer_lowered:
.L_overlay_start_2:
0x253: {  	(tag) =	ssettag $0x2  }
0x254: {  	s0 =	rddreg [dreg:$0x0];
	s2 =	stileid.u32  }
0x255: {  	s1 =	rddreg [dreg:$0x1];
	p0 =	sne.s32 s2, $0x0  }
0x256: {  	s3 =	rddreg [dreg:$0x2];
	[bflag:$0x3] =	sbarrier.arrive $0xFFFF;
	s2 =	simm.s32 @!p0 $0x1C09  }
0x257: {  	[timem:s3], [sflag:s2] =	dma.local @!p0 [hbm:s0], s1  }
0x258: {  	s0 =	simm.s32 @!p0 $0x9  }
0x259: {  	_ =	swait.ge @!p0 [sflag:s0], s1  }
0x25a: {  	s1 =	ssub.s32 @!p0 $0x0, s1;
	[sflag:s0] =	ssyncset.done @!p0 $0x0  }
0x25b: {  	[sflag:s0] =	ssyncadd.s32 @!p0 s1  }
0x25c: {  	[bflag:$0x3] =	sbarrier.arrive $0xFFFF  }
0x25d: {  	_ =	shalt  }

// kernel: kernel.9.cloned.1.call-start
scs
__scs_entry_jumppad:
0x0: {  	(pc) =	sbr.rel $0x88, $3  }
0x1: {  	(tag) =	ssettag $0x0;
	lr =	simm.s32 $0x1  }
0x2: {  	[smem:$0x3F9B] =	sst lr;
	_ =	strace $0xD0000000  }
0x3: {  	_ = 	snop  }
0x4: {  	_ = 	snop  }
0x5: {  	_ = 	snop  }
0x6: {  	_ = 	snop  }
0x7: {  	_ = 	snop  }
__scs_overlays_trampoline_lowered:
0x8: {  	[smem:$0x3FAA] =	sst s0  }
0x9: {  	[smem:$0x3FAB] =	sst s1  }
0xa: {  	[smem:$0x3FAC] =	sst s2  }
0xb: {  	[smem:$0x3FAD] =	sst s3  }
0xc: {  	[smem:$0x3FAE] =	sst s4  }
0xd: {  	[smem:$0x3FAF] =	sst s5  }
0xe: {  	[smem:$0x3FB0] =	sst s6  }
0xf: {  	[smem:$0x3FB1] =	sst s7  }
0x10: {  	[smem:$0x3FB2] =	sst s8  }
0x11: {  	[smem:$0x3FB3] =	sst s9;
	s0 =	simm.s32 @!p0 $0x0  }
0x12: {  	s1 =	sld [smem:$0x3F99];
	s0 =	simm.s32 @p0 $0x1  }
0x13: {  	[smem:$0x3FB4] =	sst s0;
	s0 =	simm.s32 @!p1 $0x0  }
0x14: {  	s2 =	sld [smem:$0x3F98];
	s0 =	simm.s32 @p1 $0x1  }
0x15: {  	[smem:$0x3FB5] =	sst s0;
	s0 =	simm.s32 @!p2 $0x0  }
0x16: {  	s3 =	sld [smem:$0x3FDB];
	s0 =	simm.s32 @p2 $0x1  }
0x17: {  	s4 =	simm.s32 $0x1BF5;
	[smem:$0x3FB7] =	sst s0  }
0x18: {  	s0 =	sld [smem:$0x3F9A];
	_ =	swait.ge [sflag:s4], $0x0  }
0x19: {  	s7 =	sld [smem:$0x3F9B]  }
0x1a: {  	s8 =	sadd.s32 $0xFFFFE003, lr  }
0x1b: {  	s9 =	sadd.s32 $0xFFFFFEF7, lr;
	s5 =	simm.s32 $0xFFFFFFFF;
	p2 =	slt.u32 s8, $0xFFFFF086  }
0x1c: {  	p1 =	slt.u32 s9, $0xF7A;
	s5 =	simm.s32 @!p2 $0x0  }
0x1d: {  	s5 =	simm.s32 @p1 $0x1;
	p0 =	seq.s32 s7, s2  }
0x1e: {  	s7 =	smul.u32 @!p0 $0xF7A, s2;
	p2 =	seq.s32 @!p0 s5, $0x0  }
0x1f: {  	s9 =	smul.u32 $0xF7A, s1;
	s8 =	simm.s32 @!p0 $0x1BF5;
	p2 =	por !p2, p0  }
0x20: {  	[sflag:s8] =	ssyncset.s32 @!p0 $0xFFFFF086;
	s6 =	sadd.s32 @!p0 s3, s7;
	s7 =	simm.s32 @!p0 $0x108  }
0x21: {  	s3 =	sadd.s32 s3, s9;
	s6 =	sadd.s32 @!p0 $0x88, s6;
	s7 =	simm.s32 @p2 $0x1082  }
0x22: {  	[simem:s7], [sflag:s8] =	dma.local @!p0 [hbm:s6], $0xF7A  }
0x23: {  	s9 =	sor.u32 $0xD0000000, s2;
	s6 =	simm.s32 $0x108;
	_ =	swait.ge @!p0 [sflag:s8], $0x0  }
0x24: {  	s3 =	sadd.s32 $0x88, s3;
	s6 =	simm.s32 @!p1 $0x1082;
	[sflag:s4] =	ssyncset.s32 $0xFFFFF086  }
0x25: {  	[simem:s6], [sflag:s4] =	dma.local [hbm:s3], $0xF7A  }
0x26: {  	[smem:$0x3F9B] =	sst s1;
	(tag) =	ssettag s2;
	_ =	strace s9  }
0x27: {  	s1 =	sld [smem:$0x3FAB]  }
0x28: {  	s2 =	sld [smem:$0x3FAC]  }
0x29: {  	s4 =	sld [smem:$0x3FAE]  }
0x2a: {  	p0 =	seq.s32 s5, $0x0;
	s5 =	sld [smem:$0x3FAF]  }
0x2b: {  	s6 =	sld [smem:$0x3FB0]  }
0x2c: {  	s7 =	sld [smem:$0x3FB1]  }
0x2d: {  	s3 =	simm.s32 $0x108;
	s8 =	sld [smem:$0x3FB2]  }
0x2e: {  	s3 =	simm.s32 @!p0 $0x1082;
	s9 =	sld [smem:$0x3FB3]  }
0x2f: {  	lr =	sadd.s32 s0, s3;
	s0 =	sld [smem:$0x3FAA]  }
0x30: {  	s3 =	sld [smem:$0x3FAD]  }
0x31: {  	[smem:$0x3FB6] =	sst s10  }
0x32: {  	s10 =	sld [smem:$0x3FB4];
	_ =	sdelay $0x3  }
0x33: {  	p0 =	seq.s32 s10, $0x1;
	s10 =	sld [smem:$0x3FB6];
	_ =	sdelay $0x3  }
0x34: {  	[smem:$0x3FB6] =	sst s10  }
0x35: {  	s10 =	sld [smem:$0x3FB5];
	_ =	sdelay $0x3  }
0x36: {  	p1 =	seq.s32 s10, $0x1;
	s10 =	sld [smem:$0x3FB6];
	_ =	sdelay $0x3  }
0x37: {  	[smem:$0x3FB6] =	sst s10  }
0x38: {  	s10 =	sld [smem:$0x3FB7]  }
0x39: {  	_ = 	snop;
	(pc) =	sbr.ind lr, $3  }
0x3a: {  	_ = 	snop  }
0x3b: {  	_ = 	snop  }
0x3c: {  	p2 =	seq.s32 s10, $0x1;
	s10 =	sld [smem:$0x3FB6]  }
0x3d: {  	_ =	shalt  }
0x3e: {  	_ =	shalt  }
0x3f: {  	_ =	shalt  }
0x40: {  	_ =	shalt  }
0x41: {  	_ =	shalt  }
0x42: {  	_ =	shalt  }
0x43: {  	_ =	shalt  }
0x44: {  	_ =	shalt  }
0x45: {  	_ =	shalt  }
0x46: {  	_ =	shalt  }
0x47: {  	_ =	shalt  }
0x48: {  	_ =	shalt  }
0x49: {  	_ =	shalt  }
0x4a: {  	_ =	shalt  }
0x4b: {  	_ =	shalt  }
0x4c: {  	_ =	shalt  }
0x4d: {  	_ =	shalt  }
0x4e: {  	_ =	shalt  }
0x4f: {  	_ =	shalt  }
0x50: {  	_ =	shalt  }
0x51: {  	_ =	shalt  }
0x52: {  	_ =	shalt  }
0x53: {  	_ =	shalt  }
0x54: {  	_ =	shalt  }
0x55: {  	_ =	shalt  }
0x56: {  	_ =	shalt  }
0x57: {  	_ =	shalt  }
0x58: {  	_ =	shalt  }
0x59: {  	_ =	shalt  }
0x5a: {  	_ =	shalt  }
0x5b: {  	_ =	shalt  }
0x5c: {  	_ =	shalt  }
0x5d: {  	_ =	shalt  }
0x5e: {  	_ =	shalt  }
0x5f: {  	_ =	shalt  }
0x60: {  	_ =	shalt  }
0x61: {  	_ =	shalt  }
0x62: {  	_ =	shalt  }
0x63: {  	_ =	shalt  }
0x64: {  	_ =	shalt  }
0x65: {  	_ =	shalt  }
0x66: {  	_ =	shalt  }
0x67: {  	_ =	shalt  }
0x68: {  	_ =	shalt  }
0x69: {  	_ =	shalt  }
0x6a: {  	_ =	shalt  }
0x6b: {  	_ =	shalt  }
0x6c: {  	_ =	shalt  }
0x6d: {  	_ =	shalt  }
0x6e: {  	_ =	shalt  }
0x6f: {  	_ =	shalt  }
0x70: {  	_ =	shalt  }
0x71: {  	_ =	shalt  }
0x72: {  	_ =	shalt  }
0x73: {  	_ =	shalt  }
0x74: {  	_ =	shalt  }
0x75: {  	_ =	shalt  }
0x76: {  	_ =	shalt  }
0x77: {  	_ =	shalt  }
0x78: {  	_ =	shalt  }
0x79: {  	_ =	shalt  }
0x7a: {  	_ =	shalt  }
0x7b: {  	_ =	shalt  }
0x7c: {  	_ =	shalt  }
0x7d: {  	_ =	shalt  }
0x7e: {  	_ =	shalt  }
0x7f: {  	_ =	shalt  }
0x80: {  	_ =	shalt  }
0x81: {  	_ =	shalt  }
0x82: {  	_ =	shalt  }
0x83: {  	_ =	shalt  }
0x84: {  	_ =	shalt  }
0x85: {  	_ =	shalt  }
0x86: {  	_ =	shalt  }
0x87: {  	_ =	shalt  }
.Lfunc_end0:
.L_simem_size_0:
called_computation_lowered:
.L_overlay_start_0:
0x88: {  	s2 =	sld [smem:$0x3FD9]  }
0x89: {  	s3 =	sld [smem:$0x3FFE];
	_ =	sdelay $0x1  }
0x8a: {  	s1 =	srdreg.scid  }
0x8b: {  	s0 =	sand.u32 $0x1, s1  }
0x8c: {  	s17 =	sshll.u32 s0, $0xA;
	s2 =	sadd.s32 s3, s2  }
0x8d: {  	s2 =	sadd.s32 s2, s17  }
0x8e: {  	[smem:$0x3FC2] =	sst s2  }
0x8f: {  	_ = 	snop  }
0x90: {  	s2 =	sld [smem:$0x3FD0];
	(tm) =	ssettm $0x1  }
0x91: {  	s18 =	sld [smem:$0x3FFB];
	_ =	sdelay $0x3  }
0x92: {  	_ =	strace s18  }
0x93: {  	s3 =	sld [smem:$0x3FFC];
	_ =	sdelay $0x3  }
0x94: {  	_ =	strace s3  }
0x95: {  	s3 =	sld [smem:$0x3FFD];
	_ =	sdelay $0x3  }
0x96: {  	_ =	strace s3  }
0x97: {  	_ =	strace $0x8FFFFFFF  }
0x98: {  	s19 =	sld [smem:$0x3FDB];
	_ =	sdelay $0x1  }
0x99: {  	s4 =	simm.s32 $_scs_section_size  }
0x9a: {  	s5 =	simm.s32 $_size__tile_overlayer_lowered;
	s6 =	simm.s32 $_tile_overlayer_lowered  }
0x9b: {  	s22 =	simm.s32 $0x1BFF;
	s21 =	sshll.u32 s6, $0x1;
	s3 =	sadd.s32 s4, s19  }
0x9c: {  	s7 =	simm.s32 $0x0;
	s20 =	sshll.u32 s5, $0x1;
	s5 =	sadd.s32 s21, s3  }
0x9d: {  	[timem:s7], [sflag:s22] =	dma.local [hbm:s5], s20  }
0x9e: {  	_ =	swait.ge [sflag:s22], s20  }
0x9f: {  	s4 =	ssub.s32 $0x0, s20;
	[sflag:s22] =	ssyncset.done $0x0  }
0xa0: {  	[sflag:s22] =	ssyncadd.s32 s4;
	_ =	sdelay $0x1  }
0xa1: {  	s23 =	simm.s32 $0x1B8B  }
0xa2: {  	_ =	swait.ge [sflag:s23], $0x1  }
0xa3: {  	[sflag:s23] =	ssyncset.done $0x0  }
0xa4: {  	s25 =	simm.s32 $0x1B8E;
	s24 =	sld [smem:$0x3FFE];
	[sflag:s23] =	ssyncadd.s32 $0xFFFFFFFF  }
0xa5: {  	s26 =	simm.s32 $execute0_lowered;
	[smem:$0x3FD2] =	sst s25  }
0xa6: {  	s5 =	sshll.u32 s26, $0x1;
	_ =	strace $0x80000046;
	[dreg:$0x1] =	wrdreg $0xFFFFFFFF  }
0xa7: {  	s28 =	simm.s32 $_size_execute0_lowered;
	s3 =	sadd.s32 s3, s5;
	[dreg:$0x0] =	wrdreg $0x0  }
0xa8: {  	s5 =	sshll.u32 s28, $0x1;
	[dreg:$0x2] =	wrdreg s3  }
0xa9: {  	[dreg:$0x3] =	wrdreg s5  }
0xaa: {  	[dreg:$0x4] =	wrdreg $0xC0  }
0xab: {  	_ =	task [dreg:s7], $0x5FFFF  }
0xac: {  	[dreg:$0x1] =	wrdreg $0xFFFFFFFF  }
0xad: {  	[dreg:$0x0] =	wrdreg $0x60  }
0xae: {  	[dreg:$0x2] =	wrdreg s2  }
0xaf: {  	[dreg:$0x3] =	wrdreg s24  }
0xb0: {  	[dreg:$0x4] =	wrdreg $0x68000  }
0xb1: {  	[dreg:$0x5] =	wrdreg $0x9  }
0xb2: {  	_ =	task.clear_ibuf [dreg:s7], $0x6FFFF;
	_ =	strace $0x90000046  }
0xb3: {  	s29 =	simm.s32 $0x9;
	_ =	strace $0x80000048  }
0xb4: {  	_ =	swait.ge [sflag:s29], $0x1  }
0xb5: {  	[sflag:s29] =	ssyncadd.s32 $0xFFFFFFFF  }
0xb6: {  	_ =	strace $0x90000048  }
0xb7: {  	_ =	sfence  }
0xb8: {  	s30 =	sld [smem:$0x0];
	_ =	sdelay $0x2  }
0xb9: {  	s31 =	sshll.u32 s1, $0xD;
	s1 =	sshrl.u32 s1, $0x2  }
0xba: {  	s3 =	sand.u32 $0x4000, s31;
	s1 =	sadd.s32 s1, s30  }
0xbb: {  	s0 =	sor.u32 s3, s0;
	s1 =	sshll.u32 s1, $0x11  }
0xbc: {  	s0 =	sor.u32 s1, s0  }
0xbd: {  	s0 =	sadd.s32 $0x8F2B, s0  }
0xbe: {  	[sflag:s0] =	ssyncadd.remote.s32 $0x1  }
0xbf: {  	_ =	sfence.sel $0xFFFF  }
0xc0: {  	[dreg:$0x0] =	wrdreg $0xFFFFFFFF;
	(pc) =	sbr.abs _section_cstart, $3  }
0xc1: {  	[dreg:$0x1] =	wrdreg $0xFFFFFFFF  }
0xc2: {  	_ =	task.clear_ibuf [dreg:s7], $0x2FFFF;
	_ =	strace $0x9FFFFFFF  }
0xc3: {  	(tm) =	ssettm $0x7FFFFFFF  }
tec
execute0_lowered:
.L_overlay_start_1:
0x0: {  	(tag) =	ssettag $0x1  }
0x1: {  	s9 =	rddreg [dreg:$0x0]  }
0x2: {  	s6 =	rddreg [dreg:$0x1]  }
0x3: {  	s1 =	rddreg [dreg:$0x2];
	s2 =	srdreg.scid  }
0x4: {  	s0 =	rddreg [dreg:$0x3];
	s3 =	simm.s32 $0x0;
	s14 =	simm.s32 $0x1  }
0x5: {  	s15 =	simm.s32 $0x2;
	s16 =	simm.s32 $0x3F80;
	s7 =	sand.u32 $0x1, s2  }
0x6: {  	s17 =	simm.s32 $0x0;
	s2 =	stileid.u32;
	s5 =	smul.u32 $0x13C000, s7  }
0x7: {  	[smem:$0x7FF] =	sst s3;
	s10 =	sadd.s32 $0x2600, s6;
	s8 =	smul.u32 $0x13C00, s2  }
0x8: {  	s4 =	sadd.s32 $0xA600, s6;
	_ =	strace $0x80000047;
	s11 =	smul.u32 $0x4F000, s2  }
0x9: {  	s12 =	ssub.s32 $0x2, s7;
	s31 =	sshll.u32 s2, $0x6;
	p0 =	seq.s32 s7, $0x1  }
0xa: {  	s13 =	sshll.u32 s2, $0xB;
	s30 =	sshrl.u32 s12, $0x1;
	s9 =	smov.u32 @p0 s10  }
0xb: {  	s8 =	sadd.s32 s8, s5;
	s5 =	sadd.s32 $0xAC00, s6;
	s11 =	sshrl.u32 s11, $0x2  }
0xc: {  	s12 =	ssub.s32 s12, s30;
	s9 =	sadd.s32 s9, s13;
	s8 =	sshrl.u32 s8, $0x3  }
0xd: {  	s13 =	simm.s32 $0x50;
	s11 =	sadd.s32 s11, s1;
	s8 =	sadd.s32 s8, s6  }
0xe: {  	s6 =	sor.u32 $0x1C03, s31;
	s10 =	sshrl.u32 s11, $0x3;
	s11 =	simm.s32 $0x3  }
0xf: {  	s7 =	sadd.s32 $0xD400, s8;
	s8 =	smax.u32 s12, $0x1;
	s12 =	simm.s32 $0x4000  }
.LBB2_1:
0x10: {  	[spmem:s10], [sflag:s6] =	dma.local [hbm:s5], $0x2780  }
0x11: {  	_ =	swait.ge [sflag:s11], $0x2780  }
0x12: {  	[sflag:s11] =	ssyncset.done $0x0  }
0x13: {  	[sflag:s11] =	ssyncadd.s32 $0xFFFFD880  }
0x14: {  	[tilespmem:s12], [sflag:$0x3] =	stream.linear.gather [hbm4b:s4+s3], $0x2800, $0x38;
	[tilespmem:$0x1A400] =	vst v63  }
0x15: {  	_ =	swait.ge [sflag:s11], $0x2800  }
0x16: {  	[sflag:s11] =	ssyncset.done $0x0  }
0x17: {  	[sflag:s11] =	ssyncadd.s32 $0xFFFFD800  }
0x18: {  	[tilespmem:s3], [sflag:$0x3] =	stream.linear.gather [hbm4b:s9+s3], $0x4000, $0x38;
	[tilespmem:$0x1A400] =	vst v63  }
0x19: {  	_ =	swait.ge [sflag:s11], $0x4000  }
0x1a: {  	[sflag:s11] =	ssyncset.done $0x0  }
0x1b: {  	[sflag:s11] =	ssyncadd.s32 $0xFFFFC000  }
0x1c: {  	[bflag:$0x0] =	sbarrier.arrive $0xFFFF  }
0x1d: {  	[spmem:s1] =	stream.indirect.scatter.add.f32 [tilespmem:s12], [sflag:$0x1], $0x80, s3, s13, $0xb8;
	[tilespmem:$0x1A400] =	vst v63  }
0x1e: {  	s18 =	simm.s32 $0x80  }
0x1f: {  	[spmem:s1] =	stream.indirect.scatter.add.f32 [tilespmem:s12], [sflag:$0x2], $0x80, s18, s13, $0xb8;
	[tilespmem:$0x1A400] =	vst v63  }
0x20: {  	_ =	swait.ge [sflag:s14], $0x2800  }
0x21: {  	[sflag:s14] =	ssyncset.done $0x0  }
0x22: {  	s31 =	simm.s32 $0x100;
	[sflag:s14] =	ssyncadd.s32 $0xFFFFD800  }
0x23: {  	[spmem:s1] =	stream.indirect.scatter.add.f32 [tilespmem:s12], [sflag:$0x1], $0x80, s31, s13, $0xb8;
	[tilespmem:$0x1A400] =	vst v63  }
0x24: {  	_ =	swait.ge [sflag:s15], $0x2800  }
0x25: {  	s19 =	simm.s32 $0xFFFF0C00;
	s18 =	simm.s32 $0xFFFFC200;
	[sflag:s15] =	ssyncset.done $0x0  }
.LBB2_2:
0x26: {  	s20 =	sadd.s32 $0x3F80, s18  }
0x27: {  	[sflag:s15] =	ssyncadd.s32 $0xFFFFD800;
	s21 =	smov.u32 s19;
	s22 =	sadd.s32 $0x400, s19  }
0x28: {  	[spmem:s1] =	stream.indirect.scatter.add.f32 [tilespmem:s12], [sflag:$0x2], $0x80, s20, s13, $0xb8;
	[tilespmem:$0x1A400] =	vst v63  }
0x29: {  	p0 =	sne.s32 s19, $0xFFFFFC00;
	_ =	swait.ge [sflag:s14], $0x2800  }
.Ltmp0:
0x2a: {  	[sflag:s14] =	ssyncset.done $0x0;
	(pc) =	sbr.rel @p0 .LBB2_2-.Ltmp0, $4  }
0x2b: {  	s18 =	sadd.s32 $0x4000, s18;
	[sflag:s14] =	ssyncadd.s32 $0xFFFFD800  }
0x2c: {  	[spmem:s1] =	stream.indirect.scatter.add.f32 [tilespmem:s12], [sflag:$0x1], $0x80, s18, s13, $0xb8;
	[tilespmem:$0x1A400] =	vst v63  }
0x2d: {  	_ =	swait.ge [sflag:s15], $0x2800  }
0x2e: {  	s19 =	smov.u32 s22;
	s18 =	sshra.s32 s21, $0x2;
	[sflag:s15] =	ssyncset.done $0x0  }
0x2f: {  	s19 =	sadd.s32 $0x3F80, s18;
	[sflag:s15] =	ssyncadd.s32 $0xFFFFD800  }
0x30: {  	[spmem:s1] =	stream.indirect.scatter.add.f32 [tilespmem:s12], [sflag:$0x2], $0x80, s19, s13, $0xb8;
	[tilespmem:$0x1A400] =	vst v63  }
0x31: {  	_ =	swait.ge [sflag:s14], $0x2800  }
0x32: {  	[sflag:s14] =	ssyncset.done $0x0  }
0x33: {  	s31 =	sadd.s32 $0x4000, s18;
	[sflag:s14] =	ssyncadd.s32 $0xFFFFD800  }
0x34: {  	[spmem:s1] =	stream.indirect.scatter.add.f32 [tilespmem:s12], [sflag:$0x1], $0x80, s31, s13, $0xb8;
	[tilespmem:$0x1A400] =	vst v63  }
0x35: {  	_ =	swait.ge [sflag:s15], $0x2800  }
0x36: {  	[sflag:s15] =	ssyncset.done $0x0  }
0x37: {  	[sflag:s15] =	ssyncadd.s32 $0xFFFFD800  }
0x38: {  	[spmem:s1] =	stream.indirect.scatter.add.f32 [tilespmem:s12], [sflag:$0x2], $0x80, s16, s13, $0xb8;
	[tilespmem:$0x1A400] =	vst v63  }
0x39: {  	_ =	swait.ge [sflag:s14], $0x2800  }
0x3a: {  	[sflag:s14] =	ssyncset.done $0x0  }
0x3b: {  	[sflag:s14] =	ssyncadd.s32 $0xFFFFD800  }
0x3c: {  	_ =	swait.ge [sflag:s15], $0x2800  }
0x3d: {  	s17 =	sadd.s32 $0x1, s17;
	[sflag:s15] =	ssyncset.done $0x0  }
0x3e: {  	p0 =	sne.s32 s17, s8;
	[sflag:s15] =	ssyncadd.s32 $0xFFFFD800  }
.Ltmp1:
0x3f: {  	[bflag:$0x0] =	sbarrier.arrive $0xFFFF;
	(pc) =	sbr.rel @p0 .LBB2_1-.Ltmp1, $4  }
0x40: {  	[hbm:s7], [sflag:s6] =	dma.local [spmem:s10], $0x2780  }
0x41: {  	_ =	swait.ge [sflag:s11], $0x2780  }
0x42: {  	[sflag:s11] =	ssyncset.done $0x0  }
0x43: {  	[sflag:s11] =	ssyncadd.s32 $0xFFFFD880  }
0x44: {  	_ =	sfence.sel $0x180000  }
0x45: {  	[bflag:$0x0] =	sbarrier.arrive $0xFFFF  }
0x46: {  	p0 =	sne.s32 s2, $0x0;
	_ =	strace $0x90000047  }
0x47: {  	s0 =	sadd.s32 @!p0 $0x100000, s0;
	[bflag:$0x2] =	sbarrier.arrive $0xFFFF  }
0x48: {  	[sflag:s0] =	ssyncadd.tile.s32 @!p0 $0x1;
	_ =	shalt  }
.Lfunc_end2:
_tile_overlayer_lowered:
.L_overlay_start_2:
0x49: {  	(tag) =	ssettag $0x2  }
0x4a: {  	s0 =	rddreg [dreg:$0x0];
	s2 =	stileid.u32  }
0x4b: {  	s1 =	rddreg [dreg:$0x1];
	p0 =	sne.s32 s2, $0x0  }
0x4c: {  	s3 =	rddreg [dreg:$0x2];
	[bflag:$0x3] =	sbarrier.arrive $0xFFFF;
	s2 =	simm.s32 @!p0 $0x1C03  }
0x4d: {  	[timem:s3], [sflag:s2] =	dma.local @!p0 [hbm:s0], s1  }
0x4e: {  	s0 =	simm.s32 @!p0 $0x3  }
0x4f: {  	_ =	swait.ge @!p0 [sflag:s0], s1  }
0x50: {  	s1 =	ssub.s32 @!p0 $0x0, s1;
	[sflag:s0] =	ssyncset.done @!p0 $0x0  }
0x51: {  	[sflag:s0] =	ssyncadd.s32 @!p0 s1  }
0x52: {  	[bflag:$0x3] =	sbarrier.arrive $0xFFFF  }
0x53: {  	_ =	shalt  }

</sc_bundles>
